<compile_context>
chip_gen: v7x
topology: tpu7x:2x2x1
jax: 0.10.2.dev20260603
libtpu: 0.0.44.dev20260713+nightly
codegen_flags: <defaults>
</compile_context>

<pallas_src>
import functools

import jax
import jax.numpy as jnp
from jax import lax
from jax.experimental import pallas as pl
from jax.experimental.pallas import tpu as pltpu
from jax.experimental.pallas import tpu_sc as plsc

NC = 2
NS = 16
NW = NC * NS

D = 1024
SEQ = 4096
CROWS = 32
NCHUNK = 16
VPR = D // 16


def _body(ids_hbm, wte_hbm, wpe_hbm, out_hbm,
          idx_v, wbuf, pbuf, gsem0, gsem1, ssem0, ssem1):
    wid = lax.axis_index("s") * NC + lax.axis_index("c")
    base = wid * (NCHUNK * CROWS)
    pos_base = lax.rem(base, SEQ)

    pltpu.sync_copy(ids_hbm.at[wid], idx_v)

    gsems = [gsem0, gsem1]
    ssems = [ssem0, ssem1]
    gathers = [None, None]
    stores = [None, None]

    gathers[0] = pltpu.make_async_copy(
        wte_hbm.at[idx_v.at[0]], wbuf.at[0], gsems[0])
    gathers[0].start()

    for c in range(NCHUNK):
        s = c % 2
        n = (c + 1) % 2
        if c + 1 < NCHUNK:
            if stores[n] is not None:
                stores[n].wait()
                stores[n] = None
            gathers[n] = pltpu.make_async_copy(
                wte_hbm.at[idx_v.at[c + 1]], wbuf.at[n], gsems[n])
            gathers[n].start()

        pltpu.sync_copy(wpe_hbm.at[pl.ds(pos_base + c * CROWS, CROWS)], pbuf)
        gathers[s].wait()

        def add_body(j, carry, s=s):
            r = j // VPR
            k = (j % VPR) * 16
            wbuf[s, r, pl.ds(k, 16)] = (
                wbuf[s, r, pl.ds(k, 16)] + pbuf[r, pl.ds(k, 16)])
            return carry

        lax.fori_loop(0, CROWS * VPR, add_body, 0)

        if stores[s] is not None:
            stores[s].wait()
        stores[s] = pltpu.make_async_copy(
            wbuf.at[s], out_hbm.at[pl.ds(base + c * CROWS, CROWS)], ssems[s])
        stores[s].start()

    for st in stores:
        if st is not None:
            st.wait()


@jax.jit
def _sc_embed(ids3d, wte, wpe):
    mesh = plsc.VectorSubcoreMesh(
        core_axis_name="c", subcore_axis_name="s",
        num_cores=NC, num_subcores=NS)
    f = pl.kernel(
        _body,
        out_type=jax.ShapeDtypeStruct((NW * NCHUNK * CROWS, D), jnp.float32),
        mesh=mesh,
        scratch_types=[
            pltpu.VMEM((NCHUNK, CROWS), jnp.int32),
            pltpu.VMEM((2, CROWS, D), jnp.float32),
            pltpu.VMEM((CROWS, D), jnp.float32),
            pltpu.SemaphoreType.DMA,
            pltpu.SemaphoreType.DMA,
            pltpu.SemaphoreType.DMA,
            pltpu.SemaphoreType.DMA,
        ],
    )
    return f(ids3d, wte, wpe)


def kernel(input_ids, wte, wpe):
    B, L = input_ids.shape
    ids3d = input_ids.reshape(NW, NCHUNK, CROWS)
    out = _sc_embed(ids3d, wte, wpe)
    return out.reshape(B, L, D)

# --- scband reference (transcript-rebuilt; emitter-appended) ---
"""Pipeline reference for scband-parallel-vocab-position-embedding-49529562858327 (READ-ONLY COPY).

The authoritative reference and input builder live on the scoring server;
editing this copy changes nothing except your own understanding.
"""

import jax, jax.numpy as jnp
import numpy as np

VOCAB_SIZE = 100000
HIDDEN_DIM = 1024
N_POSITIONS = 8192
BATCH = 4
SEQ_LEN = 4096


def setup_inputs(seed: int = 0) -> dict:
    key = jax.random.key(seed)
    k1, k2, k3 = jax.random.split(key, 3)
    input_ids = jax.random.randint(k1, (BATCH, SEQ_LEN), 0, VOCAB_SIZE, dtype=jnp.int32)
    wte = jax.random.normal(k2, (VOCAB_SIZE, HIDDEN_DIM), dtype=jnp.float32) * 0.02
    wpe = jax.random.normal(k3, (N_POSITIONS, HIDDEN_DIM), dtype=jnp.float32) * 0.02
    return {"input_ids": input_ids, "wte": wte, "wpe": wpe}


def reference(input_ids, wte, wpe):
    # Un-packed path: no cache, no cu_seqlens, no attention_mask.
    # position_ids = arange(L) repeated over batch (cache_seqlens is None).
    B, L = input_ids.shape
    position_ids = jnp.broadcast_to(jnp.arange(L, dtype=jnp.int32), (B, L))
    # wte lookup (ParallelEmbedding -> plain gather in single-chip reference)
    inputs_embeds = jnp.take(wte, input_ids, axis=0)
    # apply_abs_pos_embed is True since apply_rotary=False
    inputs_embeds = inputs_embeds + jnp.take(wpe, position_ids, axis=0)
    # embed_drop with p=0.0 / eval mode -> identity
    return inputs_embeds

if __name__ == "__main__":
    import jax
    _d = setup_inputs()
    print(jax.jit(kernel)(*tuple(_d.values())))

</pallas_src>

<mosaic_0001>
#map = affine_map<(d0, d1) -> (0, 0, 0)>
#map1 = affine_map<(d0, d1) -> (0, 0)>
module attributes {stable_mosaic.version = 14 : i64} {
  func.func @_body(%arg0: i32, %arg1: i32, %arg2: memref<32x16x32xi32, #tpu.memory_space<hbm>>, %arg3: memref<100000x1024xf32, #tpu.memory_space<hbm>>, %arg4: memref<8192x1024xf32, #tpu.memory_space<hbm>>, %arg5: memref<16384x1024xf32, #tpu.memory_space<hbm>>, %arg6: memref<16x32xi32, #tpu.memory_space<vmem>>, %arg7: memref<2x32x1024xf32, #tpu.memory_space<vmem>>, %arg8: memref<32x1024xf32, #tpu.memory_space<vmem>>, %arg9: memref<!tpu.dma_semaphore, #tpu.memory_space<semaphore_mem>>, %arg10: memref<!tpu.dma_semaphore, #tpu.memory_space<semaphore_mem>>, %arg11: memref<!tpu.dma_semaphore, #tpu.memory_space<semaphore_mem>>, %arg12: memref<!tpu.dma_semaphore, #tpu.memory_space<semaphore_mem>>) attributes {dimension_semantics = [#tpu.dimension_semantics<core_parallel>, #tpu.dimension_semantics<subcore_parallel>], iteration_bounds = array<i64: 2, 16>, scalar_prefetch = 0 : i64, scratch_operands = 7 : i64, tpu.core_type = #tpu.core_type<sc_vector_subcore>, window_params = [{transform_indices = #map}, {transform_indices = #map1}, {transform_indices = #map1}, {transform_indices = #map1}]} {
    %mul3A = arith.constant 2 : i32
    %mul3A_0 = arith.muli %arg1, %mul3A : i32
    %add3A = arith.addi %mul3A_0, %arg0 : i32
    %mul3A_1 = arith.constant 512 : i32
    %mul3A_2 = arith.muli %add3A, %mul3A_1 : i32
    %rem3A = arith.constant 4096 : i32
    %rem3A_3 = arith.remsi %mul3A_2, %rem3A : i32
    "tpu.region"() ({
      %run_scoped3A = tpu.sem_alloc : memref<!tpu.dma_semaphore, #tpu.memory_space<semaphore_mem>>
      %dma_start3A_961 = arith.constant 0 : i32
      %dma_start3A_962 = arith.constant 0 : i32
      %dma_start3A_963 = tpu.memref_slice %arg2[%add3A, %dma_start3A_961, %dma_start3A_962] : memref<32x16x32xi32, #tpu.memory_space<hbm>> -> memref<1x16x32xi32, #tpu.memory_space<hbm>>
      %dma_start3A_964 = tpu.memref_squeeze %dma_start3A_963 : memref<1x16x32xi32, #tpu.memory_space<hbm>> -> memref<16x32xi32, #tpu.memory_space<hbm>>
      %dma_start3A_965 = arith.constant 0 : i32
      %dma_start3A_966 = arith.constant 0 : i32
      %dma_start3A_967 = tpu.memref_slice %arg2[%add3A, %dma_start3A_965, %dma_start3A_966] : memref<32x16x32xi32, #tpu.memory_space<hbm>> -> memref<1x16x32xi32, #tpu.memory_space<hbm>>
      %dma_start3A_968 = tpu.memref_squeeze %dma_start3A_967 : memref<1x16x32xi32, #tpu.memory_space<hbm>> -> memref<16x32xi32, #tpu.memory_space<hbm>>
      tpu.enqueue_dma source(%dma_start3A_968 : memref<16x32xi32, #tpu.memory_space<hbm>>) target(%arg6 : memref<16x32xi32, #tpu.memory_space<vmem>>) target_semaphore(%run_scoped3A : memref<!tpu.dma_semaphore, #tpu.memory_space<semaphore_mem>>)
      %dma_wait3A_969 = arith.constant 0 : i32
      %dma_wait3A_970 = arith.constant 0 : i32
      %dma_wait3A_971 = tpu.memref_slice %arg2[%add3A, %dma_wait3A_969, %dma_wait3A_970] : memref<32x16x32xi32, #tpu.memory_space<hbm>> -> memref<1x16x32xi32, #tpu.memory_space<hbm>>
      %dma_wait3A_972 = tpu.memref_squeeze %dma_wait3A_971 : memref<1x16x32xi32, #tpu.memory_space<hbm>> -> memref<16x32xi32, #tpu.memory_space<hbm>>
      %dma_wait3A_973 = arith.constant 0 : i32
      %dma_wait3A_974 = arith.constant 0 : i32
      %dma_wait3A_975 = tpu.memref_slice %arg2[%add3A, %dma_wait3A_973, %dma_wait3A_974] : memref<32x16x32xi32, #tpu.memory_space<hbm>> -> memref<1x16x32xi32, #tpu.memory_space<hbm>>
      %dma_wait3A_976 = tpu.memref_squeeze %dma_wait3A_975 : memref<1x16x32xi32, #tpu.memory_space<hbm>> -> memref<16x32xi32, #tpu.memory_space<hbm>>
      tpu.wait_dma2 semaphore(%run_scoped3A : memref<!tpu.dma_semaphore, #tpu.memory_space<semaphore_mem>>) src(%dma_wait3A_976 : memref<16x32xi32, #tpu.memory_space<hbm>>) dst(%arg6 : memref<16x32xi32, #tpu.memory_space<vmem>>)
      tpu.yield
    }) : () -> ()
    %dma_start3A = arith.constant 0 : i32
    %dma_start3A_4 = arith.constant 0 : i32
    %dma_start3A_5 = arith.constant 0 : i32
    %dma_start3A_6 = arith.constant 0 : i32
    %dma_start3A_7 = tpu.memref_slice %arg7[%dma_start3A_4, %dma_start3A_5, %dma_start3A_6] : memref<2x32x1024xf32, #tpu.memory_space<vmem>> -> memref<1x32x1024xf32, #tpu.memory_space<vmem>>
    %dma_start3A_8 = tpu.memref_squeeze %dma_start3A_7 : memref<1x32x1024xf32, #tpu.memory_space<vmem>> -> memref<32x1024xf32, #tpu.memory_space<vmem>>
    %dma_start3A_9 = arith.constant 0 : i32
    %dma_start3A_10 = tpu.memref_slice %arg6[%dma_start3A, %dma_start3A_9] : memref<16x32xi32, #tpu.memory_space<vmem>> -> memref<1x32xi32, #tpu.memory_space<vmem>>
    %dma_start3A_11 = tpu.memref_squeeze %dma_start3A_10 : memref<1x32xi32, #tpu.memory_space<vmem>> -> memref<32xi32, #tpu.memory_space<vmem>>
    %dma_start3A_12 = arith.constant 0 : i32
    %dma_start3A_13 = arith.constant 0 : i32
    %dma_start3A_14 = tpu.memref_slice %arg3[%dma_start3A_12, %dma_start3A_13] : memref<100000x1024xf32, #tpu.memory_space<hbm>> -> memref<100000x1024xf32, #tpu.memory_space<hbm>>
    tpu.enqueue_indirect_dma source(%dma_start3A_14 : memref<100000x1024xf32, #tpu.memory_space<hbm>>) target(%dma_start3A_8 : memref<32x1024xf32, #tpu.memory_space<vmem>>) offsets(%dma_start3A_11 : memref<32xi32, #tpu.memory_space<vmem>>) semaphore(%arg9 : memref<!tpu.dma_semaphore, #tpu.memory_space<semaphore_mem>>)
    %dma_start3A_15 = arith.constant 1 : i32
    %dma_start3A_16 = arith.constant 1 : i32
    %dma_start3A_17 = arith.constant 0 : i32
    %dma_start3A_18 = arith.constant 0 : i32
    %dma_start3A_19 = tpu.memref_slice %arg7[%dma_start3A_16, %dma_start3A_17, %dma_start3A_18] : memref<2x32x1024xf32, #tpu.memory_space<vmem>> -> memref<1x32x1024xf32, #tpu.memory_space<vmem>>
    %dma_start3A_20 = tpu.memref_squeeze %dma_start3A_19 : memref<1x32x1024xf32, #tpu.memory_space<vmem>> -> memref<32x1024xf32, #tpu.memory_space<vmem>>
    %dma_start3A_21 = arith.constant 0 : i32
    %dma_start3A_22 = tpu.memref_slice %arg6[%dma_start3A_15, %dma_start3A_21] : memref<16x32xi32, #tpu.memory_space<vmem>> -> memref<1x32xi32, #tpu.memory_space<vmem>>
    %dma_start3A_23 = tpu.memref_squeeze %dma_start3A_22 : memref<1x32xi32, #tpu.memory_space<vmem>> -> memref<32xi32, #tpu.memory_space<vmem>>
    %dma_start3A_24 = arith.constant 0 : i32
    %dma_start3A_25 = arith.constant 0 : i32
    %dma_start3A_26 = tpu.memref_slice %arg3[%dma_start3A_24, %dma_start3A_25] : memref<100000x1024xf32, #tpu.memory_space<hbm>> -> memref<100000x1024xf32, #tpu.memory_space<hbm>>
    tpu.enqueue_indirect_dma source(%dma_start3A_26 : memref<100000x1024xf32, #tpu.memory_space<hbm>>) target(%dma_start3A_20 : memref<32x1024xf32, #tpu.memory_space<vmem>>) offsets(%dma_start3A_23 : memref<32xi32, #tpu.memory_space<vmem>>) semaphore(%arg10 : memref<!tpu.dma_semaphore, #tpu.memory_space<semaphore_mem>>)
    %add3A_27 = arith.constant 0 : i32
    %add3A_28 = arith.addi %rem3A_3, %add3A_27 : i32
    "tpu.region"() ({
      %run_scoped3A = tpu.sem_alloc : memref<!tpu.dma_semaphore, #tpu.memory_space<semaphore_mem>>
      %dma_start3A_961 = arith.constant 0 : i32
      %dma_start3A_962 = tpu.memref_slice %arg4[%add3A_28, %dma_start3A_961] : memref<8192x1024xf32, #tpu.memory_space<hbm>> -> memref<32x1024xf32, #tpu.memory_space<hbm>>
      %dma_start3A_963 = arith.constant 0 : i32
      %dma_start3A_964 = tpu.memref_slice %arg4[%add3A_28, %dma_start3A_963] : memref<8192x1024xf32, #tpu.memory_space<hbm>> -> memref<32x1024xf32, #tpu.memory_space<hbm>>
      tpu.enqueue_dma source(%dma_start3A_964 : memref<32x1024xf32, #tpu.memory_space<hbm>>) target(%arg8 : memref<32x1024xf32, #tpu.memory_space<vmem>>) target_semaphore(%run_scoped3A : memref<!tpu.dma_semaphore, #tpu.memory_space<semaphore_mem>>)
      %dma_wait3A_965 = arith.constant 0 : i32
      %dma_wait3A_966 = tpu.memref_slice %arg4[%add3A_28, %dma_wait3A_965] : memref<8192x1024xf32, #tpu.memory_space<hbm>> -> memref<32x1024xf32, #tpu.memory_space<hbm>>
      %dma_wait3A_967 = arith.constant 0 : i32
      %dma_wait3A_968 = tpu.memref_slice %arg4[%add3A_28, %dma_wait3A_967] : memref<8192x1024xf32, #tpu.memory_space<hbm>> -> memref<32x1024xf32, #tpu.memory_space<hbm>>
      tpu.wait_dma2 semaphore(%run_scoped3A : memref<!tpu.dma_semaphore, #tpu.memory_space<semaphore_mem>>) src(%dma_wait3A_968 : memref<32x1024xf32, #tpu.memory_space<hbm>>) dst(%arg8 : memref<32x1024xf32, #tpu.memory_space<vmem>>)
      tpu.yield
    }) : () -> ()
    %dma_wait3A = arith.constant 0 : i32
    %dma_wait3A_29 = arith.constant 0 : i32
    %dma_wait3A_30 = arith.constant 0 : i32
    %dma_wait3A_31 = arith.constant 0 : i32
    %dma_wait3A_32 = tpu.memref_slice %arg7[%dma_wait3A_29, %dma_wait3A_30, %dma_wait3A_31] : memref<2x32x1024xf32, #tpu.memory_space<vmem>> -> memref<1x32x1024xf32, #tpu.memory_space<vmem>>
    %dma_wait3A_33 = tpu.memref_squeeze %dma_wait3A_32 : memref<1x32x1024xf32, #tpu.memory_space<vmem>> -> memref<32x1024xf32, #tpu.memory_space<vmem>>
    %dma_wait3A_34 = arith.constant 0 : i32
    %dma_wait3A_35 = tpu.memref_slice %arg6[%dma_wait3A, %dma_wait3A_34] : memref<16x32xi32, #tpu.memory_space<vmem>> -> memref<1x32xi32, #tpu.memory_space<vmem>>
    %dma_wait3A_36 = tpu.memref_squeeze %dma_wait3A_35 : memref<1x32xi32, #tpu.memory_space<vmem>> -> memref<32xi32, #tpu.memory_space<vmem>>
    %dma_wait3A_37 = arith.constant 0 : i32
    %dma_wait3A_38 = arith.constant 0 : i32
    %dma_wait3A_39 = tpu.memref_slice %arg3[%dma_wait3A_37, %dma_wait3A_38] : memref<100000x1024xf32, #tpu.memory_space<hbm>> -> memref<100000x1024xf32, #tpu.memory_space<hbm>>
    tpu.wait_indirect_dma semaphore(%arg9 : memref<!tpu.dma_semaphore, #tpu.memory_space<semaphore_mem>>) src(%dma_wait3A_39 : memref<100000x1024xf32, #tpu.memory_space<hbm>>) dst(%dma_wait3A_33 : memref<32x1024xf32, #tpu.memory_space<vmem>>)
    %scan3A = arith.constant 0 : i32
    %scan3A_40 = arith.constant 0 : i32
    %scan3A_41 = arith.constant 2048 : i32
    %scan3A_42 = arith.addi %scan3A_40, %scan3A_41 : i32
    %scan3A_43 = arith.constant 1 : i32
    scf.for %scan3A_961 = %scan3A_40 to %scan3A_42 step %scan3A_43  : i32 {
      %jit3A = arith.constant 64 : i32
      %div3A = arith.divsi %scan3A_961, %jit3A : i32
      %sign3A = arith.constant 0 : i32
      %sign3A_962 = arith.cmpi sgt, %scan3A_961, %sign3A : i32
      %sign3A_963 = arith.extui %sign3A_962 : i1 to i32
      %sign3A_964 = arith.constant 0 : i32
      %sign3A_965 = arith.cmpi slt, %scan3A_961, %sign3A_964 : i32
      %sign3A_966 = arith.extui %sign3A_965 : i1 to i32
      %sign3A_967 = arith.subi %sign3A_963, %sign3A_966 : i32
      %sign3A_968 = arith.constant 0 : i32
      %sign3A_969 = arith.cmpi sgt, %jit3A, %sign3A_968 : i32
      %sign3A_970 = arith.extui %sign3A_969 : i1 to i32
      %sign3A_971 = arith.constant 0 : i32
      %sign3A_972 = arith.cmpi slt, %jit3A, %sign3A_971 : i32
      %sign3A_973 = arith.extui %sign3A_972 : i1 to i32
      %sign3A_974 = arith.subi %sign3A_970, %sign3A_973 : i32
      %ne3A = arith.cmpi ne, %sign3A_967, %sign3A_974 : i32
      %rem3A_975 = arith.remsi %scan3A_961, %jit3A : i32
      %ne3A_976 = arith.constant 0 : i32
      %ne3A_977 = arith.cmpi ne, %rem3A_975, %ne3A_976 : i32
      %and3A = arith.andi %ne3A, %ne3A_977 : i1
      %sub3A = arith.constant 1 : i32
      %sub3A_978 = arith.subi %div3A, %sub3A : i32
      %select_n3A = arith.select %and3A, %sub3A_978, %div3A : i32
      %jit3A_979 = arith.constant 64 : i32
      %eq3A = arith.constant 0 : i32
      %eq3A_980 = arith.cmpi eq, %jit3A_979, %eq3A : i32
      %jit3A_981 = arith.constant 1 : i32
      %select_n3A_982 = arith.select %eq3A_980, %jit3A_981, %jit3A_979 : i32
      %rem3A_983 = arith.remsi %scan3A_961, %select_n3A_982 : i32
      %ne3A_984 = arith.constant 0 : i32
      %ne3A_985 = arith.cmpi ne, %rem3A_983, %ne3A_984 : i32
      %lt3A = arith.constant 0 : i32
      %lt3A_986 = arith.cmpi slt, %rem3A_983, %lt3A : i32
      %lt3A_987 = arith.constant 0 : i32
      %lt3A_988 = arith.cmpi slt, %select_n3A_982, %lt3A_987 : i32
      %ne3A_989 = arith.xori %lt3A_986, %lt3A_988 : i1
      %and3A_990 = arith.andi %ne3A_989, %ne3A_985 : i1
      %add3A_991 = arith.addi %rem3A_983, %select_n3A_982 : i32
      %select_n3A_992 = arith.select %and3A_990, %add3A_991, %rem3A_983 : i32
      %mul3A_993 = arith.constant 16 : i32
      %mul3A_994 = arith.muli %select_n3A_992, %mul3A_993 : i32
      %get3A = arith.constant 0 : i32
      %get3A_995 = arith.index_cast %get3A : i32 to index
      %get3A_996 = arith.index_cast %select_n3A : i32 to index
      %get3A_997 = arith.index_cast %mul3A_994 : i32 to index
      %get3A_998 = tpu.vector_load %arg7[%get3A_995, %get3A_996, %get3A_997] {strides = array<i32>} : memref<2x32x1024xf32, #tpu.memory_space<vmem>>, vector<1x1x16xf32>,
      %get3A_999 = vector.shape_cast %get3A_998 : vector<1x1x16xf32> to vector<16xf32>
      %get3A_1000 = arith.index_cast %select_n3A : i32 to index
      %get3A_1001 = arith.index_cast %mul3A_994 : i32 to index
      %get3A_1002 = tpu.vector_load %arg8[%get3A_1000, %get3A_1001] {strides = array<i32>} : memref<32x1024xf32, #tpu.memory_space<vmem>>, vector<1x16xf32>,
      %get3A_1003 = vector.shape_cast %get3A_1002 : vector<1x16xf32> to vector<16xf32>
      %add3A_1004 = arith.addf %get3A_999, %get3A_1003 : vector<16xf32>
      %swap3A = arith.constant 0 : i32
      %swap3A_1005 = arith.index_cast %swap3A : i32 to index
      %swap3A_1006 = arith.index_cast %select_n3A : i32 to index
      %swap3A_1007 = arith.index_cast %mul3A_994 : i32 to index
      %swap3A_1008 = tpu.vector_load %arg7[%swap3A_1005, %swap3A_1006, %swap3A_1007] {strides = array<i32>} : memref<2x32x1024xf32, #tpu.memory_space<vmem>>, vector<1x1x16xf32>,
      %swap3A_1009 = vector.shape_cast %swap3A_1008 : vector<1x1x16xf32> to vector<16xf32>
      %swap3A_1010 = vector.shape_cast %add3A_1004 : vector<16xf32> to vector<1x1x16xf32>
      tpu.vector_store %arg7[%swap3A_1005, %swap3A_1006, %swap3A_1007], %swap3A_1010 {strides = array<i32>} : memref<2x32x1024xf32, #tpu.memory_space<vmem>>, vector<1x1x16xf32>,
    }
    %scan3A_44 = arith.constant 2048 : i32
    %add3A_45 = arith.constant 0 : i32
    %add3A_46 = arith.addi %mul3A_2, %add3A_45 : i32
    %dma_start3A_47 = arith.constant 0 : i32
    %dma_start3A_48 = arith.constant 0 : i32
    %dma_start3A_49 = arith.constant 0 : i32
    %dma_start3A_50 = tpu.memref_slice %arg7[%dma_start3A_47, %dma_start3A_48, %dma_start3A_49] : memref<2x32x1024xf32, #tpu.memory_space<vmem>> -> memref<1x32x1024xf32, #tpu.memory_space<vmem>>
    %dma_start3A_51 = tpu.memref_squeeze %dma_start3A_50 : memref<1x32x1024xf32, #tpu.memory_space<vmem>> -> memref<32x1024xf32, #tpu.memory_space<vmem>>
    %dma_start3A_52 = arith.constant 0 : i32
    %dma_start3A_53 = tpu.memref_slice %arg5[%add3A_46, %dma_start3A_52] : memref<16384x1024xf32, #tpu.memory_space<hbm>> -> memref<32x1024xf32, #tpu.memory_space<hbm>>
    %dma_start3A_54 = arith.constant 0 : i32
    %dma_start3A_55 = tpu.memref_slice %arg5[%add3A_46, %dma_start3A_54] : memref<16384x1024xf32, #tpu.memory_space<hbm>> -> memref<32x1024xf32, #tpu.memory_space<hbm>>
    %dma_start3A_56 = arith.constant 0 : i32
    %dma_start3A_57 = arith.constant 0 : i32
    %dma_start3A_58 = tpu.memref_slice %arg7[%dma_start3A_47, %dma_start3A_56, %dma_start3A_57] : memref<2x32x1024xf32, #tpu.memory_space<vmem>> -> memref<1x32x1024xf32, #tpu.memory_space<vmem>>
    %dma_start3A_59 = tpu.memref_squeeze %dma_start3A_58 : memref<1x32x1024xf32, #tpu.memory_space<vmem>> -> memref<32x1024xf32, #tpu.memory_space<vmem>>
    tpu.enqueue_dma source(%dma_start3A_59 : memref<32x1024xf32, #tpu.memory_space<vmem>>) target(%dma_start3A_55 : memref<32x1024xf32, #tpu.memory_space<hbm>>) target_semaphore(%arg11 : memref<!tpu.dma_semaphore, #tpu.memory_space<semaphore_mem>>)
    %dma_wait3A_60 = arith.constant 0 : i32
    %dma_wait3A_61 = arith.constant 0 : i32
    %dma_wait3A_62 = arith.constant 0 : i32
    %dma_wait3A_63 = tpu.memref_slice %arg7[%dma_wait3A_60, %dma_wait3A_61, %dma_wait3A_62] : memref<2x32x1024xf32, #tpu.memory_space<vmem>> -> memref<1x32x1024xf32, #tpu.memory_space<vmem>>
    %dma_wait3A_64 = tpu.memref_squeeze %dma_wait3A_63 : memref<1x32x1024xf32, #tpu.memory_space<vmem>> -> memref<32x1024xf32, #tpu.memory_space<vmem>>
    %dma_wait3A_65 = arith.constant 0 : i32
    %dma_wait3A_66 = tpu.memref_slice %arg5[%add3A_46, %dma_wait3A_65] : memref<16384x1024xf32, #tpu.memory_space<hbm>> -> memref<32x1024xf32, #tpu.memory_space<hbm>>
    %dma_wait3A_67 = arith.constant 0 : i32
    %dma_wait3A_68 = tpu.memref_slice %arg5[%add3A_46, %dma_wait3A_67] : memref<16384x1024xf32, #tpu.memory_space<hbm>> -> memref<32x1024xf32, #tpu.memory_space<hbm>>
    %dma_wait3A_69 = arith.constant 0 : i32
    %dma_wait3A_70 = arith.constant 0 : i32
    %dma_wait3A_71 = tpu.memref_slice %arg7[%dma_wait3A_60, %dma_wait3A_69, %dma_wait3A_70] : memref<2x32x1024xf32, #tpu.memory_space<vmem>> -> memref<1x32x1024xf32, #tpu.memory_space<vmem>>
    %dma_wait3A_72 = tpu.memref_squeeze %dma_wait3A_71 : memref<1x32x1024xf32, #tpu.memory_space<vmem>> -> memref<32x1024xf32, #tpu.memory_space<vmem>>
    tpu.wait_dma2 semaphore(%arg11 : memref<!tpu.dma_semaphore, #tpu.memory_space<semaphore_mem>>) src(%dma_wait3A_72 : memref<32x1024xf32, #tpu.memory_space<vmem>>) dst(%dma_wait3A_68 : memref<32x1024xf32, #tpu.memory_space<hbm>>)
    %dma_start3A_73 = arith.constant 2 : i32
    %dma_start3A_74 = arith.constant 0 : i32
    %dma_start3A_75 = arith.constant 0 : i32
    %dma_start3A_76 = arith.constant 0 : i32
    %dma_start3A_77 = tpu.memref_slice %arg7[%dma_start3A_74, %dma_start3A_75, %dma_start3A_76] : memref<2x32x1024xf32, #tpu.memory_space<vmem>> -> memref<1x32x1024xf32, #tpu.memory_space<vmem>>
    %dma_start3A_78 = tpu.memref_squeeze %dma_start3A_77 : memref<1x32x1024xf32, #tpu.memory_space<vmem>> -> memref<32x1024xf32, #tpu.memory_space<vmem>>
    %dma_start3A_79 = arith.constant 0 : i32
    %dma_start3A_80 = tpu.memref_slice %arg6[%dma_start3A_73, %dma_start3A_79] : memref<16x32xi32, #tpu.memory_space<vmem>> -> memref<1x32xi32, #tpu.memory_space<vmem>>
    %dma_start3A_81 = tpu.memref_squeeze %dma_start3A_80 : memref<1x32xi32, #tpu.memory_space<vmem>> -> memref<32xi32, #tpu.memory_space<vmem>>
    %dma_start3A_82 = arith.constant 0 : i32
    %dma_start3A_83 = arith.constant 0 : i32
    %dma_start3A_84 = tpu.memref_slice %arg3[%dma_start3A_82, %dma_start3A_83] : memref<100000x1024xf32, #tpu.memory_space<hbm>> -> memref<100000x1024xf32, #tpu.memory_space<hbm>>
    tpu.enqueue_indirect_dma source(%dma_start3A_84 : memref<100000x1024xf32, #tpu.memory_space<hbm>>) target(%dma_start3A_78 : memref<32x1024xf32, #tpu.memory_space<vmem>>) offsets(%dma_start3A_81 : memref<32xi32, #tpu.memory_space<vmem>>) semaphore(%arg9 : memref<!tpu.dma_semaphore, #tpu.memory_space<semaphore_mem>>)
    %add3A_85 = arith.constant 32 : i32
    %add3A_86 = arith.addi %rem3A_3, %add3A_85 : i32
    "tpu.region"() ({
      %run_scoped3A = tpu.sem_alloc : memref<!tpu.dma_semaphore, #tpu.memory_space<semaphore_mem>>
      %dma_start3A_961 = arith.constant 0 : i32
      %dma_start3A_962 = tpu.memref_slice %arg4[%add3A_86, %dma_start3A_961] : memref<8192x1024xf32, #tpu.memory_space<hbm>> -> memref<32x1024xf32, #tpu.memory_space<hbm>>
      %dma_start3A_963 = arith.constant 0 : i32
      %dma_start3A_964 = tpu.memref_slice %arg4[%add3A_86, %dma_start3A_963] : memref<8192x1024xf32, #tpu.memory_space<hbm>> -> memref<32x1024xf32, #tpu.memory_space<hbm>>
      tpu.enqueue_dma source(%dma_start3A_964 : memref<32x1024xf32, #tpu.memory_space<hbm>>) target(%arg8 : memref<32x1024xf32, #tpu.memory_space<vmem>>) target_semaphore(%run_scoped3A : memref<!tpu.dma_semaphore, #tpu.memory_space<semaphore_mem>>)
      %dma_wait3A_965 = arith.constant 0 : i32
      %dma_wait3A_966 = tpu.memref_slice %arg4[%add3A_86, %dma_wait3A_965] : memref<8192x1024xf32, #tpu.memory_space<hbm>> -> memref<32x1024xf32, #tpu.memory_space<hbm>>
      %dma_wait3A_967 = arith.constant 0 : i32
      %dma_wait3A_968 = tpu.memref_slice %arg4[%add3A_86, %dma_wait3A_967] : memref<8192x1024xf32, #tpu.memory_space<hbm>> -> memref<32x1024xf32, #tpu.memory_space<hbm>>
      tpu.wait_dma2 semaphore(%run_scoped3A : memref<!tpu.dma_semaphore, #tpu.memory_space<semaphore_mem>>) src(%dma_wait3A_968 : memref<32x1024xf32, #tpu.memory_space<hbm>>) dst(%arg8 : memref<32x1024xf32, #tpu.memory_space<vmem>>)
      tpu.yield
    }) : () -> ()
    %dma_wait3A_87 = arith.constant 1 : i32
    %dma_wait3A_88 = arith.constant 1 : i32
    %dma_wait3A_89 = arith.constant 0 : i32
    %dma_wait3A_90 = arith.constant 0 : i32
    %dma_wait3A_91 = tpu.memref_slice %arg7[%dma_wait3A_88, %dma_wait3A_89, %dma_wait3A_90] : memref<2x32x1024xf32, #tpu.memory_space<vmem>> -> memref<1x32x1024xf32, #tpu.memory_space<vmem>>
    %dma_wait3A_92 = tpu.memref_squeeze %dma_wait3A_91 : memref<1x32x1024xf32, #tpu.memory_space<vmem>> -> memref<32x1024xf32, #tpu.memory_space<vmem>>
    %dma_wait3A_93 = arith.constant 0 : i32
    %dma_wait3A_94 = tpu.memref_slice %arg6[%dma_wait3A_87, %dma_wait3A_93] : memref<16x32xi32, #tpu.memory_space<vmem>> -> memref<1x32xi32, #tpu.memory_space<vmem>>
    %dma_wait3A_95 = tpu.memref_squeeze %dma_wait3A_94 : memref<1x32xi32, #tpu.memory_space<vmem>> -> memref<32xi32, #tpu.memory_space<vmem>>
    %dma_wait3A_96 = arith.constant 0 : i32
    %dma_wait3A_97 = arith.constant 0 : i32
    %dma_wait3A_98 = tpu.memref_slice %arg3[%dma_wait3A_96, %dma_wait3A_97] : memref<100000x1024xf32, #tpu.memory_space<hbm>> -> memref<100000x1024xf32, #tpu.memory_space<hbm>>
    tpu.wait_indirect_dma semaphore(%arg10 : memref<!tpu.dma_semaphore, #tpu.memory_space<semaphore_mem>>) src(%dma_wait3A_98 : memref<100000x1024xf32, #tpu.memory_space<hbm>>) dst(%dma_wait3A_92 : memref<32x1024xf32, #tpu.memory_space<vmem>>)
    %scan3A_99 = arith.constant 0 : i32
    %scan3A_100 = arith.constant 0 : i32
    %scan3A_101 = arith.constant 2048 : i32
    %scan3A_102 = arith.addi %scan3A_100, %scan3A_101 : i32
    %scan3A_103 = arith.constant 1 : i32
    scf.for %scan3A_961 = %scan3A_100 to %scan3A_102 step %scan3A_103  : i32 {
      %jit3A = arith.constant 64 : i32
      %div3A = arith.divsi %scan3A_961, %jit3A : i32
      %sign3A = arith.constant 0 : i32
      %sign3A_962 = arith.cmpi sgt, %scan3A_961, %sign3A : i32
      %sign3A_963 = arith.extui %sign3A_962 : i1 to i32
      %sign3A_964 = arith.constant 0 : i32
      %sign3A_965 = arith.cmpi slt, %scan3A_961, %sign3A_964 : i32
      %sign3A_966 = arith.extui %sign3A_965 : i1 to i32
      %sign3A_967 = arith.subi %sign3A_963, %sign3A_966 : i32
      %sign3A_968 = arith.constant 0 : i32
      %sign3A_969 = arith.cmpi sgt, %jit3A, %sign3A_968 : i32
      %sign3A_970 = arith.extui %sign3A_969 : i1 to i32
      %sign3A_971 = arith.constant 0 : i32
      %sign3A_972 = arith.cmpi slt, %jit3A, %sign3A_971 : i32
      %sign3A_973 = arith.extui %sign3A_972 : i1 to i32
      %sign3A_974 = arith.subi %sign3A_970, %sign3A_973 : i32
      %ne3A = arith.cmpi ne, %sign3A_967, %sign3A_974 : i32
      %rem3A_975 = arith.remsi %scan3A_961, %jit3A : i32
      %ne3A_976 = arith.constant 0 : i32
      %ne3A_977 = arith.cmpi ne, %rem3A_975, %ne3A_976 : i32
      %and3A = arith.andi %ne3A, %ne3A_977 : i1
      %sub3A = arith.constant 1 : i32
      %sub3A_978 = arith.subi %div3A, %sub3A : i32
      %select_n3A = arith.select %and3A, %sub3A_978, %div3A : i32
      %jit3A_979 = arith.constant 64 : i32
      %eq3A = arith.constant 0 : i32
      %eq3A_980 = arith.cmpi eq, %jit3A_979, %eq3A : i32
      %jit3A_981 = arith.constant 1 : i32
      %select_n3A_982 = arith.select %eq3A_980, %jit3A_981, %jit3A_979 : i32
      %rem3A_983 = arith.remsi %scan3A_961, %select_n3A_982 : i32
      %ne3A_984 = arith.constant 0 : i32
      %ne3A_985 = arith.cmpi ne, %rem3A_983, %ne3A_984 : i32
      %lt3A = arith.constant 0 : i32
      %lt3A_986 = arith.cmpi slt, %rem3A_983, %lt3A : i32
      %lt3A_987 = arith.constant 0 : i32
      %lt3A_988 = arith.cmpi slt, %select_n3A_982, %lt3A_987 : i32
      %ne3A_989 = arith.xori %lt3A_986, %lt3A_988 : i1
      %and3A_990 = arith.andi %ne3A_989, %ne3A_985 : i1
      %add3A_991 = arith.addi %rem3A_983, %select_n3A_982 : i32
      %select_n3A_992 = arith.select %and3A_990, %add3A_991, %rem3A_983 : i32
      %mul3A_993 = arith.constant 16 : i32
      %mul3A_994 = arith.muli %select_n3A_992, %mul3A_993 : i32
      %get3A = arith.constant 1 : i32
      %get3A_995 = arith.index_cast %get3A : i32 to index
      %get3A_996 = arith.index_cast %select_n3A : i32 to index
      %get3A_997 = arith.index_cast %mul3A_994 : i32 to index
      %get3A_998 = tpu.vector_load %arg7[%get3A_995, %get3A_996, %get3A_997] {strides = array<i32>} : memref<2x32x1024xf32, #tpu.memory_space<vmem>>, vector<1x1x16xf32>,
      %get3A_999 = vector.shape_cast %get3A_998 : vector<1x1x16xf32> to vector<16xf32>
      %get3A_1000 = arith.index_cast %select_n3A : i32 to index
      %get3A_1001 = arith.index_cast %mul3A_994 : i32 to index
      %get3A_1002 = tpu.vector_load %arg8[%get3A_1000, %get3A_1001] {strides = array<i32>} : memref<32x1024xf32, #tpu.memory_space<vmem>>, vector<1x16xf32>,
      %get3A_1003 = vector.shape_cast %get3A_1002 : vector<1x16xf32> to vector<16xf32>
      %add3A_1004 = arith.addf %get3A_999, %get3A_1003 : vector<16xf32>
      %swap3A = arith.constant 1 : i32
      %swap3A_1005 = arith.index_cast %swap3A : i32 to index
      %swap3A_1006 = arith.index_cast %select_n3A : i32 to index
      %swap3A_1007 = arith.index_cast %mul3A_994 : i32 to index
      %swap3A_1008 = tpu.vector_load %arg7[%swap3A_1005, %swap3A_1006, %swap3A_1007] {strides = array<i32>} : memref<2x32x1024xf32, #tpu.memory_space<vmem>>, vector<1x1x16xf32>,
      %swap3A_1009 = vector.shape_cast %swap3A_1008 : vector<1x1x16xf32> to vector<16xf32>
      %swap3A_1010 = vector.shape_cast %add3A_1004 : vector<16xf32> to vector<1x1x16xf32>
      tpu.vector_store %arg7[%swap3A_1005, %swap3A_1006, %swap3A_1007], %swap3A_1010 {strides = array<i32>} : memref<2x32x1024xf32, #tpu.memory_space<vmem>>, vector<1x1x16xf32>,
    }
    %scan3A_104 = arith.constant 2048 : i32
    %add3A_105 = arith.constant 32 : i32
    %add3A_106 = arith.addi %mul3A_2, %add3A_105 : i32
    %dma_start3A_107 = arith.constant 1 : i32
    %dma_start3A_108 = arith.constant 0 : i32
    %dma_start3A_109 = arith.constant 0 : i32
    %dma_start3A_110 = tpu.memref_slice %arg7[%dma_start3A_107, %dma_start3A_108, %dma_start3A_109] : memref<2x32x1024xf32, #tpu.memory_space<vmem>> -> memref<1x32x1024xf32, #tpu.memory_space<vmem>>
    %dma_start3A_111 = tpu.memref_squeeze %dma_start3A_110 : memref<1x32x1024xf32, #tpu.memory_space<vmem>> -> memref<32x1024xf32, #tpu.memory_space<vmem>>
    %dma_start3A_112 = arith.constant 0 : i32
    %dma_start3A_113 = tpu.memref_slice %arg5[%add3A_106, %dma_start3A_112] : memref<16384x1024xf32, #tpu.memory_space<hbm>> -> memref<32x1024xf32, #tpu.memory_space<hbm>>
    %dma_start3A_114 = arith.constant 0 : i32
    %dma_start3A_115 = tpu.memref_slice %arg5[%add3A_106, %dma_start3A_114] : memref<16384x1024xf32, #tpu.memory_space<hbm>> -> memref<32x1024xf32, #tpu.memory_space<hbm>>
    %dma_start3A_116 = arith.constant 0 : i32
    %dma_start3A_117 = arith.constant 0 : i32
    %dma_start3A_118 = tpu.memref_slice %arg7[%dma_start3A_107, %dma_start3A_116, %dma_start3A_117] : memref<2x32x1024xf32, #tpu.memory_space<vmem>> -> memref<1x32x1024xf32, #tpu.memory_space<vmem>>
    %dma_start3A_119 = tpu.memref_squeeze %dma_start3A_118 : memref<1x32x1024xf32, #tpu.memory_space<vmem>> -> memref<32x1024xf32, #tpu.memory_space<vmem>>
    tpu.enqueue_dma source(%dma_start3A_119 : memref<32x1024xf32, #tpu.memory_space<vmem>>) target(%dma_start3A_115 : memref<32x1024xf32, #tpu.memory_space<hbm>>) target_semaphore(%arg12 : memref<!tpu.dma_semaphore, #tpu.memory_space<semaphore_mem>>)
    %dma_wait3A_120 = arith.constant 1 : i32
    %dma_wait3A_121 = arith.constant 0 : i32
    %dma_wait3A_122 = arith.constant 0 : i32
    %dma_wait3A_123 = tpu.memref_slice %arg7[%dma_wait3A_120, %dma_wait3A_121, %dma_wait3A_122] : memref<2x32x1024xf32, #tpu.memory_space<vmem>> -> memref<1x32x1024xf32, #tpu.memory_space<vmem>>
    %dma_wait3A_124 = tpu.memref_squeeze %dma_wait3A_123 : memref<1x32x1024xf32, #tpu.memory_space<vmem>> -> memref<32x1024xf32, #tpu.memory_space<vmem>>
    %dma_wait3A_125 = arith.constant 0 : i32
    %dma_wait3A_126 = tpu.memref_slice %arg5[%add3A_106, %dma_wait3A_125] : memref<16384x1024xf32, #tpu.memory_space<hbm>> -> memref<32x1024xf32, #tpu.memory_space<hbm>>
    %dma_wait3A_127 = arith.constant 0 : i32
    %dma_wait3A_128 = tpu.memref_slice %arg5[%add3A_106, %dma_wait3A_127] : memref<16384x1024xf32, #tpu.memory_space<hbm>> -> memref<32x1024xf32, #tpu.memory_space<hbm>>
    %dma_wait3A_129 = arith.constant 0 : i32
    %dma_wait3A_130 = arith.constant 0 : i32
    %dma_wait3A_131 = tpu.memref_slice %arg7[%dma_wait3A_120, %dma_wait3A_129, %dma_wait3A_130] : memref<2x32x1024xf32, #tpu.memory_space<vmem>> -> memref<1x32x1024xf32, #tpu.memory_space<vmem>>
    %dma_wait3A_132 = tpu.memref_squeeze %dma_wait3A_131 : memref<1x32x1024xf32, #tpu.memory_space<vmem>> -> memref<32x1024xf32, #tpu.memory_space<vmem>>
    tpu.wait_dma2 semaphore(%arg12 : memref<!tpu.dma_semaphore, #tpu.memory_space<semaphore_mem>>) src(%dma_wait3A_132 : memref<32x1024xf32, #tpu.memory_space<vmem>>) dst(%dma_wait3A_128 : memref<32x1024xf32, #tpu.memory_space<hbm>>)
    %dma_start3A_133 = arith.constant 3 : i32
    %dma_start3A_134 = arith.constant 1 : i32
    %dma_start3A_135 = arith.constant 0 : i32
    %dma_start3A_136 = arith.constant 0 : i32
    %dma_start3A_137 = tpu.memref_slice %arg7[%dma_start3A_134, %dma_start3A_135, %dma_start3A_136] : memref<2x32x1024xf32, #tpu.memory_space<vmem>> -> memref<1x32x1024xf32, #tpu.memory_space<vmem>>
    %dma_start3A_138 = tpu.memref_squeeze %dma_start3A_137 : memref<1x32x1024xf32, #tpu.memory_space<vmem>> -> memref<32x1024xf32, #tpu.memory_space<vmem>>
    %dma_start3A_139 = arith.constant 0 : i32
    %dma_start3A_140 = tpu.memref_slice %arg6[%dma_start3A_133, %dma_start3A_139] : memref<16x32xi32, #tpu.memory_space<vmem>> -> memref<1x32xi32, #tpu.memory_space<vmem>>
    %dma_start3A_141 = tpu.memref_squeeze %dma_start3A_140 : memref<1x32xi32, #tpu.memory_space<vmem>> -> memref<32xi32, #tpu.memory_space<vmem>>
    %dma_start3A_142 = arith.constant 0 : i32
    %dma_start3A_143 = arith.constant 0 : i32
    %dma_start3A_144 = tpu.memref_slice %arg3[%dma_start3A_142, %dma_start3A_143] : memref<100000x1024xf32, #tpu.memory_space<hbm>> -> memref<100000x1024xf32, #tpu.memory_space<hbm>>
    tpu.enqueue_indirect_dma source(%dma_start3A_144 : memref<100000x1024xf32, #tpu.memory_space<hbm>>) target(%dma_start3A_138 : memref<32x1024xf32, #tpu.memory_space<vmem>>) offsets(%dma_start3A_141 : memref<32xi32, #tpu.memory_space<vmem>>) semaphore(%arg10 : memref<!tpu.dma_semaphore, #tpu.memory_space<semaphore_mem>>)
    %add3A_145 = arith.constant 64 : i32
    %add3A_146 = arith.addi %rem3A_3, %add3A_145 : i32
    "tpu.region"() ({
      %run_scoped3A = tpu.sem_alloc : memref<!tpu.dma_semaphore, #tpu.memory_space<semaphore_mem>>
      %dma_start3A_961 = arith.constant 0 : i32
      %dma_start3A_962 = tpu.memref_slice %arg4[%add3A_146, %dma_start3A_961] : memref<8192x1024xf32, #tpu.memory_space<hbm>> -> memref<32x1024xf32, #tpu.memory_space<hbm>>
      %dma_start3A_963 = arith.constant 0 : i32
      %dma_start3A_964 = tpu.memref_slice %arg4[%add3A_146, %dma_start3A_963] : memref<8192x1024xf32, #tpu.memory_space<hbm>> -> memref<32x1024xf32, #tpu.memory_space<hbm>>
      tpu.enqueue_dma source(%dma_start3A_964 : memref<32x1024xf32, #tpu.memory_space<hbm>>) target(%arg8 : memref<32x1024xf32, #tpu.memory_space<vmem>>) target_semaphore(%run_scoped3A : memref<!tpu.dma_semaphore, #tpu.memory_space<semaphore_mem>>)
      %dma_wait3A_965 = arith.constant 0 : i32
      %dma_wait3A_966 = tpu.memref_slice %arg4[%add3A_146, %dma_wait3A_965] : memref<8192x1024xf32, #tpu.memory_space<hbm>> -> memref<32x1024xf32, #tpu.memory_space<hbm>>
      %dma_wait3A_967 = arith.constant 0 : i32
      %dma_wait3A_968 = tpu.memref_slice %arg4[%add3A_146, %dma_wait3A_967] : memref<8192x1024xf32, #tpu.memory_space<hbm>> -> memref<32x1024xf32, #tpu.memory_space<hbm>>
      tpu.wait_dma2 semaphore(%run_scoped3A : memref<!tpu.dma_semaphore, #tpu.memory_space<semaphore_mem>>) src(%dma_wait3A_968 : memref<32x1024xf32, #tpu.memory_space<hbm>>) dst(%arg8 : memref<32x1024xf32, #tpu.memory_space<vmem>>)
      tpu.yield
    }) : () -> ()
    %dma_wait3A_147 = arith.constant 2 : i32
    %dma_wait3A_148 = arith.constant 0 : i32
    %dma_wait3A_149 = arith.constant 0 : i32
    %dma_wait3A_150 = arith.constant 0 : i32
    %dma_wait3A_151 = tpu.memref_slice %arg7[%dma_wait3A_148, %dma_wait3A_149, %dma_wait3A_150] : memref<2x32x1024xf32, #tpu.memory_space<vmem>> -> memref<1x32x1024xf32, #tpu.memory_space<vmem>>
    %dma_wait3A_152 = tpu.memref_squeeze %dma_wait3A_151 : memref<1x32x1024xf32, #tpu.memory_space<vmem>> -> memref<32x1024xf32, #tpu.memory_space<vmem>>
    %dma_wait3A_153 = arith.constant 0 : i32
    %dma_wait3A_154 = tpu.memref_slice %arg6[%dma_wait3A_147, %dma_wait3A_153] : memref<16x32xi32, #tpu.memory_space<vmem>> -> memref<1x32xi32, #tpu.memory_space<vmem>>
    %dma_wait3A_155 = tpu.memref_squeeze %dma_wait3A_154 : memref<1x32xi32, #tpu.memory_space<vmem>> -> memref<32xi32, #tpu.memory_space<vmem>>
    %dma_wait3A_156 = arith.constant 0 : i32
    %dma_wait3A_157 = arith.constant 0 : i32
    %dma_wait3A_158 = tpu.memref_slice %arg3[%dma_wait3A_156, %dma_wait3A_157] : memref<100000x1024xf32, #tpu.memory_space<hbm>> -> memref<100000x1024xf32, #tpu.memory_space<hbm>>
    tpu.wait_indirect_dma semaphore(%arg9 : memref<!tpu.dma_semaphore, #tpu.memory_space<semaphore_mem>>) src(%dma_wait3A_158 : memref<100000x1024xf32, #tpu.memory_space<hbm>>) dst(%dma_wait3A_152 : memref<32x1024xf32, #tpu.memory_space<vmem>>)
    %scan3A_159 = arith.constant 0 : i32
    %scan3A_160 = arith.constant 0 : i32
    %scan3A_161 = arith.constant 2048 : i32
    %scan3A_162 = arith.addi %scan3A_160, %scan3A_161 : i32
    %scan3A_163 = arith.constant 1 : i32
    scf.for %scan3A_961 = %scan3A_160 to %scan3A_162 step %scan3A_163  : i32 {
      %jit3A = arith.constant 64 : i32
      %div3A = arith.divsi %scan3A_961, %jit3A : i32
      %sign3A = arith.constant 0 : i32
      %sign3A_962 = arith.cmpi sgt, %scan3A_961, %sign3A : i32
      %sign3A_963 = arith.extui %sign3A_962 : i1 to i32
      %sign3A_964 = arith.constant 0 : i32
      %sign3A_965 = arith.cmpi slt, %scan3A_961, %sign3A_964 : i32
      %sign3A_966 = arith.extui %sign3A_965 : i1 to i32
      %sign3A_967 = arith.subi %sign3A_963, %sign3A_966 : i32
      %sign3A_968 = arith.constant 0 : i32
      %sign3A_969 = arith.cmpi sgt, %jit3A, %sign3A_968 : i32
      %sign3A_970 = arith.extui %sign3A_969 : i1 to i32
      %sign3A_971 = arith.constant 0 : i32
      %sign3A_972 = arith.cmpi slt, %jit3A, %sign3A_971 : i32
      %sign3A_973 = arith.extui %sign3A_972 : i1 to i32
      %sign3A_974 = arith.subi %sign3A_970, %sign3A_973 : i32
      %ne3A = arith.cmpi ne, %sign3A_967, %sign3A_974 : i32
      %rem3A_975 = arith.remsi %scan3A_961, %jit3A : i32
      %ne3A_976 = arith.constant 0 : i32
      %ne3A_977 = arith.cmpi ne, %rem3A_975, %ne3A_976 : i32
      %and3A = arith.andi %ne3A, %ne3A_977 : i1
      %sub3A = arith.constant 1 : i32
      %sub3A_978 = arith.subi %div3A, %sub3A : i32
      %select_n3A = arith.select %and3A, %sub3A_978, %div3A : i32
      %jit3A_979 = arith.constant 64 : i32
      %eq3A = arith.constant 0 : i32
      %eq3A_980 = arith.cmpi eq, %jit3A_979, %eq3A : i32
      %jit3A_981 = arith.constant 1 : i32
      %select_n3A_982 = arith.select %eq3A_980, %jit3A_981, %jit3A_979 : i32
      %rem3A_983 = arith.remsi %scan3A_961, %select_n3A_982 : i32
      %ne3A_984 = arith.constant 0 : i32
      %ne3A_985 = arith.cmpi ne, %rem3A_983, %ne3A_984 : i32
      %lt3A = arith.constant 0 : i32
      %lt3A_986 = arith.cmpi slt, %rem3A_983, %lt3A : i32
      %lt3A_987 = arith.constant 0 : i32
      %lt3A_988 = arith.cmpi slt, %select_n3A_982, %lt3A_987 : i32
      %ne3A_989 = arith.xori %lt3A_986, %lt3A_988 : i1
      %and3A_990 = arith.andi %ne3A_989, %ne3A_985 : i1
      %add3A_991 = arith.addi %rem3A_983, %select_n3A_982 : i32
      %select_n3A_992 = arith.select %and3A_990, %add3A_991, %rem3A_983 : i32
      %mul3A_993 = arith.constant 16 : i32
      %mul3A_994 = arith.muli %select_n3A_992, %mul3A_993 : i32
      %get3A = arith.constant 0 : i32
      %get3A_995 = arith.index_cast %get3A : i32 to index
      %get3A_996 = arith.index_cast %select_n3A : i32 to index
      %get3A_997 = arith.index_cast %mul3A_994 : i32 to index
      %get3A_998 = tpu.vector_load %arg7[%get3A_995, %get3A_996, %get3A_997] {strides = array<i32>} : memref<2x32x1024xf32, #tpu.memory_space<vmem>>, vector<1x1x16xf32>,
      %get3A_999 = vector.shape_cast %get3A_998 : vector<1x1x16xf32> to vector<16xf32>
      %get3A_1000 = arith.index_cast %select_n3A : i32 to index
      %get3A_1001 = arith.index_cast %mul3A_994 : i32 to index
      %get3A_1002 = tpu.vector_load %arg8[%get3A_1000, %get3A_1001] {strides = array<i32>} : memref<32x1024xf32, #tpu.memory_space<vmem>>, vector<1x16xf32>,
      %get3A_1003 = vector.shape_cast %get3A_1002 : vector<1x16xf32> to vector<16xf32>
      %add3A_1004 = arith.addf %get3A_999, %get3A_1003 : vector<16xf32>
      %swap3A = arith.constant 0 : i32
      %swap3A_1005 = arith.index_cast %swap3A : i32 to index
      %swap3A_1006 = arith.index_cast %select_n3A : i32 to index
      %swap3A_1007 = arith.index_cast %mul3A_994 : i32 to index
      %swap3A_1008 = tpu.vector_load %arg7[%swap3A_1005, %swap3A_1006, %swap3A_1007] {strides = array<i32>} : memref<2x32x1024xf32, #tpu.memory_space<vmem>>, vector<1x1x16xf32>,
      %swap3A_1009 = vector.shape_cast %swap3A_1008 : vector<1x1x16xf32> to vector<16xf32>
      %swap3A_1010 = vector.shape_cast %add3A_1004 : vector<16xf32> to vector<1x1x16xf32>
      tpu.vector_store %arg7[%swap3A_1005, %swap3A_1006, %swap3A_1007], %swap3A_1010 {strides = array<i32>} : memref<2x32x1024xf32, #tpu.memory_space<vmem>>, vector<1x1x16xf32>,
    }
    %scan3A_164 = arith.constant 2048 : i32
    %add3A_165 = arith.constant 64 : i32
    %add3A_166 = arith.addi %mul3A_2, %add3A_165 : i32
    %dma_start3A_167 = arith.constant 0 : i32
    %dma_start3A_168 = arith.constant 0 : i32
    %dma_start3A_169 = arith.constant 0 : i32
    %dma_start3A_170 = tpu.memref_slice %arg7[%dma_start3A_167, %dma_start3A_168, %dma_start3A_169] : memref<2x32x1024xf32, #tpu.memory_space<vmem>> -> memref<1x32x1024xf32, #tpu.memory_space<vmem>>
    %dma_start3A_171 = tpu.memref_squeeze %dma_start3A_170 : memref<1x32x1024xf32, #tpu.memory_space<vmem>> -> memref<32x1024xf32, #tpu.memory_space<vmem>>
    %dma_start3A_172 = arith.constant 0 : i32
    %dma_start3A_173 = tpu.memref_slice %arg5[%add3A_166, %dma_start3A_172] : memref<16384x1024xf32, #tpu.memory_space<hbm>> -> memref<32x1024xf32, #tpu.memory_space<hbm>>
    %dma_start3A_174 = arith.constant 0 : i32
    %dma_start3A_175 = tpu.memref_slice %arg5[%add3A_166, %dma_start3A_174] : memref<16384x1024xf32, #tpu.memory_space<hbm>> -> memref<32x1024xf32, #tpu.memory_space<hbm>>
    %dma_start3A_176 = arith.constant 0 : i32
    %dma_start3A_177 = arith.constant 0 : i32
    %dma_start3A_178 = tpu.memref_slice %arg7[%dma_start3A_167, %dma_start3A_176, %dma_start3A_177] : memref<2x32x1024xf32, #tpu.memory_space<vmem>> -> memref<1x32x1024xf32, #tpu.memory_space<vmem>>
    %dma_start3A_179 = tpu.memref_squeeze %dma_start3A_178 : memref<1x32x1024xf32, #tpu.memory_space<vmem>> -> memref<32x1024xf32, #tpu.memory_space<vmem>>
    tpu.enqueue_dma source(%dma_start3A_179 : memref<32x1024xf32, #tpu.memory_space<vmem>>) target(%dma_start3A_175 : memref<32x1024xf32, #tpu.memory_space<hbm>>) target_semaphore(%arg11 : memref<!tpu.dma_semaphore, #tpu.memory_space<semaphore_mem>>)
    %dma_wait3A_180 = arith.constant 0 : i32
    %dma_wait3A_181 = arith.constant 0 : i32
    %dma_wait3A_182 = arith.constant 0 : i32
    %dma_wait3A_183 = tpu.memref_slice %arg7[%dma_wait3A_180, %dma_wait3A_181, %dma_wait3A_182] : memref<2x32x1024xf32, #tpu.memory_space<vmem>> -> memref<1x32x1024xf32, #tpu.memory_space<vmem>>
    %dma_wait3A_184 = tpu.memref_squeeze %dma_wait3A_183 : memref<1x32x1024xf32, #tpu.memory_space<vmem>> -> memref<32x1024xf32, #tpu.memory_space<vmem>>
    %dma_wait3A_185 = arith.constant 0 : i32
    %dma_wait3A_186 = tpu.memref_slice %arg5[%add3A_166, %dma_wait3A_185] : memref<16384x1024xf32, #tpu.memory_space<hbm>> -> memref<32x1024xf32, #tpu.memory_space<hbm>>
    %dma_wait3A_187 = arith.constant 0 : i32
    %dma_wait3A_188 = tpu.memref_slice %arg5[%add3A_166, %dma_wait3A_187] : memref<16384x1024xf32, #tpu.memory_space<hbm>> -> memref<32x1024xf32, #tpu.memory_space<hbm>>
    %dma_wait3A_189 = arith.constant 0 : i32
    %dma_wait3A_190 = arith.constant 0 : i32
    %dma_wait3A_191 = tpu.memref_slice %arg7[%dma_wait3A_180, %dma_wait3A_189, %dma_wait3A_190] : memref<2x32x1024xf32, #tpu.memory_space<vmem>> -> memref<1x32x1024xf32, #tpu.memory_space<vmem>>
    %dma_wait3A_192 = tpu.memref_squeeze %dma_wait3A_191 : memref<1x32x1024xf32, #tpu.memory_space<vmem>> -> memref<32x1024xf32, #tpu.memory_space<vmem>>
    tpu.wait_dma2 semaphore(%arg11 : memref<!tpu.dma_semaphore, #tpu.memory_space<semaphore_mem>>) src(%dma_wait3A_192 : memref<32x1024xf32, #tpu.memory_space<vmem>>) dst(%dma_wait3A_188 : memref<32x1024xf32, #tpu.memory_space<hbm>>)
    %dma_start3A_193 = arith.constant 4 : i32
    %dma_start3A_194 = arith.constant 0 : i32
    %dma_start3A_195 = arith.constant 0 : i32
    %dma_start3A_196 = arith.constant 0 : i32
    %dma_start3A_197 = tpu.memref_slice %arg7[%dma_start3A_194, %dma_start3A_195, %dma_start3A_196] : memref<2x32x1024xf32, #tpu.memory_space<vmem>> -> memref<1x32x1024xf32, #tpu.memory_space<vmem>>
    %dma_start3A_198 = tpu.memref_squeeze %dma_start3A_197 : memref<1x32x1024xf32, #tpu.memory_space<vmem>> -> memref<32x1024xf32, #tpu.memory_space<vmem>>
    %dma_start3A_199 = arith.constant 0 : i32
    %dma_start3A_200 = tpu.memref_slice %arg6[%dma_start3A_193, %dma_start3A_199] : memref<16x32xi32, #tpu.memory_space<vmem>> -> memref<1x32xi32, #tpu.memory_space<vmem>>
    %dma_start3A_201 = tpu.memref_squeeze %dma_start3A_200 : memref<1x32xi32, #tpu.memory_space<vmem>> -> memref<32xi32, #tpu.memory_space<vmem>>
    %dma_start3A_202 = arith.constant 0 : i32
    %dma_start3A_203 = arith.constant 0 : i32
    %dma_start3A_204 = tpu.memref_slice %arg3[%dma_start3A_202, %dma_start3A_203] : memref<100000x1024xf32, #tpu.memory_space<hbm>> -> memref<100000x1024xf32, #tpu.memory_space<hbm>>
    tpu.enqueue_indirect_dma source(%dma_start3A_204 : memref<100000x1024xf32, #tpu.memory_space<hbm>>) target(%dma_start3A_198 : memref<32x1024xf32, #tpu.memory_space<vmem>>) offsets(%dma_start3A_201 : memref<32xi32, #tpu.memory_space<vmem>>) semaphore(%arg9 : memref<!tpu.dma_semaphore, #tpu.memory_space<semaphore_mem>>)
    %add3A_205 = arith.constant 96 : i32
    %add3A_206 = arith.addi %rem3A_3, %add3A_205 : i32
    "tpu.region"() ({
      %run_scoped3A = tpu.sem_alloc : memref<!tpu.dma_semaphore, #tpu.memory_space<semaphore_mem>>
      %dma_start3A_961 = arith.constant 0 : i32
      %dma_start3A_962 = tpu.memref_slice %arg4[%add3A_206, %dma_start3A_961] : memref<8192x1024xf32, #tpu.memory_space<hbm>> -> memref<32x1024xf32, #tpu.memory_space<hbm>>
      %dma_start3A_963 = arith.constant 0 : i32
      %dma_start3A_964 = tpu.memref_slice %arg4[%add3A_206, %dma_start3A_963] : memref<8192x1024xf32, #tpu.memory_space<hbm>> -> memref<32x1024xf32, #tpu.memory_space<hbm>>
      tpu.enqueue_dma source(%dma_start3A_964 : memref<32x1024xf32, #tpu.memory_space<hbm>>) target(%arg8 : memref<32x1024xf32, #tpu.memory_space<vmem>>) target_semaphore(%run_scoped3A : memref<!tpu.dma_semaphore, #tpu.memory_space<semaphore_mem>>)
      %dma_wait3A_965 = arith.constant 0 : i32
      %dma_wait3A_966 = tpu.memref_slice %arg4[%add3A_206, %dma_wait3A_965] : memref<8192x1024xf32, #tpu.memory_space<hbm>> -> memref<32x1024xf32, #tpu.memory_space<hbm>>
      %dma_wait3A_967 = arith.constant 0 : i32
      %dma_wait3A_968 = tpu.memref_slice %arg4[%add3A_206, %dma_wait3A_967] : memref<8192x1024xf32, #tpu.memory_space<hbm>> -> memref<32x1024xf32, #tpu.memory_space<hbm>>
      tpu.wait_dma2 semaphore(%run_scoped3A : memref<!tpu.dma_semaphore, #tpu.memory_space<semaphore_mem>>) src(%dma_wait3A_968 : memref<32x1024xf32, #tpu.memory_space<hbm>>) dst(%arg8 : memref<32x1024xf32, #tpu.memory_space<vmem>>)
      tpu.yield
    }) : () -> ()
    %dma_wait3A_207 = arith.constant 3 : i32
    %dma_wait3A_208 = arith.constant 1 : i32
    %dma_wait3A_209 = arith.constant 0 : i32
    %dma_wait3A_210 = arith.constant 0 : i32
    %dma_wait3A_211 = tpu.memref_slice %arg7[%dma_wait3A_208, %dma_wait3A_209, %dma_wait3A_210] : memref<2x32x1024xf32, #tpu.memory_space<vmem>> -> memref<1x32x1024xf32, #tpu.memory_space<vmem>>
    %dma_wait3A_212 = tpu.memref_squeeze %dma_wait3A_211 : memref<1x32x1024xf32, #tpu.memory_space<vmem>> -> memref<32x1024xf32, #tpu.memory_space<vmem>>
    %dma_wait3A_213 = arith.constant 0 : i32
    %dma_wait3A_214 = tpu.memref_slice %arg6[%dma_wait3A_207, %dma_wait3A_213] : memref<16x32xi32, #tpu.memory_space<vmem>> -> memref<1x32xi32, #tpu.memory_space<vmem>>
    %dma_wait3A_215 = tpu.memref_squeeze %dma_wait3A_214 : memref<1x32xi32, #tpu.memory_space<vmem>> -> memref<32xi32, #tpu.memory_space<vmem>>
    %dma_wait3A_216 = arith.constant 0 : i32
    %dma_wait3A_217 = arith.constant 0 : i32
    %dma_wait3A_218 = tpu.memref_slice %arg3[%dma_wait3A_216, %dma_wait3A_217] : memref<100000x1024xf32, #tpu.memory_space<hbm>> -> memref<100000x1024xf32, #tpu.memory_space<hbm>>
    tpu.wait_indirect_dma semaphore(%arg10 : memref<!tpu.dma_semaphore, #tpu.memory_space<semaphore_mem>>) src(%dma_wait3A_218 : memref<100000x1024xf32, #tpu.memory_space<hbm>>) dst(%dma_wait3A_212 : memref<32x1024xf32, #tpu.memory_space<vmem>>)
    %scan3A_219 = arith.constant 0 : i32
    %scan3A_220 = arith.constant 0 : i32
    %scan3A_221 = arith.constant 2048 : i32
    %scan3A_222 = arith.addi %scan3A_220, %scan3A_221 : i32
    %scan3A_223 = arith.constant 1 : i32
    scf.for %scan3A_961 = %scan3A_220 to %scan3A_222 step %scan3A_223  : i32 {
      %jit3A = arith.constant 64 : i32
      %div3A = arith.divsi %scan3A_961, %jit3A : i32
      %sign3A = arith.constant 0 : i32
      %sign3A_962 = arith.cmpi sgt, %scan3A_961, %sign3A : i32
      %sign3A_963 = arith.extui %sign3A_962 : i1 to i32
      %sign3A_964 = arith.constant 0 : i32
      %sign3A_965 = arith.cmpi slt, %scan3A_961, %sign3A_964 : i32
      %sign3A_966 = arith.extui %sign3A_965 : i1 to i32
      %sign3A_967 = arith.subi %sign3A_963, %sign3A_966 : i32
      %sign3A_968 = arith.constant 0 : i32
      %sign3A_969 = arith.cmpi sgt, %jit3A, %sign3A_968 : i32
      %sign3A_970 = arith.extui %sign3A_969 : i1 to i32
      %sign3A_971 = arith.constant 0 : i32
      %sign3A_972 = arith.cmpi slt, %jit3A, %sign3A_971 : i32
      %sign3A_973 = arith.extui %sign3A_972 : i1 to i32
      %sign3A_974 = arith.subi %sign3A_970, %sign3A_973 : i32
      %ne3A = arith.cmpi ne, %sign3A_967, %sign3A_974 : i32
      %rem3A_975 = arith.remsi %scan3A_961, %jit3A : i32
      %ne3A_976 = arith.constant 0 : i32
      %ne3A_977 = arith.cmpi ne, %rem3A_975, %ne3A_976 : i32
      %and3A = arith.andi %ne3A, %ne3A_977 : i1
      %sub3A = arith.constant 1 : i32
      %sub3A_978 = arith.subi %div3A, %sub3A : i32
      %select_n3A = arith.select %and3A, %sub3A_978, %div3A : i32
      %jit3A_979 = arith.constant 64 : i32
      %eq3A = arith.constant 0 : i32
      %eq3A_980 = arith.cmpi eq, %jit3A_979, %eq3A : i32
      %jit3A_981 = arith.constant 1 : i32
      %select_n3A_982 = arith.select %eq3A_980, %jit3A_981, %jit3A_979 : i32
      %rem3A_983 = arith.remsi %scan3A_961, %select_n3A_982 : i32
      %ne3A_984 = arith.constant 0 : i32
      %ne3A_985 = arith.cmpi ne, %rem3A_983, %ne3A_984 : i32
      %lt3A = arith.constant 0 : i32
      %lt3A_986 = arith.cmpi slt, %rem3A_983, %lt3A : i32
      %lt3A_987 = arith.constant 0 : i32
      %lt3A_988 = arith.cmpi slt, %select_n3A_982, %lt3A_987 : i32
      %ne3A_989 = arith.xori %lt3A_986, %lt3A_988 : i1
      %and3A_990 = arith.andi %ne3A_989, %ne3A_985 : i1
      %add3A_991 = arith.addi %rem3A_983, %select_n3A_982 : i32
      %select_n3A_992 = arith.select %and3A_990, %add3A_991, %rem3A_983 : i32
      %mul3A_993 = arith.constant 16 : i32
      %mul3A_994 = arith.muli %select_n3A_992, %mul3A_993 : i32
      %get3A = arith.constant 1 : i32
      %get3A_995 = arith.index_cast %get3A : i32 to index
      %get3A_996 = arith.index_cast %select_n3A : i32 to index
      %get3A_997 = arith.index_cast %mul3A_994 : i32 to index
      %get3A_998 = tpu.vector_load %arg7[%get3A_995, %get3A_996, %get3A_997] {strides = array<i32>} : memref<2x32x1024xf32, #tpu.memory_space<vmem>>, vector<1x1x16xf32>,
      %get3A_999 = vector.shape_cast %get3A_998 : vector<1x1x16xf32> to vector<16xf32>
      %get3A_1000 = arith.index_cast %select_n3A : i32 to index
      %get3A_1001 = arith.index_cast %mul3A_994 : i32 to index
      %get3A_1002 = tpu.vector_load %arg8[%get3A_1000, %get3A_1001] {strides = array<i32>} : memref<32x1024xf32, #tpu.memory_space<vmem>>, vector<1x16xf32>,
      %get3A_1003 = vector.shape_cast %get3A_1002 : vector<1x16xf32> to vector<16xf32>
      %add3A_1004 = arith.addf %get3A_999, %get3A_1003 : vector<16xf32>
      %swap3A = arith.constant 1 : i32
      %swap3A_1005 = arith.index_cast %swap3A : i32 to index
      %swap3A_1006 = arith.index_cast %select_n3A : i32 to index
      %swap3A_1007 = arith.index_cast %mul3A_994 : i32 to index
      %swap3A_1008 = tpu.vector_load %arg7[%swap3A_1005, %swap3A_1006, %swap3A_1007] {strides = array<i32>} : memref<2x32x1024xf32, #tpu.memory_space<vmem>>, vector<1x1x16xf32>,
      %swap3A_1009 = vector.shape_cast %swap3A_1008 : vector<1x1x16xf32> to vector<16xf32>
      %swap3A_1010 = vector.shape_cast %add3A_1004 : vector<16xf32> to vector<1x1x16xf32>
      tpu.vector_store %arg7[%swap3A_1005, %swap3A_1006, %swap3A_1007], %swap3A_1010 {strides = array<i32>} : memref<2x32x1024xf32, #tpu.memory_space<vmem>>, vector<1x1x16xf32>,
    }
    %scan3A_224 = arith.constant 2048 : i32
    %add3A_225 = arith.constant 96 : i32
    %add3A_226 = arith.addi %mul3A_2, %add3A_225 : i32
    %dma_start3A_227 = arith.constant 1 : i32
    %dma_start3A_228 = arith.constant 0 : i32
    %dma_start3A_229 = arith.constant 0 : i32
    %dma_start3A_230 = tpu.memref_slice %arg7[%dma_start3A_227, %dma_start3A_228, %dma_start3A_229] : memref<2x32x1024xf32, #tpu.memory_space<vmem>> -> memref<1x32x1024xf32, #tpu.memory_space<vmem>>
    %dma_start3A_231 = tpu.memref_squeeze %dma_start3A_230 : memref<1x32x1024xf32, #tpu.memory_space<vmem>> -> memref<32x1024xf32, #tpu.memory_space<vmem>>
    %dma_start3A_232 = arith.constant 0 : i32
    %dma_start3A_233 = tpu.memref_slice %arg5[%add3A_226, %dma_start3A_232] : memref<16384x1024xf32, #tpu.memory_space<hbm>> -> memref<32x1024xf32, #tpu.memory_space<hbm>>
    %dma_start3A_234 = arith.constant 0 : i32
    %dma_start3A_235 = tpu.memref_slice %arg5[%add3A_226, %dma_start3A_234] : memref<16384x1024xf32, #tpu.memory_space<hbm>> -> memref<32x1024xf32, #tpu.memory_space<hbm>>
    %dma_start3A_236 = arith.constant 0 : i32
    %dma_start3A_237 = arith.constant 0 : i32
    %dma_start3A_238 = tpu.memref_slice %arg7[%dma_start3A_227, %dma_start3A_236, %dma_start3A_237] : memref<2x32x1024xf32, #tpu.memory_space<vmem>> -> memref<1x32x1024xf32, #tpu.memory_space<vmem>>
    %dma_start3A_239 = tpu.memref_squeeze %dma_start3A_238 : memref<1x32x1024xf32, #tpu.memory_space<vmem>> -> memref<32x1024xf32, #tpu.memory_space<vmem>>
    tpu.enqueue_dma source(%dma_start3A_239 : memref<32x1024xf32, #tpu.memory_space<vmem>>) target(%dma_start3A_235 : memref<32x1024xf32, #tpu.memory_space<hbm>>) target_semaphore(%arg12 : memref<!tpu.dma_semaphore, #tpu.memory_space<semaphore_mem>>)
    %dma_wait3A_240 = arith.constant 1 : i32
    %dma_wait3A_241 = arith.constant 0 : i32
    %dma_wait3A_242 = arith.constant 0 : i32
    %dma_wait3A_243 = tpu.memref_slice %arg7[%dma_wait3A_240, %dma_wait3A_241, %dma_wait3A_242] : memref<2x32x1024xf32, #tpu.memory_space<vmem>> -> memref<1x32x1024xf32, #tpu.memory_space<vmem>>
    %dma_wait3A_244 = tpu.memref_squeeze %dma_wait3A_243 : memref<1x32x1024xf32, #tpu.memory_space<vmem>> -> memref<32x1024xf32, #tpu.memory_space<vmem>>
    %dma_wait3A_245 = arith.constant 0 : i32
    %dma_wait3A_246 = tpu.memref_slice %arg5[%add3A_226, %dma_wait3A_245] : memref<16384x1024xf32, #tpu.memory_space<hbm>> -> memref<32x1024xf32, #tpu.memory_space<hbm>>
    %dma_wait3A_247 = arith.constant 0 : i32
    %dma_wait3A_248 = tpu.memref_slice %arg5[%add3A_226, %dma_wait3A_247] : memref<16384x1024xf32, #tpu.memory_space<hbm>> -> memref<32x1024xf32, #tpu.memory_space<hbm>>
    %dma_wait3A_249 = arith.constant 0 : i32
    %dma_wait3A_250 = arith.constant 0 : i32
    %dma_wait3A_251 = tpu.memref_slice %arg7[%dma_wait3A_240, %dma_wait3A_249, %dma_wait3A_250] : memref<2x32x1024xf32, #tpu.memory_space<vmem>> -> memref<1x32x1024xf32, #tpu.memory_space<vmem>>
    %dma_wait3A_252 = tpu.memref_squeeze %dma_wait3A_251 : memref<1x32x1024xf32, #tpu.memory_space<vmem>> -> memref<32x1024xf32, #tpu.memory_space<vmem>>
    tpu.wait_dma2 semaphore(%arg12 : memref<!tpu.dma_semaphore, #tpu.memory_space<semaphore_mem>>) src(%dma_wait3A_252 : memref<32x1024xf32, #tpu.memory_space<vmem>>) dst(%dma_wait3A_248 : memref<32x1024xf32, #tpu.memory_space<hbm>>)
    %dma_start3A_253 = arith.constant 5 : i32
    %dma_start3A_254 = arith.constant 1 : i32
    %dma_start3A_255 = arith.constant 0 : i32
    %dma_start3A_256 = arith.constant 0 : i32
    %dma_start3A_257 = tpu.memref_slice %arg7[%dma_start3A_254, %dma_start3A_255, %dma_start3A_256] : memref<2x32x1024xf32, #tpu.memory_space<vmem>> -> memref<1x32x1024xf32, #tpu.memory_space<vmem>>
    %dma_start3A_258 = tpu.memref_squeeze %dma_start3A_257 : memref<1x32x1024xf32, #tpu.memory_space<vmem>> -> memref<32x1024xf32, #tpu.memory_space<vmem>>
    %dma_start3A_259 = arith.constant 0 : i32
    %dma_start3A_260 = tpu.memref_slice %arg6[%dma_start3A_253, %dma_start3A_259] : memref<16x32xi32, #tpu.memory_space<vmem>> -> memref<1x32xi32, #tpu.memory_space<vmem>>
    %dma_start3A_261 = tpu.memref_squeeze %dma_start3A_260 : memref<1x32xi32, #tpu.memory_space<vmem>> -> memref<32xi32, #tpu.memory_space<vmem>>
    %dma_start3A_262 = arith.constant 0 : i32
    %dma_start3A_263 = arith.constant 0 : i32
    %dma_start3A_264 = tpu.memref_slice %arg3[%dma_start3A_262, %dma_start3A_263] : memref<100000x1024xf32, #tpu.memory_space<hbm>> -> memref<100000x1024xf32, #tpu.memory_space<hbm>>
    tpu.enqueue_indirect_dma source(%dma_start3A_264 : memref<100000x1024xf32, #tpu.memory_space<hbm>>) target(%dma_start3A_258 : memref<32x1024xf32, #tpu.memory_space<vmem>>) offsets(%dma_start3A_261 : memref<32xi32, #tpu.memory_space<vmem>>) semaphore(%arg10 : memref<!tpu.dma_semaphore, #tpu.memory_space<semaphore_mem>>)
    %add3A_265 = arith.constant 128 : i32
    %add3A_266 = arith.addi %rem3A_3, %add3A_265 : i32
    "tpu.region"() ({
      %run_scoped3A = tpu.sem_alloc : memref<!tpu.dma_semaphore, #tpu.memory_space<semaphore_mem>>
      %dma_start3A_961 = arith.constant 0 : i32
      %dma_start3A_962 = tpu.memref_slice %arg4[%add3A_266, %dma_start3A_961] : memref<8192x1024xf32, #tpu.memory_space<hbm>> -> memref<32x1024xf32, #tpu.memory_space<hbm>>
      %dma_start3A_963 = arith.constant 0 : i32
      %dma_start3A_964 = tpu.memref_slice %arg4[%add3A_266, %dma_start3A_963] : memref<8192x1024xf32, #tpu.memory_space<hbm>> -> memref<32x1024xf32, #tpu.memory_space<hbm>>
      tpu.enqueue_dma source(%dma_start3A_964 : memref<32x1024xf32, #tpu.memory_space<hbm>>) target(%arg8 : memref<32x1024xf32, #tpu.memory_space<vmem>>) target_semaphore(%run_scoped3A : memref<!tpu.dma_semaphore, #tpu.memory_space<semaphore_mem>>)
      %dma_wait3A_965 = arith.constant 0 : i32
      %dma_wait3A_966 = tpu.memref_slice %arg4[%add3A_266, %dma_wait3A_965] : memref<8192x1024xf32, #tpu.memory_space<hbm>> -> memref<32x1024xf32, #tpu.memory_space<hbm>>
      %dma_wait3A_967 = arith.constant 0 : i32
      %dma_wait3A_968 = tpu.memref_slice %arg4[%add3A_266, %dma_wait3A_967] : memref<8192x1024xf32, #tpu.memory_space<hbm>> -> memref<32x1024xf32, #tpu.memory_space<hbm>>
      tpu.wait_dma2 semaphore(%run_scoped3A : memref<!tpu.dma_semaphore, #tpu.memory_space<semaphore_mem>>) src(%dma_wait3A_968 : memref<32x1024xf32, #tpu.memory_space<hbm>>) dst(%arg8 : memref<32x1024xf32, #tpu.memory_space<vmem>>)
      tpu.yield
    }) : () -> ()
    %dma_wait3A_267 = arith.constant 4 : i32
    %dma_wait3A_268 = arith.constant 0 : i32
    %dma_wait3A_269 = arith.constant 0 : i32
    %dma_wait3A_270 = arith.constant 0 : i32
    %dma_wait3A_271 = tpu.memref_slice %arg7[%dma_wait3A_268, %dma_wait3A_269, %dma_wait3A_270] : memref<2x32x1024xf32, #tpu.memory_space<vmem>> -> memref<1x32x1024xf32, #tpu.memory_space<vmem>>
    %dma_wait3A_272 = tpu.memref_squeeze %dma_wait3A_271 : memref<1x32x1024xf32, #tpu.memory_space<vmem>> -> memref<32x1024xf32, #tpu.memory_space<vmem>>
    %dma_wait3A_273 = arith.constant 0 : i32
    %dma_wait3A_274 = tpu.memref_slice %arg6[%dma_wait3A_267, %dma_wait3A_273] : memref<16x32xi32, #tpu.memory_space<vmem>> -> memref<1x32xi32, #tpu.memory_space<vmem>>
    %dma_wait3A_275 = tpu.memref_squeeze %dma_wait3A_274 : memref<1x32xi32, #tpu.memory_space<vmem>> -> memref<32xi32, #tpu.memory_space<vmem>>
    %dma_wait3A_276 = arith.constant 0 : i32
    %dma_wait3A_277 = arith.constant 0 : i32
    %dma_wait3A_278 = tpu.memref_slice %arg3[%dma_wait3A_276, %dma_wait3A_277] : memref<100000x1024xf32, #tpu.memory_space<hbm>> -> memref<100000x1024xf32, #tpu.memory_space<hbm>>
    tpu.wait_indirect_dma semaphore(%arg9 : memref<!tpu.dma_semaphore, #tpu.memory_space<semaphore_mem>>) src(%dma_wait3A_278 : memref<100000x1024xf32, #tpu.memory_space<hbm>>) dst(%dma_wait3A_272 : memref<32x1024xf32, #tpu.memory_space<vmem>>)
    %scan3A_279 = arith.constant 0 : i32
    %scan3A_280 = arith.constant 0 : i32
    %scan3A_281 = arith.constant 2048 : i32
    %scan3A_282 = arith.addi %scan3A_280, %scan3A_281 : i32
    %scan3A_283 = arith.constant 1 : i32
    scf.for %scan3A_961 = %scan3A_280 to %scan3A_282 step %scan3A_283  : i32 {
      %jit3A = arith.constant 64 : i32
      %div3A = arith.divsi %scan3A_961, %jit3A : i32
      %sign3A = arith.constant 0 : i32
      %sign3A_962 = arith.cmpi sgt, %scan3A_961, %sign3A : i32
      %sign3A_963 = arith.extui %sign3A_962 : i1 to i32
      %sign3A_964 = arith.constant 0 : i32
      %sign3A_965 = arith.cmpi slt, %scan3A_961, %sign3A_964 : i32
      %sign3A_966 = arith.extui %sign3A_965 : i1 to i32
      %sign3A_967 = arith.subi %sign3A_963, %sign3A_966 : i32
      %sign3A_968 = arith.constant 0 : i32
      %sign3A_969 = arith.cmpi sgt, %jit3A, %sign3A_968 : i32
      %sign3A_970 = arith.extui %sign3A_969 : i1 to i32
      %sign3A_971 = arith.constant 0 : i32
      %sign3A_972 = arith.cmpi slt, %jit3A, %sign3A_971 : i32
      %sign3A_973 = arith.extui %sign3A_972 : i1 to i32
      %sign3A_974 = arith.subi %sign3A_970, %sign3A_973 : i32
      %ne3A = arith.cmpi ne, %sign3A_967, %sign3A_974 : i32
      %rem3A_975 = arith.remsi %scan3A_961, %jit3A : i32
      %ne3A_976 = arith.constant 0 : i32
      %ne3A_977 = arith.cmpi ne, %rem3A_975, %ne3A_976 : i32
      %and3A = arith.andi %ne3A, %ne3A_977 : i1
      %sub3A = arith.constant 1 : i32
      %sub3A_978 = arith.subi %div3A, %sub3A : i32
      %select_n3A = arith.select %and3A, %sub3A_978, %div3A : i32
      %jit3A_979 = arith.constant 64 : i32
      %eq3A = arith.constant 0 : i32
      %eq3A_980 = arith.cmpi eq, %jit3A_979, %eq3A : i32
      %jit3A_981 = arith.constant 1 : i32
      %select_n3A_982 = arith.select %eq3A_980, %jit3A_981, %jit3A_979 : i32
      %rem3A_983 = arith.remsi %scan3A_961, %select_n3A_982 : i32
      %ne3A_984 = arith.constant 0 : i32
      %ne3A_985 = arith.cmpi ne, %rem3A_983, %ne3A_984 : i32
      %lt3A = arith.constant 0 : i32
      %lt3A_986 = arith.cmpi slt, %rem3A_983, %lt3A : i32
      %lt3A_987 = arith.constant 0 : i32
      %lt3A_988 = arith.cmpi slt, %select_n3A_982, %lt3A_987 : i32
      %ne3A_989 = arith.xori %lt3A_986, %lt3A_988 : i1
      %and3A_990 = arith.andi %ne3A_989, %ne3A_985 : i1
      %add3A_991 = arith.addi %rem3A_983, %select_n3A_982 : i32
      %select_n3A_992 = arith.select %and3A_990, %add3A_991, %rem3A_983 : i32
      %mul3A_993 = arith.constant 16 : i32
      %mul3A_994 = arith.muli %select_n3A_992, %mul3A_993 : i32
      %get3A = arith.constant 0 : i32
      %get3A_995 = arith.index_cast %get3A : i32 to index
      %get3A_996 = arith.index_cast %select_n3A : i32 to index
      %get3A_997 = arith.index_cast %mul3A_994 : i32 to index
      %get3A_998 = tpu.vector_load %arg7[%get3A_995, %get3A_996, %get3A_997] {strides = array<i32>} : memref<2x32x1024xf32, #tpu.memory_space<vmem>>, vector<1x1x16xf32>,
      %get3A_999 = vector.shape_cast %get3A_998 : vector<1x1x16xf32> to vector<16xf32>
      %get3A_1000 = arith.index_cast %select_n3A : i32 to index
      %get3A_1001 = arith.index_cast %mul3A_994 : i32 to index
      %get3A_1002 = tpu.vector_load %arg8[%get3A_1000, %get3A_1001] {strides = array<i32>} : memref<32x1024xf32, #tpu.memory_space<vmem>>, vector<1x16xf32>,
      %get3A_1003 = vector.shape_cast %get3A_1002 : vector<1x16xf32> to vector<16xf32>
      %add3A_1004 = arith.addf %get3A_999, %get3A_1003 : vector<16xf32>
      %swap3A = arith.constant 0 : i32
      %swap3A_1005 = arith.index_cast %swap3A : i32 to index
      %swap3A_1006 = arith.index_cast %select_n3A : i32 to index
      %swap3A_1007 = arith.index_cast %mul3A_994 : i32 to index
      %swap3A_1008 = tpu.vector_load %arg7[%swap3A_1005, %swap3A_1006, %swap3A_1007] {strides = array<i32>} : memref<2x32x1024xf32, #tpu.memory_space<vmem>>, vector<1x1x16xf32>,
      %swap3A_1009 = vector.shape_cast %swap3A_1008 : vector<1x1x16xf32> to vector<16xf32>
      %swap3A_1010 = vector.shape_cast %add3A_1004 : vector<16xf32> to vector<1x1x16xf32>
      tpu.vector_store %arg7[%swap3A_1005, %swap3A_1006, %swap3A_1007], %swap3A_1010 {strides = array<i32>} : memref<2x32x1024xf32, #tpu.memory_space<vmem>>, vector<1x1x16xf32>,
    }
    %scan3A_284 = arith.constant 2048 : i32
    %add3A_285 = arith.constant 128 : i32
    %add3A_286 = arith.addi %mul3A_2, %add3A_285 : i32
    %dma_start3A_287 = arith.constant 0 : i32
    %dma_start3A_288 = arith.constant 0 : i32
    %dma_start3A_289 = arith.constant 0 : i32
    %dma_start3A_290 = tpu.memref_slice %arg7[%dma_start3A_287, %dma_start3A_288, %dma_start3A_289] : memref<2x32x1024xf32, #tpu.memory_space<vmem>> -> memref<1x32x1024xf32, #tpu.memory_space<vmem>>
    %dma_start3A_291 = tpu.memref_squeeze %dma_start3A_290 : memref<1x32x1024xf32, #tpu.memory_space<vmem>> -> memref<32x1024xf32, #tpu.memory_space<vmem>>
    %dma_start3A_292 = arith.constant 0 : i32
    %dma_start3A_293 = tpu.memref_slice %arg5[%add3A_286, %dma_start3A_292] : memref<16384x1024xf32, #tpu.memory_space<hbm>> -> memref<32x1024xf32, #tpu.memory_space<hbm>>
    %dma_start3A_294 = arith.constant 0 : i32
    %dma_start3A_295 = tpu.memref_slice %arg5[%add3A_286, %dma_start3A_294] : memref<16384x1024xf32, #tpu.memory_space<hbm>> -> memref<32x1024xf32, #tpu.memory_space<hbm>>
    %dma_start3A_296 = arith.constant 0 : i32
    %dma_start3A_297 = arith.constant 0 : i32
    %dma_start3A_298 = tpu.memref_slice %arg7[%dma_start3A_287, %dma_start3A_296, %dma_start3A_297] : memref<2x32x1024xf32, #tpu.memory_space<vmem>> -> memref<1x32x1024xf32, #tpu.memory_space<vmem>>
    %dma_start3A_299 = tpu.memref_squeeze %dma_start3A_298 : memref<1x32x1024xf32, #tpu.memory_space<vmem>> -> memref<32x1024xf32, #tpu.memory_space<vmem>>
    tpu.enqueue_dma source(%dma_start3A_299 : memref<32x1024xf32, #tpu.memory_space<vmem>>) target(%dma_start3A_295 : memref<32x1024xf32, #tpu.memory_space<hbm>>) target_semaphore(%arg11 : memref<!tpu.dma_semaphore, #tpu.memory_space<semaphore_mem>>)
    %dma_wait3A_300 = arith.constant 0 : i32
    %dma_wait3A_301 = arith.constant 0 : i32
    %dma_wait3A_302 = arith.constant 0 : i32
    %dma_wait3A_303 = tpu.memref_slice %arg7[%dma_wait3A_300, %dma_wait3A_301, %dma_wait3A_302] : memref<2x32x1024xf32, #tpu.memory_space<vmem>> -> memref<1x32x1024xf32, #tpu.memory_space<vmem>>
    %dma_wait3A_304 = tpu.memref_squeeze %dma_wait3A_303 : memref<1x32x1024xf32, #tpu.memory_space<vmem>> -> memref<32x1024xf32, #tpu.memory_space<vmem>>
    %dma_wait3A_305 = arith.constant 0 : i32
    %dma_wait3A_306 = tpu.memref_slice %arg5[%add3A_286, %dma_wait3A_305] : memref<16384x1024xf32, #tpu.memory_space<hbm>> -> memref<32x1024xf32, #tpu.memory_space<hbm>>
    %dma_wait3A_307 = arith.constant 0 : i32
    %dma_wait3A_308 = tpu.memref_slice %arg5[%add3A_286, %dma_wait3A_307] : memref<16384x1024xf32, #tpu.memory_space<hbm>> -> memref<32x1024xf32, #tpu.memory_space<hbm>>
    %dma_wait3A_309 = arith.constant 0 : i32
    %dma_wait3A_310 = arith.constant 0 : i32
    %dma_wait3A_311 = tpu.memref_slice %arg7[%dma_wait3A_300, %dma_wait3A_309, %dma_wait3A_310] : memref<2x32x1024xf32, #tpu.memory_space<vmem>> -> memref<1x32x1024xf32, #tpu.memory_space<vmem>>
    %dma_wait3A_312 = tpu.memref_squeeze %dma_wait3A_311 : memref<1x32x1024xf32, #tpu.memory_space<vmem>> -> memref<32x1024xf32, #tpu.memory_space<vmem>>
    tpu.wait_dma2 semaphore(%arg11 : memref<!tpu.dma_semaphore, #tpu.memory_space<semaphore_mem>>) src(%dma_wait3A_312 : memref<32x1024xf32, #tpu.memory_space<vmem>>) dst(%dma_wait3A_308 : memref<32x1024xf32, #tpu.memory_space<hbm>>)
    %dma_start3A_313 = arith.constant 6 : i32
    %dma_start3A_314 = arith.constant 0 : i32
    %dma_start3A_315 = arith.constant 0 : i32
    %dma_start3A_316 = arith.constant 0 : i32
    %dma_start3A_317 = tpu.memref_slice %arg7[%dma_start3A_314, %dma_start3A_315, %dma_start3A_316] : memref<2x32x1024xf32, #tpu.memory_space<vmem>> -> memref<1x32x1024xf32, #tpu.memory_space<vmem>>
    %dma_start3A_318 = tpu.memref_squeeze %dma_start3A_317 : memref<1x32x1024xf32, #tpu.memory_space<vmem>> -> memref<32x1024xf32, #tpu.memory_space<vmem>>
    %dma_start3A_319 = arith.constant 0 : i32
    %dma_start3A_320 = tpu.memref_slice %arg6[%dma_start3A_313, %dma_start3A_319] : memref<16x32xi32, #tpu.memory_space<vmem>> -> memref<1x32xi32, #tpu.memory_space<vmem>>
    %dma_start3A_321 = tpu.memref_squeeze %dma_start3A_320 : memref<1x32xi32, #tpu.memory_space<vmem>> -> memref<32xi32, #tpu.memory_space<vmem>>
    %dma_start3A_322 = arith.constant 0 : i32
    %dma_start3A_323 = arith.constant 0 : i32
    %dma_start3A_324 = tpu.memref_slice %arg3[%dma_start3A_322, %dma_start3A_323] : memref<100000x1024xf32, #tpu.memory_space<hbm>> -> memref<100000x1024xf32, #tpu.memory_space<hbm>>
    tpu.enqueue_indirect_dma source(%dma_start3A_324 : memref<100000x1024xf32, #tpu.memory_space<hbm>>) target(%dma_start3A_318 : memref<32x1024xf32, #tpu.memory_space<vmem>>) offsets(%dma_start3A_321 : memref<32xi32, #tpu.memory_space<vmem>>) semaphore(%arg9 : memref<!tpu.dma_semaphore, #tpu.memory_space<semaphore_mem>>)
    %add3A_325 = arith.constant 160 : i32
    %add3A_326 = arith.addi %rem3A_3, %add3A_325 : i32
    "tpu.region"() ({
      %run_scoped3A = tpu.sem_alloc : memref<!tpu.dma_semaphore, #tpu.memory_space<semaphore_mem>>
      %dma_start3A_961 = arith.constant 0 : i32
      %dma_start3A_962 = tpu.memref_slice %arg4[%add3A_326, %dma_start3A_961] : memref<8192x1024xf32, #tpu.memory_space<hbm>> -> memref<32x1024xf32, #tpu.memory_space<hbm>>
      %dma_start3A_963 = arith.constant 0 : i32
      %dma_start3A_964 = tpu.memref_slice %arg4[%add3A_326, %dma_start3A_963] : memref<8192x1024xf32, #tpu.memory_space<hbm>> -> memref<32x1024xf32, #tpu.memory_space<hbm>>
      tpu.enqueue_dma source(%dma_start3A_964 : memref<32x1024xf32, #tpu.memory_space<hbm>>) target(%arg8 : memref<32x1024xf32, #tpu.memory_space<vmem>>) target_semaphore(%run_scoped3A : memref<!tpu.dma_semaphore, #tpu.memory_space<semaphore_mem>>)
      %dma_wait3A_965 = arith.constant 0 : i32
      %dma_wait3A_966 = tpu.memref_slice %arg4[%add3A_326, %dma_wait3A_965] : memref<8192x1024xf32, #tpu.memory_space<hbm>> -> memref<32x1024xf32, #tpu.memory_space<hbm>>
      %dma_wait3A_967 = arith.constant 0 : i32
      %dma_wait3A_968 = tpu.memref_slice %arg4[%add3A_326, %dma_wait3A_967] : memref<8192x1024xf32, #tpu.memory_space<hbm>> -> memref<32x1024xf32, #tpu.memory_space<hbm>>
      tpu.wait_dma2 semaphore(%run_scoped3A : memref<!tpu.dma_semaphore, #tpu.memory_space<semaphore_mem>>) src(%dma_wait3A_968 : memref<32x1024xf32, #tpu.memory_space<hbm>>) dst(%arg8 : memref<32x1024xf32, #tpu.memory_space<vmem>>)
      tpu.yield
    }) : () -> ()
    %dma_wait3A_327 = arith.constant 5 : i32
    %dma_wait3A_328 = arith.constant 1 : i32
    %dma_wait3A_329 = arith.constant 0 : i32
    %dma_wait3A_330 = arith.constant 0 : i32
    %dma_wait3A_331 = tpu.memref_slice %arg7[%dma_wait3A_328, %dma_wait3A_329, %dma_wait3A_330] : memref<2x32x1024xf32, #tpu.memory_space<vmem>> -> memref<1x32x1024xf32, #tpu.memory_space<vmem>>
    %dma_wait3A_332 = tpu.memref_squeeze %dma_wait3A_331 : memref<1x32x1024xf32, #tpu.memory_space<vmem>> -> memref<32x1024xf32, #tpu.memory_space<vmem>>
    %dma_wait3A_333 = arith.constant 0 : i32
    %dma_wait3A_334 = tpu.memref_slice %arg6[%dma_wait3A_327, %dma_wait3A_333] : memref<16x32xi32, #tpu.memory_space<vmem>> -> memref<1x32xi32, #tpu.memory_space<vmem>>
    %dma_wait3A_335 = tpu.memref_squeeze %dma_wait3A_334 : memref<1x32xi32, #tpu.memory_space<vmem>> -> memref<32xi32, #tpu.memory_space<vmem>>
    %dma_wait3A_336 = arith.constant 0 : i32
    %dma_wait3A_337 = arith.constant 0 : i32
    %dma_wait3A_338 = tpu.memref_slice %arg3[%dma_wait3A_336, %dma_wait3A_337] : memref<100000x1024xf32, #tpu.memory_space<hbm>> -> memref<100000x1024xf32, #tpu.memory_space<hbm>>
    tpu.wait_indirect_dma semaphore(%arg10 : memref<!tpu.dma_semaphore, #tpu.memory_space<semaphore_mem>>) src(%dma_wait3A_338 : memref<100000x1024xf32, #tpu.memory_space<hbm>>) dst(%dma_wait3A_332 : memref<32x1024xf32, #tpu.memory_space<vmem>>)
    %scan3A_339 = arith.constant 0 : i32
    %scan3A_340 = arith.constant 0 : i32
    %scan3A_341 = arith.constant 2048 : i32
    %scan3A_342 = arith.addi %scan3A_340, %scan3A_341 : i32
    %scan3A_343 = arith.constant 1 : i32
    scf.for %scan3A_961 = %scan3A_340 to %scan3A_342 step %scan3A_343  : i32 {
      %jit3A = arith.constant 64 : i32
      %div3A = arith.divsi %scan3A_961, %jit3A : i32
      %sign3A = arith.constant 0 : i32
      %sign3A_962 = arith.cmpi sgt, %scan3A_961, %sign3A : i32
      %sign3A_963 = arith.extui %sign3A_962 : i1 to i32
      %sign3A_964 = arith.constant 0 : i32
      %sign3A_965 = arith.cmpi slt, %scan3A_961, %sign3A_964 : i32
      %sign3A_966 = arith.extui %sign3A_965 : i1 to i32
      %sign3A_967 = arith.subi %sign3A_963, %sign3A_966 : i32
      %sign3A_968 = arith.constant 0 : i32
      %sign3A_969 = arith.cmpi sgt, %jit3A, %sign3A_968 : i32
      %sign3A_970 = arith.extui %sign3A_969 : i1 to i32
      %sign3A_971 = arith.constant 0 : i32
      %sign3A_972 = arith.cmpi slt, %jit3A, %sign3A_971 : i32
      %sign3A_973 = arith.extui %sign3A_972 : i1 to i32
      %sign3A_974 = arith.subi %sign3A_970, %sign3A_973 : i32
      %ne3A = arith.cmpi ne, %sign3A_967, %sign3A_974 : i32
      %rem3A_975 = arith.remsi %scan3A_961, %jit3A : i32
      %ne3A_976 = arith.constant 0 : i32
      %ne3A_977 = arith.cmpi ne, %rem3A_975, %ne3A_976 : i32
      %and3A = arith.andi %ne3A, %ne3A_977 : i1
      %sub3A = arith.constant 1 : i32
      %sub3A_978 = arith.subi %div3A, %sub3A : i32
      %select_n3A = arith.select %and3A, %sub3A_978, %div3A : i32
      %jit3A_979 = arith.constant 64 : i32
      %eq3A = arith.constant 0 : i32
      %eq3A_980 = arith.cmpi eq, %jit3A_979, %eq3A : i32
      %jit3A_981 = arith.constant 1 : i32
      %select_n3A_982 = arith.select %eq3A_980, %jit3A_981, %jit3A_979 : i32
      %rem3A_983 = arith.remsi %scan3A_961, %select_n3A_982 : i32
      %ne3A_984 = arith.constant 0 : i32
      %ne3A_985 = arith.cmpi ne, %rem3A_983, %ne3A_984 : i32
      %lt3A = arith.constant 0 : i32
      %lt3A_986 = arith.cmpi slt, %rem3A_983, %lt3A : i32
      %lt3A_987 = arith.constant 0 : i32
      %lt3A_988 = arith.cmpi slt, %select_n3A_982, %lt3A_987 : i32
      %ne3A_989 = arith.xori %lt3A_986, %lt3A_988 : i1
      %and3A_990 = arith.andi %ne3A_989, %ne3A_985 : i1
      %add3A_991 = arith.addi %rem3A_983, %select_n3A_982 : i32
      %select_n3A_992 = arith.select %and3A_990, %add3A_991, %rem3A_983 : i32
      %mul3A_993 = arith.constant 16 : i32
      %mul3A_994 = arith.muli %select_n3A_992, %mul3A_993 : i32
      %get3A = arith.constant 1 : i32
      %get3A_995 = arith.index_cast %get3A : i32 to index
      %get3A_996 = arith.index_cast %select_n3A : i32 to index
      %get3A_997 = arith.index_cast %mul3A_994 : i32 to index
      %get3A_998 = tpu.vector_load %arg7[%get3A_995, %get3A_996, %get3A_997] {strides = array<i32>} : memref<2x32x1024xf32, #tpu.memory_space<vmem>>, vector<1x1x16xf32>,
      %get3A_999 = vector.shape_cast %get3A_998 : vector<1x1x16xf32> to vector<16xf32>
      %get3A_1000 = arith.index_cast %select_n3A : i32 to index
      %get3A_1001 = arith.index_cast %mul3A_994 : i32 to index
      %get3A_1002 = tpu.vector_load %arg8[%get3A_1000, %get3A_1001] {strides = array<i32>} : memref<32x1024xf32, #tpu.memory_space<vmem>>, vector<1x16xf32>,
      %get3A_1003 = vector.shape_cast %get3A_1002 : vector<1x16xf32> to vector<16xf32>
      %add3A_1004 = arith.addf %get3A_999, %get3A_1003 : vector<16xf32>
      %swap3A = arith.constant 1 : i32
      %swap3A_1005 = arith.index_cast %swap3A : i32 to index
      %swap3A_1006 = arith.index_cast %select_n3A : i32 to index
      %swap3A_1007 = arith.index_cast %mul3A_994 : i32 to index
      %swap3A_1008 = tpu.vector_load %arg7[%swap3A_1005, %swap3A_1006, %swap3A_1007] {strides = array<i32>} : memref<2x32x1024xf32, #tpu.memory_space<vmem>>, vector<1x1x16xf32>,
      %swap3A_1009 = vector.shape_cast %swap3A_1008 : vector<1x1x16xf32> to vector<16xf32>
      %swap3A_1010 = vector.shape_cast %add3A_1004 : vector<16xf32> to vector<1x1x16xf32>
      tpu.vector_store %arg7[%swap3A_1005, %swap3A_1006, %swap3A_1007], %swap3A_1010 {strides = array<i32>} : memref<2x32x1024xf32, #tpu.memory_space<vmem>>, vector<1x1x16xf32>,
    }
    %scan3A_344 = arith.constant 2048 : i32
    %add3A_345 = arith.constant 160 : i32
    %add3A_346 = arith.addi %mul3A_2, %add3A_345 : i32
    %dma_start3A_347 = arith.constant 1 : i32
    %dma_start3A_348 = arith.constant 0 : i32
    %dma_start3A_349 = arith.constant 0 : i32
    %dma_start3A_350 = tpu.memref_slice %arg7[%dma_start3A_347, %dma_start3A_348, %dma_start3A_349] : memref<2x32x1024xf32, #tpu.memory_space<vmem>> -> memref<1x32x1024xf32, #tpu.memory_space<vmem>>
    %dma_start3A_351 = tpu.memref_squeeze %dma_start3A_350 : memref<1x32x1024xf32, #tpu.memory_space<vmem>> -> memref<32x1024xf32, #tpu.memory_space<vmem>>
    %dma_start3A_352 = arith.constant 0 : i32
    %dma_start3A_353 = tpu.memref_slice %arg5[%add3A_346, %dma_start3A_352] : memref<16384x1024xf32, #tpu.memory_space<hbm>> -> memref<32x1024xf32, #tpu.memory_space<hbm>>
    %dma_start3A_354 = arith.constant 0 : i32
    %dma_start3A_355 = tpu.memref_slice %arg5[%add3A_346, %dma_start3A_354] : memref<16384x1024xf32, #tpu.memory_space<hbm>> -> memref<32x1024xf32, #tpu.memory_space<hbm>>
    %dma_start3A_356 = arith.constant 0 : i32
    %dma_start3A_357 = arith.constant 0 : i32
    %dma_start3A_358 = tpu.memref_slice %arg7[%dma_start3A_347, %dma_start3A_356, %dma_start3A_357] : memref<2x32x1024xf32, #tpu.memory_space<vmem>> -> memref<1x32x1024xf32, #tpu.memory_space<vmem>>
    %dma_start3A_359 = tpu.memref_squeeze %dma_start3A_358 : memref<1x32x1024xf32, #tpu.memory_space<vmem>> -> memref<32x1024xf32, #tpu.memory_space<vmem>>
    tpu.enqueue_dma source(%dma_start3A_359 : memref<32x1024xf32, #tpu.memory_space<vmem>>) target(%dma_start3A_355 : memref<32x1024xf32, #tpu.memory_space<hbm>>) target_semaphore(%arg12 : memref<!tpu.dma_semaphore, #tpu.memory_space<semaphore_mem>>)
    %dma_wait3A_360 = arith.constant 1 : i32
    %dma_wait3A_361 = arith.constant 0 : i32
    %dma_wait3A_362 = arith.constant 0 : i32
    %dma_wait3A_363 = tpu.memref_slice %arg7[%dma_wait3A_360, %dma_wait3A_361, %dma_wait3A_362] : memref<2x32x1024xf32, #tpu.memory_space<vmem>> -> memref<1x32x1024xf32, #tpu.memory_space<vmem>>
    %dma_wait3A_364 = tpu.memref_squeeze %dma_wait3A_363 : memref<1x32x1024xf32, #tpu.memory_space<vmem>> -> memref<32x1024xf32, #tpu.memory_space<vmem>>
    %dma_wait3A_365 = arith.constant 0 : i32
    %dma_wait3A_366 = tpu.memref_slice %arg5[%add3A_346, %dma_wait3A_365] : memref<16384x1024xf32, #tpu.memory_space<hbm>> -> memref<32x1024xf32, #tpu.memory_space<hbm>>
    %dma_wait3A_367 = arith.constant 0 : i32
    %dma_wait3A_368 = tpu.memref_slice %arg5[%add3A_346, %dma_wait3A_367] : memref<16384x1024xf32, #tpu.memory_space<hbm>> -> memref<32x1024xf32, #tpu.memory_space<hbm>>
    %dma_wait3A_369 = arith.constant 0 : i32
    %dma_wait3A_370 = arith.constant 0 : i32
    %dma_wait3A_371 = tpu.memref_slice %arg7[%dma_wait3A_360, %dma_wait3A_369, %dma_wait3A_370] : memref<2x32x1024xf32, #tpu.memory_space<vmem>> -> memref<1x32x1024xf32, #tpu.memory_space<vmem>>
    %dma_wait3A_372 = tpu.memref_squeeze %dma_wait3A_371 : memref<1x32x1024xf32, #tpu.memory_space<vmem>> -> memref<32x1024xf32, #tpu.memory_space<vmem>>
    tpu.wait_dma2 semaphore(%arg12 : memref<!tpu.dma_semaphore, #tpu.memory_space<semaphore_mem>>) src(%dma_wait3A_372 : memref<32x1024xf32, #tpu.memory_space<vmem>>) dst(%dma_wait3A_368 : memref<32x1024xf32, #tpu.memory_space<hbm>>)
    %dma_start3A_373 = arith.constant 7 : i32
    %dma_start3A_374 = arith.constant 1 : i32
    %dma_start3A_375 = arith.constant 0 : i32
    %dma_start3A_376 = arith.constant 0 : i32
    %dma_start3A_377 = tpu.memref_slice %arg7[%dma_start3A_374, %dma_start3A_375, %dma_start3A_376] : memref<2x32x1024xf32, #tpu.memory_space<vmem>> -> memref<1x32x1024xf32, #tpu.memory_space<vmem>>
    %dma_start3A_378 = tpu.memref_squeeze %dma_start3A_377 : memref<1x32x1024xf32, #tpu.memory_space<vmem>> -> memref<32x1024xf32, #tpu.memory_space<vmem>>
    %dma_start3A_379 = arith.constant 0 : i32
    %dma_start3A_380 = tpu.memref_slice %arg6[%dma_start3A_373, %dma_start3A_379] : memref<16x32xi32, #tpu.memory_space<vmem>> -> memref<1x32xi32, #tpu.memory_space<vmem>>
    %dma_start3A_381 = tpu.memref_squeeze %dma_start3A_380 : memref<1x32xi32, #tpu.memory_space<vmem>> -> memref<32xi32, #tpu.memory_space<vmem>>
    %dma_start3A_382 = arith.constant 0 : i32
    %dma_start3A_383 = arith.constant 0 : i32
    %dma_start3A_384 = tpu.memref_slice %arg3[%dma_start3A_382, %dma_start3A_383] : memref<100000x1024xf32, #tpu.memory_space<hbm>> -> memref<100000x1024xf32, #tpu.memory_space<hbm>>
    tpu.enqueue_indirect_dma source(%dma_start3A_384 : memref<100000x1024xf32, #tpu.memory_space<hbm>>) target(%dma_start3A_378 : memref<32x1024xf32, #tpu.memory_space<vmem>>) offsets(%dma_start3A_381 : memref<32xi32, #tpu.memory_space<vmem>>) semaphore(%arg10 : memref<!tpu.dma_semaphore, #tpu.memory_space<semaphore_mem>>)
    %add3A_385 = arith.constant 192 : i32
    %add3A_386 = arith.addi %rem3A_3, %add3A_385 : i32
    "tpu.region"() ({
      %run_scoped3A = tpu.sem_alloc : memref<!tpu.dma_semaphore, #tpu.memory_space<semaphore_mem>>
      %dma_start3A_961 = arith.constant 0 : i32
      %dma_start3A_962 = tpu.memref_slice %arg4[%add3A_386, %dma_start3A_961] : memref<8192x1024xf32, #tpu.memory_space<hbm>> -> memref<32x1024xf32, #tpu.memory_space<hbm>>
      %dma_start3A_963 = arith.constant 0 : i32
      %dma_start3A_964 = tpu.memref_slice %arg4[%add3A_386, %dma_start3A_963] : memref<8192x1024xf32, #tpu.memory_space<hbm>> -> memref<32x1024xf32, #tpu.memory_space<hbm>>
      tpu.enqueue_dma source(%dma_start3A_964 : memref<32x1024xf32, #tpu.memory_space<hbm>>) target(%arg8 : memref<32x1024xf32, #tpu.memory_space<vmem>>) target_semaphore(%run_scoped3A : memref<!tpu.dma_semaphore, #tpu.memory_space<semaphore_mem>>)
      %dma_wait3A_965 = arith.constant 0 : i32
      %dma_wait3A_966 = tpu.memref_slice %arg4[%add3A_386, %dma_wait3A_965] : memref<8192x1024xf32, #tpu.memory_space<hbm>> -> memref<32x1024xf32, #tpu.memory_space<hbm>>
      %dma_wait3A_967 = arith.constant 0 : i32
      %dma_wait3A_968 = tpu.memref_slice %arg4[%add3A_386, %dma_wait3A_967] : memref<8192x1024xf32, #tpu.memory_space<hbm>> -> memref<32x1024xf32, #tpu.memory_space<hbm>>
      tpu.wait_dma2 semaphore(%run_scoped3A : memref<!tpu.dma_semaphore, #tpu.memory_space<semaphore_mem>>) src(%dma_wait3A_968 : memref<32x1024xf32, #tpu.memory_space<hbm>>) dst(%arg8 : memref<32x1024xf32, #tpu.memory_space<vmem>>)
      tpu.yield
    }) : () -> ()
    %dma_wait3A_387 = arith.constant 6 : i32
    %dma_wait3A_388 = arith.constant 0 : i32
    %dma_wait3A_389 = arith.constant 0 : i32
    %dma_wait3A_390 = arith.constant 0 : i32
    %dma_wait3A_391 = tpu.memref_slice %arg7[%dma_wait3A_388, %dma_wait3A_389, %dma_wait3A_390] : memref<2x32x1024xf32, #tpu.memory_space<vmem>> -> memref<1x32x1024xf32, #tpu.memory_space<vmem>>
    %dma_wait3A_392 = tpu.memref_squeeze %dma_wait3A_391 : memref<1x32x1024xf32, #tpu.memory_space<vmem>> -> memref<32x1024xf32, #tpu.memory_space<vmem>>
    %dma_wait3A_393 = arith.constant 0 : i32
    %dma_wait3A_394 = tpu.memref_slice %arg6[%dma_wait3A_387, %dma_wait3A_393] : memref<16x32xi32, #tpu.memory_space<vmem>> -> memref<1x32xi32, #tpu.memory_space<vmem>>
    %dma_wait3A_395 = tpu.memref_squeeze %dma_wait3A_394 : memref<1x32xi32, #tpu.memory_space<vmem>> -> memref<32xi32, #tpu.memory_space<vmem>>
    %dma_wait3A_396 = arith.constant 0 : i32
    %dma_wait3A_397 = arith.constant 0 : i32
    %dma_wait3A_398 = tpu.memref_slice %arg3[%dma_wait3A_396, %dma_wait3A_397] : memref<100000x1024xf32, #tpu.memory_space<hbm>> -> memref<100000x1024xf32, #tpu.memory_space<hbm>>
    tpu.wait_indirect_dma semaphore(%arg9 : memref<!tpu.dma_semaphore, #tpu.memory_space<semaphore_mem>>) src(%dma_wait3A_398 : memref<100000x1024xf32, #tpu.memory_space<hbm>>) dst(%dma_wait3A_392 : memref<32x1024xf32, #tpu.memory_space<vmem>>)
    %scan3A_399 = arith.constant 0 : i32
    %scan3A_400 = arith.constant 0 : i32
    %scan3A_401 = arith.constant 2048 : i32
    %scan3A_402 = arith.addi %scan3A_400, %scan3A_401 : i32
    %scan3A_403 = arith.constant 1 : i32
    scf.for %scan3A_961 = %scan3A_400 to %scan3A_402 step %scan3A_403  : i32 {
      %jit3A = arith.constant 64 : i32
      %div3A = arith.divsi %scan3A_961, %jit3A : i32
      %sign3A = arith.constant 0 : i32
      %sign3A_962 = arith.cmpi sgt, %scan3A_961, %sign3A : i32
      %sign3A_963 = arith.extui %sign3A_962 : i1 to i32
      %sign3A_964 = arith.constant 0 : i32
      %sign3A_965 = arith.cmpi slt, %scan3A_961, %sign3A_964 : i32
      %sign3A_966 = arith.extui %sign3A_965 : i1 to i32
      %sign3A_967 = arith.subi %sign3A_963, %sign3A_966 : i32
      %sign3A_968 = arith.constant 0 : i32
      %sign3A_969 = arith.cmpi sgt, %jit3A, %sign3A_968 : i32
      %sign3A_970 = arith.extui %sign3A_969 : i1 to i32
      %sign3A_971 = arith.constant 0 : i32
      %sign3A_972 = arith.cmpi slt, %jit3A, %sign3A_971 : i32
      %sign3A_973 = arith.extui %sign3A_972 : i1 to i32
      %sign3A_974 = arith.subi %sign3A_970, %sign3A_973 : i32
      %ne3A = arith.cmpi ne, %sign3A_967, %sign3A_974 : i32
      %rem3A_975 = arith.remsi %scan3A_961, %jit3A : i32
      %ne3A_976 = arith.constant 0 : i32
      %ne3A_977 = arith.cmpi ne, %rem3A_975, %ne3A_976 : i32
      %and3A = arith.andi %ne3A, %ne3A_977 : i1
      %sub3A = arith.constant 1 : i32
      %sub3A_978 = arith.subi %div3A, %sub3A : i32
      %select_n3A = arith.select %and3A, %sub3A_978, %div3A : i32
      %jit3A_979 = arith.constant 64 : i32
      %eq3A = arith.constant 0 : i32
      %eq3A_980 = arith.cmpi eq, %jit3A_979, %eq3A : i32
      %jit3A_981 = arith.constant 1 : i32
      %select_n3A_982 = arith.select %eq3A_980, %jit3A_981, %jit3A_979 : i32
      %rem3A_983 = arith.remsi %scan3A_961, %select_n3A_982 : i32
      %ne3A_984 = arith.constant 0 : i32
      %ne3A_985 = arith.cmpi ne, %rem3A_983, %ne3A_984 : i32
      %lt3A = arith.constant 0 : i32
      %lt3A_986 = arith.cmpi slt, %rem3A_983, %lt3A : i32
      %lt3A_987 = arith.constant 0 : i32
      %lt3A_988 = arith.cmpi slt, %select_n3A_982, %lt3A_987 : i32
      %ne3A_989 = arith.xori %lt3A_986, %lt3A_988 : i1
      %and3A_990 = arith.andi %ne3A_989, %ne3A_985 : i1
      %add3A_991 = arith.addi %rem3A_983, %select_n3A_982 : i32
      %select_n3A_992 = arith.select %and3A_990, %add3A_991, %rem3A_983 : i32
      %mul3A_993 = arith.constant 16 : i32
      %mul3A_994 = arith.muli %select_n3A_992, %mul3A_993 : i32
      %get3A = arith.constant 0 : i32
      %get3A_995 = arith.index_cast %get3A : i32 to index
      %get3A_996 = arith.index_cast %select_n3A : i32 to index
      %get3A_997 = arith.index_cast %mul3A_994 : i32 to index
      %get3A_998 = tpu.vector_load %arg7[%get3A_995, %get3A_996, %get3A_997] {strides = array<i32>} : memref<2x32x1024xf32, #tpu.memory_space<vmem>>, vector<1x1x16xf32>,
      %get3A_999 = vector.shape_cast %get3A_998 : vector<1x1x16xf32> to vector<16xf32>
      %get3A_1000 = arith.index_cast %select_n3A : i32 to index
      %get3A_1001 = arith.index_cast %mul3A_994 : i32 to index
      %get3A_1002 = tpu.vector_load %arg8[%get3A_1000, %get3A_1001] {strides = array<i32>} : memref<32x1024xf32, #tpu.memory_space<vmem>>, vector<1x16xf32>,
      %get3A_1003 = vector.shape_cast %get3A_1002 : vector<1x16xf32> to vector<16xf32>
      %add3A_1004 = arith.addf %get3A_999, %get3A_1003 : vector<16xf32>
      %swap3A = arith.constant 0 : i32
      %swap3A_1005 = arith.index_cast %swap3A : i32 to index
      %swap3A_1006 = arith.index_cast %select_n3A : i32 to index
      %swap3A_1007 = arith.index_cast %mul3A_994 : i32 to index
      %swap3A_1008 = tpu.vector_load %arg7[%swap3A_1005, %swap3A_1006, %swap3A_1007] {strides = array<i32>} : memref<2x32x1024xf32, #tpu.memory_space<vmem>>, vector<1x1x16xf32>,
      %swap3A_1009 = vector.shape_cast %swap3A_1008 : vector<1x1x16xf32> to vector<16xf32>
      %swap3A_1010 = vector.shape_cast %add3A_1004 : vector<16xf32> to vector<1x1x16xf32>
      tpu.vector_store %arg7[%swap3A_1005, %swap3A_1006, %swap3A_1007], %swap3A_1010 {strides = array<i32>} : memref<2x32x1024xf32, #tpu.memory_space<vmem>>, vector<1x1x16xf32>,
    }
    %scan3A_404 = arith.constant 2048 : i32
    %add3A_405 = arith.constant 192 : i32
    %add3A_406 = arith.addi %mul3A_2, %add3A_405 : i32
    %dma_start3A_407 = arith.constant 0 : i32
    %dma_start3A_408 = arith.constant 0 : i32
    %dma_start3A_409 = arith.constant 0 : i32
    %dma_start3A_410 = tpu.memref_slice %arg7[%dma_start3A_407, %dma_start3A_408, %dma_start3A_409] : memref<2x32x1024xf32, #tpu.memory_space<vmem>> -> memref<1x32x1024xf32, #tpu.memory_space<vmem>>
    %dma_start3A_411 = tpu.memref_squeeze %dma_start3A_410 : memref<1x32x1024xf32, #tpu.memory_space<vmem>> -> memref<32x1024xf32, #tpu.memory_space<vmem>>
    %dma_start3A_412 = arith.constant 0 : i32
    %dma_start3A_413 = tpu.memref_slice %arg5[%add3A_406, %dma_start3A_412] : memref<16384x1024xf32, #tpu.memory_space<hbm>> -> memref<32x1024xf32, #tpu.memory_space<hbm>>
    %dma_start3A_414 = arith.constant 0 : i32
    %dma_start3A_415 = tpu.memref_slice %arg5[%add3A_406, %dma_start3A_414] : memref<16384x1024xf32, #tpu.memory_space<hbm>> -> memref<32x1024xf32, #tpu.memory_space<hbm>>
    %dma_start3A_416 = arith.constant 0 : i32
    %dma_start3A_417 = arith.constant 0 : i32
    %dma_start3A_418 = tpu.memref_slice %arg7[%dma_start3A_407, %dma_start3A_416, %dma_start3A_417] : memref<2x32x1024xf32, #tpu.memory_space<vmem>> -> memref<1x32x1024xf32, #tpu.memory_space<vmem>>
    %dma_start3A_419 = tpu.memref_squeeze %dma_start3A_418 : memref<1x32x1024xf32, #tpu.memory_space<vmem>> -> memref<32x1024xf32, #tpu.memory_space<vmem>>
    tpu.enqueue_dma source(%dma_start3A_419 : memref<32x1024xf32, #tpu.memory_space<vmem>>) target(%dma_start3A_415 : memref<32x1024xf32, #tpu.memory_space<hbm>>) target_semaphore(%arg11 : memref<!tpu.dma_semaphore, #tpu.memory_space<semaphore_mem>>)
    %dma_wait3A_420 = arith.constant 0 : i32
    %dma_wait3A_421 = arith.constant 0 : i32
    %dma_wait3A_422 = arith.constant 0 : i32
    %dma_wait3A_423 = tpu.memref_slice %arg7[%dma_wait3A_420, %dma_wait3A_421, %dma_wait3A_422] : memref<2x32x1024xf32, #tpu.memory_space<vmem>> -> memref<1x32x1024xf32, #tpu.memory_space<vmem>>
    %dma_wait3A_424 = tpu.memref_squeeze %dma_wait3A_423 : memref<1x32x1024xf32, #tpu.memory_space<vmem>> -> memref<32x1024xf32, #tpu.memory_space<vmem>>
    %dma_wait3A_425 = arith.constant 0 : i32
    %dma_wait3A_426 = tpu.memref_slice %arg5[%add3A_406, %dma_wait3A_425] : memref<16384x1024xf32, #tpu.memory_space<hbm>> -> memref<32x1024xf32, #tpu.memory_space<hbm>>
    %dma_wait3A_427 = arith.constant 0 : i32
    %dma_wait3A_428 = tpu.memref_slice %arg5[%add3A_406, %dma_wait3A_427] : memref<16384x1024xf32, #tpu.memory_space<hbm>> -> memref<32x1024xf32, #tpu.memory_space<hbm>>
    %dma_wait3A_429 = arith.constant 0 : i32
    %dma_wait3A_430 = arith.constant 0 : i32
    %dma_wait3A_431 = tpu.memref_slice %arg7[%dma_wait3A_420, %dma_wait3A_429, %dma_wait3A_430] : memref<2x32x1024xf32, #tpu.memory_space<vmem>> -> memref<1x32x1024xf32, #tpu.memory_space<vmem>>
    %dma_wait3A_432 = tpu.memref_squeeze %dma_wait3A_431 : memref<1x32x1024xf32, #tpu.memory_space<vmem>> -> memref<32x1024xf32, #tpu.memory_space<vmem>>
    tpu.wait_dma2 semaphore(%arg11 : memref<!tpu.dma_semaphore, #tpu.memory_space<semaphore_mem>>) src(%dma_wait3A_432 : memref<32x1024xf32, #tpu.memory_space<vmem>>) dst(%dma_wait3A_428 : memref<32x1024xf32, #tpu.memory_space<hbm>>)
    %dma_start3A_433 = arith.constant 8 : i32
    %dma_start3A_434 = arith.constant 0 : i32
    %dma_start3A_435 = arith.constant 0 : i32
    %dma_start3A_436 = arith.constant 0 : i32
    %dma_start3A_437 = tpu.memref_slice %arg7[%dma_start3A_434, %dma_start3A_435, %dma_start3A_436] : memref<2x32x1024xf32, #tpu.memory_space<vmem>> -> memref<1x32x1024xf32, #tpu.memory_space<vmem>>
    %dma_start3A_438 = tpu.memref_squeeze %dma_start3A_437 : memref<1x32x1024xf32, #tpu.memory_space<vmem>> -> memref<32x1024xf32, #tpu.memory_space<vmem>>
    %dma_start3A_439 = arith.constant 0 : i32
    %dma_start3A_440 = tpu.memref_slice %arg6[%dma_start3A_433, %dma_start3A_439] : memref<16x32xi32, #tpu.memory_space<vmem>> -> memref<1x32xi32, #tpu.memory_space<vmem>>
    %dma_start3A_441 = tpu.memref_squeeze %dma_start3A_440 : memref<1x32xi32, #tpu.memory_space<vmem>> -> memref<32xi32, #tpu.memory_space<vmem>>
    %dma_start3A_442 = arith.constant 0 : i32
    %dma_start3A_443 = arith.constant 0 : i32
    %dma_start3A_444 = tpu.memref_slice %arg3[%dma_start3A_442, %dma_start3A_443] : memref<100000x1024xf32, #tpu.memory_space<hbm>> -> memref<100000x1024xf32, #tpu.memory_space<hbm>>
    tpu.enqueue_indirect_dma source(%dma_start3A_444 : memref<100000x1024xf32, #tpu.memory_space<hbm>>) target(%dma_start3A_438 : memref<32x1024xf32, #tpu.memory_space<vmem>>) offsets(%dma_start3A_441 : memref<32xi32, #tpu.memory_space<vmem>>) semaphore(%arg9 : memref<!tpu.dma_semaphore, #tpu.memory_space<semaphore_mem>>)
    %add3A_445 = arith.constant 224 : i32
    %add3A_446 = arith.addi %rem3A_3, %add3A_445 : i32
    "tpu.region"() ({
      %run_scoped3A = tpu.sem_alloc : memref<!tpu.dma_semaphore, #tpu.memory_space<semaphore_mem>>
      %dma_start3A_961 = arith.constant 0 : i32
      %dma_start3A_962 = tpu.memref_slice %arg4[%add3A_446, %dma_start3A_961] : memref<8192x1024xf32, #tpu.memory_space<hbm>> -> memref<32x1024xf32, #tpu.memory_space<hbm>>
      %dma_start3A_963 = arith.constant 0 : i32
      %dma_start3A_964 = tpu.memref_slice %arg4[%add3A_446, %dma_start3A_963] : memref<8192x1024xf32, #tpu.memory_space<hbm>> -> memref<32x1024xf32, #tpu.memory_space<hbm>>
      tpu.enqueue_dma source(%dma_start3A_964 : memref<32x1024xf32, #tpu.memory_space<hbm>>) target(%arg8 : memref<32x1024xf32, #tpu.memory_space<vmem>>) target_semaphore(%run_scoped3A : memref<!tpu.dma_semaphore, #tpu.memory_space<semaphore_mem>>)
      %dma_wait3A_965 = arith.constant 0 : i32
      %dma_wait3A_966 = tpu.memref_slice %arg4[%add3A_446, %dma_wait3A_965] : memref<8192x1024xf32, #tpu.memory_space<hbm>> -> memref<32x1024xf32, #tpu.memory_space<hbm>>
      %dma_wait3A_967 = arith.constant 0 : i32
      %dma_wait3A_968 = tpu.memref_slice %arg4[%add3A_446, %dma_wait3A_967] : memref<8192x1024xf32, #tpu.memory_space<hbm>> -> memref<32x1024xf32, #tpu.memory_space<hbm>>
      tpu.wait_dma2 semaphore(%run_scoped3A : memref<!tpu.dma_semaphore, #tpu.memory_space<semaphore_mem>>) src(%dma_wait3A_968 : memref<32x1024xf32, #tpu.memory_space<hbm>>) dst(%arg8 : memref<32x1024xf32, #tpu.memory_space<vmem>>)
      tpu.yield
    }) : () -> ()
    %dma_wait3A_447 = arith.constant 7 : i32
    %dma_wait3A_448 = arith.constant 1 : i32
    %dma_wait3A_449 = arith.constant 0 : i32
    %dma_wait3A_450 = arith.constant 0 : i32
    %dma_wait3A_451 = tpu.memref_slice %arg7[%dma_wait3A_448, %dma_wait3A_449, %dma_wait3A_450] : memref<2x32x1024xf32, #tpu.memory_space<vmem>> -> memref<1x32x1024xf32, #tpu.memory_space<vmem>>
    %dma_wait3A_452 = tpu.memref_squeeze %dma_wait3A_451 : memref<1x32x1024xf32, #tpu.memory_space<vmem>> -> memref<32x1024xf32, #tpu.memory_space<vmem>>
    %dma_wait3A_453 = arith.constant 0 : i32
    %dma_wait3A_454 = tpu.memref_slice %arg6[%dma_wait3A_447, %dma_wait3A_453] : memref<16x32xi32, #tpu.memory_space<vmem>> -> memref<1x32xi32, #tpu.memory_space<vmem>>
    %dma_wait3A_455 = tpu.memref_squeeze %dma_wait3A_454 : memref<1x32xi32, #tpu.memory_space<vmem>> -> memref<32xi32, #tpu.memory_space<vmem>>
    %dma_wait3A_456 = arith.constant 0 : i32
    %dma_wait3A_457 = arith.constant 0 : i32
    %dma_wait3A_458 = tpu.memref_slice %arg3[%dma_wait3A_456, %dma_wait3A_457] : memref<100000x1024xf32, #tpu.memory_space<hbm>> -> memref<100000x1024xf32, #tpu.memory_space<hbm>>
    tpu.wait_indirect_dma semaphore(%arg10 : memref<!tpu.dma_semaphore, #tpu.memory_space<semaphore_mem>>) src(%dma_wait3A_458 : memref<100000x1024xf32, #tpu.memory_space<hbm>>) dst(%dma_wait3A_452 : memref<32x1024xf32, #tpu.memory_space<vmem>>)
    %scan3A_459 = arith.constant 0 : i32
    %scan3A_460 = arith.constant 0 : i32
    %scan3A_461 = arith.constant 2048 : i32
    %scan3A_462 = arith.addi %scan3A_460, %scan3A_461 : i32
    %scan3A_463 = arith.constant 1 : i32
    scf.for %scan3A_961 = %scan3A_460 to %scan3A_462 step %scan3A_463  : i32 {
      %jit3A = arith.constant 64 : i32
      %div3A = arith.divsi %scan3A_961, %jit3A : i32
      %sign3A = arith.constant 0 : i32
      %sign3A_962 = arith.cmpi sgt, %scan3A_961, %sign3A : i32
      %sign3A_963 = arith.extui %sign3A_962 : i1 to i32
      %sign3A_964 = arith.constant 0 : i32
      %sign3A_965 = arith.cmpi slt, %scan3A_961, %sign3A_964 : i32
      %sign3A_966 = arith.extui %sign3A_965 : i1 to i32
      %sign3A_967 = arith.subi %sign3A_963, %sign3A_966 : i32
      %sign3A_968 = arith.constant 0 : i32
      %sign3A_969 = arith.cmpi sgt, %jit3A, %sign3A_968 : i32
      %sign3A_970 = arith.extui %sign3A_969 : i1 to i32
      %sign3A_971 = arith.constant 0 : i32
      %sign3A_972 = arith.cmpi slt, %jit3A, %sign3A_971 : i32
      %sign3A_973 = arith.extui %sign3A_972 : i1 to i32
      %sign3A_974 = arith.subi %sign3A_970, %sign3A_973 : i32
      %ne3A = arith.cmpi ne, %sign3A_967, %sign3A_974 : i32
      %rem3A_975 = arith.remsi %scan3A_961, %jit3A : i32
      %ne3A_976 = arith.constant 0 : i32
      %ne3A_977 = arith.cmpi ne, %rem3A_975, %ne3A_976 : i32
      %and3A = arith.andi %ne3A, %ne3A_977 : i1
      %sub3A = arith.constant 1 : i32
      %sub3A_978 = arith.subi %div3A, %sub3A : i32
      %select_n3A = arith.select %and3A, %sub3A_978, %div3A : i32
      %jit3A_979 = arith.constant 64 : i32
      %eq3A = arith.constant 0 : i32
      %eq3A_980 = arith.cmpi eq, %jit3A_979, %eq3A : i32
      %jit3A_981 = arith.constant 1 : i32
      %select_n3A_982 = arith.select %eq3A_980, %jit3A_981, %jit3A_979 : i32
      %rem3A_983 = arith.remsi %scan3A_961, %select_n3A_982 : i32
      %ne3A_984 = arith.constant 0 : i32
      %ne3A_985 = arith.cmpi ne, %rem3A_983, %ne3A_984 : i32
      %lt3A = arith.constant 0 : i32
      %lt3A_986 = arith.cmpi slt, %rem3A_983, %lt3A : i32
      %lt3A_987 = arith.constant 0 : i32
      %lt3A_988 = arith.cmpi slt, %select_n3A_982, %lt3A_987 : i32
      %ne3A_989 = arith.xori %lt3A_986, %lt3A_988 : i1
      %and3A_990 = arith.andi %ne3A_989, %ne3A_985 : i1
      %add3A_991 = arith.addi %rem3A_983, %select_n3A_982 : i32
      %select_n3A_992 = arith.select %and3A_990, %add3A_991, %rem3A_983 : i32
      %mul3A_993 = arith.constant 16 : i32
      %mul3A_994 = arith.muli %select_n3A_992, %mul3A_993 : i32
      %get3A = arith.constant 1 : i32
      %get3A_995 = arith.index_cast %get3A : i32 to index
      %get3A_996 = arith.index_cast %select_n3A : i32 to index
      %get3A_997 = arith.index_cast %mul3A_994 : i32 to index
      %get3A_998 = tpu.vector_load %arg7[%get3A_995, %get3A_996, %get3A_997] {strides = array<i32>} : memref<2x32x1024xf32, #tpu.memory_space<vmem>>, vector<1x1x16xf32>,
      %get3A_999 = vector.shape_cast %get3A_998 : vector<1x1x16xf32> to vector<16xf32>
      %get3A_1000 = arith.index_cast %select_n3A : i32 to index
      %get3A_1001 = arith.index_cast %mul3A_994 : i32 to index
      %get3A_1002 = tpu.vector_load %arg8[%get3A_1000, %get3A_1001] {strides = array<i32>} : memref<32x1024xf32, #tpu.memory_space<vmem>>, vector<1x16xf32>,
      %get3A_1003 = vector.shape_cast %get3A_1002 : vector<1x16xf32> to vector<16xf32>
      %add3A_1004 = arith.addf %get3A_999, %get3A_1003 : vector<16xf32>
      %swap3A = arith.constant 1 : i32
      %swap3A_1005 = arith.index_cast %swap3A : i32 to index
      %swap3A_1006 = arith.index_cast %select_n3A : i32 to index
      %swap3A_1007 = arith.index_cast %mul3A_994 : i32 to index
      %swap3A_1008 = tpu.vector_load %arg7[%swap3A_1005, %swap3A_1006, %swap3A_1007] {strides = array<i32>} : memref<2x32x1024xf32, #tpu.memory_space<vmem>>, vector<1x1x16xf32>,
      %swap3A_1009 = vector.shape_cast %swap3A_1008 : vector<1x1x16xf32> to vector<16xf32>
      %swap3A_1010 = vector.shape_cast %add3A_1004 : vector<16xf32> to vector<1x1x16xf32>
      tpu.vector_store %arg7[%swap3A_1005, %swap3A_1006, %swap3A_1007], %swap3A_1010 {strides = array<i32>} : memref<2x32x1024xf32, #tpu.memory_space<vmem>>, vector<1x1x16xf32>,
    }
    %scan3A_464 = arith.constant 2048 : i32
    %add3A_465 = arith.constant 224 : i32
    %add3A_466 = arith.addi %mul3A_2, %add3A_465 : i32
    %dma_start3A_467 = arith.constant 1 : i32
    %dma_start3A_468 = arith.constant 0 : i32
    %dma_start3A_469 = arith.constant 0 : i32
    %dma_start3A_470 = tpu.memref_slice %arg7[%dma_start3A_467, %dma_start3A_468, %dma_start3A_469] : memref<2x32x1024xf32, #tpu.memory_space<vmem>> -> memref<1x32x1024xf32, #tpu.memory_space<vmem>>
    %dma_start3A_471 = tpu.memref_squeeze %dma_start3A_470 : memref<1x32x1024xf32, #tpu.memory_space<vmem>> -> memref<32x1024xf32, #tpu.memory_space<vmem>>
    %dma_start3A_472 = arith.constant 0 : i32
    %dma_start3A_473 = tpu.memref_slice %arg5[%add3A_466, %dma_start3A_472] : memref<16384x1024xf32, #tpu.memory_space<hbm>> -> memref<32x1024xf32, #tpu.memory_space<hbm>>
    %dma_start3A_474 = arith.constant 0 : i32
    %dma_start3A_475 = tpu.memref_slice %arg5[%add3A_466, %dma_start3A_474] : memref<16384x1024xf32, #tpu.memory_space<hbm>> -> memref<32x1024xf32, #tpu.memory_space<hbm>>
    %dma_start3A_476 = arith.constant 0 : i32
    %dma_start3A_477 = arith.constant 0 : i32
    %dma_start3A_478 = tpu.memref_slice %arg7[%dma_start3A_467, %dma_start3A_476, %dma_start3A_477] : memref<2x32x1024xf32, #tpu.memory_space<vmem>> -> memref<1x32x1024xf32, #tpu.memory_space<vmem>>
    %dma_start3A_479 = tpu.memref_squeeze %dma_start3A_478 : memref<1x32x1024xf32, #tpu.memory_space<vmem>> -> memref<32x1024xf32, #tpu.memory_space<vmem>>
    tpu.enqueue_dma source(%dma_start3A_479 : memref<32x1024xf32, #tpu.memory_space<vmem>>) target(%dma_start3A_475 : memref<32x1024xf32, #tpu.memory_space<hbm>>) target_semaphore(%arg12 : memref<!tpu.dma_semaphore, #tpu.memory_space<semaphore_mem>>)
    %dma_wait3A_480 = arith.constant 1 : i32
    %dma_wait3A_481 = arith.constant 0 : i32
    %dma_wait3A_482 = arith.constant 0 : i32
    %dma_wait3A_483 = tpu.memref_slice %arg7[%dma_wait3A_480, %dma_wait3A_481, %dma_wait3A_482] : memref<2x32x1024xf32, #tpu.memory_space<vmem>> -> memref<1x32x1024xf32, #tpu.memory_space<vmem>>
    %dma_wait3A_484 = tpu.memref_squeeze %dma_wait3A_483 : memref<1x32x1024xf32, #tpu.memory_space<vmem>> -> memref<32x1024xf32, #tpu.memory_space<vmem>>
    %dma_wait3A_485 = arith.constant 0 : i32
    %dma_wait3A_486 = tpu.memref_slice %arg5[%add3A_466, %dma_wait3A_485] : memref<16384x1024xf32, #tpu.memory_space<hbm>> -> memref<32x1024xf32, #tpu.memory_space<hbm>>
    %dma_wait3A_487 = arith.constant 0 : i32
    %dma_wait3A_488 = tpu.memref_slice %arg5[%add3A_466, %dma_wait3A_487] : memref<16384x1024xf32, #tpu.memory_space<hbm>> -> memref<32x1024xf32, #tpu.memory_space<hbm>>
    %dma_wait3A_489 = arith.constant 0 : i32
    %dma_wait3A_490 = arith.constant 0 : i32
    %dma_wait3A_491 = tpu.memref_slice %arg7[%dma_wait3A_480, %dma_wait3A_489, %dma_wait3A_490] : memref<2x32x1024xf32, #tpu.memory_space<vmem>> -> memref<1x32x1024xf32, #tpu.memory_space<vmem>>
    %dma_wait3A_492 = tpu.memref_squeeze %dma_wait3A_491 : memref<1x32x1024xf32, #tpu.memory_space<vmem>> -> memref<32x1024xf32, #tpu.memory_space<vmem>>
    tpu.wait_dma2 semaphore(%arg12 : memref<!tpu.dma_semaphore, #tpu.memory_space<semaphore_mem>>) src(%dma_wait3A_492 : memref<32x1024xf32, #tpu.memory_space<vmem>>) dst(%dma_wait3A_488 : memref<32x1024xf32, #tpu.memory_space<hbm>>)
    %dma_start3A_493 = arith.constant 9 : i32
    %dma_start3A_494 = arith.constant 1 : i32
    %dma_start3A_495 = arith.constant 0 : i32
    %dma_start3A_496 = arith.constant 0 : i32
    %dma_start3A_497 = tpu.memref_slice %arg7[%dma_start3A_494, %dma_start3A_495, %dma_start3A_496] : memref<2x32x1024xf32, #tpu.memory_space<vmem>> -> memref<1x32x1024xf32, #tpu.memory_space<vmem>>
    %dma_start3A_498 = tpu.memref_squeeze %dma_start3A_497 : memref<1x32x1024xf32, #tpu.memory_space<vmem>> -> memref<32x1024xf32, #tpu.memory_space<vmem>>
    %dma_start3A_499 = arith.constant 0 : i32
    %dma_start3A_500 = tpu.memref_slice %arg6[%dma_start3A_493, %dma_start3A_499] : memref<16x32xi32, #tpu.memory_space<vmem>> -> memref<1x32xi32, #tpu.memory_space<vmem>>
    %dma_start3A_501 = tpu.memref_squeeze %dma_start3A_500 : memref<1x32xi32, #tpu.memory_space<vmem>> -> memref<32xi32, #tpu.memory_space<vmem>>
    %dma_start3A_502 = arith.constant 0 : i32
    %dma_start3A_503 = arith.constant 0 : i32
    %dma_start3A_504 = tpu.memref_slice %arg3[%dma_start3A_502, %dma_start3A_503] : memref<100000x1024xf32, #tpu.memory_space<hbm>> -> memref<100000x1024xf32, #tpu.memory_space<hbm>>
    tpu.enqueue_indirect_dma source(%dma_start3A_504 : memref<100000x1024xf32, #tpu.memory_space<hbm>>) target(%dma_start3A_498 : memref<32x1024xf32, #tpu.memory_space<vmem>>) offsets(%dma_start3A_501 : memref<32xi32, #tpu.memory_space<vmem>>) semaphore(%arg10 : memref<!tpu.dma_semaphore, #tpu.memory_space<semaphore_mem>>)
    %add3A_505 = arith.constant 256 : i32
    %add3A_506 = arith.addi %rem3A_3, %add3A_505 : i32
    "tpu.region"() ({
      %run_scoped3A = tpu.sem_alloc : memref<!tpu.dma_semaphore, #tpu.memory_space<semaphore_mem>>
      %dma_start3A_961 = arith.constant 0 : i32
      %dma_start3A_962 = tpu.memref_slice %arg4[%add3A_506, %dma_start3A_961] : memref<8192x1024xf32, #tpu.memory_space<hbm>> -> memref<32x1024xf32, #tpu.memory_space<hbm>>
      %dma_start3A_963 = arith.constant 0 : i32
      %dma_start3A_964 = tpu.memref_slice %arg4[%add3A_506, %dma_start3A_963] : memref<8192x1024xf32, #tpu.memory_space<hbm>> -> memref<32x1024xf32, #tpu.memory_space<hbm>>
      tpu.enqueue_dma source(%dma_start3A_964 : memref<32x1024xf32, #tpu.memory_space<hbm>>) target(%arg8 : memref<32x1024xf32, #tpu.memory_space<vmem>>) target_semaphore(%run_scoped3A : memref<!tpu.dma_semaphore, #tpu.memory_space<semaphore_mem>>)
      %dma_wait3A_965 = arith.constant 0 : i32
      %dma_wait3A_966 = tpu.memref_slice %arg4[%add3A_506, %dma_wait3A_965] : memref<8192x1024xf32, #tpu.memory_space<hbm>> -> memref<32x1024xf32, #tpu.memory_space<hbm>>
      %dma_wait3A_967 = arith.constant 0 : i32
      %dma_wait3A_968 = tpu.memref_slice %arg4[%add3A_506, %dma_wait3A_967] : memref<8192x1024xf32, #tpu.memory_space<hbm>> -> memref<32x1024xf32, #tpu.memory_space<hbm>>
      tpu.wait_dma2 semaphore(%run_scoped3A : memref<!tpu.dma_semaphore, #tpu.memory_space<semaphore_mem>>) src(%dma_wait3A_968 : memref<32x1024xf32, #tpu.memory_space<hbm>>) dst(%arg8 : memref<32x1024xf32, #tpu.memory_space<vmem>>)
      tpu.yield
    }) : () -> ()
    %dma_wait3A_507 = arith.constant 8 : i32
    %dma_wait3A_508 = arith.constant 0 : i32
    %dma_wait3A_509 = arith.constant 0 : i32
    %dma_wait3A_510 = arith.constant 0 : i32
    %dma_wait3A_511 = tpu.memref_slice %arg7[%dma_wait3A_508, %dma_wait3A_509, %dma_wait3A_510] : memref<2x32x1024xf32, #tpu.memory_space<vmem>> -> memref<1x32x1024xf32, #tpu.memory_space<vmem>>
    %dma_wait3A_512 = tpu.memref_squeeze %dma_wait3A_511 : memref<1x32x1024xf32, #tpu.memory_space<vmem>> -> memref<32x1024xf32, #tpu.memory_space<vmem>>
    %dma_wait3A_513 = arith.constant 0 : i32
    %dma_wait3A_514 = tpu.memref_slice %arg6[%dma_wait3A_507, %dma_wait3A_513] : memref<16x32xi32, #tpu.memory_space<vmem>> -> memref<1x32xi32, #tpu.memory_space<vmem>>
    %dma_wait3A_515 = tpu.memref_squeeze %dma_wait3A_514 : memref<1x32xi32, #tpu.memory_space<vmem>> -> memref<32xi32, #tpu.memory_space<vmem>>
    %dma_wait3A_516 = arith.constant 0 : i32
    %dma_wait3A_517 = arith.constant 0 : i32
    %dma_wait3A_518 = tpu.memref_slice %arg3[%dma_wait3A_516, %dma_wait3A_517] : memref<100000x1024xf32, #tpu.memory_space<hbm>> -> memref<100000x1024xf32, #tpu.memory_space<hbm>>
    tpu.wait_indirect_dma semaphore(%arg9 : memref<!tpu.dma_semaphore, #tpu.memory_space<semaphore_mem>>) src(%dma_wait3A_518 : memref<100000x1024xf32, #tpu.memory_space<hbm>>) dst(%dma_wait3A_512 : memref<32x1024xf32, #tpu.memory_space<vmem>>)
    %scan3A_519 = arith.constant 0 : i32
    %scan3A_520 = arith.constant 0 : i32
    %scan3A_521 = arith.constant 2048 : i32
    %scan3A_522 = arith.addi %scan3A_520, %scan3A_521 : i32
    %scan3A_523 = arith.constant 1 : i32
    scf.for %scan3A_961 = %scan3A_520 to %scan3A_522 step %scan3A_523  : i32 {
      %jit3A = arith.constant 64 : i32
      %div3A = arith.divsi %scan3A_961, %jit3A : i32
      %sign3A = arith.constant 0 : i32
      %sign3A_962 = arith.cmpi sgt, %scan3A_961, %sign3A : i32
      %sign3A_963 = arith.extui %sign3A_962 : i1 to i32
      %sign3A_964 = arith.constant 0 : i32
      %sign3A_965 = arith.cmpi slt, %scan3A_961, %sign3A_964 : i32
      %sign3A_966 = arith.extui %sign3A_965 : i1 to i32
      %sign3A_967 = arith.subi %sign3A_963, %sign3A_966 : i32
      %sign3A_968 = arith.constant 0 : i32
      %sign3A_969 = arith.cmpi sgt, %jit3A, %sign3A_968 : i32
      %sign3A_970 = arith.extui %sign3A_969 : i1 to i32
      %sign3A_971 = arith.constant 0 : i32
      %sign3A_972 = arith.cmpi slt, %jit3A, %sign3A_971 : i32
      %sign3A_973 = arith.extui %sign3A_972 : i1 to i32
      %sign3A_974 = arith.subi %sign3A_970, %sign3A_973 : i32
      %ne3A = arith.cmpi ne, %sign3A_967, %sign3A_974 : i32
      %rem3A_975 = arith.remsi %scan3A_961, %jit3A : i32
      %ne3A_976 = arith.constant 0 : i32
      %ne3A_977 = arith.cmpi ne, %rem3A_975, %ne3A_976 : i32
      %and3A = arith.andi %ne3A, %ne3A_977 : i1
      %sub3A = arith.constant 1 : i32
      %sub3A_978 = arith.subi %div3A, %sub3A : i32
      %select_n3A = arith.select %and3A, %sub3A_978, %div3A : i32
      %jit3A_979 = arith.constant 64 : i32
      %eq3A = arith.constant 0 : i32
      %eq3A_980 = arith.cmpi eq, %jit3A_979, %eq3A : i32
      %jit3A_981 = arith.constant 1 : i32
      %select_n3A_982 = arith.select %eq3A_980, %jit3A_981, %jit3A_979 : i32
      %rem3A_983 = arith.remsi %scan3A_961, %select_n3A_982 : i32
      %ne3A_984 = arith.constant 0 : i32
      %ne3A_985 = arith.cmpi ne, %rem3A_983, %ne3A_984 : i32
      %lt3A = arith.constant 0 : i32
      %lt3A_986 = arith.cmpi slt, %rem3A_983, %lt3A : i32
      %lt3A_987 = arith.constant 0 : i32
      %lt3A_988 = arith.cmpi slt, %select_n3A_982, %lt3A_987 : i32
      %ne3A_989 = arith.xori %lt3A_986, %lt3A_988 : i1
      %and3A_990 = arith.andi %ne3A_989, %ne3A_985 : i1
      %add3A_991 = arith.addi %rem3A_983, %select_n3A_982 : i32
      %select_n3A_992 = arith.select %and3A_990, %add3A_991, %rem3A_983 : i32
      %mul3A_993 = arith.constant 16 : i32
      %mul3A_994 = arith.muli %select_n3A_992, %mul3A_993 : i32
      %get3A = arith.constant 0 : i32
      %get3A_995 = arith.index_cast %get3A : i32 to index
      %get3A_996 = arith.index_cast %select_n3A : i32 to index
      %get3A_997 = arith.index_cast %mul3A_994 : i32 to index
      %get3A_998 = tpu.vector_load %arg7[%get3A_995, %get3A_996, %get3A_997] {strides = array<i32>} : memref<2x32x1024xf32, #tpu.memory_space<vmem>>, vector<1x1x16xf32>,
      %get3A_999 = vector.shape_cast %get3A_998 : vector<1x1x16xf32> to vector<16xf32>
      %get3A_1000 = arith.index_cast %select_n3A : i32 to index
      %get3A_1001 = arith.index_cast %mul3A_994 : i32 to index
      %get3A_1002 = tpu.vector_load %arg8[%get3A_1000, %get3A_1001] {strides = array<i32>} : memref<32x1024xf32, #tpu.memory_space<vmem>>, vector<1x16xf32>,
      %get3A_1003 = vector.shape_cast %get3A_1002 : vector<1x16xf32> to vector<16xf32>
      %add3A_1004 = arith.addf %get3A_999, %get3A_1003 : vector<16xf32>
      %swap3A = arith.constant 0 : i32
      %swap3A_1005 = arith.index_cast %swap3A : i32 to index
      %swap3A_1006 = arith.index_cast %select_n3A : i32 to index
      %swap3A_1007 = arith.index_cast %mul3A_994 : i32 to index
      %swap3A_1008 = tpu.vector_load %arg7[%swap3A_1005, %swap3A_1006, %swap3A_1007] {strides = array<i32>} : memref<2x32x1024xf32, #tpu.memory_space<vmem>>, vector<1x1x16xf32>,
      %swap3A_1009 = vector.shape_cast %swap3A_1008 : vector<1x1x16xf32> to vector<16xf32>
      %swap3A_1010 = vector.shape_cast %add3A_1004 : vector<16xf32> to vector<1x1x16xf32>
      tpu.vector_store %arg7[%swap3A_1005, %swap3A_1006, %swap3A_1007], %swap3A_1010 {strides = array<i32>} : memref<2x32x1024xf32, #tpu.memory_space<vmem>>, vector<1x1x16xf32>,
    }
    %scan3A_524 = arith.constant 2048 : i32
    %add3A_525 = arith.constant 256 : i32
    %add3A_526 = arith.addi %mul3A_2, %add3A_525 : i32
    %dma_start3A_527 = arith.constant 0 : i32
    %dma_start3A_528 = arith.constant 0 : i32
    %dma_start3A_529 = arith.constant 0 : i32
    %dma_start3A_530 = tpu.memref_slice %arg7[%dma_start3A_527, %dma_start3A_528, %dma_start3A_529] : memref<2x32x1024xf32, #tpu.memory_space<vmem>> -> memref<1x32x1024xf32, #tpu.memory_space<vmem>>
    %dma_start3A_531 = tpu.memref_squeeze %dma_start3A_530 : memref<1x32x1024xf32, #tpu.memory_space<vmem>> -> memref<32x1024xf32, #tpu.memory_space<vmem>>
    %dma_start3A_532 = arith.constant 0 : i32
    %dma_start3A_533 = tpu.memref_slice %arg5[%add3A_526, %dma_start3A_532] : memref<16384x1024xf32, #tpu.memory_space<hbm>> -> memref<32x1024xf32, #tpu.memory_space<hbm>>
    %dma_start3A_534 = arith.constant 0 : i32
    %dma_start3A_535 = tpu.memref_slice %arg5[%add3A_526, %dma_start3A_534] : memref<16384x1024xf32, #tpu.memory_space<hbm>> -> memref<32x1024xf32, #tpu.memory_space<hbm>>
    %dma_start3A_536 = arith.constant 0 : i32
    %dma_start3A_537 = arith.constant 0 : i32
    %dma_start3A_538 = tpu.memref_slice %arg7[%dma_start3A_527, %dma_start3A_536, %dma_start3A_537] : memref<2x32x1024xf32, #tpu.memory_space<vmem>> -> memref<1x32x1024xf32, #tpu.memory_space<vmem>>
    %dma_start3A_539 = tpu.memref_squeeze %dma_start3A_538 : memref<1x32x1024xf32, #tpu.memory_space<vmem>> -> memref<32x1024xf32, #tpu.memory_space<vmem>>
    tpu.enqueue_dma source(%dma_start3A_539 : memref<32x1024xf32, #tpu.memory_space<vmem>>) target(%dma_start3A_535 : memref<32x1024xf32, #tpu.memory_space<hbm>>) target_semaphore(%arg11 : memref<!tpu.dma_semaphore, #tpu.memory_space<semaphore_mem>>)
    %dma_wait3A_540 = arith.constant 0 : i32
    %dma_wait3A_541 = arith.constant 0 : i32
    %dma_wait3A_542 = arith.constant 0 : i32
    %dma_wait3A_543 = tpu.memref_slice %arg7[%dma_wait3A_540, %dma_wait3A_541, %dma_wait3A_542] : memref<2x32x1024xf32, #tpu.memory_space<vmem>> -> memref<1x32x1024xf32, #tpu.memory_space<vmem>>
    %dma_wait3A_544 = tpu.memref_squeeze %dma_wait3A_543 : memref<1x32x1024xf32, #tpu.memory_space<vmem>> -> memref<32x1024xf32, #tpu.memory_space<vmem>>
    %dma_wait3A_545 = arith.constant 0 : i32
    %dma_wait3A_546 = tpu.memref_slice %arg5[%add3A_526, %dma_wait3A_545] : memref<16384x1024xf32, #tpu.memory_space<hbm>> -> memref<32x1024xf32, #tpu.memory_space<hbm>>
    %dma_wait3A_547 = arith.constant 0 : i32
    %dma_wait3A_548 = tpu.memref_slice %arg5[%add3A_526, %dma_wait3A_547] : memref<16384x1024xf32, #tpu.memory_space<hbm>> -> memref<32x1024xf32, #tpu.memory_space<hbm>>
    %dma_wait3A_549 = arith.constant 0 : i32
    %dma_wait3A_550 = arith.constant 0 : i32
    %dma_wait3A_551 = tpu.memref_slice %arg7[%dma_wait3A_540, %dma_wait3A_549, %dma_wait3A_550] : memref<2x32x1024xf32, #tpu.memory_space<vmem>> -> memref<1x32x1024xf32, #tpu.memory_space<vmem>>
    %dma_wait3A_552 = tpu.memref_squeeze %dma_wait3A_551 : memref<1x32x1024xf32, #tpu.memory_space<vmem>> -> memref<32x1024xf32, #tpu.memory_space<vmem>>
    tpu.wait_dma2 semaphore(%arg11 : memref<!tpu.dma_semaphore, #tpu.memory_space<semaphore_mem>>) src(%dma_wait3A_552 : memref<32x1024xf32, #tpu.memory_space<vmem>>) dst(%dma_wait3A_548 : memref<32x1024xf32, #tpu.memory_space<hbm>>)
    %dma_start3A_553 = arith.constant 10 : i32
    %dma_start3A_554 = arith.constant 0 : i32
    %dma_start3A_555 = arith.constant 0 : i32
    %dma_start3A_556 = arith.constant 0 : i32
    %dma_start3A_557 = tpu.memref_slice %arg7[%dma_start3A_554, %dma_start3A_555, %dma_start3A_556] : memref<2x32x1024xf32, #tpu.memory_space<vmem>> -> memref<1x32x1024xf32, #tpu.memory_space<vmem>>
    %dma_start3A_558 = tpu.memref_squeeze %dma_start3A_557 : memref<1x32x1024xf32, #tpu.memory_space<vmem>> -> memref<32x1024xf32, #tpu.memory_space<vmem>>
    %dma_start3A_559 = arith.constant 0 : i32
    %dma_start3A_560 = tpu.memref_slice %arg6[%dma_start3A_553, %dma_start3A_559] : memref<16x32xi32, #tpu.memory_space<vmem>> -> memref<1x32xi32, #tpu.memory_space<vmem>>
    %dma_start3A_561 = tpu.memref_squeeze %dma_start3A_560 : memref<1x32xi32, #tpu.memory_space<vmem>> -> memref<32xi32, #tpu.memory_space<vmem>>
    %dma_start3A_562 = arith.constant 0 : i32
    %dma_start3A_563 = arith.constant 0 : i32
    %dma_start3A_564 = tpu.memref_slice %arg3[%dma_start3A_562, %dma_start3A_563] : memref<100000x1024xf32, #tpu.memory_space<hbm>> -> memref<100000x1024xf32, #tpu.memory_space<hbm>>
    tpu.enqueue_indirect_dma source(%dma_start3A_564 : memref<100000x1024xf32, #tpu.memory_space<hbm>>) target(%dma_start3A_558 : memref<32x1024xf32, #tpu.memory_space<vmem>>) offsets(%dma_start3A_561 : memref<32xi32, #tpu.memory_space<vmem>>) semaphore(%arg9 : memref<!tpu.dma_semaphore, #tpu.memory_space<semaphore_mem>>)
    %add3A_565 = arith.constant 288 : i32
    %add3A_566 = arith.addi %rem3A_3, %add3A_565 : i32
    "tpu.region"() ({
      %run_scoped3A = tpu.sem_alloc : memref<!tpu.dma_semaphore, #tpu.memory_space<semaphore_mem>>
      %dma_start3A_961 = arith.constant 0 : i32
      %dma_start3A_962 = tpu.memref_slice %arg4[%add3A_566, %dma_start3A_961] : memref<8192x1024xf32, #tpu.memory_space<hbm>> -> memref<32x1024xf32, #tpu.memory_space<hbm>>
      %dma_start3A_963 = arith.constant 0 : i32
      %dma_start3A_964 = tpu.memref_slice %arg4[%add3A_566, %dma_start3A_963] : memref<8192x1024xf32, #tpu.memory_space<hbm>> -> memref<32x1024xf32, #tpu.memory_space<hbm>>
      tpu.enqueue_dma source(%dma_start3A_964 : memref<32x1024xf32, #tpu.memory_space<hbm>>) target(%arg8 : memref<32x1024xf32, #tpu.memory_space<vmem>>) target_semaphore(%run_scoped3A : memref<!tpu.dma_semaphore, #tpu.memory_space<semaphore_mem>>)
      %dma_wait3A_965 = arith.constant 0 : i32
      %dma_wait3A_966 = tpu.memref_slice %arg4[%add3A_566, %dma_wait3A_965] : memref<8192x1024xf32, #tpu.memory_space<hbm>> -> memref<32x1024xf32, #tpu.memory_space<hbm>>
      %dma_wait3A_967 = arith.constant 0 : i32
      %dma_wait3A_968 = tpu.memref_slice %arg4[%add3A_566, %dma_wait3A_967] : memref<8192x1024xf32, #tpu.memory_space<hbm>> -> memref<32x1024xf32, #tpu.memory_space<hbm>>
      tpu.wait_dma2 semaphore(%run_scoped3A : memref<!tpu.dma_semaphore, #tpu.memory_space<semaphore_mem>>) src(%dma_wait3A_968 : memref<32x1024xf32, #tpu.memory_space<hbm>>) dst(%arg8 : memref<32x1024xf32, #tpu.memory_space<vmem>>)
      tpu.yield
    }) : () -> ()
    %dma_wait3A_567 = arith.constant 9 : i32
    %dma_wait3A_568 = arith.constant 1 : i32
    %dma_wait3A_569 = arith.constant 0 : i32
    %dma_wait3A_570 = arith.constant 0 : i32
    %dma_wait3A_571 = tpu.memref_slice %arg7[%dma_wait3A_568, %dma_wait3A_569, %dma_wait3A_570] : memref<2x32x1024xf32, #tpu.memory_space<vmem>> -> memref<1x32x1024xf32, #tpu.memory_space<vmem>>
    %dma_wait3A_572 = tpu.memref_squeeze %dma_wait3A_571 : memref<1x32x1024xf32, #tpu.memory_space<vmem>> -> memref<32x1024xf32, #tpu.memory_space<vmem>>
    %dma_wait3A_573 = arith.constant 0 : i32
    %dma_wait3A_574 = tpu.memref_slice %arg6[%dma_wait3A_567, %dma_wait3A_573] : memref<16x32xi32, #tpu.memory_space<vmem>> -> memref<1x32xi32, #tpu.memory_space<vmem>>
    %dma_wait3A_575 = tpu.memref_squeeze %dma_wait3A_574 : memref<1x32xi32, #tpu.memory_space<vmem>> -> memref<32xi32, #tpu.memory_space<vmem>>
    %dma_wait3A_576 = arith.constant 0 : i32
    %dma_wait3A_577 = arith.constant 0 : i32
    %dma_wait3A_578 = tpu.memref_slice %arg3[%dma_wait3A_576, %dma_wait3A_577] : memref<100000x1024xf32, #tpu.memory_space<hbm>> -> memref<100000x1024xf32, #tpu.memory_space<hbm>>
    tpu.wait_indirect_dma semaphore(%arg10 : memref<!tpu.dma_semaphore, #tpu.memory_space<semaphore_mem>>) src(%dma_wait3A_578 : memref<100000x1024xf32, #tpu.memory_space<hbm>>) dst(%dma_wait3A_572 : memref<32x1024xf32, #tpu.memory_space<vmem>>)
    %scan3A_579 = arith.constant 0 : i32
    %scan3A_580 = arith.constant 0 : i32
    %scan3A_581 = arith.constant 2048 : i32
    %scan3A_582 = arith.addi %scan3A_580, %scan3A_581 : i32
    %scan3A_583 = arith.constant 1 : i32
    scf.for %scan3A_961 = %scan3A_580 to %scan3A_582 step %scan3A_583  : i32 {
      %jit3A = arith.constant 64 : i32
      %div3A = arith.divsi %scan3A_961, %jit3A : i32
      %sign3A = arith.constant 0 : i32
      %sign3A_962 = arith.cmpi sgt, %scan3A_961, %sign3A : i32
      %sign3A_963 = arith.extui %sign3A_962 : i1 to i32
      %sign3A_964 = arith.constant 0 : i32
      %sign3A_965 = arith.cmpi slt, %scan3A_961, %sign3A_964 : i32
      %sign3A_966 = arith.extui %sign3A_965 : i1 to i32
      %sign3A_967 = arith.subi %sign3A_963, %sign3A_966 : i32
      %sign3A_968 = arith.constant 0 : i32
      %sign3A_969 = arith.cmpi sgt, %jit3A, %sign3A_968 : i32
      %sign3A_970 = arith.extui %sign3A_969 : i1 to i32
      %sign3A_971 = arith.constant 0 : i32
      %sign3A_972 = arith.cmpi slt, %jit3A, %sign3A_971 : i32
      %sign3A_973 = arith.extui %sign3A_972 : i1 to i32
      %sign3A_974 = arith.subi %sign3A_970, %sign3A_973 : i32
      %ne3A = arith.cmpi ne, %sign3A_967, %sign3A_974 : i32
      %rem3A_975 = arith.remsi %scan3A_961, %jit3A : i32
      %ne3A_976 = arith.constant 0 : i32
      %ne3A_977 = arith.cmpi ne, %rem3A_975, %ne3A_976 : i32
      %and3A = arith.andi %ne3A, %ne3A_977 : i1
      %sub3A = arith.constant 1 : i32
      %sub3A_978 = arith.subi %div3A, %sub3A : i32
      %select_n3A = arith.select %and3A, %sub3A_978, %div3A : i32
      %jit3A_979 = arith.constant 64 : i32
      %eq3A = arith.constant 0 : i32
      %eq3A_980 = arith.cmpi eq, %jit3A_979, %eq3A : i32
      %jit3A_981 = arith.constant 1 : i32
      %select_n3A_982 = arith.select %eq3A_980, %jit3A_981, %jit3A_979 : i32
      %rem3A_983 = arith.remsi %scan3A_961, %select_n3A_982 : i32
      %ne3A_984 = arith.constant 0 : i32
      %ne3A_985 = arith.cmpi ne, %rem3A_983, %ne3A_984 : i32
      %lt3A = arith.constant 0 : i32
      %lt3A_986 = arith.cmpi slt, %rem3A_983, %lt3A : i32
      %lt3A_987 = arith.constant 0 : i32
      %lt3A_988 = arith.cmpi slt, %select_n3A_982, %lt3A_987 : i32
      %ne3A_989 = arith.xori %lt3A_986, %lt3A_988 : i1
      %and3A_990 = arith.andi %ne3A_989, %ne3A_985 : i1
      %add3A_991 = arith.addi %rem3A_983, %select_n3A_982 : i32
      %select_n3A_992 = arith.select %and3A_990, %add3A_991, %rem3A_983 : i32
      %mul3A_993 = arith.constant 16 : i32
      %mul3A_994 = arith.muli %select_n3A_992, %mul3A_993 : i32
      %get3A = arith.constant 1 : i32
      %get3A_995 = arith.index_cast %get3A : i32 to index
      %get3A_996 = arith.index_cast %select_n3A : i32 to index
      %get3A_997 = arith.index_cast %mul3A_994 : i32 to index
      %get3A_998 = tpu.vector_load %arg7[%get3A_995, %get3A_996, %get3A_997] {strides = array<i32>} : memref<2x32x1024xf32, #tpu.memory_space<vmem>>, vector<1x1x16xf32>,
      %get3A_999 = vector.shape_cast %get3A_998 : vector<1x1x16xf32> to vector<16xf32>
      %get3A_1000 = arith.index_cast %select_n3A : i32 to index
      %get3A_1001 = arith.index_cast %mul3A_994 : i32 to index
      %get3A_1002 = tpu.vector_load %arg8[%get3A_1000, %get3A_1001] {strides = array<i32>} : memref<32x1024xf32, #tpu.memory_space<vmem>>, vector<1x16xf32>,
      %get3A_1003 = vector.shape_cast %get3A_1002 : vector<1x16xf32> to vector<16xf32>
      %add3A_1004 = arith.addf %get3A_999, %get3A_1003 : vector<16xf32>
      %swap3A = arith.constant 1 : i32
      %swap3A_1005 = arith.index_cast %swap3A : i32 to index
      %swap3A_1006 = arith.index_cast %select_n3A : i32 to index
      %swap3A_1007 = arith.index_cast %mul3A_994 : i32 to index
      %swap3A_1008 = tpu.vector_load %arg7[%swap3A_1005, %swap3A_1006, %swap3A_1007] {strides = array<i32>} : memref<2x32x1024xf32, #tpu.memory_space<vmem>>, vector<1x1x16xf32>,
      %swap3A_1009 = vector.shape_cast %swap3A_1008 : vector<1x1x16xf32> to vector<16xf32>
      %swap3A_1010 = vector.shape_cast %add3A_1004 : vector<16xf32> to vector<1x1x16xf32>
      tpu.vector_store %arg7[%swap3A_1005, %swap3A_1006, %swap3A_1007], %swap3A_1010 {strides = array<i32>} : memref<2x32x1024xf32, #tpu.memory_space<vmem>>, vector<1x1x16xf32>,
    }
    %scan3A_584 = arith.constant 2048 : i32
    %add3A_585 = arith.constant 288 : i32
    %add3A_586 = arith.addi %mul3A_2, %add3A_585 : i32
    %dma_start3A_587 = arith.constant 1 : i32
    %dma_start3A_588 = arith.constant 0 : i32
    %dma_start3A_589 = arith.constant 0 : i32
    %dma_start3A_590 = tpu.memref_slice %arg7[%dma_start3A_587, %dma_start3A_588, %dma_start3A_589] : memref<2x32x1024xf32, #tpu.memory_space<vmem>> -> memref<1x32x1024xf32, #tpu.memory_space<vmem>>
    %dma_start3A_591 = tpu.memref_squeeze %dma_start3A_590 : memref<1x32x1024xf32, #tpu.memory_space<vmem>> -> memref<32x1024xf32, #tpu.memory_space<vmem>>
    %dma_start3A_592 = arith.constant 0 : i32
    %dma_start3A_593 = tpu.memref_slice %arg5[%add3A_586, %dma_start3A_592] : memref<16384x1024xf32, #tpu.memory_space<hbm>> -> memref<32x1024xf32, #tpu.memory_space<hbm>>
    %dma_start3A_594 = arith.constant 0 : i32
    %dma_start3A_595 = tpu.memref_slice %arg5[%add3A_586, %dma_start3A_594] : memref<16384x1024xf32, #tpu.memory_space<hbm>> -> memref<32x1024xf32, #tpu.memory_space<hbm>>
    %dma_start3A_596 = arith.constant 0 : i32
    %dma_start3A_597 = arith.constant 0 : i32
    %dma_start3A_598 = tpu.memref_slice %arg7[%dma_start3A_587, %dma_start3A_596, %dma_start3A_597] : memref<2x32x1024xf32, #tpu.memory_space<vmem>> -> memref<1x32x1024xf32, #tpu.memory_space<vmem>>
    %dma_start3A_599 = tpu.memref_squeeze %dma_start3A_598 : memref<1x32x1024xf32, #tpu.memory_space<vmem>> -> memref<32x1024xf32, #tpu.memory_space<vmem>>
    tpu.enqueue_dma source(%dma_start3A_599 : memref<32x1024xf32, #tpu.memory_space<vmem>>) target(%dma_start3A_595 : memref<32x1024xf32, #tpu.memory_space<hbm>>) target_semaphore(%arg12 : memref<!tpu.dma_semaphore, #tpu.memory_space<semaphore_mem>>)
    %dma_wait3A_600 = arith.constant 1 : i32
    %dma_wait3A_601 = arith.constant 0 : i32
    %dma_wait3A_602 = arith.constant 0 : i32
    %dma_wait3A_603 = tpu.memref_slice %arg7[%dma_wait3A_600, %dma_wait3A_601, %dma_wait3A_602] : memref<2x32x1024xf32, #tpu.memory_space<vmem>> -> memref<1x32x1024xf32, #tpu.memory_space<vmem>>
    %dma_wait3A_604 = tpu.memref_squeeze %dma_wait3A_603 : memref<1x32x1024xf32, #tpu.memory_space<vmem>> -> memref<32x1024xf32, #tpu.memory_space<vmem>>
    %dma_wait3A_605 = arith.constant 0 : i32
    %dma_wait3A_606 = tpu.memref_slice %arg5[%add3A_586, %dma_wait3A_605] : memref<16384x1024xf32, #tpu.memory_space<hbm>> -> memref<32x1024xf32, #tpu.memory_space<hbm>>
    %dma_wait3A_607 = arith.constant 0 : i32
    %dma_wait3A_608 = tpu.memref_slice %arg5[%add3A_586, %dma_wait3A_607] : memref<16384x1024xf32, #tpu.memory_space<hbm>> -> memref<32x1024xf32, #tpu.memory_space<hbm>>
    %dma_wait3A_609 = arith.constant 0 : i32
    %dma_wait3A_610 = arith.constant 0 : i32
    %dma_wait3A_611 = tpu.memref_slice %arg7[%dma_wait3A_600, %dma_wait3A_609, %dma_wait3A_610] : memref<2x32x1024xf32, #tpu.memory_space<vmem>> -> memref<1x32x1024xf32, #tpu.memory_space<vmem>>
    %dma_wait3A_612 = tpu.memref_squeeze %dma_wait3A_611 : memref<1x32x1024xf32, #tpu.memory_space<vmem>> -> memref<32x1024xf32, #tpu.memory_space<vmem>>
    tpu.wait_dma2 semaphore(%arg12 : memref<!tpu.dma_semaphore, #tpu.memory_space<semaphore_mem>>) src(%dma_wait3A_612 : memref<32x1024xf32, #tpu.memory_space<vmem>>) dst(%dma_wait3A_608 : memref<32x1024xf32, #tpu.memory_space<hbm>>)
    %dma_start3A_613 = arith.constant 11 : i32
    %dma_start3A_614 = arith.constant 1 : i32
    %dma_start3A_615 = arith.constant 0 : i32
    %dma_start3A_616 = arith.constant 0 : i32
    %dma_start3A_617 = tpu.memref_slice %arg7[%dma_start3A_614, %dma_start3A_615, %dma_start3A_616] : memref<2x32x1024xf32, #tpu.memory_space<vmem>> -> memref<1x32x1024xf32, #tpu.memory_space<vmem>>
    %dma_start3A_618 = tpu.memref_squeeze %dma_start3A_617 : memref<1x32x1024xf32, #tpu.memory_space<vmem>> -> memref<32x1024xf32, #tpu.memory_space<vmem>>
    %dma_start3A_619 = arith.constant 0 : i32
    %dma_start3A_620 = tpu.memref_slice %arg6[%dma_start3A_613, %dma_start3A_619] : memref<16x32xi32, #tpu.memory_space<vmem>> -> memref<1x32xi32, #tpu.memory_space<vmem>>
    %dma_start3A_621 = tpu.memref_squeeze %dma_start3A_620 : memref<1x32xi32, #tpu.memory_space<vmem>> -> memref<32xi32, #tpu.memory_space<vmem>>
    %dma_start3A_622 = arith.constant 0 : i32
    %dma_start3A_623 = arith.constant 0 : i32
    %dma_start3A_624 = tpu.memref_slice %arg3[%dma_start3A_622, %dma_start3A_623] : memref<100000x1024xf32, #tpu.memory_space<hbm>> -> memref<100000x1024xf32, #tpu.memory_space<hbm>>
    tpu.enqueue_indirect_dma source(%dma_start3A_624 : memref<100000x1024xf32, #tpu.memory_space<hbm>>) target(%dma_start3A_618 : memref<32x1024xf32, #tpu.memory_space<vmem>>) offsets(%dma_start3A_621 : memref<32xi32, #tpu.memory_space<vmem>>) semaphore(%arg10 : memref<!tpu.dma_semaphore, #tpu.memory_space<semaphore_mem>>)
    %add3A_625 = arith.constant 320 : i32
    %add3A_626 = arith.addi %rem3A_3, %add3A_625 : i32
    "tpu.region"() ({
      %run_scoped3A = tpu.sem_alloc : memref<!tpu.dma_semaphore, #tpu.memory_space<semaphore_mem>>
      %dma_start3A_961 = arith.constant 0 : i32
      %dma_start3A_962 = tpu.memref_slice %arg4[%add3A_626, %dma_start3A_961] : memref<8192x1024xf32, #tpu.memory_space<hbm>> -> memref<32x1024xf32, #tpu.memory_space<hbm>>
      %dma_start3A_963 = arith.constant 0 : i32
      %dma_start3A_964 = tpu.memref_slice %arg4[%add3A_626, %dma_start3A_963] : memref<8192x1024xf32, #tpu.memory_space<hbm>> -> memref<32x1024xf32, #tpu.memory_space<hbm>>
      tpu.enqueue_dma source(%dma_start3A_964 : memref<32x1024xf32, #tpu.memory_space<hbm>>) target(%arg8 : memref<32x1024xf32, #tpu.memory_space<vmem>>) target_semaphore(%run_scoped3A : memref<!tpu.dma_semaphore, #tpu.memory_space<semaphore_mem>>)
      %dma_wait3A_965 = arith.constant 0 : i32
      %dma_wait3A_966 = tpu.memref_slice %arg4[%add3A_626, %dma_wait3A_965] : memref<8192x1024xf32, #tpu.memory_space<hbm>> -> memref<32x1024xf32, #tpu.memory_space<hbm>>
      %dma_wait3A_967 = arith.constant 0 : i32
      %dma_wait3A_968 = tpu.memref_slice %arg4[%add3A_626, %dma_wait3A_967] : memref<8192x1024xf32, #tpu.memory_space<hbm>> -> memref<32x1024xf32, #tpu.memory_space<hbm>>
      tpu.wait_dma2 semaphore(%run_scoped3A : memref<!tpu.dma_semaphore, #tpu.memory_space<semaphore_mem>>) src(%dma_wait3A_968 : memref<32x1024xf32, #tpu.memory_space<hbm>>) dst(%arg8 : memref<32x1024xf32, #tpu.memory_space<vmem>>)
      tpu.yield
    }) : () -> ()
    %dma_wait3A_627 = arith.constant 10 : i32
    %dma_wait3A_628 = arith.constant 0 : i32
    %dma_wait3A_629 = arith.constant 0 : i32
    %dma_wait3A_630 = arith.constant 0 : i32
    %dma_wait3A_631 = tpu.memref_slice %arg7[%dma_wait3A_628, %dma_wait3A_629, %dma_wait3A_630] : memref<2x32x1024xf32, #tpu.memory_space<vmem>> -> memref<1x32x1024xf32, #tpu.memory_space<vmem>>
    %dma_wait3A_632 = tpu.memref_squeeze %dma_wait3A_631 : memref<1x32x1024xf32, #tpu.memory_space<vmem>> -> memref<32x1024xf32, #tpu.memory_space<vmem>>
    %dma_wait3A_633 = arith.constant 0 : i32
    %dma_wait3A_634 = tpu.memref_slice %arg6[%dma_wait3A_627, %dma_wait3A_633] : memref<16x32xi32, #tpu.memory_space<vmem>> -> memref<1x32xi32, #tpu.memory_space<vmem>>
    %dma_wait3A_635 = tpu.memref_squeeze %dma_wait3A_634 : memref<1x32xi32, #tpu.memory_space<vmem>> -> memref<32xi32, #tpu.memory_space<vmem>>
    %dma_wait3A_636 = arith.constant 0 : i32
    %dma_wait3A_637 = arith.constant 0 : i32
    %dma_wait3A_638 = tpu.memref_slice %arg3[%dma_wait3A_636, %dma_wait3A_637] : memref<100000x1024xf32, #tpu.memory_space<hbm>> -> memref<100000x1024xf32, #tpu.memory_space<hbm>>
    tpu.wait_indirect_dma semaphore(%arg9 : memref<!tpu.dma_semaphore, #tpu.memory_space<semaphore_mem>>) src(%dma_wait3A_638 : memref<100000x1024xf32, #tpu.memory_space<hbm>>) dst(%dma_wait3A_632 : memref<32x1024xf32, #tpu.memory_space<vmem>>)
    %scan3A_639 = arith.constant 0 : i32
    %scan3A_640 = arith.constant 0 : i32
    %scan3A_641 = arith.constant 2048 : i32
    %scan3A_642 = arith.addi %scan3A_640, %scan3A_641 : i32
    %scan3A_643 = arith.constant 1 : i32
    scf.for %scan3A_961 = %scan3A_640 to %scan3A_642 step %scan3A_643  : i32 {
      %jit3A = arith.constant 64 : i32
      %div3A = arith.divsi %scan3A_961, %jit3A : i32
      %sign3A = arith.constant 0 : i32
      %sign3A_962 = arith.cmpi sgt, %scan3A_961, %sign3A : i32
      %sign3A_963 = arith.extui %sign3A_962 : i1 to i32
      %sign3A_964 = arith.constant 0 : i32
      %sign3A_965 = arith.cmpi slt, %scan3A_961, %sign3A_964 : i32
      %sign3A_966 = arith.extui %sign3A_965 : i1 to i32
      %sign3A_967 = arith.subi %sign3A_963, %sign3A_966 : i32
      %sign3A_968 = arith.constant 0 : i32
      %sign3A_969 = arith.cmpi sgt, %jit3A, %sign3A_968 : i32
      %sign3A_970 = arith.extui %sign3A_969 : i1 to i32
      %sign3A_971 = arith.constant 0 : i32
      %sign3A_972 = arith.cmpi slt, %jit3A, %sign3A_971 : i32
      %sign3A_973 = arith.extui %sign3A_972 : i1 to i32
      %sign3A_974 = arith.subi %sign3A_970, %sign3A_973 : i32
      %ne3A = arith.cmpi ne, %sign3A_967, %sign3A_974 : i32
      %rem3A_975 = arith.remsi %scan3A_961, %jit3A : i32
      %ne3A_976 = arith.constant 0 : i32
      %ne3A_977 = arith.cmpi ne, %rem3A_975, %ne3A_976 : i32
      %and3A = arith.andi %ne3A, %ne3A_977 : i1
      %sub3A = arith.constant 1 : i32
      %sub3A_978 = arith.subi %div3A, %sub3A : i32
      %select_n3A = arith.select %and3A, %sub3A_978, %div3A : i32
      %jit3A_979 = arith.constant 64 : i32
      %eq3A = arith.constant 0 : i32
      %eq3A_980 = arith.cmpi eq, %jit3A_979, %eq3A : i32
      %jit3A_981 = arith.constant 1 : i32
      %select_n3A_982 = arith.select %eq3A_980, %jit3A_981, %jit3A_979 : i32
      %rem3A_983 = arith.remsi %scan3A_961, %select_n3A_982 : i32
      %ne3A_984 = arith.constant 0 : i32
      %ne3A_985 = arith.cmpi ne, %rem3A_983, %ne3A_984 : i32
      %lt3A = arith.constant 0 : i32
      %lt3A_986 = arith.cmpi slt, %rem3A_983, %lt3A : i32
      %lt3A_987 = arith.constant 0 : i32
      %lt3A_988 = arith.cmpi slt, %select_n3A_982, %lt3A_987 : i32
      %ne3A_989 = arith.xori %lt3A_986, %lt3A_988 : i1
      %and3A_990 = arith.andi %ne3A_989, %ne3A_985 : i1
      %add3A_991 = arith.addi %rem3A_983, %select_n3A_982 : i32
      %select_n3A_992 = arith.select %and3A_990, %add3A_991, %rem3A_983 : i32
      %mul3A_993 = arith.constant 16 : i32
      %mul3A_994 = arith.muli %select_n3A_992, %mul3A_993 : i32
      %get3A = arith.constant 0 : i32
      %get3A_995 = arith.index_cast %get3A : i32 to index
      %get3A_996 = arith.index_cast %select_n3A : i32 to index
      %get3A_997 = arith.index_cast %mul3A_994 : i32 to index
      %get3A_998 = tpu.vector_load %arg7[%get3A_995, %get3A_996, %get3A_997] {strides = array<i32>} : memref<2x32x1024xf32, #tpu.memory_space<vmem>>, vector<1x1x16xf32>,
      %get3A_999 = vector.shape_cast %get3A_998 : vector<1x1x16xf32> to vector<16xf32>
      %get3A_1000 = arith.index_cast %select_n3A : i32 to index
      %get3A_1001 = arith.index_cast %mul3A_994 : i32 to index
      %get3A_1002 = tpu.vector_load %arg8[%get3A_1000, %get3A_1001] {strides = array<i32>} : memref<32x1024xf32, #tpu.memory_space<vmem>>, vector<1x16xf32>,
      %get3A_1003 = vector.shape_cast %get3A_1002 : vector<1x16xf32> to vector<16xf32>
      %add3A_1004 = arith.addf %get3A_999, %get3A_1003 : vector<16xf32>
      %swap3A = arith.constant 0 : i32
      %swap3A_1005 = arith.index_cast %swap3A : i32 to index
      %swap3A_1006 = arith.index_cast %select_n3A : i32 to index
      %swap3A_1007 = arith.index_cast %mul3A_994 : i32 to index
      %swap3A_1008 = tpu.vector_load %arg7[%swap3A_1005, %swap3A_1006, %swap3A_1007] {strides = array<i32>} : memref<2x32x1024xf32, #tpu.memory_space<vmem>>, vector<1x1x16xf32>,
      %swap3A_1009 = vector.shape_cast %swap3A_1008 : vector<1x1x16xf32> to vector<16xf32>
      %swap3A_1010 = vector.shape_cast %add3A_1004 : vector<16xf32> to vector<1x1x16xf32>
      tpu.vector_store %arg7[%swap3A_1005, %swap3A_1006, %swap3A_1007], %swap3A_1010 {strides = array<i32>} : memref<2x32x1024xf32, #tpu.memory_space<vmem>>, vector<1x1x16xf32>,
    }
    %scan3A_644 = arith.constant 2048 : i32
    %add3A_645 = arith.constant 320 : i32
    %add3A_646 = arith.addi %mul3A_2, %add3A_645 : i32
    %dma_start3A_647 = arith.constant 0 : i32
    %dma_start3A_648 = arith.constant 0 : i32
    %dma_start3A_649 = arith.constant 0 : i32
    %dma_start3A_650 = tpu.memref_slice %arg7[%dma_start3A_647, %dma_start3A_648, %dma_start3A_649] : memref<2x32x1024xf32, #tpu.memory_space<vmem>> -> memref<1x32x1024xf32, #tpu.memory_space<vmem>>
    %dma_start3A_651 = tpu.memref_squeeze %dma_start3A_650 : memref<1x32x1024xf32, #tpu.memory_space<vmem>> -> memref<32x1024xf32, #tpu.memory_space<vmem>>
    %dma_start3A_652 = arith.constant 0 : i32
    %dma_start3A_653 = tpu.memref_slice %arg5[%add3A_646, %dma_start3A_652] : memref<16384x1024xf32, #tpu.memory_space<hbm>> -> memref<32x1024xf32, #tpu.memory_space<hbm>>
    %dma_start3A_654 = arith.constant 0 : i32
    %dma_start3A_655 = tpu.memref_slice %arg5[%add3A_646, %dma_start3A_654] : memref<16384x1024xf32, #tpu.memory_space<hbm>> -> memref<32x1024xf32, #tpu.memory_space<hbm>>
    %dma_start3A_656 = arith.constant 0 : i32
    %dma_start3A_657 = arith.constant 0 : i32
    %dma_start3A_658 = tpu.memref_slice %arg7[%dma_start3A_647, %dma_start3A_656, %dma_start3A_657] : memref<2x32x1024xf32, #tpu.memory_space<vmem>> -> memref<1x32x1024xf32, #tpu.memory_space<vmem>>
    %dma_start3A_659 = tpu.memref_squeeze %dma_start3A_658 : memref<1x32x1024xf32, #tpu.memory_space<vmem>> -> memref<32x1024xf32, #tpu.memory_space<vmem>>
    tpu.enqueue_dma source(%dma_start3A_659 : memref<32x1024xf32, #tpu.memory_space<vmem>>) target(%dma_start3A_655 : memref<32x1024xf32, #tpu.memory_space<hbm>>) target_semaphore(%arg11 : memref<!tpu.dma_semaphore, #tpu.memory_space<semaphore_mem>>)
    %dma_wait3A_660 = arith.constant 0 : i32
    %dma_wait3A_661 = arith.constant 0 : i32
    %dma_wait3A_662 = arith.constant 0 : i32
    %dma_wait3A_663 = tpu.memref_slice %arg7[%dma_wait3A_660, %dma_wait3A_661, %dma_wait3A_662] : memref<2x32x1024xf32, #tpu.memory_space<vmem>> -> memref<1x32x1024xf32, #tpu.memory_space<vmem>>
    %dma_wait3A_664 = tpu.memref_squeeze %dma_wait3A_663 : memref<1x32x1024xf32, #tpu.memory_space<vmem>> -> memref<32x1024xf32, #tpu.memory_space<vmem>>
    %dma_wait3A_665 = arith.constant 0 : i32
    %dma_wait3A_666 = tpu.memref_slice %arg5[%add3A_646, %dma_wait3A_665] : memref<16384x1024xf32, #tpu.memory_space<hbm>> -> memref<32x1024xf32, #tpu.memory_space<hbm>>
    %dma_wait3A_667 = arith.constant 0 : i32
    %dma_wait3A_668 = tpu.memref_slice %arg5[%add3A_646, %dma_wait3A_667] : memref<16384x1024xf32, #tpu.memory_space<hbm>> -> memref<32x1024xf32, #tpu.memory_space<hbm>>
    %dma_wait3A_669 = arith.constant 0 : i32
    %dma_wait3A_670 = arith.constant 0 : i32
    %dma_wait3A_671 = tpu.memref_slice %arg7[%dma_wait3A_660, %dma_wait3A_669, %dma_wait3A_670] : memref<2x32x1024xf32, #tpu.memory_space<vmem>> -> memref<1x32x1024xf32, #tpu.memory_space<vmem>>
    %dma_wait3A_672 = tpu.memref_squeeze %dma_wait3A_671 : memref<1x32x1024xf32, #tpu.memory_space<vmem>> -> memref<32x1024xf32, #tpu.memory_space<vmem>>
    tpu.wait_dma2 semaphore(%arg11 : memref<!tpu.dma_semaphore, #tpu.memory_space<semaphore_mem>>) src(%dma_wait3A_672 : memref<32x1024xf32, #tpu.memory_space<vmem>>) dst(%dma_wait3A_668 : memref<32x1024xf32, #tpu.memory_space<hbm>>)
    %dma_start3A_673 = arith.constant 12 : i32
    %dma_start3A_674 = arith.constant 0 : i32
    %dma_start3A_675 = arith.constant 0 : i32
    %dma_start3A_676 = arith.constant 0 : i32
    %dma_start3A_677 = tpu.memref_slice %arg7[%dma_start3A_674, %dma_start3A_675, %dma_start3A_676] : memref<2x32x1024xf32, #tpu.memory_space<vmem>> -> memref<1x32x1024xf32, #tpu.memory_space<vmem>>
    %dma_start3A_678 = tpu.memref_squeeze %dma_start3A_677 : memref<1x32x1024xf32, #tpu.memory_space<vmem>> -> memref<32x1024xf32, #tpu.memory_space<vmem>>
    %dma_start3A_679 = arith.constant 0 : i32
    %dma_start3A_680 = tpu.memref_slice %arg6[%dma_start3A_673, %dma_start3A_679] : memref<16x32xi32, #tpu.memory_space<vmem>> -> memref<1x32xi32, #tpu.memory_space<vmem>>
    %dma_start3A_681 = tpu.memref_squeeze %dma_start3A_680 : memref<1x32xi32, #tpu.memory_space<vmem>> -> memref<32xi32, #tpu.memory_space<vmem>>
    %dma_start3A_682 = arith.constant 0 : i32
    %dma_start3A_683 = arith.constant 0 : i32
    %dma_start3A_684 = tpu.memref_slice %arg3[%dma_start3A_682, %dma_start3A_683] : memref<100000x1024xf32, #tpu.memory_space<hbm>> -> memref<100000x1024xf32, #tpu.memory_space<hbm>>
    tpu.enqueue_indirect_dma source(%dma_start3A_684 : memref<100000x1024xf32, #tpu.memory_space<hbm>>) target(%dma_start3A_678 : memref<32x1024xf32, #tpu.memory_space<vmem>>) offsets(%dma_start3A_681 : memref<32xi32, #tpu.memory_space<vmem>>) semaphore(%arg9 : memref<!tpu.dma_semaphore, #tpu.memory_space<semaphore_mem>>)
    %add3A_685 = arith.constant 352 : i32
    %add3A_686 = arith.addi %rem3A_3, %add3A_685 : i32
    "tpu.region"() ({
      %run_scoped3A = tpu.sem_alloc : memref<!tpu.dma_semaphore, #tpu.memory_space<semaphore_mem>>
      %dma_start3A_961 = arith.constant 0 : i32
      %dma_start3A_962 = tpu.memref_slice %arg4[%add3A_686, %dma_start3A_961] : memref<8192x1024xf32, #tpu.memory_space<hbm>> -> memref<32x1024xf32, #tpu.memory_space<hbm>>
      %dma_start3A_963 = arith.constant 0 : i32
      %dma_start3A_964 = tpu.memref_slice %arg4[%add3A_686, %dma_start3A_963] : memref<8192x1024xf32, #tpu.memory_space<hbm>> -> memref<32x1024xf32, #tpu.memory_space<hbm>>
      tpu.enqueue_dma source(%dma_start3A_964 : memref<32x1024xf32, #tpu.memory_space<hbm>>) target(%arg8 : memref<32x1024xf32, #tpu.memory_space<vmem>>) target_semaphore(%run_scoped3A : memref<!tpu.dma_semaphore, #tpu.memory_space<semaphore_mem>>)
      %dma_wait3A_965 = arith.constant 0 : i32
      %dma_wait3A_966 = tpu.memref_slice %arg4[%add3A_686, %dma_wait3A_965] : memref<8192x1024xf32, #tpu.memory_space<hbm>> -> memref<32x1024xf32, #tpu.memory_space<hbm>>
      %dma_wait3A_967 = arith.constant 0 : i32
      %dma_wait3A_968 = tpu.memref_slice %arg4[%add3A_686, %dma_wait3A_967] : memref<8192x1024xf32, #tpu.memory_space<hbm>> -> memref<32x1024xf32, #tpu.memory_space<hbm>>
      tpu.wait_dma2 semaphore(%run_scoped3A : memref<!tpu.dma_semaphore, #tpu.memory_space<semaphore_mem>>) src(%dma_wait3A_968 : memref<32x1024xf32, #tpu.memory_space<hbm>>) dst(%arg8 : memref<32x1024xf32, #tpu.memory_space<vmem>>)
      tpu.yield
    }) : () -> ()
    %dma_wait3A_687 = arith.constant 11 : i32
    %dma_wait3A_688 = arith.constant 1 : i32
    %dma_wait3A_689 = arith.constant 0 : i32
    %dma_wait3A_690 = arith.constant 0 : i32
    %dma_wait3A_691 = tpu.memref_slice %arg7[%dma_wait3A_688, %dma_wait3A_689, %dma_wait3A_690] : memref<2x32x1024xf32, #tpu.memory_space<vmem>> -> memref<1x32x1024xf32, #tpu.memory_space<vmem>>
    %dma_wait3A_692 = tpu.memref_squeeze %dma_wait3A_691 : memref<1x32x1024xf32, #tpu.memory_space<vmem>> -> memref<32x1024xf32, #tpu.memory_space<vmem>>
    %dma_wait3A_693 = arith.constant 0 : i32
    %dma_wait3A_694 = tpu.memref_slice %arg6[%dma_wait3A_687, %dma_wait3A_693] : memref<16x32xi32, #tpu.memory_space<vmem>> -> memref<1x32xi32, #tpu.memory_space<vmem>>
    %dma_wait3A_695 = tpu.memref_squeeze %dma_wait3A_694 : memref<1x32xi32, #tpu.memory_space<vmem>> -> memref<32xi32, #tpu.memory_space<vmem>>
    %dma_wait3A_696 = arith.constant 0 : i32
    %dma_wait3A_697 = arith.constant 0 : i32
    %dma_wait3A_698 = tpu.memref_slice %arg3[%dma_wait3A_696, %dma_wait3A_697] : memref<100000x1024xf32, #tpu.memory_space<hbm>> -> memref<100000x1024xf32, #tpu.memory_space<hbm>>
    tpu.wait_indirect_dma semaphore(%arg10 : memref<!tpu.dma_semaphore, #tpu.memory_space<semaphore_mem>>) src(%dma_wait3A_698 : memref<100000x1024xf32, #tpu.memory_space<hbm>>) dst(%dma_wait3A_692 : memref<32x1024xf32, #tpu.memory_space<vmem>>)
    %scan3A_699 = arith.constant 0 : i32
    %scan3A_700 = arith.constant 0 : i32
    %scan3A_701 = arith.constant 2048 : i32
    %scan3A_702 = arith.addi %scan3A_700, %scan3A_701 : i32
    %scan3A_703 = arith.constant 1 : i32
    scf.for %scan3A_961 = %scan3A_700 to %scan3A_702 step %scan3A_703  : i32 {
      %jit3A = arith.constant 64 : i32
      %div3A = arith.divsi %scan3A_961, %jit3A : i32
      %sign3A = arith.constant 0 : i32
      %sign3A_962 = arith.cmpi sgt, %scan3A_961, %sign3A : i32
      %sign3A_963 = arith.extui %sign3A_962 : i1 to i32
      %sign3A_964 = arith.constant 0 : i32
      %sign3A_965 = arith.cmpi slt, %scan3A_961, %sign3A_964 : i32
      %sign3A_966 = arith.extui %sign3A_965 : i1 to i32
      %sign3A_967 = arith.subi %sign3A_963, %sign3A_966 : i32
      %sign3A_968 = arith.constant 0 : i32
      %sign3A_969 = arith.cmpi sgt, %jit3A, %sign3A_968 : i32
      %sign3A_970 = arith.extui %sign3A_969 : i1 to i32
      %sign3A_971 = arith.constant 0 : i32
      %sign3A_972 = arith.cmpi slt, %jit3A, %sign3A_971 : i32
      %sign3A_973 = arith.extui %sign3A_972 : i1 to i32
      %sign3A_974 = arith.subi %sign3A_970, %sign3A_973 : i32
      %ne3A = arith.cmpi ne, %sign3A_967, %sign3A_974 : i32
      %rem3A_975 = arith.remsi %scan3A_961, %jit3A : i32
      %ne3A_976 = arith.constant 0 : i32
      %ne3A_977 = arith.cmpi ne, %rem3A_975, %ne3A_976 : i32
      %and3A = arith.andi %ne3A, %ne3A_977 : i1
      %sub3A = arith.constant 1 : i32
      %sub3A_978 = arith.subi %div3A, %sub3A : i32
      %select_n3A = arith.select %and3A, %sub3A_978, %div3A : i32
      %jit3A_979 = arith.constant 64 : i32
      %eq3A = arith.constant 0 : i32
      %eq3A_980 = arith.cmpi eq, %jit3A_979, %eq3A : i32
      %jit3A_981 = arith.constant 1 : i32
      %select_n3A_982 = arith.select %eq3A_980, %jit3A_981, %jit3A_979 : i32
      %rem3A_983 = arith.remsi %scan3A_961, %select_n3A_982 : i32
      %ne3A_984 = arith.constant 0 : i32
      %ne3A_985 = arith.cmpi ne, %rem3A_983, %ne3A_984 : i32
      %lt3A = arith.constant 0 : i32
      %lt3A_986 = arith.cmpi slt, %rem3A_983, %lt3A : i32
      %lt3A_987 = arith.constant 0 : i32
      %lt3A_988 = arith.cmpi slt, %select_n3A_982, %lt3A_987 : i32
      %ne3A_989 = arith.xori %lt3A_986, %lt3A_988 : i1
      %and3A_990 = arith.andi %ne3A_989, %ne3A_985 : i1
      %add3A_991 = arith.addi %rem3A_983, %select_n3A_982 : i32
      %select_n3A_992 = arith.select %and3A_990, %add3A_991, %rem3A_983 : i32
      %mul3A_993 = arith.constant 16 : i32
      %mul3A_994 = arith.muli %select_n3A_992, %mul3A_993 : i32
      %get3A = arith.constant 1 : i32
      %get3A_995 = arith.index_cast %get3A : i32 to index
      %get3A_996 = arith.index_cast %select_n3A : i32 to index
      %get3A_997 = arith.index_cast %mul3A_994 : i32 to index
      %get3A_998 = tpu.vector_load %arg7[%get3A_995, %get3A_996, %get3A_997] {strides = array<i32>} : memref<2x32x1024xf32, #tpu.memory_space<vmem>>, vector<1x1x16xf32>,
      %get3A_999 = vector.shape_cast %get3A_998 : vector<1x1x16xf32> to vector<16xf32>
      %get3A_1000 = arith.index_cast %select_n3A : i32 to index
      %get3A_1001 = arith.index_cast %mul3A_994 : i32 to index
      %get3A_1002 = tpu.vector_load %arg8[%get3A_1000, %get3A_1001] {strides = array<i32>} : memref<32x1024xf32, #tpu.memory_space<vmem>>, vector<1x16xf32>,
      %get3A_1003 = vector.shape_cast %get3A_1002 : vector<1x16xf32> to vector<16xf32>
      %add3A_1004 = arith.addf %get3A_999, %get3A_1003 : vector<16xf32>
      %swap3A = arith.constant 1 : i32
      %swap3A_1005 = arith.index_cast %swap3A : i32 to index
      %swap3A_1006 = arith.index_cast %select_n3A : i32 to index
      %swap3A_1007 = arith.index_cast %mul3A_994 : i32 to index
      %swap3A_1008 = tpu.vector_load %arg7[%swap3A_1005, %swap3A_1006, %swap3A_1007] {strides = array<i32>} : memref<2x32x1024xf32, #tpu.memory_space<vmem>>, vector<1x1x16xf32>,
      %swap3A_1009 = vector.shape_cast %swap3A_1008 : vector<1x1x16xf32> to vector<16xf32>
      %swap3A_1010 = vector.shape_cast %add3A_1004 : vector<16xf32> to vector<1x1x16xf32>
      tpu.vector_store %arg7[%swap3A_1005, %swap3A_1006, %swap3A_1007], %swap3A_1010 {strides = array<i32>} : memref<2x32x1024xf32, #tpu.memory_space<vmem>>, vector<1x1x16xf32>,
    }
    %scan3A_704 = arith.constant 2048 : i32
    %add3A_705 = arith.constant 352 : i32
    %add3A_706 = arith.addi %mul3A_2, %add3A_705 : i32
    %dma_start3A_707 = arith.constant 1 : i32
    %dma_start3A_708 = arith.constant 0 : i32
    %dma_start3A_709 = arith.constant 0 : i32
    %dma_start3A_710 = tpu.memref_slice %arg7[%dma_start3A_707, %dma_start3A_708, %dma_start3A_709] : memref<2x32x1024xf32, #tpu.memory_space<vmem>> -> memref<1x32x1024xf32, #tpu.memory_space<vmem>>
    %dma_start3A_711 = tpu.memref_squeeze %dma_start3A_710 : memref<1x32x1024xf32, #tpu.memory_space<vmem>> -> memref<32x1024xf32, #tpu.memory_space<vmem>>
    %dma_start3A_712 = arith.constant 0 : i32
    %dma_start3A_713 = tpu.memref_slice %arg5[%add3A_706, %dma_start3A_712] : memref<16384x1024xf32, #tpu.memory_space<hbm>> -> memref<32x1024xf32, #tpu.memory_space<hbm>>
    %dma_start3A_714 = arith.constant 0 : i32
    %dma_start3A_715 = tpu.memref_slice %arg5[%add3A_706, %dma_start3A_714] : memref<16384x1024xf32, #tpu.memory_space<hbm>> -> memref<32x1024xf32, #tpu.memory_space<hbm>>
    %dma_start3A_716 = arith.constant 0 : i32
    %dma_start3A_717 = arith.constant 0 : i32
    %dma_start3A_718 = tpu.memref_slice %arg7[%dma_start3A_707, %dma_start3A_716, %dma_start3A_717] : memref<2x32x1024xf32, #tpu.memory_space<vmem>> -> memref<1x32x1024xf32, #tpu.memory_space<vmem>>
    %dma_start3A_719 = tpu.memref_squeeze %dma_start3A_718 : memref<1x32x1024xf32, #tpu.memory_space<vmem>> -> memref<32x1024xf32, #tpu.memory_space<vmem>>
    tpu.enqueue_dma source(%dma_start3A_719 : memref<32x1024xf32, #tpu.memory_space<vmem>>) target(%dma_start3A_715 : memref<32x1024xf32, #tpu.memory_space<hbm>>) target_semaphore(%arg12 : memref<!tpu.dma_semaphore, #tpu.memory_space<semaphore_mem>>)
    %dma_wait3A_720 = arith.constant 1 : i32
    %dma_wait3A_721 = arith.constant 0 : i32
    %dma_wait3A_722 = arith.constant 0 : i32
    %dma_wait3A_723 = tpu.memref_slice %arg7[%dma_wait3A_720, %dma_wait3A_721, %dma_wait3A_722] : memref<2x32x1024xf32, #tpu.memory_space<vmem>> -> memref<1x32x1024xf32, #tpu.memory_space<vmem>>
    %dma_wait3A_724 = tpu.memref_squeeze %dma_wait3A_723 : memref<1x32x1024xf32, #tpu.memory_space<vmem>> -> memref<32x1024xf32, #tpu.memory_space<vmem>>
    %dma_wait3A_725 = arith.constant 0 : i32
    %dma_wait3A_726 = tpu.memref_slice %arg5[%add3A_706, %dma_wait3A_725] : memref<16384x1024xf32, #tpu.memory_space<hbm>> -> memref<32x1024xf32, #tpu.memory_space<hbm>>
    %dma_wait3A_727 = arith.constant 0 : i32
    %dma_wait3A_728 = tpu.memref_slice %arg5[%add3A_706, %dma_wait3A_727] : memref<16384x1024xf32, #tpu.memory_space<hbm>> -> memref<32x1024xf32, #tpu.memory_space<hbm>>
    %dma_wait3A_729 = arith.constant 0 : i32
    %dma_wait3A_730 = arith.constant 0 : i32
    %dma_wait3A_731 = tpu.memref_slice %arg7[%dma_wait3A_720, %dma_wait3A_729, %dma_wait3A_730] : memref<2x32x1024xf32, #tpu.memory_space<vmem>> -> memref<1x32x1024xf32, #tpu.memory_space<vmem>>
    %dma_wait3A_732 = tpu.memref_squeeze %dma_wait3A_731 : memref<1x32x1024xf32, #tpu.memory_space<vmem>> -> memref<32x1024xf32, #tpu.memory_space<vmem>>
    tpu.wait_dma2 semaphore(%arg12 : memref<!tpu.dma_semaphore, #tpu.memory_space<semaphore_mem>>) src(%dma_wait3A_732 : memref<32x1024xf32, #tpu.memory_space<vmem>>) dst(%dma_wait3A_728 : memref<32x1024xf32, #tpu.memory_space<hbm>>)
    %dma_start3A_733 = arith.constant 13 : i32
    %dma_start3A_734 = arith.constant 1 : i32
    %dma_start3A_735 = arith.constant 0 : i32
    %dma_start3A_736 = arith.constant 0 : i32
    %dma_start3A_737 = tpu.memref_slice %arg7[%dma_start3A_734, %dma_start3A_735, %dma_start3A_736] : memref<2x32x1024xf32, #tpu.memory_space<vmem>> -> memref<1x32x1024xf32, #tpu.memory_space<vmem>>
    %dma_start3A_738 = tpu.memref_squeeze %dma_start3A_737 : memref<1x32x1024xf32, #tpu.memory_space<vmem>> -> memref<32x1024xf32, #tpu.memory_space<vmem>>
    %dma_start3A_739 = arith.constant 0 : i32
    %dma_start3A_740 = tpu.memref_slice %arg6[%dma_start3A_733, %dma_start3A_739] : memref<16x32xi32, #tpu.memory_space<vmem>> -> memref<1x32xi32, #tpu.memory_space<vmem>>
    %dma_start3A_741 = tpu.memref_squeeze %dma_start3A_740 : memref<1x32xi32, #tpu.memory_space<vmem>> -> memref<32xi32, #tpu.memory_space<vmem>>
    %dma_start3A_742 = arith.constant 0 : i32
    %dma_start3A_743 = arith.constant 0 : i32
    %dma_start3A_744 = tpu.memref_slice %arg3[%dma_start3A_742, %dma_start3A_743] : memref<100000x1024xf32, #tpu.memory_space<hbm>> -> memref<100000x1024xf32, #tpu.memory_space<hbm>>
    tpu.enqueue_indirect_dma source(%dma_start3A_744 : memref<100000x1024xf32, #tpu.memory_space<hbm>>) target(%dma_start3A_738 : memref<32x1024xf32, #tpu.memory_space<vmem>>) offsets(%dma_start3A_741 : memref<32xi32, #tpu.memory_space<vmem>>) semaphore(%arg10 : memref<!tpu.dma_semaphore, #tpu.memory_space<semaphore_mem>>)
    %add3A_745 = arith.constant 384 : i32
    %add3A_746 = arith.addi %rem3A_3, %add3A_745 : i32
    "tpu.region"() ({
      %run_scoped3A = tpu.sem_alloc : memref<!tpu.dma_semaphore, #tpu.memory_space<semaphore_mem>>
      %dma_start3A_961 = arith.constant 0 : i32
      %dma_start3A_962 = tpu.memref_slice %arg4[%add3A_746, %dma_start3A_961] : memref<8192x1024xf32, #tpu.memory_space<hbm>> -> memref<32x1024xf32, #tpu.memory_space<hbm>>
      %dma_start3A_963 = arith.constant 0 : i32
      %dma_start3A_964 = tpu.memref_slice %arg4[%add3A_746, %dma_start3A_963] : memref<8192x1024xf32, #tpu.memory_space<hbm>> -> memref<32x1024xf32, #tpu.memory_space<hbm>>
      tpu.enqueue_dma source(%dma_start3A_964 : memref<32x1024xf32, #tpu.memory_space<hbm>>) target(%arg8 : memref<32x1024xf32, #tpu.memory_space<vmem>>) target_semaphore(%run_scoped3A : memref<!tpu.dma_semaphore, #tpu.memory_space<semaphore_mem>>)
      %dma_wait3A_965 = arith.constant 0 : i32
      %dma_wait3A_966 = tpu.memref_slice %arg4[%add3A_746, %dma_wait3A_965] : memref<8192x1024xf32, #tpu.memory_space<hbm>> -> memref<32x1024xf32, #tpu.memory_space<hbm>>
      %dma_wait3A_967 = arith.constant 0 : i32
      %dma_wait3A_968 = tpu.memref_slice %arg4[%add3A_746, %dma_wait3A_967] : memref<8192x1024xf32, #tpu.memory_space<hbm>> -> memref<32x1024xf32, #tpu.memory_space<hbm>>
      tpu.wait_dma2 semaphore(%run_scoped3A : memref<!tpu.dma_semaphore, #tpu.memory_space<semaphore_mem>>) src(%dma_wait3A_968 : memref<32x1024xf32, #tpu.memory_space<hbm>>) dst(%arg8 : memref<32x1024xf32, #tpu.memory_space<vmem>>)
      tpu.yield
    }) : () -> ()
    %dma_wait3A_747 = arith.constant 12 : i32
    %dma_wait3A_748 = arith.constant 0 : i32
    %dma_wait3A_749 = arith.constant 0 : i32
    %dma_wait3A_750 = arith.constant 0 : i32
    %dma_wait3A_751 = tpu.memref_slice %arg7[%dma_wait3A_748, %dma_wait3A_749, %dma_wait3A_750] : memref<2x32x1024xf32, #tpu.memory_space<vmem>> -> memref<1x32x1024xf32, #tpu.memory_space<vmem>>
    %dma_wait3A_752 = tpu.memref_squeeze %dma_wait3A_751 : memref<1x32x1024xf32, #tpu.memory_space<vmem>> -> memref<32x1024xf32, #tpu.memory_space<vmem>>
    %dma_wait3A_753 = arith.constant 0 : i32
    %dma_wait3A_754 = tpu.memref_slice %arg6[%dma_wait3A_747, %dma_wait3A_753] : memref<16x32xi32, #tpu.memory_space<vmem>> -> memref<1x32xi32, #tpu.memory_space<vmem>>
    %dma_wait3A_755 = tpu.memref_squeeze %dma_wait3A_754 : memref<1x32xi32, #tpu.memory_space<vmem>> -> memref<32xi32, #tpu.memory_space<vmem>>
    %dma_wait3A_756 = arith.constant 0 : i32
    %dma_wait3A_757 = arith.constant 0 : i32
    %dma_wait3A_758 = tpu.memref_slice %arg3[%dma_wait3A_756, %dma_wait3A_757] : memref<100000x1024xf32, #tpu.memory_space<hbm>> -> memref<100000x1024xf32, #tpu.memory_space<hbm>>
    tpu.wait_indirect_dma semaphore(%arg9 : memref<!tpu.dma_semaphore, #tpu.memory_space<semaphore_mem>>) src(%dma_wait3A_758 : memref<100000x1024xf32, #tpu.memory_space<hbm>>) dst(%dma_wait3A_752 : memref<32x1024xf32, #tpu.memory_space<vmem>>)
    %scan3A_759 = arith.constant 0 : i32
    %scan3A_760 = arith.constant 0 : i32
    %scan3A_761 = arith.constant 2048 : i32
    %scan3A_762 = arith.addi %scan3A_760, %scan3A_761 : i32
    %scan3A_763 = arith.constant 1 : i32
    scf.for %scan3A_961 = %scan3A_760 to %scan3A_762 step %scan3A_763  : i32 {
      %jit3A = arith.constant 64 : i32
      %div3A = arith.divsi %scan3A_961, %jit3A : i32
      %sign3A = arith.constant 0 : i32
      %sign3A_962 = arith.cmpi sgt, %scan3A_961, %sign3A : i32
      %sign3A_963 = arith.extui %sign3A_962 : i1 to i32
      %sign3A_964 = arith.constant 0 : i32
      %sign3A_965 = arith.cmpi slt, %scan3A_961, %sign3A_964 : i32
      %sign3A_966 = arith.extui %sign3A_965 : i1 to i32
      %sign3A_967 = arith.subi %sign3A_963, %sign3A_966 : i32
      %sign3A_968 = arith.constant 0 : i32
      %sign3A_969 = arith.cmpi sgt, %jit3A, %sign3A_968 : i32
      %sign3A_970 = arith.extui %sign3A_969 : i1 to i32
      %sign3A_971 = arith.constant 0 : i32
      %sign3A_972 = arith.cmpi slt, %jit3A, %sign3A_971 : i32
      %sign3A_973 = arith.extui %sign3A_972 : i1 to i32
      %sign3A_974 = arith.subi %sign3A_970, %sign3A_973 : i32
      %ne3A = arith.cmpi ne, %sign3A_967, %sign3A_974 : i32
      %rem3A_975 = arith.remsi %scan3A_961, %jit3A : i32
      %ne3A_976 = arith.constant 0 : i32
      %ne3A_977 = arith.cmpi ne, %rem3A_975, %ne3A_976 : i32
      %and3A = arith.andi %ne3A, %ne3A_977 : i1
      %sub3A = arith.constant 1 : i32
      %sub3A_978 = arith.subi %div3A, %sub3A : i32
      %select_n3A = arith.select %and3A, %sub3A_978, %div3A : i32
      %jit3A_979 = arith.constant 64 : i32
      %eq3A = arith.constant 0 : i32
      %eq3A_980 = arith.cmpi eq, %jit3A_979, %eq3A : i32
      %jit3A_981 = arith.constant 1 : i32
      %select_n3A_982 = arith.select %eq3A_980, %jit3A_981, %jit3A_979 : i32
      %rem3A_983 = arith.remsi %scan3A_961, %select_n3A_982 : i32
      %ne3A_984 = arith.constant 0 : i32
      %ne3A_985 = arith.cmpi ne, %rem3A_983, %ne3A_984 : i32
      %lt3A = arith.constant 0 : i32
      %lt3A_986 = arith.cmpi slt, %rem3A_983, %lt3A : i32
      %lt3A_987 = arith.constant 0 : i32
      %lt3A_988 = arith.cmpi slt, %select_n3A_982, %lt3A_987 : i32
      %ne3A_989 = arith.xori %lt3A_986, %lt3A_988 : i1
      %and3A_990 = arith.andi %ne3A_989, %ne3A_985 : i1
      %add3A_991 = arith.addi %rem3A_983, %select_n3A_982 : i32
      %select_n3A_992 = arith.select %and3A_990, %add3A_991, %rem3A_983 : i32
      %mul3A_993 = arith.constant 16 : i32
      %mul3A_994 = arith.muli %select_n3A_992, %mul3A_993 : i32
      %get3A = arith.constant 0 : i32
      %get3A_995 = arith.index_cast %get3A : i32 to index
      %get3A_996 = arith.index_cast %select_n3A : i32 to index
      %get3A_997 = arith.index_cast %mul3A_994 : i32 to index
      %get3A_998 = tpu.vector_load %arg7[%get3A_995, %get3A_996, %get3A_997] {strides = array<i32>} : memref<2x32x1024xf32, #tpu.memory_space<vmem>>, vector<1x1x16xf32>,
      %get3A_999 = vector.shape_cast %get3A_998 : vector<1x1x16xf32> to vector<16xf32>
      %get3A_1000 = arith.index_cast %select_n3A : i32 to index
      %get3A_1001 = arith.index_cast %mul3A_994 : i32 to index
      %get3A_1002 = tpu.vector_load %arg8[%get3A_1000, %get3A_1001] {strides = array<i32>} : memref<32x1024xf32, #tpu.memory_space<vmem>>, vector<1x16xf32>,
      %get3A_1003 = vector.shape_cast %get3A_1002 : vector<1x16xf32> to vector<16xf32>
      %add3A_1004 = arith.addf %get3A_999, %get3A_1003 : vector<16xf32>
      %swap3A = arith.constant 0 : i32
      %swap3A_1005 = arith.index_cast %swap3A : i32 to index
      %swap3A_1006 = arith.index_cast %select_n3A : i32 to index
      %swap3A_1007 = arith.index_cast %mul3A_994 : i32 to index
      %swap3A_1008 = tpu.vector_load %arg7[%swap3A_1005, %swap3A_1006, %swap3A_1007] {strides = array<i32>} : memref<2x32x1024xf32, #tpu.memory_space<vmem>>, vector<1x1x16xf32>,
      %swap3A_1009 = vector.shape_cast %swap3A_1008 : vector<1x1x16xf32> to vector<16xf32>
      %swap3A_1010 = vector.shape_cast %add3A_1004 : vector<16xf32> to vector<1x1x16xf32>
      tpu.vector_store %arg7[%swap3A_1005, %swap3A_1006, %swap3A_1007], %swap3A_1010 {strides = array<i32>} : memref<2x32x1024xf32, #tpu.memory_space<vmem>>, vector<1x1x16xf32>,
    }
    %scan3A_764 = arith.constant 2048 : i32
    %add3A_765 = arith.constant 384 : i32
    %add3A_766 = arith.addi %mul3A_2, %add3A_765 : i32
    %dma_start3A_767 = arith.constant 0 : i32
    %dma_start3A_768 = arith.constant 0 : i32
    %dma_start3A_769 = arith.constant 0 : i32
    %dma_start3A_770 = tpu.memref_slice %arg7[%dma_start3A_767, %dma_start3A_768, %dma_start3A_769] : memref<2x32x1024xf32, #tpu.memory_space<vmem>> -> memref<1x32x1024xf32, #tpu.memory_space<vmem>>
    %dma_start3A_771 = tpu.memref_squeeze %dma_start3A_770 : memref<1x32x1024xf32, #tpu.memory_space<vmem>> -> memref<32x1024xf32, #tpu.memory_space<vmem>>
    %dma_start3A_772 = arith.constant 0 : i32
    %dma_start3A_773 = tpu.memref_slice %arg5[%add3A_766, %dma_start3A_772] : memref<16384x1024xf32, #tpu.memory_space<hbm>> -> memref<32x1024xf32, #tpu.memory_space<hbm>>
    %dma_start3A_774 = arith.constant 0 : i32
    %dma_start3A_775 = tpu.memref_slice %arg5[%add3A_766, %dma_start3A_774] : memref<16384x1024xf32, #tpu.memory_space<hbm>> -> memref<32x1024xf32, #tpu.memory_space<hbm>>
    %dma_start3A_776 = arith.constant 0 : i32
    %dma_start3A_777 = arith.constant 0 : i32
    %dma_start3A_778 = tpu.memref_slice %arg7[%dma_start3A_767, %dma_start3A_776, %dma_start3A_777] : memref<2x32x1024xf32, #tpu.memory_space<vmem>> -> memref<1x32x1024xf32, #tpu.memory_space<vmem>>
    %dma_start3A_779 = tpu.memref_squeeze %dma_start3A_778 : memref<1x32x1024xf32, #tpu.memory_space<vmem>> -> memref<32x1024xf32, #tpu.memory_space<vmem>>
    tpu.enqueue_dma source(%dma_start3A_779 : memref<32x1024xf32, #tpu.memory_space<vmem>>) target(%dma_start3A_775 : memref<32x1024xf32, #tpu.memory_space<hbm>>) target_semaphore(%arg11 : memref<!tpu.dma_semaphore, #tpu.memory_space<semaphore_mem>>)
    %dma_wait3A_780 = arith.constant 0 : i32
    %dma_wait3A_781 = arith.constant 0 : i32
    %dma_wait3A_782 = arith.constant 0 : i32
    %dma_wait3A_783 = tpu.memref_slice %arg7[%dma_wait3A_780, %dma_wait3A_781, %dma_wait3A_782] : memref<2x32x1024xf32, #tpu.memory_space<vmem>> -> memref<1x32x1024xf32, #tpu.memory_space<vmem>>
    %dma_wait3A_784 = tpu.memref_squeeze %dma_wait3A_783 : memref<1x32x1024xf32, #tpu.memory_space<vmem>> -> memref<32x1024xf32, #tpu.memory_space<vmem>>
    %dma_wait3A_785 = arith.constant 0 : i32
    %dma_wait3A_786 = tpu.memref_slice %arg5[%add3A_766, %dma_wait3A_785] : memref<16384x1024xf32, #tpu.memory_space<hbm>> -> memref<32x1024xf32, #tpu.memory_space<hbm>>
    %dma_wait3A_787 = arith.constant 0 : i32
    %dma_wait3A_788 = tpu.memref_slice %arg5[%add3A_766, %dma_wait3A_787] : memref<16384x1024xf32, #tpu.memory_space<hbm>> -> memref<32x1024xf32, #tpu.memory_space<hbm>>
    %dma_wait3A_789 = arith.constant 0 : i32
    %dma_wait3A_790 = arith.constant 0 : i32
    %dma_wait3A_791 = tpu.memref_slice %arg7[%dma_wait3A_780, %dma_wait3A_789, %dma_wait3A_790] : memref<2x32x1024xf32, #tpu.memory_space<vmem>> -> memref<1x32x1024xf32, #tpu.memory_space<vmem>>
    %dma_wait3A_792 = tpu.memref_squeeze %dma_wait3A_791 : memref<1x32x1024xf32, #tpu.memory_space<vmem>> -> memref<32x1024xf32, #tpu.memory_space<vmem>>
    tpu.wait_dma2 semaphore(%arg11 : memref<!tpu.dma_semaphore, #tpu.memory_space<semaphore_mem>>) src(%dma_wait3A_792 : memref<32x1024xf32, #tpu.memory_space<vmem>>) dst(%dma_wait3A_788 : memref<32x1024xf32, #tpu.memory_space<hbm>>)
    %dma_start3A_793 = arith.constant 14 : i32
    %dma_start3A_794 = arith.constant 0 : i32
    %dma_start3A_795 = arith.constant 0 : i32
    %dma_start3A_796 = arith.constant 0 : i32
    %dma_start3A_797 = tpu.memref_slice %arg7[%dma_start3A_794, %dma_start3A_795, %dma_start3A_796] : memref<2x32x1024xf32, #tpu.memory_space<vmem>> -> memref<1x32x1024xf32, #tpu.memory_space<vmem>>
    %dma_start3A_798 = tpu.memref_squeeze %dma_start3A_797 : memref<1x32x1024xf32, #tpu.memory_space<vmem>> -> memref<32x1024xf32, #tpu.memory_space<vmem>>
    %dma_start3A_799 = arith.constant 0 : i32
    %dma_start3A_800 = tpu.memref_slice %arg6[%dma_start3A_793, %dma_start3A_799] : memref<16x32xi32, #tpu.memory_space<vmem>> -> memref<1x32xi32, #tpu.memory_space<vmem>>
    %dma_start3A_801 = tpu.memref_squeeze %dma_start3A_800 : memref<1x32xi32, #tpu.memory_space<vmem>> -> memref<32xi32, #tpu.memory_space<vmem>>
    %dma_start3A_802 = arith.constant 0 : i32
    %dma_start3A_803 = arith.constant 0 : i32
    %dma_start3A_804 = tpu.memref_slice %arg3[%dma_start3A_802, %dma_start3A_803] : memref<100000x1024xf32, #tpu.memory_space<hbm>> -> memref<100000x1024xf32, #tpu.memory_space<hbm>>
    tpu.enqueue_indirect_dma source(%dma_start3A_804 : memref<100000x1024xf32, #tpu.memory_space<hbm>>) target(%dma_start3A_798 : memref<32x1024xf32, #tpu.memory_space<vmem>>) offsets(%dma_start3A_801 : memref<32xi32, #tpu.memory_space<vmem>>) semaphore(%arg9 : memref<!tpu.dma_semaphore, #tpu.memory_space<semaphore_mem>>)
    %add3A_805 = arith.constant 416 : i32
    %add3A_806 = arith.addi %rem3A_3, %add3A_805 : i32
    "tpu.region"() ({
      %run_scoped3A = tpu.sem_alloc : memref<!tpu.dma_semaphore, #tpu.memory_space<semaphore_mem>>
      %dma_start3A_961 = arith.constant 0 : i32
      %dma_start3A_962 = tpu.memref_slice %arg4[%add3A_806, %dma_start3A_961] : memref<8192x1024xf32, #tpu.memory_space<hbm>> -> memref<32x1024xf32, #tpu.memory_space<hbm>>
      %dma_start3A_963 = arith.constant 0 : i32
      %dma_start3A_964 = tpu.memref_slice %arg4[%add3A_806, %dma_start3A_963] : memref<8192x1024xf32, #tpu.memory_space<hbm>> -> memref<32x1024xf32, #tpu.memory_space<hbm>>
      tpu.enqueue_dma source(%dma_start3A_964 : memref<32x1024xf32, #tpu.memory_space<hbm>>) target(%arg8 : memref<32x1024xf32, #tpu.memory_space<vmem>>) target_semaphore(%run_scoped3A : memref<!tpu.dma_semaphore, #tpu.memory_space<semaphore_mem>>)
      %dma_wait3A_965 = arith.constant 0 : i32
      %dma_wait3A_966 = tpu.memref_slice %arg4[%add3A_806, %dma_wait3A_965] : memref<8192x1024xf32, #tpu.memory_space<hbm>> -> memref<32x1024xf32, #tpu.memory_space<hbm>>
      %dma_wait3A_967 = arith.constant 0 : i32
      %dma_wait3A_968 = tpu.memref_slice %arg4[%add3A_806, %dma_wait3A_967] : memref<8192x1024xf32, #tpu.memory_space<hbm>> -> memref<32x1024xf32, #tpu.memory_space<hbm>>
      tpu.wait_dma2 semaphore(%run_scoped3A : memref<!tpu.dma_semaphore, #tpu.memory_space<semaphore_mem>>) src(%dma_wait3A_968 : memref<32x1024xf32, #tpu.memory_space<hbm>>) dst(%arg8 : memref<32x1024xf32, #tpu.memory_space<vmem>>)
      tpu.yield
    }) : () -> ()
    %dma_wait3A_807 = arith.constant 13 : i32
    %dma_wait3A_808 = arith.constant 1 : i32
    %dma_wait3A_809 = arith.constant 0 : i32
    %dma_wait3A_810 = arith.constant 0 : i32
    %dma_wait3A_811 = tpu.memref_slice %arg7[%dma_wait3A_808, %dma_wait3A_809, %dma_wait3A_810] : memref<2x32x1024xf32, #tpu.memory_space<vmem>> -> memref<1x32x1024xf32, #tpu.memory_space<vmem>>
    %dma_wait3A_812 = tpu.memref_squeeze %dma_wait3A_811 : memref<1x32x1024xf32, #tpu.memory_space<vmem>> -> memref<32x1024xf32, #tpu.memory_space<vmem>>
    %dma_wait3A_813 = arith.constant 0 : i32
    %dma_wait3A_814 = tpu.memref_slice %arg6[%dma_wait3A_807, %dma_wait3A_813] : memref<16x32xi32, #tpu.memory_space<vmem>> -> memref<1x32xi32, #tpu.memory_space<vmem>>
    %dma_wait3A_815 = tpu.memref_squeeze %dma_wait3A_814 : memref<1x32xi32, #tpu.memory_space<vmem>> -> memref<32xi32, #tpu.memory_space<vmem>>
    %dma_wait3A_816 = arith.constant 0 : i32
    %dma_wait3A_817 = arith.constant 0 : i32
    %dma_wait3A_818 = tpu.memref_slice %arg3[%dma_wait3A_816, %dma_wait3A_817] : memref<100000x1024xf32, #tpu.memory_space<hbm>> -> memref<100000x1024xf32, #tpu.memory_space<hbm>>
    tpu.wait_indirect_dma semaphore(%arg10 : memref<!tpu.dma_semaphore, #tpu.memory_space<semaphore_mem>>) src(%dma_wait3A_818 : memref<100000x1024xf32, #tpu.memory_space<hbm>>) dst(%dma_wait3A_812 : memref<32x1024xf32, #tpu.memory_space<vmem>>)
    %scan3A_819 = arith.constant 0 : i32
    %scan3A_820 = arith.constant 0 : i32
    %scan3A_821 = arith.constant 2048 : i32
    %scan3A_822 = arith.addi %scan3A_820, %scan3A_821 : i32
    %scan3A_823 = arith.constant 1 : i32
    scf.for %scan3A_961 = %scan3A_820 to %scan3A_822 step %scan3A_823  : i32 {
      %jit3A = arith.constant 64 : i32
      %div3A = arith.divsi %scan3A_961, %jit3A : i32
      %sign3A = arith.constant 0 : i32
      %sign3A_962 = arith.cmpi sgt, %scan3A_961, %sign3A : i32
      %sign3A_963 = arith.extui %sign3A_962 : i1 to i32
      %sign3A_964 = arith.constant 0 : i32
      %sign3A_965 = arith.cmpi slt, %scan3A_961, %sign3A_964 : i32
      %sign3A_966 = arith.extui %sign3A_965 : i1 to i32
      %sign3A_967 = arith.subi %sign3A_963, %sign3A_966 : i32
      %sign3A_968 = arith.constant 0 : i32
      %sign3A_969 = arith.cmpi sgt, %jit3A, %sign3A_968 : i32
      %sign3A_970 = arith.extui %sign3A_969 : i1 to i32
      %sign3A_971 = arith.constant 0 : i32
      %sign3A_972 = arith.cmpi slt, %jit3A, %sign3A_971 : i32
      %sign3A_973 = arith.extui %sign3A_972 : i1 to i32
      %sign3A_974 = arith.subi %sign3A_970, %sign3A_973 : i32
      %ne3A = arith.cmpi ne, %sign3A_967, %sign3A_974 : i32
      %rem3A_975 = arith.remsi %scan3A_961, %jit3A : i32
      %ne3A_976 = arith.constant 0 : i32
      %ne3A_977 = arith.cmpi ne, %rem3A_975, %ne3A_976 : i32
      %and3A = arith.andi %ne3A, %ne3A_977 : i1
      %sub3A = arith.constant 1 : i32
      %sub3A_978 = arith.subi %div3A, %sub3A : i32
      %select_n3A = arith.select %and3A, %sub3A_978, %div3A : i32
      %jit3A_979 = arith.constant 64 : i32
      %eq3A = arith.constant 0 : i32
      %eq3A_980 = arith.cmpi eq, %jit3A_979, %eq3A : i32
      %jit3A_981 = arith.constant 1 : i32
      %select_n3A_982 = arith.select %eq3A_980, %jit3A_981, %jit3A_979 : i32
      %rem3A_983 = arith.remsi %scan3A_961, %select_n3A_982 : i32
      %ne3A_984 = arith.constant 0 : i32
      %ne3A_985 = arith.cmpi ne, %rem3A_983, %ne3A_984 : i32
      %lt3A = arith.constant 0 : i32
      %lt3A_986 = arith.cmpi slt, %rem3A_983, %lt3A : i32
      %lt3A_987 = arith.constant 0 : i32
      %lt3A_988 = arith.cmpi slt, %select_n3A_982, %lt3A_987 : i32
      %ne3A_989 = arith.xori %lt3A_986, %lt3A_988 : i1
      %and3A_990 = arith.andi %ne3A_989, %ne3A_985 : i1
      %add3A_991 = arith.addi %rem3A_983, %select_n3A_982 : i32
      %select_n3A_992 = arith.select %and3A_990, %add3A_991, %rem3A_983 : i32
      %mul3A_993 = arith.constant 16 : i32
      %mul3A_994 = arith.muli %select_n3A_992, %mul3A_993 : i32
      %get3A = arith.constant 1 : i32
      %get3A_995 = arith.index_cast %get3A : i32 to index
      %get3A_996 = arith.index_cast %select_n3A : i32 to index
      %get3A_997 = arith.index_cast %mul3A_994 : i32 to index
      %get3A_998 = tpu.vector_load %arg7[%get3A_995, %get3A_996, %get3A_997] {strides = array<i32>} : memref<2x32x1024xf32, #tpu.memory_space<vmem>>, vector<1x1x16xf32>,
      %get3A_999 = vector.shape_cast %get3A_998 : vector<1x1x16xf32> to vector<16xf32>
      %get3A_1000 = arith.index_cast %select_n3A : i32 to index
      %get3A_1001 = arith.index_cast %mul3A_994 : i32 to index
      %get3A_1002 = tpu.vector_load %arg8[%get3A_1000, %get3A_1001] {strides = array<i32>} : memref<32x1024xf32, #tpu.memory_space<vmem>>, vector<1x16xf32>,
      %get3A_1003 = vector.shape_cast %get3A_1002 : vector<1x16xf32> to vector<16xf32>
      %add3A_1004 = arith.addf %get3A_999, %get3A_1003 : vector<16xf32>
      %swap3A = arith.constant 1 : i32
      %swap3A_1005 = arith.index_cast %swap3A : i32 to index
      %swap3A_1006 = arith.index_cast %select_n3A : i32 to index
      %swap3A_1007 = arith.index_cast %mul3A_994 : i32 to index
      %swap3A_1008 = tpu.vector_load %arg7[%swap3A_1005, %swap3A_1006, %swap3A_1007] {strides = array<i32>} : memref<2x32x1024xf32, #tpu.memory_space<vmem>>, vector<1x1x16xf32>,
      %swap3A_1009 = vector.shape_cast %swap3A_1008 : vector<1x1x16xf32> to vector<16xf32>
      %swap3A_1010 = vector.shape_cast %add3A_1004 : vector<16xf32> to vector<1x1x16xf32>
      tpu.vector_store %arg7[%swap3A_1005, %swap3A_1006, %swap3A_1007], %swap3A_1010 {strides = array<i32>} : memref<2x32x1024xf32, #tpu.memory_space<vmem>>, vector<1x1x16xf32>,
    }
    %scan3A_824 = arith.constant 2048 : i32
    %add3A_825 = arith.constant 416 : i32
    %add3A_826 = arith.addi %mul3A_2, %add3A_825 : i32
    %dma_start3A_827 = arith.constant 1 : i32
    %dma_start3A_828 = arith.constant 0 : i32
    %dma_start3A_829 = arith.constant 0 : i32
    %dma_start3A_830 = tpu.memref_slice %arg7[%dma_start3A_827, %dma_start3A_828, %dma_start3A_829] : memref<2x32x1024xf32, #tpu.memory_space<vmem>> -> memref<1x32x1024xf32, #tpu.memory_space<vmem>>
    %dma_start3A_831 = tpu.memref_squeeze %dma_start3A_830 : memref<1x32x1024xf32, #tpu.memory_space<vmem>> -> memref<32x1024xf32, #tpu.memory_space<vmem>>
    %dma_start3A_832 = arith.constant 0 : i32
    %dma_start3A_833 = tpu.memref_slice %arg5[%add3A_826, %dma_start3A_832] : memref<16384x1024xf32, #tpu.memory_space<hbm>> -> memref<32x1024xf32, #tpu.memory_space<hbm>>
    %dma_start3A_834 = arith.constant 0 : i32
    %dma_start3A_835 = tpu.memref_slice %arg5[%add3A_826, %dma_start3A_834] : memref<16384x1024xf32, #tpu.memory_space<hbm>> -> memref<32x1024xf32, #tpu.memory_space<hbm>>
    %dma_start3A_836 = arith.constant 0 : i32
    %dma_start3A_837 = arith.constant 0 : i32
    %dma_start3A_838 = tpu.memref_slice %arg7[%dma_start3A_827, %dma_start3A_836, %dma_start3A_837] : memref<2x32x1024xf32, #tpu.memory_space<vmem>> -> memref<1x32x1024xf32, #tpu.memory_space<vmem>>
    %dma_start3A_839 = tpu.memref_squeeze %dma_start3A_838 : memref<1x32x1024xf32, #tpu.memory_space<vmem>> -> memref<32x1024xf32, #tpu.memory_space<vmem>>
    tpu.enqueue_dma source(%dma_start3A_839 : memref<32x1024xf32, #tpu.memory_space<vmem>>) target(%dma_start3A_835 : memref<32x1024xf32, #tpu.memory_space<hbm>>) target_semaphore(%arg12 : memref<!tpu.dma_semaphore, #tpu.memory_space<semaphore_mem>>)
    %dma_wait3A_840 = arith.constant 1 : i32
    %dma_wait3A_841 = arith.constant 0 : i32
    %dma_wait3A_842 = arith.constant 0 : i32
    %dma_wait3A_843 = tpu.memref_slice %arg7[%dma_wait3A_840, %dma_wait3A_841, %dma_wait3A_842] : memref<2x32x1024xf32, #tpu.memory_space<vmem>> -> memref<1x32x1024xf32, #tpu.memory_space<vmem>>
    %dma_wait3A_844 = tpu.memref_squeeze %dma_wait3A_843 : memref<1x32x1024xf32, #tpu.memory_space<vmem>> -> memref<32x1024xf32, #tpu.memory_space<vmem>>
    %dma_wait3A_845 = arith.constant 0 : i32
    %dma_wait3A_846 = tpu.memref_slice %arg5[%add3A_826, %dma_wait3A_845] : memref<16384x1024xf32, #tpu.memory_space<hbm>> -> memref<32x1024xf32, #tpu.memory_space<hbm>>
    %dma_wait3A_847 = arith.constant 0 : i32
    %dma_wait3A_848 = tpu.memref_slice %arg5[%add3A_826, %dma_wait3A_847] : memref<16384x1024xf32, #tpu.memory_space<hbm>> -> memref<32x1024xf32, #tpu.memory_space<hbm>>
    %dma_wait3A_849 = arith.constant 0 : i32
    %dma_wait3A_850 = arith.constant 0 : i32
    %dma_wait3A_851 = tpu.memref_slice %arg7[%dma_wait3A_840, %dma_wait3A_849, %dma_wait3A_850] : memref<2x32x1024xf32, #tpu.memory_space<vmem>> -> memref<1x32x1024xf32, #tpu.memory_space<vmem>>
    %dma_wait3A_852 = tpu.memref_squeeze %dma_wait3A_851 : memref<1x32x1024xf32, #tpu.memory_space<vmem>> -> memref<32x1024xf32, #tpu.memory_space<vmem>>
    tpu.wait_dma2 semaphore(%arg12 : memref<!tpu.dma_semaphore, #tpu.memory_space<semaphore_mem>>) src(%dma_wait3A_852 : memref<32x1024xf32, #tpu.memory_space<vmem>>) dst(%dma_wait3A_848 : memref<32x1024xf32, #tpu.memory_space<hbm>>)
    %dma_start3A_853 = arith.constant 15 : i32
    %dma_start3A_854 = arith.constant 1 : i32
    %dma_start3A_855 = arith.constant 0 : i32
    %dma_start3A_856 = arith.constant 0 : i32
    %dma_start3A_857 = tpu.memref_slice %arg7[%dma_start3A_854, %dma_start3A_855, %dma_start3A_856] : memref<2x32x1024xf32, #tpu.memory_space<vmem>> -> memref<1x32x1024xf32, #tpu.memory_space<vmem>>
    %dma_start3A_858 = tpu.memref_squeeze %dma_start3A_857 : memref<1x32x1024xf32, #tpu.memory_space<vmem>> -> memref<32x1024xf32, #tpu.memory_space<vmem>>
    %dma_start3A_859 = arith.constant 0 : i32
    %dma_start3A_860 = tpu.memref_slice %arg6[%dma_start3A_853, %dma_start3A_859] : memref<16x32xi32, #tpu.memory_space<vmem>> -> memref<1x32xi32, #tpu.memory_space<vmem>>
    %dma_start3A_861 = tpu.memref_squeeze %dma_start3A_860 : memref<1x32xi32, #tpu.memory_space<vmem>> -> memref<32xi32, #tpu.memory_space<vmem>>
    %dma_start3A_862 = arith.constant 0 : i32
    %dma_start3A_863 = arith.constant 0 : i32
    %dma_start3A_864 = tpu.memref_slice %arg3[%dma_start3A_862, %dma_start3A_863] : memref<100000x1024xf32, #tpu.memory_space<hbm>> -> memref<100000x1024xf32, #tpu.memory_space<hbm>>
    tpu.enqueue_indirect_dma source(%dma_start3A_864 : memref<100000x1024xf32, #tpu.memory_space<hbm>>) target(%dma_start3A_858 : memref<32x1024xf32, #tpu.memory_space<vmem>>) offsets(%dma_start3A_861 : memref<32xi32, #tpu.memory_space<vmem>>) semaphore(%arg10 : memref<!tpu.dma_semaphore, #tpu.memory_space<semaphore_mem>>)
    %add3A_865 = arith.constant 448 : i32
    %add3A_866 = arith.addi %rem3A_3, %add3A_865 : i32
    "tpu.region"() ({
      %run_scoped3A = tpu.sem_alloc : memref<!tpu.dma_semaphore, #tpu.memory_space<semaphore_mem>>
      %dma_start3A_961 = arith.constant 0 : i32
      %dma_start3A_962 = tpu.memref_slice %arg4[%add3A_866, %dma_start3A_961] : memref<8192x1024xf32, #tpu.memory_space<hbm>> -> memref<32x1024xf32, #tpu.memory_space<hbm>>
      %dma_start3A_963 = arith.constant 0 : i32
      %dma_start3A_964 = tpu.memref_slice %arg4[%add3A_866, %dma_start3A_963] : memref<8192x1024xf32, #tpu.memory_space<hbm>> -> memref<32x1024xf32, #tpu.memory_space<hbm>>
      tpu.enqueue_dma source(%dma_start3A_964 : memref<32x1024xf32, #tpu.memory_space<hbm>>) target(%arg8 : memref<32x1024xf32, #tpu.memory_space<vmem>>) target_semaphore(%run_scoped3A : memref<!tpu.dma_semaphore, #tpu.memory_space<semaphore_mem>>)
      %dma_wait3A_965 = arith.constant 0 : i32
      %dma_wait3A_966 = tpu.memref_slice %arg4[%add3A_866, %dma_wait3A_965] : memref<8192x1024xf32, #tpu.memory_space<hbm>> -> memref<32x1024xf32, #tpu.memory_space<hbm>>
      %dma_wait3A_967 = arith.constant 0 : i32
      %dma_wait3A_968 = tpu.memref_slice %arg4[%add3A_866, %dma_wait3A_967] : memref<8192x1024xf32, #tpu.memory_space<hbm>> -> memref<32x1024xf32, #tpu.memory_space<hbm>>
      tpu.wait_dma2 semaphore(%run_scoped3A : memref<!tpu.dma_semaphore, #tpu.memory_space<semaphore_mem>>) src(%dma_wait3A_968 : memref<32x1024xf32, #tpu.memory_space<hbm>>) dst(%arg8 : memref<32x1024xf32, #tpu.memory_space<vmem>>)
      tpu.yield
    }) : () -> ()
    %dma_wait3A_867 = arith.constant 14 : i32
    %dma_wait3A_868 = arith.constant 0 : i32
    %dma_wait3A_869 = arith.constant 0 : i32
    %dma_wait3A_870 = arith.constant 0 : i32
    %dma_wait3A_871 = tpu.memref_slice %arg7[%dma_wait3A_868, %dma_wait3A_869, %dma_wait3A_870] : memref<2x32x1024xf32, #tpu.memory_space<vmem>> -> memref<1x32x1024xf32, #tpu.memory_space<vmem>>
    %dma_wait3A_872 = tpu.memref_squeeze %dma_wait3A_871 : memref<1x32x1024xf32, #tpu.memory_space<vmem>> -> memref<32x1024xf32, #tpu.memory_space<vmem>>
    %dma_wait3A_873 = arith.constant 0 : i32
    %dma_wait3A_874 = tpu.memref_slice %arg6[%dma_wait3A_867, %dma_wait3A_873] : memref<16x32xi32, #tpu.memory_space<vmem>> -> memref<1x32xi32, #tpu.memory_space<vmem>>
    %dma_wait3A_875 = tpu.memref_squeeze %dma_wait3A_874 : memref<1x32xi32, #tpu.memory_space<vmem>> -> memref<32xi32, #tpu.memory_space<vmem>>
    %dma_wait3A_876 = arith.constant 0 : i32
    %dma_wait3A_877 = arith.constant 0 : i32
    %dma_wait3A_878 = tpu.memref_slice %arg3[%dma_wait3A_876, %dma_wait3A_877] : memref<100000x1024xf32, #tpu.memory_space<hbm>> -> memref<100000x1024xf32, #tpu.memory_space<hbm>>
    tpu.wait_indirect_dma semaphore(%arg9 : memref<!tpu.dma_semaphore, #tpu.memory_space<semaphore_mem>>) src(%dma_wait3A_878 : memref<100000x1024xf32, #tpu.memory_space<hbm>>) dst(%dma_wait3A_872 : memref<32x1024xf32, #tpu.memory_space<vmem>>)
    %scan3A_879 = arith.constant 0 : i32
    %scan3A_880 = arith.constant 0 : i32
    %scan3A_881 = arith.constant 2048 : i32
    %scan3A_882 = arith.addi %scan3A_880, %scan3A_881 : i32
    %scan3A_883 = arith.constant 1 : i32
    scf.for %scan3A_961 = %scan3A_880 to %scan3A_882 step %scan3A_883  : i32 {
      %jit3A = arith.constant 64 : i32
      %div3A = arith.divsi %scan3A_961, %jit3A : i32
      %sign3A = arith.constant 0 : i32
      %sign3A_962 = arith.cmpi sgt, %scan3A_961, %sign3A : i32
      %sign3A_963 = arith.extui %sign3A_962 : i1 to i32
      %sign3A_964 = arith.constant 0 : i32
      %sign3A_965 = arith.cmpi slt, %scan3A_961, %sign3A_964 : i32
      %sign3A_966 = arith.extui %sign3A_965 : i1 to i32
      %sign3A_967 = arith.subi %sign3A_963, %sign3A_966 : i32
      %sign3A_968 = arith.constant 0 : i32
      %sign3A_969 = arith.cmpi sgt, %jit3A, %sign3A_968 : i32
      %sign3A_970 = arith.extui %sign3A_969 : i1 to i32
      %sign3A_971 = arith.constant 0 : i32
      %sign3A_972 = arith.cmpi slt, %jit3A, %sign3A_971 : i32
      %sign3A_973 = arith.extui %sign3A_972 : i1 to i32
      %sign3A_974 = arith.subi %sign3A_970, %sign3A_973 : i32
      %ne3A = arith.cmpi ne, %sign3A_967, %sign3A_974 : i32
      %rem3A_975 = arith.remsi %scan3A_961, %jit3A : i32
      %ne3A_976 = arith.constant 0 : i32
      %ne3A_977 = arith.cmpi ne, %rem3A_975, %ne3A_976 : i32
      %and3A = arith.andi %ne3A, %ne3A_977 : i1
      %sub3A = arith.constant 1 : i32
      %sub3A_978 = arith.subi %div3A, %sub3A : i32
      %select_n3A = arith.select %and3A, %sub3A_978, %div3A : i32
      %jit3A_979 = arith.constant 64 : i32
      %eq3A = arith.constant 0 : i32
      %eq3A_980 = arith.cmpi eq, %jit3A_979, %eq3A : i32
      %jit3A_981 = arith.constant 1 : i32
      %select_n3A_982 = arith.select %eq3A_980, %jit3A_981, %jit3A_979 : i32
      %rem3A_983 = arith.remsi %scan3A_961, %select_n3A_982 : i32
      %ne3A_984 = arith.constant 0 : i32
      %ne3A_985 = arith.cmpi ne, %rem3A_983, %ne3A_984 : i32
      %lt3A = arith.constant 0 : i32
      %lt3A_986 = arith.cmpi slt, %rem3A_983, %lt3A : i32
      %lt3A_987 = arith.constant 0 : i32
      %lt3A_988 = arith.cmpi slt, %select_n3A_982, %lt3A_987 : i32
      %ne3A_989 = arith.xori %lt3A_986, %lt3A_988 : i1
      %and3A_990 = arith.andi %ne3A_989, %ne3A_985 : i1
      %add3A_991 = arith.addi %rem3A_983, %select_n3A_982 : i32
      %select_n3A_992 = arith.select %and3A_990, %add3A_991, %rem3A_983 : i32
      %mul3A_993 = arith.constant 16 : i32
      %mul3A_994 = arith.muli %select_n3A_992, %mul3A_993 : i32
      %get3A = arith.constant 0 : i32
      %get3A_995 = arith.index_cast %get3A : i32 to index
      %get3A_996 = arith.index_cast %select_n3A : i32 to index
      %get3A_997 = arith.index_cast %mul3A_994 : i32 to index
      %get3A_998 = tpu.vector_load %arg7[%get3A_995, %get3A_996, %get3A_997] {strides = array<i32>} : memref<2x32x1024xf32, #tpu.memory_space<vmem>>, vector<1x1x16xf32>,
      %get3A_999 = vector.shape_cast %get3A_998 : vector<1x1x16xf32> to vector<16xf32>
      %get3A_1000 = arith.index_cast %select_n3A : i32 to index
      %get3A_1001 = arith.index_cast %mul3A_994 : i32 to index
      %get3A_1002 = tpu.vector_load %arg8[%get3A_1000, %get3A_1001] {strides = array<i32>} : memref<32x1024xf32, #tpu.memory_space<vmem>>, vector<1x16xf32>,
      %get3A_1003 = vector.shape_cast %get3A_1002 : vector<1x16xf32> to vector<16xf32>
      %add3A_1004 = arith.addf %get3A_999, %get3A_1003 : vector<16xf32>
      %swap3A = arith.constant 0 : i32
      %swap3A_1005 = arith.index_cast %swap3A : i32 to index
      %swap3A_1006 = arith.index_cast %select_n3A : i32 to index
      %swap3A_1007 = arith.index_cast %mul3A_994 : i32 to index
      %swap3A_1008 = tpu.vector_load %arg7[%swap3A_1005, %swap3A_1006, %swap3A_1007] {strides = array<i32>} : memref<2x32x1024xf32, #tpu.memory_space<vmem>>, vector<1x1x16xf32>,
      %swap3A_1009 = vector.shape_cast %swap3A_1008 : vector<1x1x16xf32> to vector<16xf32>
      %swap3A_1010 = vector.shape_cast %add3A_1004 : vector<16xf32> to vector<1x1x16xf32>
      tpu.vector_store %arg7[%swap3A_1005, %swap3A_1006, %swap3A_1007], %swap3A_1010 {strides = array<i32>} : memref<2x32x1024xf32, #tpu.memory_space<vmem>>, vector<1x1x16xf32>,
    }
    %scan3A_884 = arith.constant 2048 : i32
    %add3A_885 = arith.constant 448 : i32
    %add3A_886 = arith.addi %mul3A_2, %add3A_885 : i32
    %dma_start3A_887 = arith.constant 0 : i32
    %dma_start3A_888 = arith.constant 0 : i32
    %dma_start3A_889 = arith.constant 0 : i32
    %dma_start3A_890 = tpu.memref_slice %arg7[%dma_start3A_887, %dma_start3A_888, %dma_start3A_889] : memref<2x32x1024xf32, #tpu.memory_space<vmem>> -> memref<1x32x1024xf32, #tpu.memory_space<vmem>>
    %dma_start3A_891 = tpu.memref_squeeze %dma_start3A_890 : memref<1x32x1024xf32, #tpu.memory_space<vmem>> -> memref<32x1024xf32, #tpu.memory_space<vmem>>
    %dma_start3A_892 = arith.constant 0 : i32
    %dma_start3A_893 = tpu.memref_slice %arg5[%add3A_886, %dma_start3A_892] : memref<16384x1024xf32, #tpu.memory_space<hbm>> -> memref<32x1024xf32, #tpu.memory_space<hbm>>
    %dma_start3A_894 = arith.constant 0 : i32
    %dma_start3A_895 = tpu.memref_slice %arg5[%add3A_886, %dma_start3A_894] : memref<16384x1024xf32, #tpu.memory_space<hbm>> -> memref<32x1024xf32, #tpu.memory_space<hbm>>
    %dma_start3A_896 = arith.constant 0 : i32
    %dma_start3A_897 = arith.constant 0 : i32
    %dma_start3A_898 = tpu.memref_slice %arg7[%dma_start3A_887, %dma_start3A_896, %dma_start3A_897] : memref<2x32x1024xf32, #tpu.memory_space<vmem>> -> memref<1x32x1024xf32, #tpu.memory_space<vmem>>
    %dma_start3A_899 = tpu.memref_squeeze %dma_start3A_898 : memref<1x32x1024xf32, #tpu.memory_space<vmem>> -> memref<32x1024xf32, #tpu.memory_space<vmem>>
    tpu.enqueue_dma source(%dma_start3A_899 : memref<32x1024xf32, #tpu.memory_space<vmem>>) target(%dma_start3A_895 : memref<32x1024xf32, #tpu.memory_space<hbm>>) target_semaphore(%arg11 : memref<!tpu.dma_semaphore, #tpu.memory_space<semaphore_mem>>)
    %add3A_900 = arith.constant 480 : i32
    %add3A_901 = arith.addi %rem3A_3, %add3A_900 : i32
    "tpu.region"() ({
      %run_scoped3A = tpu.sem_alloc : memref<!tpu.dma_semaphore, #tpu.memory_space<semaphore_mem>>
      %dma_start3A_961 = arith.constant 0 : i32
      %dma_start3A_962 = tpu.memref_slice %arg4[%add3A_901, %dma_start3A_961] : memref<8192x1024xf32, #tpu.memory_space<hbm>> -> memref<32x1024xf32, #tpu.memory_space<hbm>>
      %dma_start3A_963 = arith.constant 0 : i32
      %dma_start3A_964 = tpu.memref_slice %arg4[%add3A_901, %dma_start3A_963] : memref<8192x1024xf32, #tpu.memory_space<hbm>> -> memref<32x1024xf32, #tpu.memory_space<hbm>>
      tpu.enqueue_dma source(%dma_start3A_964 : memref<32x1024xf32, #tpu.memory_space<hbm>>) target(%arg8 : memref<32x1024xf32, #tpu.memory_space<vmem>>) target_semaphore(%run_scoped3A : memref<!tpu.dma_semaphore, #tpu.memory_space<semaphore_mem>>)
      %dma_wait3A_965 = arith.constant 0 : i32
      %dma_wait3A_966 = tpu.memref_slice %arg4[%add3A_901, %dma_wait3A_965] : memref<8192x1024xf32, #tpu.memory_space<hbm>> -> memref<32x1024xf32, #tpu.memory_space<hbm>>
      %dma_wait3A_967 = arith.constant 0 : i32
      %dma_wait3A_968 = tpu.memref_slice %arg4[%add3A_901, %dma_wait3A_967] : memref<8192x1024xf32, #tpu.memory_space<hbm>> -> memref<32x1024xf32, #tpu.memory_space<hbm>>
      tpu.wait_dma2 semaphore(%run_scoped3A : memref<!tpu.dma_semaphore, #tpu.memory_space<semaphore_mem>>) src(%dma_wait3A_968 : memref<32x1024xf32, #tpu.memory_space<hbm>>) dst(%arg8 : memref<32x1024xf32, #tpu.memory_space<vmem>>)
      tpu.yield
    }) : () -> ()
    %dma_wait3A_902 = arith.constant 15 : i32
    %dma_wait3A_903 = arith.constant 1 : i32
    %dma_wait3A_904 = arith.constant 0 : i32
    %dma_wait3A_905 = arith.constant 0 : i32
    %dma_wait3A_906 = tpu.memref_slice %arg7[%dma_wait3A_903, %dma_wait3A_904, %dma_wait3A_905] : memref<2x32x1024xf32, #tpu.memory_space<vmem>> -> memref<1x32x1024xf32, #tpu.memory_space<vmem>>
    %dma_wait3A_907 = tpu.memref_squeeze %dma_wait3A_906 : memref<1x32x1024xf32, #tpu.memory_space<vmem>> -> memref<32x1024xf32, #tpu.memory_space<vmem>>
    %dma_wait3A_908 = arith.constant 0 : i32
    %dma_wait3A_909 = tpu.memref_slice %arg6[%dma_wait3A_902, %dma_wait3A_908] : memref<16x32xi32, #tpu.memory_space<vmem>> -> memref<1x32xi32, #tpu.memory_space<vmem>>
    %dma_wait3A_910 = tpu.memref_squeeze %dma_wait3A_909 : memref<1x32xi32, #tpu.memory_space<vmem>> -> memref<32xi32, #tpu.memory_space<vmem>>
    %dma_wait3A_911 = arith.constant 0 : i32
    %dma_wait3A_912 = arith.constant 0 : i32
    %dma_wait3A_913 = tpu.memref_slice %arg3[%dma_wait3A_911, %dma_wait3A_912] : memref<100000x1024xf32, #tpu.memory_space<hbm>> -> memref<100000x1024xf32, #tpu.memory_space<hbm>>
    tpu.wait_indirect_dma semaphore(%arg10 : memref<!tpu.dma_semaphore, #tpu.memory_space<semaphore_mem>>) src(%dma_wait3A_913 : memref<100000x1024xf32, #tpu.memory_space<hbm>>) dst(%dma_wait3A_907 : memref<32x1024xf32, #tpu.memory_space<vmem>>)
    %scan3A_914 = arith.constant 0 : i32
    %scan3A_915 = arith.constant 0 : i32
    %scan3A_916 = arith.constant 2048 : i32
    %scan3A_917 = arith.addi %scan3A_915, %scan3A_916 : i32
    %scan3A_918 = arith.constant 1 : i32
    scf.for %scan3A_961 = %scan3A_915 to %scan3A_917 step %scan3A_918  : i32 {
      %jit3A = arith.constant 64 : i32
      %div3A = arith.divsi %scan3A_961, %jit3A : i32
      %sign3A = arith.constant 0 : i32
      %sign3A_962 = arith.cmpi sgt, %scan3A_961, %sign3A : i32
      %sign3A_963 = arith.extui %sign3A_962 : i1 to i32
      %sign3A_964 = arith.constant 0 : i32
      %sign3A_965 = arith.cmpi slt, %scan3A_961, %sign3A_964 : i32
      %sign3A_966 = arith.extui %sign3A_965 : i1 to i32
      %sign3A_967 = arith.subi %sign3A_963, %sign3A_966 : i32
      %sign3A_968 = arith.constant 0 : i32
      %sign3A_969 = arith.cmpi sgt, %jit3A, %sign3A_968 : i32
      %sign3A_970 = arith.extui %sign3A_969 : i1 to i32
      %sign3A_971 = arith.constant 0 : i32
      %sign3A_972 = arith.cmpi slt, %jit3A, %sign3A_971 : i32
      %sign3A_973 = arith.extui %sign3A_972 : i1 to i32
      %sign3A_974 = arith.subi %sign3A_970, %sign3A_973 : i32
      %ne3A = arith.cmpi ne, %sign3A_967, %sign3A_974 : i32
      %rem3A_975 = arith.remsi %scan3A_961, %jit3A : i32
      %ne3A_976 = arith.constant 0 : i32
      %ne3A_977 = arith.cmpi ne, %rem3A_975, %ne3A_976 : i32
      %and3A = arith.andi %ne3A, %ne3A_977 : i1
      %sub3A = arith.constant 1 : i32
      %sub3A_978 = arith.subi %div3A, %sub3A : i32
      %select_n3A = arith.select %and3A, %sub3A_978, %div3A : i32
      %jit3A_979 = arith.constant 64 : i32
      %eq3A = arith.constant 0 : i32
      %eq3A_980 = arith.cmpi eq, %jit3A_979, %eq3A : i32
      %jit3A_981 = arith.constant 1 : i32
      %select_n3A_982 = arith.select %eq3A_980, %jit3A_981, %jit3A_979 : i32
      %rem3A_983 = arith.remsi %scan3A_961, %select_n3A_982 : i32
      %ne3A_984 = arith.constant 0 : i32
      %ne3A_985 = arith.cmpi ne, %rem3A_983, %ne3A_984 : i32
      %lt3A = arith.constant 0 : i32
      %lt3A_986 = arith.cmpi slt, %rem3A_983, %lt3A : i32
      %lt3A_987 = arith.constant 0 : i32
      %lt3A_988 = arith.cmpi slt, %select_n3A_982, %lt3A_987 : i32
      %ne3A_989 = arith.xori %lt3A_986, %lt3A_988 : i1
      %and3A_990 = arith.andi %ne3A_989, %ne3A_985 : i1
      %add3A_991 = arith.addi %rem3A_983, %select_n3A_982 : i32
      %select_n3A_992 = arith.select %and3A_990, %add3A_991, %rem3A_983 : i32
      %mul3A_993 = arith.constant 16 : i32
      %mul3A_994 = arith.muli %select_n3A_992, %mul3A_993 : i32
      %get3A = arith.constant 1 : i32
      %get3A_995 = arith.index_cast %get3A : i32 to index
      %get3A_996 = arith.index_cast %select_n3A : i32 to index
      %get3A_997 = arith.index_cast %mul3A_994 : i32 to index
      %get3A_998 = tpu.vector_load %arg7[%get3A_995, %get3A_996, %get3A_997] {strides = array<i32>} : memref<2x32x1024xf32, #tpu.memory_space<vmem>>, vector<1x1x16xf32>,
      %get3A_999 = vector.shape_cast %get3A_998 : vector<1x1x16xf32> to vector<16xf32>
      %get3A_1000 = arith.index_cast %select_n3A : i32 to index
      %get3A_1001 = arith.index_cast %mul3A_994 : i32 to index
      %get3A_1002 = tpu.vector_load %arg8[%get3A_1000, %get3A_1001] {strides = array<i32>} : memref<32x1024xf32, #tpu.memory_space<vmem>>, vector<1x16xf32>,
      %get3A_1003 = vector.shape_cast %get3A_1002 : vector<1x16xf32> to vector<16xf32>
      %add3A_1004 = arith.addf %get3A_999, %get3A_1003 : vector<16xf32>
      %swap3A = arith.constant 1 : i32
      %swap3A_1005 = arith.index_cast %swap3A : i32 to index
      %swap3A_1006 = arith.index_cast %select_n3A : i32 to index
      %swap3A_1007 = arith.index_cast %mul3A_994 : i32 to index
      %swap3A_1008 = tpu.vector_load %arg7[%swap3A_1005, %swap3A_1006, %swap3A_1007] {strides = array<i32>} : memref<2x32x1024xf32, #tpu.memory_space<vmem>>, vector<1x1x16xf32>,
      %swap3A_1009 = vector.shape_cast %swap3A_1008 : vector<1x1x16xf32> to vector<16xf32>
      %swap3A_1010 = vector.shape_cast %add3A_1004 : vector<16xf32> to vector<1x1x16xf32>
      tpu.vector_store %arg7[%swap3A_1005, %swap3A_1006, %swap3A_1007], %swap3A_1010 {strides = array<i32>} : memref<2x32x1024xf32, #tpu.memory_space<vmem>>, vector<1x1x16xf32>,
    }
    %scan3A_919 = arith.constant 2048 : i32
    %add3A_920 = arith.constant 480 : i32
    %add3A_921 = arith.addi %mul3A_2, %add3A_920 : i32
    %dma_start3A_922 = arith.constant 1 : i32
    %dma_start3A_923 = arith.constant 0 : i32
    %dma_start3A_924 = arith.constant 0 : i32
    %dma_start3A_925 = tpu.memref_slice %arg7[%dma_start3A_922, %dma_start3A_923, %dma_start3A_924] : memref<2x32x1024xf32, #tpu.memory_space<vmem>> -> memref<1x32x1024xf32, #tpu.memory_space<vmem>>
    %dma_start3A_926 = tpu.memref_squeeze %dma_start3A_925 : memref<1x32x1024xf32, #tpu.memory_space<vmem>> -> memref<32x1024xf32, #tpu.memory_space<vmem>>
    %dma_start3A_927 = arith.constant 0 : i32
    %dma_start3A_928 = tpu.memref_slice %arg5[%add3A_921, %dma_start3A_927] : memref<16384x1024xf32, #tpu.memory_space<hbm>> -> memref<32x1024xf32, #tpu.memory_space<hbm>>
    %dma_start3A_929 = arith.constant 0 : i32
    %dma_start3A_930 = tpu.memref_slice %arg5[%add3A_921, %dma_start3A_929] : memref<16384x1024xf32, #tpu.memory_space<hbm>> -> memref<32x1024xf32, #tpu.memory_space<hbm>>
    %dma_start3A_931 = arith.constant 0 : i32
    %dma_start3A_932 = arith.constant 0 : i32
    %dma_start3A_933 = tpu.memref_slice %arg7[%dma_start3A_922, %dma_start3A_931, %dma_start3A_932] : memref<2x32x1024xf32, #tpu.memory_space<vmem>> -> memref<1x32x1024xf32, #tpu.memory_space<vmem>>
    %dma_start3A_934 = tpu.memref_squeeze %dma_start3A_933 : memref<1x32x1024xf32, #tpu.memory_space<vmem>> -> memref<32x1024xf32, #tpu.memory_space<vmem>>
    tpu.enqueue_dma source(%dma_start3A_934 : memref<32x1024xf32, #tpu.memory_space<vmem>>) target(%dma_start3A_930 : memref<32x1024xf32, #tpu.memory_space<hbm>>) target_semaphore(%arg12 : memref<!tpu.dma_semaphore, #tpu.memory_space<semaphore_mem>>)
    %dma_wait3A_935 = arith.constant 0 : i32
    %dma_wait3A_936 = arith.constant 0 : i32
    %dma_wait3A_937 = arith.constant 0 : i32
    %dma_wait3A_938 = tpu.memref_slice %arg7[%dma_wait3A_935, %dma_wait3A_936, %dma_wait3A_937] : memref<2x32x1024xf32, #tpu.memory_space<vmem>> -> memref<1x32x1024xf32, #tpu.memory_space<vmem>>
    %dma_wait3A_939 = tpu.memref_squeeze %dma_wait3A_938 : memref<1x32x1024xf32, #tpu.memory_space<vmem>> -> memref<32x1024xf32, #tpu.memory_space<vmem>>
    %dma_wait3A_940 = arith.constant 0 : i32
    %dma_wait3A_941 = tpu.memref_slice %arg5[%add3A_886, %dma_wait3A_940] : memref<16384x1024xf32, #tpu.memory_space<hbm>> -> memref<32x1024xf32, #tpu.memory_space<hbm>>
    %dma_wait3A_942 = arith.constant 0 : i32
    %dma_wait3A_943 = tpu.memref_slice %arg5[%add3A_886, %dma_wait3A_942] : memref<16384x1024xf32, #tpu.memory_space<hbm>> -> memref<32x1024xf32, #tpu.memory_space<hbm>>
    %dma_wait3A_944 = arith.constant 0 : i32
    %dma_wait3A_945 = arith.constant 0 : i32
    %dma_wait3A_946 = tpu.memref_slice %arg7[%dma_wait3A_935, %dma_wait3A_944, %dma_wait3A_945] : memref<2x32x1024xf32, #tpu.memory_space<vmem>> -> memref<1x32x1024xf32, #tpu.memory_space<vmem>>
    %dma_wait3A_947 = tpu.memref_squeeze %dma_wait3A_946 : memref<1x32x1024xf32, #tpu.memory_space<vmem>> -> memref<32x1024xf32, #tpu.memory_space<vmem>>
    tpu.wait_dma2 semaphore(%arg11 : memref<!tpu.dma_semaphore, #tpu.memory_space<semaphore_mem>>) src(%dma_wait3A_947 : memref<32x1024xf32, #tpu.memory_space<vmem>>) dst(%dma_wait3A_943 : memref<32x1024xf32, #tpu.memory_space<hbm>>)
    %dma_wait3A_948 = arith.constant 1 : i32
    %dma_wait3A_949 = arith.constant 0 : i32
    %dma_wait3A_950 = arith.constant 0 : i32
    %dma_wait3A_951 = tpu.memref_slice %arg7[%dma_wait3A_948, %dma_wait3A_949, %dma_wait3A_950] : memref<2x32x1024xf32, #tpu.memory_space<vmem>> -> memref<1x32x1024xf32, #tpu.memory_space<vmem>>
    %dma_wait3A_952 = tpu.memref_squeeze %dma_wait3A_951 : memref<1x32x1024xf32, #tpu.memory_space<vmem>> -> memref<32x1024xf32, #tpu.memory_space<vmem>>
    %dma_wait3A_953 = arith.constant 0 : i32
    %dma_wait3A_954 = tpu.memref_slice %arg5[%add3A_921, %dma_wait3A_953] : memref<16384x1024xf32, #tpu.memory_space<hbm>> -> memref<32x1024xf32, #tpu.memory_space<hbm>>
    %dma_wait3A_955 = arith.constant 0 : i32
    %dma_wait3A_956 = tpu.memref_slice %arg5[%add3A_921, %dma_wait3A_955] : memref<16384x1024xf32, #tpu.memory_space<hbm>> -> memref<32x1024xf32, #tpu.memory_space<hbm>>
    %dma_wait3A_957 = arith.constant 0 : i32
    %dma_wait3A_958 = arith.constant 0 : i32
    %dma_wait3A_959 = tpu.memref_slice %arg7[%dma_wait3A_948, %dma_wait3A_957, %dma_wait3A_958] : memref<2x32x1024xf32, #tpu.memory_space<vmem>> -> memref<1x32x1024xf32, #tpu.memory_space<vmem>>
    %dma_wait3A_960 = tpu.memref_squeeze %dma_wait3A_959 : memref<1x32x1024xf32, #tpu.memory_space<vmem>> -> memref<32x1024xf32, #tpu.memory_space<vmem>>
    tpu.wait_dma2 semaphore(%arg12 : memref<!tpu.dma_semaphore, #tpu.memory_space<semaphore_mem>>) src(%dma_wait3A_960 : memref<32x1024xf32, #tpu.memory_space<vmem>>) dst(%dma_wait3A_956 : memref<32x1024xf32, #tpu.memory_space<hbm>>)
    return
  }
}

</mosaic_0001>

<sc_bundles>
// kernel: _sc_embed.3.cloned.1.call-start
scs
__scs_entry_jumppad:
0x0: {  	(pc) =	sbr.rel $0x88, $3  }
0x1: {  	(tag) =	ssettag $0x0;
	lr =	simm.s32 $0x1  }
0x2: {  	[smem:$0x3F9E] =	sst lr;
	_ =	strace $0xD0000000  }
0x3: {  	_ = 	snop  }
0x4: {  	_ = 	snop  }
0x5: {  	_ = 	snop  }
0x6: {  	_ = 	snop  }
0x7: {  	_ = 	snop  }
__scs_overlays_trampoline_lowered:
0x8: {  	[smem:$0x3FAD] =	sst s0  }
0x9: {  	[smem:$0x3FAE] =	sst s1  }
0xa: {  	[smem:$0x3FAF] =	sst s2  }
0xb: {  	[smem:$0x3FB0] =	sst s3  }
0xc: {  	[smem:$0x3FB1] =	sst s4  }
0xd: {  	[smem:$0x3FB2] =	sst s5  }
0xe: {  	[smem:$0x3FB3] =	sst s6  }
0xf: {  	[smem:$0x3FB4] =	sst s7  }
0x10: {  	[smem:$0x3FB5] =	sst s8  }
0x11: {  	[smem:$0x3FB6] =	sst s9;
	s0 =	simm.s32 @!p0 $0x0  }
0x12: {  	s1 =	sld [smem:$0x3F9C];
	s0 =	simm.s32 @p0 $0x1  }
0x13: {  	[smem:$0x3FB7] =	sst s0;
	s0 =	simm.s32 @!p1 $0x0  }
0x14: {  	s2 =	sld [smem:$0x3F9B];
	s0 =	simm.s32 @p1 $0x1  }
0x15: {  	[smem:$0x3FB8] =	sst s0;
	s0 =	simm.s32 @!p2 $0x0  }
0x16: {  	s3 =	sld [smem:$0x3FDB];
	s0 =	simm.s32 @p2 $0x1  }
0x17: {  	s4 =	simm.s32 $0x1BF5;
	[smem:$0x3FBA] =	sst s0  }
0x18: {  	s0 =	sld [smem:$0x3F9D];
	_ =	swait.ge [sflag:s4], $0x0  }
0x19: {  	s7 =	sld [smem:$0x3F9E]  }
0x1a: {  	s8 =	sadd.s32 $0xFFFFE003, lr  }
0x1b: {  	s9 =	sadd.s32 $0xFFFFFEF7, lr;
	s5 =	simm.s32 $0xFFFFFFFF;
	p2 =	slt.u32 s8, $0xFFFFF086  }
0x1c: {  	p1 =	slt.u32 s9, $0xF7A;
	s5 =	simm.s32 @!p2 $0x0  }
0x1d: {  	s5 =	simm.s32 @p1 $0x1;
	p0 =	seq.s32 s7, s2  }
0x1e: {  	s7 =	smul.u32 @!p0 $0xF7A, s2;
	p2 =	seq.s32 @!p0 s5, $0x0  }
0x1f: {  	s9 =	smul.u32 $0xF7A, s1;
	s8 =	simm.s32 @!p0 $0x1BF5;
	p2 =	por !p2, p0  }
0x20: {  	[sflag:s8] =	ssyncset.s32 @!p0 $0xFFFFF086;
	s6 =	sadd.s32 @!p0 s3, s7;
	s7 =	simm.s32 @!p0 $0x108  }
0x21: {  	s3 =	sadd.s32 s3, s9;
	s6 =	sadd.s32 @!p0 $0x88, s6;
	s7 =	simm.s32 @p2 $0x1082  }
0x22: {  	[simem:s7], [sflag:s8] =	dma.local @!p0 [hbm:s6], $0xF7A  }
0x23: {  	s9 =	sor.u32 $0xD0000000, s2;
	s6 =	simm.s32 $0x108;
	_ =	swait.ge @!p0 [sflag:s8], $0x0  }
0x24: {  	s3 =	sadd.s32 $0x88, s3;
	s6 =	simm.s32 @!p1 $0x1082;
	[sflag:s4] =	ssyncset.s32 $0xFFFFF086  }
0x25: {  	[simem:s6], [sflag:s4] =	dma.local [hbm:s3], $0xF7A  }
0x26: {  	[smem:$0x3F9E] =	sst s1;
	(tag) =	ssettag s2;
	_ =	strace s9  }
0x27: {  	s1 =	sld [smem:$0x3FAE]  }
0x28: {  	s2 =	sld [smem:$0x3FAF]  }
0x29: {  	s4 =	sld [smem:$0x3FB1]  }
0x2a: {  	p0 =	seq.s32 s5, $0x0;
	s5 =	sld [smem:$0x3FB2]  }
0x2b: {  	s6 =	sld [smem:$0x3FB3]  }
0x2c: {  	s7 =	sld [smem:$0x3FB4]  }
0x2d: {  	s3 =	simm.s32 $0x108;
	s8 =	sld [smem:$0x3FB5]  }
0x2e: {  	s3 =	simm.s32 @!p0 $0x1082;
	s9 =	sld [smem:$0x3FB6]  }
0x2f: {  	lr =	sadd.s32 s0, s3;
	s0 =	sld [smem:$0x3FAD]  }
0x30: {  	s3 =	sld [smem:$0x3FB0]  }
0x31: {  	[smem:$0x3FB9] =	sst s10  }
0x32: {  	s10 =	sld [smem:$0x3FB7];
	_ =	sdelay $0x3  }
0x33: {  	p0 =	seq.s32 s10, $0x1;
	s10 =	sld [smem:$0x3FB9];
	_ =	sdelay $0x3  }
0x34: {  	[smem:$0x3FB9] =	sst s10  }
0x35: {  	s10 =	sld [smem:$0x3FB8];
	_ =	sdelay $0x3  }
0x36: {  	p1 =	seq.s32 s10, $0x1;
	s10 =	sld [smem:$0x3FB9];
	_ =	sdelay $0x3  }
0x37: {  	[smem:$0x3FB9] =	sst s10  }
0x38: {  	s10 =	sld [smem:$0x3FBA]  }
0x39: {  	_ = 	snop;
	(pc) =	sbr.ind lr, $3  }
0x3a: {  	_ = 	snop  }
0x3b: {  	_ = 	snop  }
0x3c: {  	p2 =	seq.s32 s10, $0x1;
	s10 =	sld [smem:$0x3FB9]  }
0x3d: {  	_ =	shalt  }
0x3e: {  	_ =	shalt  }
0x3f: {  	_ =	shalt  }
0x40: {  	_ =	shalt  }
0x41: {  	_ =	shalt  }
0x42: {  	_ =	shalt  }
0x43: {  	_ =	shalt  }
0x44: {  	_ =	shalt  }
0x45: {  	_ =	shalt  }
0x46: {  	_ =	shalt  }
0x47: {  	_ =	shalt  }
0x48: {  	_ =	shalt  }
0x49: {  	_ =	shalt  }
0x4a: {  	_ =	shalt  }
0x4b: {  	_ =	shalt  }
0x4c: {  	_ =	shalt  }
0x4d: {  	_ =	shalt  }
0x4e: {  	_ =	shalt  }
0x4f: {  	_ =	shalt  }
0x50: {  	_ =	shalt  }
0x51: {  	_ =	shalt  }
0x52: {  	_ =	shalt  }
0x53: {  	_ =	shalt  }
0x54: {  	_ =	shalt  }
0x55: {  	_ =	shalt  }
0x56: {  	_ =	shalt  }
0x57: {  	_ =	shalt  }
0x58: {  	_ =	shalt  }
0x59: {  	_ =	shalt  }
0x5a: {  	_ =	shalt  }
0x5b: {  	_ =	shalt  }
0x5c: {  	_ =	shalt  }
0x5d: {  	_ =	shalt  }
0x5e: {  	_ =	shalt  }
0x5f: {  	_ =	shalt  }
0x60: {  	_ =	shalt  }
0x61: {  	_ =	shalt  }
0x62: {  	_ =	shalt  }
0x63: {  	_ =	shalt  }
0x64: {  	_ =	shalt  }
0x65: {  	_ =	shalt  }
0x66: {  	_ =	shalt  }
0x67: {  	_ =	shalt  }
0x68: {  	_ =	shalt  }
0x69: {  	_ =	shalt  }
0x6a: {  	_ =	shalt  }
0x6b: {  	_ =	shalt  }
0x6c: {  	_ =	shalt  }
0x6d: {  	_ =	shalt  }
0x6e: {  	_ =	shalt  }
0x6f: {  	_ =	shalt  }
0x70: {  	_ =	shalt  }
0x71: {  	_ =	shalt  }
0x72: {  	_ =	shalt  }
0x73: {  	_ =	shalt  }
0x74: {  	_ =	shalt  }
0x75: {  	_ =	shalt  }
0x76: {  	_ =	shalt  }
0x77: {  	_ =	shalt  }
0x78: {  	_ =	shalt  }
0x79: {  	_ =	shalt  }
0x7a: {  	_ =	shalt  }
0x7b: {  	_ =	shalt  }
0x7c: {  	_ =	shalt  }
0x7d: {  	_ =	shalt  }
0x7e: {  	_ =	shalt  }
0x7f: {  	_ =	shalt  }
0x80: {  	_ =	shalt  }
0x81: {  	_ =	shalt  }
0x82: {  	_ =	shalt  }
0x83: {  	_ =	shalt  }
0x84: {  	_ =	shalt  }
0x85: {  	_ =	shalt  }
0x86: {  	_ =	shalt  }
0x87: {  	_ =	shalt  }
.Lfunc_end0:
.L_simem_size_0:
called_computation_lowered:
.L_overlay_start_0:
0x88: {  	s2 =	sld [smem:$0x3FD9]  }
0x89: {  	s3 =	sld [smem:$0x3FFE];
	_ =	sdelay $0x1  }
0x8a: {  	s1 =	srdreg.scid  }
0x8b: {  	s0 =	sand.u32 $0x1, s1  }
0x8c: {  	s18 =	sshll.u32 s0, $0xA;
	s2 =	sadd.s32 s3, s2  }
0x8d: {  	s2 =	sadd.s32 s2, s18  }
0x8e: {  	[smem:$0x3FC5] =	sst s2  }
0x8f: {  	_ = 	snop  }
0x90: {  	s2 =	sld [smem:$0x3FC9]  }
0x91: {  	s19 =	sld [smem:$0x3FC8]  }
0x92: {  	s4 =	sld [smem:$0x3FC7]  }
0x93: {  	s5 =	sld [smem:$0x3FD0];
	(tm) =	ssettm $0x1  }
0x94: {  	s6 =	sld [smem:$0x3FFB];
	_ =	sdelay $0x3  }
0x95: {  	_ =	strace s6  }
0x96: {  	s6 =	sld [smem:$0x3FFC];
	_ =	sdelay $0x3  }
0x97: {  	_ =	strace s6  }
0x98: {  	s6 =	sld [smem:$0x3FFD];
	_ =	sdelay $0x3  }
0x99: {  	_ =	strace s6  }
0x9a: {  	_ =	strace $0x8FFFFFFF  }
0x9b: {  	s20 =	sld [smem:$0x3FDB];
	_ =	sdelay $0x1  }
0x9c: {  	s7 =	simm.s32 $_scs_section_size  }
0x9d: {  	s8 =	simm.s32 $_size__tile_overlayer_lowered;
	s9 =	simm.s32 $_tile_overlayer_lowered  }
0x9e: {  	s23 =	simm.s32 $0x1BFF;
	s22 =	sshll.u32 s9, $0x1;
	s6 =	sadd.s32 s7, s20  }
0x9f: {  	s10 =	simm.s32 $0x0;
	s21 =	sshll.u32 s8, $0x1;
	s8 =	sadd.s32 s22, s6  }
0xa0: {  	[timem:s10], [sflag:s23] =	dma.local [hbm:s8], s21  }
0xa1: {  	_ =	swait.ge [sflag:s23], s21  }
0xa2: {  	s7 =	ssub.s32 $0x0, s21;
	[sflag:s23] =	ssyncset.done $0x0  }
0xa3: {  	[sflag:s23] =	ssyncadd.s32 s7;
	_ =	sdelay $0x1  }
0xa4: {  	s24 =	simm.s32 $0x1B8B  }
0xa5: {  	_ =	swait.ge [sflag:s24], $0x1  }
0xa6: {  	[sflag:s24] =	ssyncset.done $0x0  }
0xa7: {  	s25 =	simm.s32 $0x1B8E;
	[sflag:s24] =	ssyncadd.s32 $0xFFFFFFFF  }
0xa8: {  	s26 =	simm.s32 $execute0_lowered;
	[smem:$0x3FD2] =	sst s25  }
0xa9: {  	s7 =	sshll.u32 s26, $0x1;
	_ =	strace $0x80000046;
	[dreg:$0x1] =	wrdreg $0xFFFFFFFF  }
0xaa: {  	s28 =	simm.s32 $_size_execute0_lowered;
	s6 =	sadd.s32 s6, s7;
	[dreg:$0x0] =	wrdreg $0x0  }
0xab: {  	s7 =	sshll.u32 s28, $0x1;
	[dreg:$0x2] =	wrdreg s6  }
0xac: {  	[dreg:$0x3] =	wrdreg s7  }
0xad: {  	[dreg:$0x4] =	wrdreg $0xC0  }
0xae: {  	_ =	task [dreg:s10], $0x5FFFF  }
0xaf: {  	[dreg:$0x1] =	wrdreg $0xFFFFFFFF  }
0xb0: {  	[dreg:$0x0] =	wrdreg $0x60  }
0xb1: {  	[dreg:$0x2] =	wrdreg s2  }
0xb2: {  	[dreg:$0x3] =	wrdreg s19  }
0xb3: {  	[dreg:$0x4] =	wrdreg s4  }
0xb4: {  	[dreg:$0x5] =	wrdreg s5  }
0xb5: {  	[dreg:$0x6] =	wrdreg $0x9  }
0xb6: {  	_ =	task.clear_ibuf [dreg:s10], $0x7FFFF;
	_ =	strace $0x90000046  }
0xb7: {  	s29 =	simm.s32 $0x9;
	_ =	strace $0x80000048  }
0xb8: {  	_ =	swait.ge [sflag:s29], $0x1  }
0xb9: {  	[sflag:s29] =	ssyncadd.s32 $0xFFFFFFFF  }
0xba: {  	_ =	strace $0x90000048  }
0xbb: {  	_ =	sfence  }
0xbc: {  	s30 =	sld [smem:$0x0];
	_ =	sdelay $0x2  }
0xbd: {  	s31 =	sshll.u32 s1, $0xD;
	s1 =	sshrl.u32 s1, $0x2  }
0xbe: {  	s3 =	sand.u32 $0x4000, s31;
	s1 =	sadd.s32 s1, s30  }
0xbf: {  	s0 =	sor.u32 s3, s0;
	s1 =	sshll.u32 s1, $0x11  }
0xc0: {  	s0 =	sor.u32 s1, s0  }
0xc1: {  	s0 =	sadd.s32 $0x8F2B, s0  }
0xc2: {  	[sflag:s0] =	ssyncadd.remote.s32 $0x1  }
0xc3: {  	_ =	sfence.sel $0xFFFF  }
0xc4: {  	[dreg:$0x0] =	wrdreg $0xFFFFFFFF;
	(pc) =	sbr.abs _section_cstart, $3  }
0xc5: {  	[dreg:$0x1] =	wrdreg $0xFFFFFFFF  }
0xc6: {  	_ =	task.clear_ibuf [dreg:s10], $0x2FFFF;
	_ =	strace $0x9FFFFFFF  }
0xc7: {  	(tm) =	ssettm $0x7FFFFFFF  }
tec
execute0_lowered:
.L_overlay_start_1:
0x0: {  	(tag) =	ssettag $0x1  }
0x1: {  	s0 =	rddreg [dreg:$0x0]  }
0x2: {  	s1 =	rddreg [dreg:$0x1]  }
0x3: {  	s2 =	rddreg [dreg:$0x2]  }
0x4: {  	s4 =	rddreg [dreg:$0x3]  }
0x5: {  	s5 =	srdreg.scid;
	s6 =	stileid.u32  }
0x6: {  	s3 =	simm.s32 $0x0;
	s5 =	sand.u32 $0x1, s5;
	s6 =	sshll.u32 s6, $0x1  }
0x7: {  	[smem:$0x7FF] =	sst s3;
	s7 =	ssub.s32 $0x2, s5;
	s5 =	sor.u32 s5, s6  }
0x8: {  	s14 =	sshrl.u32 s7, $0x1;
	s9 =	sshll.u32 s5, $0x10;
	s5 =	sshll.u32 s5, $0x8  }
0x9: {  	_ =	strace $0x80000047;
	s7 =	ssub.s32 s7, s14;
	s0 =	sadd.s32 s0, s5  }
0xa: {  	s8 =	sand.u32 $0x70000, s9;
	[dreg:$0x5] =	wrdreg s0;
	s12 =	smax.u32 s7, $0x1  }
0xb: {  	s0 =	sadd.s32 s2, s8;
	[dreg:$0x17] =	wrdreg s12  }
0xc: {  	s2 =	sadd.s32 s4, s9;
	[dreg:$0x6] =	wrdreg s0  }
0xd: {  	s15 =	sadd.s32 $0x1000, s0;
	[dreg:$0x7] =	wrdreg s2  }
0xe: {  	s16 =	sadd.s32 $0x1000, s2;
	[dreg:$0x8] =	wrdreg s15  }
0xf: {  	s17 =	sadd.s32 $0x2000, s0;
	[dreg:$0x9] =	wrdreg s16  }
0x10: {  	s18 =	sadd.s32 $0x2000, s2;
	[dreg:$0xa] =	wrdreg s17  }
0x11: {  	s19 =	sadd.s32 $0x3000, s0;
	[dreg:$0xb] =	wrdreg s18  }
0x12: {  	s20 =	sadd.s32 $0x3000, s2;
	[dreg:$0xc] =	wrdreg s19  }
0x13: {  	s21 =	sadd.s32 $0x4000, s0;
	[dreg:$0xd] =	wrdreg s20  }
0x14: {  	s22 =	sadd.s32 $0x4000, s2;
	[dreg:$0xe] =	wrdreg s21  }
0x15: {  	s23 =	sadd.s32 $0x5000, s0;
	[dreg:$0xf] =	wrdreg s22  }
0x16: {  	s24 =	sadd.s32 $0x5000, s2;
	[dreg:$0x10] =	wrdreg s23  }
0x17: {  	s25 =	sadd.s32 $0x6000, s0;
	[dreg:$0x11] =	wrdreg s24  }
0x18: {  	s26 =	sadd.s32 $0x6000, s2;
	[dreg:$0x12] =	wrdreg s25  }
0x19: {  	s9 =	sadd.s32 $0x7000, s0;
	[dreg:$0x13] =	wrdreg s26  }
0x1a: {  	s10 =	sadd.s32 $0x7000, s2;
	[dreg:$0x14] =	wrdreg s9  }
0x1b: {  	s11 =	sadd.s32 $0x8000, s0;
	[dreg:$0x15] =	wrdreg s10  }
0x1c: {  	s13 =	sadd.s32 $0x8000, s2;
	[dreg:$0x16] =	wrdreg s11  }
0x1d: {  	s14 =	sadd.s32 $0x9000, s0;
	[dreg:$0x18] =	wrdreg s13  }
0x1e: {  	[dreg:$0x19] =	wrdreg s14;
	s15 =	sadd.s32 $0x9000, s2  }
0x1f: {  	s16 =	sadd.s32 $0xA000, s0;
	[dreg:$0x1a] =	wrdreg s15  }
0x20: {  	s17 =	sadd.s32 $0xA000, s2;
	[dreg:$0x1b] =	wrdreg s16  }
0x21: {  	s28 =	simm.s32 $0x1;
	s18 =	sadd.s32 $0xB000, s0;
	[dreg:$0x1c] =	wrdreg s17  }
0x22: {  	s29 =	simm.s32 $0x3;
	s19 =	sadd.s32 $0xB000, s2;
	[dreg:$0x1d] =	wrdreg s18  }
0x23: {  	s30 =	simm.s32 $0x2;
	s20 =	sadd.s32 $0xC000, s0;
	[dreg:$0x1e] =	wrdreg s19  }
0x24: {  	s31 =	simm.s32 $0x4;
	s21 =	sadd.s32 $0xC000, s2;
	[dreg:$0x1f] =	wrdreg s20  }
0x25: {  	s6 =	sadd.s32 $0x200, s1;
	s22 =	sadd.s32 $0xD000, s0;
	[smem:$0x7F7] =	sst s21  }
0x26: {  	s5 =	sadd.s32 $0x100, s1;
	s23 =	sadd.s32 $0xD000, s2;
	[smem:$0x7F8] =	sst s22  }
0x27: {  	s8 =	sadd.s32 $0x300, s1;
	s24 =	sadd.s32 $0xE000, s0;
	[smem:$0x7F9] =	sst s23  }
0x28: {  	s7 =	simm.s32 $0xC000;
	s25 =	sadd.s32 $0xE000, s2;
	[smem:$0x7FA] =	sst s24  }
0x29: {  	s0 =	sadd.s32 $0xF000, s0;
	s26 =	sadd.s32 $0xF000, s2;
	[smem:$0x7FB] =	sst s25  }
0x2a: {  	s10 =	simm.s32 $0x8800;
	s9 =	simm.s32 $0xC800;
	[smem:$0x7FC] =	sst s0  }
0x2b: {  	[smem:$0x7FD] =	sst s26;
	s17 =	simm.s32 $0x5;
	s18 =	simm.s32 $0x800  }
0x2c: {  	v2 =	vlaneseq.u32;
	s19 =	simm.s32 $0xD000;
	s20 =	simm.s32 $0xD800;
	s21 =	simm.s32 $0xE000  }
0x2d: {  	vm0 =	vmmov $0xffff;
	v1 =	vshrl.u32 v2, $0x3;
	s22 =	simm.s32 $0xE800;
	s23 =	simm.s32 $0xF000;
	s24 =	simm.s32 $0xF800  }
0x2e: {  	v0 =	vand.u32 $0x7, v2;
	v2 =	vor.u32 $0x8, v2;
	v1 =	vmul.u32 $0x8, v1;
	s25 =	simm.s32 $0x10000;
	s26 =	simm.s32 $0x10800;
	s0 =	simm.s32 $0x0  }
.LBB2_1:
0x2f: {  	s2 =	rddreg [dreg:$0x5]  }
0x30: {  	[tilespmem:s3], [sflag:$0x5] =	stream.linear.gather [hbm4b:s2+s3], $0x800, $0x38;
	[tilespmem:$0x18800] =	vst v63  }
0x31: {  	_ =	swait.ge [sflag:s17], $0x800  }
0x32: {  	[sflag:s17] =	ssyncset.done $0x0  }
0x33: {  	[sflag:s17] =	ssyncadd.s32 $0xFFFFF800  }
0x34: {  	v3 =	vld [tilespmem:$0x0];
	_ =	sdelay $0x4  }
0x35: {  	v4 =	vshll.u32 v3, $0x3  }
0x36: {  	v3 =	vand.u32 $0x7, v3;
	v4 =	vand.u32 $0xFFFFFFC0, v4  }
0x37: {  	v3 =	vor.u32 v3, v4  }
0x38: {  	v4 =	vperm.xlane v3, v0;
	_ =	sdelay $0x1  }
0x39: {  	v4 =	vadd.s32 v1, v4;
	_ =	sdelay $0x4  }
0x3a: {  	[tilespmem:s18], [sflag:$0x1] =	stream.indirect_vreg.gather [hbm4b:s1+s3], $0x80, v4, vm0, $0xb8;
	[tilespmem:$0x18800] =	vst v63  }
0x3b: {  	s13 =	simm.s32 $0x1000;
	v3 =	vperm.xlane v3, v2  }
0x3c: {  	[tilespmem:s13], [sflag:$0x1] =	stream.indirect_vreg.gather [hbm4b:s5+s3], $0x80, v4, vm0, $0xb8;
	[tilespmem:$0x18800] =	vst v63  }
0x3d: {  	s14 =	simm.s32 $0x1800;
	v3 =	vadd.s32 v1, v3  }
0x3e: {  	[tilespmem:s14], [sflag:$0x1] =	stream.indirect_vreg.gather [hbm4b:s6+s3], $0x80, v4, vm0, $0xb8;
	[tilespmem:$0x18800] =	vst v63  }
0x3f: {  	s15 =	simm.s32 $0x2000  }
0x40: {  	[tilespmem:s15], [sflag:$0x1] =	stream.indirect_vreg.gather [hbm4b:s8+s3], $0x80, v4, vm0, $0xb8;
	[tilespmem:$0x18800] =	vst v63  }
0x41: {  	s16 =	simm.s32 $0x2800  }
0x42: {  	[tilespmem:s16], [sflag:$0x1] =	stream.indirect_vreg.gather [hbm4b:s1+s3], $0x80, v3, vm0, $0xb8;
	[tilespmem:$0x18800] =	vst v63  }
0x43: {  	s4 =	simm.s32 $0x3000  }
0x44: {  	[tilespmem:s4], [sflag:$0x1] =	stream.indirect_vreg.gather [hbm4b:s5+s3], $0x80, v3, vm0, $0xb8;
	[tilespmem:$0x18800] =	vst v63  }
0x45: {  	s11 =	simm.s32 $0x3800  }
0x46: {  	[tilespmem:s11], [sflag:$0x1] =	stream.indirect_vreg.gather [hbm4b:s6+s3], $0x80, v3, vm0, $0xb8;
	[tilespmem:$0x18800] =	vst v63  }
0x47: {  	s12 =	simm.s32 $0x4000  }
0x48: {  	[tilespmem:s12], [sflag:$0x1] =	stream.indirect_vreg.gather [hbm4b:s8+s3], $0x80, v3, vm0, $0xb8;
	[tilespmem:$0x18800] =	vst v63  }
0x49: {  	v3 =	vld [tilespmem:$0x10];
	_ =	sdelay $0x4  }
0x4a: {  	v4 =	vshll.u32 v3, $0x3  }
0x4b: {  	v3 =	vand.u32 $0x7, v3;
	v4 =	vand.u32 $0xFFFFFFC0, v4  }
0x4c: {  	v3 =	vor.u32 v3, v4  }
0x4d: {  	v4 =	vperm.xlane v3, v0;
	_ =	sdelay $0x1  }
0x4e: {  	v4 =	vadd.s32 v1, v4;
	_ =	sdelay $0x3  }
0x4f: {  	s13 =	simm.s32 $0x4800  }
0x50: {  	[tilespmem:s13], [sflag:$0x1] =	stream.indirect_vreg.gather [hbm4b:s1+s3], $0x80, v4, vm0, $0xb8;
	[tilespmem:$0x18800] =	vst v63  }
0x51: {  	s14 =	simm.s32 $0x5000;
	v3 =	vperm.xlane v3, v2  }
0x52: {  	[tilespmem:s14], [sflag:$0x1] =	stream.indirect_vreg.gather [hbm4b:s5+s3], $0x80, v4, vm0, $0xb8;
	[tilespmem:$0x18800] =	vst v63  }
0x53: {  	s15 =	simm.s32 $0x5800;
	v3 =	vadd.s32 v1, v3  }
0x54: {  	[tilespmem:s15], [sflag:$0x1] =	stream.indirect_vreg.gather [hbm4b:s6+s3], $0x80, v4, vm0, $0xb8;
	[tilespmem:$0x18800] =	vst v63  }
0x55: {  	s16 =	simm.s32 $0x6000  }
0x56: {  	[tilespmem:s16], [sflag:$0x1] =	stream.indirect_vreg.gather [hbm4b:s8+s3], $0x80, v4, vm0, $0xb8;
	[tilespmem:$0x18800] =	vst v63  }
0x57: {  	s4 =	simm.s32 $0x6800  }
0x58: {  	[tilespmem:s4], [sflag:$0x1] =	stream.indirect_vreg.gather [hbm4b:s1+s3], $0x80, v3, vm0, $0xb8;
	[tilespmem:$0x18800] =	vst v63  }
0x59: {  	s11 =	simm.s32 $0x7000  }
0x5a: {  	[tilespmem:s11], [sflag:$0x1] =	stream.indirect_vreg.gather [hbm4b:s5+s3], $0x80, v3, vm0, $0xb8;
	[tilespmem:$0x18800] =	vst v63  }
0x5b: {  	s12 =	simm.s32 $0x7800  }
0x5c: {  	[tilespmem:s12], [sflag:$0x1] =	stream.indirect_vreg.gather [hbm4b:s6+s3], $0x80, v3, vm0, $0xb8;
	[tilespmem:$0x18800] =	vst v63  }
0x5d: {  	s13 =	simm.s32 $0x8000  }
0x5e: {  	[tilespmem:s13], [sflag:$0x1] =	stream.indirect_vreg.gather [hbm4b:s8+s3], $0x80, v3, vm0, $0xb8;
	[tilespmem:$0x18800] =	vst v63  }
0x5f: {  	v3 =	vld [tilespmem:$0x80];
	_ =	sdelay $0x4  }
0x60: {  	v4 =	vshll.u32 v3, $0x3  }
0x61: {  	v3 =	vand.u32 $0x7, v3;
	v4 =	vand.u32 $0xFFFFFFC0, v4  }
0x62: {  	v3 =	vor.u32 v3, v4  }
0x63: {  	v4 =	vperm.xlane v3, v0;
	_ =	sdelay $0x1  }
0x64: {  	v4 =	vadd.s32 v1, v4;
	_ =	sdelay $0x4  }
0x65: {  	[tilespmem:s10], [sflag:$0x2] =	stream.indirect_vreg.gather [hbm4b:s1+s3], $0x80, v4, vm0, $0xb8;
	[tilespmem:$0x18800] =	vst v63  }
0x66: {  	s14 =	simm.s32 $0x9000;
	v3 =	vperm.xlane v3, v2  }
0x67: {  	[tilespmem:s14], [sflag:$0x2] =	stream.indirect_vreg.gather [hbm4b:s5+s3], $0x80, v4, vm0, $0xb8;
	[tilespmem:$0x18800] =	vst v63  }
0x68: {  	s15 =	simm.s32 $0x9800;
	v3 =	vadd.s32 v1, v3  }
0x69: {  	[tilespmem:s15], [sflag:$0x2] =	stream.indirect_vreg.gather [hbm4b:s6+s3], $0x80, v4, vm0, $0xb8;
	[tilespmem:$0x18800] =	vst v63  }
0x6a: {  	s16 =	simm.s32 $0xA000  }
0x6b: {  	[tilespmem:s16], [sflag:$0x2] =	stream.indirect_vreg.gather [hbm4b:s8+s3], $0x80, v4, vm0, $0xb8;
	[tilespmem:$0x18800] =	vst v63  }
0x6c: {  	s4 =	simm.s32 $0xA800  }
0x6d: {  	[tilespmem:s4], [sflag:$0x2] =	stream.indirect_vreg.gather [hbm4b:s1+s3], $0x80, v3, vm0, $0xb8;
	[tilespmem:$0x18800] =	vst v63  }
0x6e: {  	s11 =	simm.s32 $0xB000  }
0x6f: {  	[tilespmem:s11], [sflag:$0x2] =	stream.indirect_vreg.gather [hbm4b:s5+s3], $0x80, v3, vm0, $0xb8;
	[tilespmem:$0x18800] =	vst v63  }
0x70: {  	s12 =	simm.s32 $0xB800  }
0x71: {  	[tilespmem:s12], [sflag:$0x2] =	stream.indirect_vreg.gather [hbm4b:s6+s3], $0x80, v3, vm0, $0xb8;
	[tilespmem:$0x18800] =	vst v63  }
0x72: {  	_ = 	snop  }
0x73: {  	[tilespmem:s7], [sflag:$0x2] =	stream.indirect_vreg.gather [hbm4b:s8+s3], $0x80, v3, vm0, $0xb8;
	[tilespmem:$0x18800] =	vst v63  }
0x74: {  	v3 =	vld [tilespmem:$0x90];
	_ =	sdelay $0x4  }
0x75: {  	v4 =	vshll.u32 v3, $0x3  }
0x76: {  	v3 =	vand.u32 $0x7, v3;
	v4 =	vand.u32 $0xFFFFFFC0, v4  }
0x77: {  	v3 =	vor.u32 v3, v4  }
0x78: {  	v4 =	vperm.xlane v3, v0;
	_ =	sdelay $0x1  }
0x79: {  	v4 =	vadd.s32 v1, v4;
	_ =	sdelay $0x4  }
0x7a: {  	[tilespmem:s9], [sflag:$0x2] =	stream.indirect_vreg.gather [hbm4b:s1+s3], $0x80, v4, vm0, $0xb8;
	[tilespmem:$0x18800] =	vst v63  }
0x7b: {  	v3 =	vperm.xlane v3, v2  }
0x7c: {  	[tilespmem:s19], [sflag:$0x2] =	stream.indirect_vreg.gather [hbm4b:s5+s3], $0x80, v4, vm0, $0xb8;
	[tilespmem:$0x18800] =	vst v63  }
0x7d: {  	v3 =	vadd.s32 v1, v3  }
0x7e: {  	[tilespmem:s20], [sflag:$0x2] =	stream.indirect_vreg.gather [hbm4b:s6+s3], $0x80, v4, vm0, $0xb8;
	[tilespmem:$0x18800] =	vst v63  }
0x7f: {  	_ = 	snop  }
0x80: {  	[tilespmem:s21], [sflag:$0x2] =	stream.indirect_vreg.gather [hbm4b:s8+s3], $0x80, v4, vm0, $0xb8;
	[tilespmem:$0x18800] =	vst v63  }
0x81: {  	_ = 	snop  }
0x82: {  	[tilespmem:s22], [sflag:$0x2] =	stream.indirect_vreg.gather [hbm4b:s1+s3], $0x80, v3, vm0, $0xb8;
	[tilespmem:$0x18800] =	vst v63  }
0x83: {  	_ = 	snop  }
0x84: {  	[tilespmem:s23], [sflag:$0x2] =	stream.indirect_vreg.gather [hbm4b:s5+s3], $0x80, v3, vm0, $0xb8;
	[tilespmem:$0x18800] =	vst v63  }
0x85: {  	_ = 	snop  }
0x86: {  	[tilespmem:s24], [sflag:$0x2] =	stream.indirect_vreg.gather [hbm4b:s6+s3], $0x80, v3, vm0, $0xb8;
	[tilespmem:$0x18800] =	vst v63  }
0x87: {  	_ = 	snop  }
0x88: {  	[tilespmem:s25], [sflag:$0x2] =	stream.indirect_vreg.gather [hbm4b:s8+s3], $0x80, v3, vm0, $0xb8;
	[tilespmem:$0x18800] =	vst v63  }
0x89: {  	s13 =	rddreg [dreg:$0x6]  }
0x8a: {  	[tilespmem:s26], [sflag:$0x5] =	stream.linear.gather [hbm4b:s13+s3], $0x8000, $0x38;
	[tilespmem:$0x18800] =	vst v63  }
0x8b: {  	_ =	swait.ge [sflag:s17], $0x8000  }
0x8c: {  	s14 =	sand.u32 $0x70, s3;
	s4 =	simm.s32 $0x0;
	[sflag:s17] =	ssyncset.done $0x0  }
0x8d: {  	s4 =	sand.u32 $0x6000, s4;
	s11 =	sand.u32 $0x1C00, s3;
	[sflag:s17] =	ssyncadd.s32 $0xFFFF8000  }
0x8e: {  	s2 =	sor.u32 s11, s14;
	s12 =	simm.s32 $0x0;
	_ =	swait.ge [sflag:s28], $0x8000  }
0x8f: {  	s2 =	sor.u32 s4, s2;
	s15 =	sand.u32 $0x380, s12;
	[sflag:s28] =	ssyncset.done $0x0  }
0x90: {  	s2 =	sor.u32 s15, s2;
	[sflag:s28] =	ssyncadd.s32 $0xFFFF8000  }
0x91: {  	v3 =	vld [tilespmem:s2+$0x10800]  }
0x92: {  	v4 =	vld [tilespmem:s2+$0x800];
	_ =	sdelay $0x1  }
0x93: {  	s11 =	simm.s32 $0x80;
	s14 =	simm.s32 $0x10;
	s4 =	simm.s32 $0x10  }
0x94: {  	s14 =	sand.u32 $0x6000, s14;
	s16 =	sand.u32 $0x70, s4;
	s15 =	sand.u32 $0x1C00, s11  }
0x95: {  	s12 =	simm.s32 $0x2;
	s15 =	sor.u32 s15, s16;
	s13 =	simm.s32 $0x2  }
.LBB2_2:
0x96: {  	p0 =	sne.s32 s12, $0x7FF;
	s13 =	sand.u32 $0x380, s13;
	s14 =	sor.u32 s14, s15;
	v4 =	vadd.f32 v3, v4  }
0x97: {  	s13 =	sor.u32 s13, s14  }
0x98: {  	v3 =	vld [tilespmem:s13+$0x10800];
	[tilespmem:s2+$0x800] =	vst v4;
	s2 =	smov.u32 s13  }
.Ltmp0:
0x99: {  	v4 =	vld [tilespmem:s2+$0x800];
	(pc) =	sbr.rel @p0 .LBB2_2-.Ltmp0, $4  }
0x9a: {  	_ = 	snop  }
0x9b: {  	s4 =	sadd.s32 $0x10, s4;
	s11 =	sadd.s32 $0x80, s11;
	s13 =	sshll.u32 s12, $0x1  }
0x9c: {  	s15 =	sand.u32 $0x70, s4;
	s14 =	sshll.u32 s12, $0x4;
	s16 =	sand.u32 $0x1C00, s11  }
0x9d: {  	s14 =	sand.u32 $0x6000, s14;
	s15 =	sor.u32 s16, s15;
	s12 =	sadd.s32 $0x1, s12  }
0x9e: {  	s4 =	sand.u32 $0x380, s13;
	s11 =	sor.u32 s14, s15;
	v3 =	vadd.f32 v3, v4  }
0x9f: {  	s4 =	sor.u32 s4, s11  }
0xa0: {  	v4 =	vld [tilespmem:s4+$0x10800];
	[tilespmem:s2+$0x800] =	vst v3  }
0xa1: {  	v3 =	vld [tilespmem:s4+$0x800];
	_ =	sdelay $0x4  }
0xa2: {  	v3 =	vadd.f32 v4, v3;
	_ =	sdelay $0x1  }
0xa3: {  	s15 =	rddreg [dreg:$0x7];
	s2 =	simm.s32 $0x0;
	[tilespmem:s4+$0x800] =	vst v3  }
0xa4: {  	[hbm4b:s15+s2] =	stream.linear.scatter [tilespmem:s18], [sflag:$0x3], $0x8000, $0x38;
	[tilespmem:$0x18800] =	vst v63  }
0xa5: {  	_ =	swait.ge [sflag:s29], $0x8000  }
0xa6: {  	[sflag:s29] =	ssyncset.done $0x0  }
0xa7: {  	[sflag:s29] =	ssyncadd.s32 $0xFFFF8000  }
0xa8: {  	v3 =	vld [tilespmem:$0x100];
	_ =	sdelay $0x4  }
0xa9: {  	v4 =	vshll.u32 v3, $0x3  }
0xaa: {  	v3 =	vand.u32 $0x7, v3;
	v4 =	vand.u32 $0xFFFFFFC0, v4  }
0xab: {  	v3 =	vor.u32 v3, v4  }
0xac: {  	v4 =	vperm.xlane v3, v0;
	_ =	sdelay $0x1  }
0xad: {  	v4 =	vadd.s32 v1, v4;
	_ =	sdelay $0x4  }
0xae: {  	[tilespmem:s18], [sflag:$0x1] =	stream.indirect_vreg.gather [hbm4b:s1+s2], $0x80, v4, vm0, $0xb8;
	[tilespmem:$0x18800] =	vst v63  }
0xaf: {  	s16 =	simm.s32 $0x1000;
	v3 =	vperm.xlane v3, v2  }
0xb0: {  	[tilespmem:s16], [sflag:$0x1] =	stream.indirect_vreg.gather [hbm4b:s5+s2], $0x80, v4, vm0, $0xb8;
	[tilespmem:$0x18800] =	vst v63  }
0xb1: {  	s11 =	simm.s32 $0x1800;
	v3 =	vadd.s32 v1, v3  }
0xb2: {  	[tilespmem:s11], [sflag:$0x1] =	stream.indirect_vreg.gather [hbm4b:s6+s2], $0x80, v4, vm0, $0xb8;
	[tilespmem:$0x18800] =	vst v63  }
0xb3: {  	s12 =	simm.s32 $0x2000  }
0xb4: {  	[tilespmem:s12], [sflag:$0x1] =	stream.indirect_vreg.gather [hbm4b:s8+s2], $0x80, v4, vm0, $0xb8;
	[tilespmem:$0x18800] =	vst v63  }
0xb5: {  	s13 =	simm.s32 $0x2800  }
0xb6: {  	[tilespmem:s13], [sflag:$0x1] =	stream.indirect_vreg.gather [hbm4b:s1+s2], $0x80, v3, vm0, $0xb8;
	[tilespmem:$0x18800] =	vst v63  }
0xb7: {  	s14 =	simm.s32 $0x3000  }
0xb8: {  	[tilespmem:s14], [sflag:$0x1] =	stream.indirect_vreg.gather [hbm4b:s5+s2], $0x80, v3, vm0, $0xb8;
	[tilespmem:$0x18800] =	vst v63  }
0xb9: {  	s15 =	simm.s32 $0x3800  }
0xba: {  	[tilespmem:s15], [sflag:$0x1] =	stream.indirect_vreg.gather [hbm4b:s6+s2], $0x80, v3, vm0, $0xb8;
	[tilespmem:$0x18800] =	vst v63  }
0xbb: {  	s16 =	simm.s32 $0x4000  }
0xbc: {  	[tilespmem:s16], [sflag:$0x1] =	stream.indirect_vreg.gather [hbm4b:s8+s2], $0x80, v3, vm0, $0xb8;
	[tilespmem:$0x18800] =	vst v63  }
0xbd: {  	v3 =	vld [tilespmem:$0x110];
	_ =	sdelay $0x4  }
0xbe: {  	v4 =	vshll.u32 v3, $0x3  }
0xbf: {  	v3 =	vand.u32 $0x7, v3;
	v4 =	vand.u32 $0xFFFFFFC0, v4  }
0xc0: {  	v3 =	vor.u32 v3, v4  }
0xc1: {  	v4 =	vperm.xlane v3, v0;
	_ =	sdelay $0x1  }
0xc2: {  	v4 =	vadd.s32 v1, v4;
	_ =	sdelay $0x3  }
0xc3: {  	s11 =	simm.s32 $0x4800  }
0xc4: {  	[tilespmem:s11], [sflag:$0x1] =	stream.indirect_vreg.gather [hbm4b:s1+s2], $0x80, v4, vm0, $0xb8;
	[tilespmem:$0x18800] =	vst v63  }
0xc5: {  	s12 =	simm.s32 $0x5000;
	v3 =	vperm.xlane v3, v2  }
0xc6: {  	[tilespmem:s12], [sflag:$0x1] =	stream.indirect_vreg.gather [hbm4b:s5+s2], $0x80, v4, vm0, $0xb8;
	[tilespmem:$0x18800] =	vst v63  }
0xc7: {  	s13 =	simm.s32 $0x5800;
	v3 =	vadd.s32 v1, v3  }
0xc8: {  	[tilespmem:s13], [sflag:$0x1] =	stream.indirect_vreg.gather [hbm4b:s6+s2], $0x80, v4, vm0, $0xb8;
	[tilespmem:$0x18800] =	vst v63  }
0xc9: {  	s14 =	simm.s32 $0x6000  }
0xca: {  	[tilespmem:s14], [sflag:$0x1] =	stream.indirect_vreg.gather [hbm4b:s8+s2], $0x80, v4, vm0, $0xb8;
	[tilespmem:$0x18800] =	vst v63  }
0xcb: {  	s15 =	simm.s32 $0x6800  }
0xcc: {  	[tilespmem:s15], [sflag:$0x1] =	stream.indirect_vreg.gather [hbm4b:s1+s2], $0x80, v3, vm0, $0xb8;
	[tilespmem:$0x18800] =	vst v63  }
0xcd: {  	s16 =	simm.s32 $0x7000  }
0xce: {  	[tilespmem:s16], [sflag:$0x1] =	stream.indirect_vreg.gather [hbm4b:s5+s2], $0x80, v3, vm0, $0xb8;
	[tilespmem:$0x18800] =	vst v63  }
0xcf: {  	s11 =	simm.s32 $0x7800  }
0xd0: {  	[tilespmem:s11], [sflag:$0x1] =	stream.indirect_vreg.gather [hbm4b:s6+s2], $0x80, v3, vm0, $0xb8;
	[tilespmem:$0x18800] =	vst v63  }
0xd1: {  	s12 =	simm.s32 $0x8000  }
0xd2: {  	[tilespmem:s12], [sflag:$0x1] =	stream.indirect_vreg.gather [hbm4b:s8+s2], $0x80, v3, vm0, $0xb8;
	[tilespmem:$0x18800] =	vst v63  }
0xd3: {  	s13 =	rddreg [dreg:$0x8]  }
0xd4: {  	[tilespmem:s26], [sflag:$0x5] =	stream.linear.gather [hbm4b:s13+s2], $0x8000, $0x38;
	[tilespmem:$0x18800] =	vst v63  }
0xd5: {  	s14 =	simm.s32 $0x0;
	_ =	swait.ge [sflag:s17], $0x8000  }
0xd6: {  	s4 =	sand.u32 $0x6000, s14;
	[sflag:s17] =	ssyncset.done $0x0  }
0xd7: {  	s15 =	simm.s32 $0x0;
	s12 =	sand.u32 $0x1C00, s2;
	[sflag:s17] =	ssyncadd.s32 $0xFFFF8000  }
0xd8: {  	s11 =	sand.u32 $0x380, s15;
	s4 =	sor.u32 s12, s4;
	_ =	swait.ge [sflag:s30], $0x8000  }
0xd9: {  	s2 =	sand.u32 $0x70, s2;
	s4 =	sor.u32 s11, s4;
	[sflag:s30] =	ssyncset.done $0x0  }
0xda: {  	s2 =	sor.u32 s2, s4;
	[sflag:s30] =	ssyncadd.s32 $0xFFFF8000  }
0xdb: {  	v3 =	vld [tilespmem:s2+$0x10800]  }
0xdc: {  	v4 =	vld [tilespmem:s2+$0x8800]  }
0xdd: {  	s16 =	simm.s32 $0x10  }
0xde: {  	s14 =	sand.u32 $0x6000, s16;
	s12 =	simm.s32 $0x2;
	s11 =	simm.s32 $0x80  }
0xdf: {  	s13 =	simm.s32 $0x2;
	s4 =	simm.s32 $0x10;
	s15 =	sand.u32 $0x1C00, s11  }
.LBB2_4:
0xe0: {  	p0 =	sne.s32 s12, $0x7FF;
	s13 =	sand.u32 $0x380, s13;
	s14 =	sor.u32 s15, s14  }
0xe1: {  	s15 =	sand.u32 $0x70, s4;
	s13 =	sor.u32 s13, s14;
	v4 =	vadd.f32 v3, v4  }
0xe2: {  	s13 =	sor.u32 s15, s13  }
.Ltmp1:
0xe3: {  	v3 =	vld [tilespmem:s13+$0x10800];
	[tilespmem:s2+$0x8800] =	vst v4;
	s2 =	smov.u32 s13;
	(pc) =	sbr.rel @p0 .LBB2_4-.Ltmp1, $4  }
0xe4: {  	v4 =	vld [tilespmem:s2+$0x8800]  }
0xe5: {  	s4 =	sadd.s32 $0x10, s4  }
0xe6: {  	s11 =	sadd.s32 $0x80, s11;
	s14 =	sshll.u32 s12, $0x4;
	s13 =	sshll.u32 s12, $0x1  }
0xe7: {  	s14 =	sand.u32 $0x6000, s14;
	s15 =	sand.u32 $0x1C00, s11;
	s12 =	sadd.s32 $0x1, s12  }
0xe8: {  	s11 =	sand.u32 $0x380, s13;
	s12 =	sor.u32 s15, s14  }
0xe9: {  	s4 =	sand.u32 $0x70, s4;
	s11 =	sor.u32 s11, s12;
	v3 =	vadd.f32 v3, v4  }
0xea: {  	s4 =	sor.u32 s4, s11  }
0xeb: {  	v4 =	vld [tilespmem:s4+$0x10800];
	[tilespmem:s2+$0x8800] =	vst v3  }
0xec: {  	v3 =	vld [tilespmem:s4+$0x8800];
	_ =	sdelay $0x4  }
0xed: {  	v3 =	vadd.f32 v4, v3;
	_ =	sdelay $0x1  }
0xee: {  	s14 =	rddreg [dreg:$0x9];
	s2 =	simm.s32 $0x0;
	[tilespmem:s4+$0x8800] =	vst v3  }
0xef: {  	[hbm4b:s14+s2] =	stream.linear.scatter [tilespmem:s10], [sflag:$0x4], $0x8000, $0x38;
	[tilespmem:$0x18800] =	vst v63  }
0xf0: {  	_ =	swait.ge [sflag:s31], $0x8000  }
0xf1: {  	[sflag:s31] =	ssyncset.done $0x0  }
0xf2: {  	[sflag:s31] =	ssyncadd.s32 $0xFFFF8000  }
0xf3: {  	v3 =	vld [tilespmem:$0x180];
	_ =	sdelay $0x4  }
0xf4: {  	v4 =	vshll.u32 v3, $0x3  }
0xf5: {  	v3 =	vand.u32 $0x7, v3;
	v4 =	vand.u32 $0xFFFFFFC0, v4  }
0xf6: {  	v3 =	vor.u32 v3, v4  }
0xf7: {  	v4 =	vperm.xlane v3, v0;
	_ =	sdelay $0x1  }
0xf8: {  	v4 =	vadd.s32 v1, v4;
	_ =	sdelay $0x4  }
0xf9: {  	[tilespmem:s10], [sflag:$0x2] =	stream.indirect_vreg.gather [hbm4b:s1+s2], $0x80, v4, vm0, $0xb8;
	[tilespmem:$0x18800] =	vst v63  }
0xfa: {  	s15 =	simm.s32 $0x9000;
	v3 =	vperm.xlane v3, v2  }
0xfb: {  	[tilespmem:s15], [sflag:$0x2] =	stream.indirect_vreg.gather [hbm4b:s5+s2], $0x80, v4, vm0, $0xb8;
	[tilespmem:$0x18800] =	vst v63  }
0xfc: {  	s16 =	simm.s32 $0x9800;
	v3 =	vadd.s32 v1, v3  }
0xfd: {  	[tilespmem:s16], [sflag:$0x2] =	stream.indirect_vreg.gather [hbm4b:s6+s2], $0x80, v4, vm0, $0xb8;
	[tilespmem:$0x18800] =	vst v63  }
0xfe: {  	s11 =	simm.s32 $0xA000  }
0xff: {  	[tilespmem:s11], [sflag:$0x2] =	stream.indirect_vreg.gather [hbm4b:s8+s2], $0x80, v4, vm0, $0xb8;
	[tilespmem:$0x18800] =	vst v63  }
0x100: {  	s12 =	simm.s32 $0xA800  }
0x101: {  	[tilespmem:s12], [sflag:$0x2] =	stream.indirect_vreg.gather [hbm4b:s1+s2], $0x80, v3, vm0, $0xb8;
	[tilespmem:$0x18800] =	vst v63  }
0x102: {  	s13 =	simm.s32 $0xB000  }
0x103: {  	[tilespmem:s13], [sflag:$0x2] =	stream.indirect_vreg.gather [hbm4b:s5+s2], $0x80, v3, vm0, $0xb8;
	[tilespmem:$0x18800] =	vst v63  }
0x104: {  	s14 =	simm.s32 $0xB800  }
0x105: {  	[tilespmem:s14], [sflag:$0x2] =	stream.indirect_vreg.gather [hbm4b:s6+s2], $0x80, v3, vm0, $0xb8;
	[tilespmem:$0x18800] =	vst v63  }
0x106: {  	_ = 	snop  }
0x107: {  	[tilespmem:s7], [sflag:$0x2] =	stream.indirect_vreg.gather [hbm4b:s8+s2], $0x80, v3, vm0, $0xb8;
	[tilespmem:$0x18800] =	vst v63  }
0x108: {  	v3 =	vld [tilespmem:$0x190];
	_ =	sdelay $0x4  }
0x109: {  	v4 =	vshll.u32 v3, $0x3  }
0x10a: {  	v3 =	vand.u32 $0x7, v3;
	v4 =	vand.u32 $0xFFFFFFC0, v4  }
0x10b: {  	v3 =	vor.u32 v3, v4  }
0x10c: {  	v4 =	vperm.xlane v3, v0;
	_ =	sdelay $0x1  }
0x10d: {  	v4 =	vadd.s32 v1, v4;
	_ =	sdelay $0x4  }
0x10e: {  	[tilespmem:s9], [sflag:$0x2] =	stream.indirect_vreg.gather [hbm4b:s1+s2], $0x80, v4, vm0, $0xb8;
	[tilespmem:$0x18800] =	vst v63  }
0x10f: {  	v3 =	vperm.xlane v3, v2  }
0x110: {  	[tilespmem:s19], [sflag:$0x2] =	stream.indirect_vreg.gather [hbm4b:s5+s2], $0x80, v4, vm0, $0xb8;
	[tilespmem:$0x18800] =	vst v63  }
0x111: {  	v3 =	vadd.s32 v1, v3  }
0x112: {  	[tilespmem:s20], [sflag:$0x2] =	stream.indirect_vreg.gather [hbm4b:s6+s2], $0x80, v4, vm0, $0xb8;
	[tilespmem:$0x18800] =	vst v63  }
0x113: {  	_ = 	snop  }
0x114: {  	[tilespmem:s21], [sflag:$0x2] =	stream.indirect_vreg.gather [hbm4b:s8+s2], $0x80, v4, vm0, $0xb8;
	[tilespmem:$0x18800] =	vst v63  }
0x115: {  	_ = 	snop  }
0x116: {  	[tilespmem:s22], [sflag:$0x2] =	stream.indirect_vreg.gather [hbm4b:s1+s2], $0x80, v3, vm0, $0xb8;
	[tilespmem:$0x18800] =	vst v63  }
0x117: {  	_ = 	snop  }
0x118: {  	[tilespmem:s23], [sflag:$0x2] =	stream.indirect_vreg.gather [hbm4b:s5+s2], $0x80, v3, vm0, $0xb8;
	[tilespmem:$0x18800] =	vst v63  }
0x119: {  	_ = 	snop  }
0x11a: {  	[tilespmem:s24], [sflag:$0x2] =	stream.indirect_vreg.gather [hbm4b:s6+s2], $0x80, v3, vm0, $0xb8;
	[tilespmem:$0x18800] =	vst v63  }
0x11b: {  	_ = 	snop  }
0x11c: {  	[tilespmem:s25], [sflag:$0x2] =	stream.indirect_vreg.gather [hbm4b:s8+s2], $0x80, v3, vm0, $0xb8;
	[tilespmem:$0x18800] =	vst v63  }
0x11d: {  	s15 =	rddreg [dreg:$0xa]  }
0x11e: {  	[tilespmem:s26], [sflag:$0x5] =	stream.linear.gather [hbm4b:s15+s2], $0x8000, $0x38;
	[tilespmem:$0x18800] =	vst v63  }
0x11f: {  	_ =	swait.ge [sflag:s17], $0x8000  }
0x120: {  	s16 =	sand.u32 $0x70, s2;
	s12 =	simm.s32 $0x0;
	[sflag:s17] =	ssyncset.done $0x0  }
0x121: {  	s11 =	sand.u32 $0x6000, s12;
	s2 =	sand.u32 $0x1C00, s2;
	[sflag:s17] =	ssyncadd.s32 $0xFFFF8000  }
0x122: {  	s13 =	simm.s32 $0x0;
	s2 =	sor.u32 s2, s16;
	_ =	swait.ge [sflag:s28], $0x8000  }
0x123: {  	s14 =	sand.u32 $0x380, s13;
	s2 =	sor.u32 s11, s2;
	[sflag:s28] =	ssyncset.done $0x0  }
0x124: {  	s2 =	sor.u32 s14, s2;
	[sflag:s28] =	ssyncadd.s32 $0xFFFF8000  }
0x125: {  	v3 =	vld [tilespmem:s2+$0x10800]  }
0x126: {  	v4 =	vld [tilespmem:s2+$0x800]  }
0x127: {  	s4 =	simm.s32 $0x10  }
0x128: {  	s12 =	sand.u32 $0x70, s4;
	s11 =	simm.s32 $0x80  }
0x129: {  	s13 =	simm.s32 $0x2;
	s15 =	simm.s32 $0x10;
	s16 =	sand.u32 $0x1C00, s11  }
0x12a: {  	s14 =	sand.u32 $0x6000, s15;
	s15 =	sor.u32 s16, s12;
	s12 =	simm.s32 $0x2  }
.LBB2_6:
0x12b: {  	p0 =	sne.s32 s12, $0x7FF;
	s13 =	sand.u32 $0x380, s13;
	s14 =	sor.u32 s14, s15;
	v4 =	vadd.f32 v3, v4  }
0x12c: {  	s13 =	sor.u32 s13, s14  }
0x12d: {  	v3 =	vld [tilespmem:s13+$0x10800];
	[tilespmem:s2+$0x800] =	vst v4;
	s2 =	smov.u32 s13  }
.Ltmp2:
0x12e: {  	v4 =	vld [tilespmem:s2+$0x800];
	(pc) =	sbr.rel @p0 .LBB2_6-.Ltmp2, $4  }
0x12f: {  	_ = 	snop  }
0x130: {  	s4 =	sadd.s32 $0x10, s4;
	s11 =	sadd.s32 $0x80, s11;
	s13 =	sshll.u32 s12, $0x1  }
0x131: {  	s15 =	sand.u32 $0x70, s4;
	s14 =	sshll.u32 s12, $0x4;
	s16 =	sand.u32 $0x1C00, s11  }
0x132: {  	s14 =	sand.u32 $0x6000, s14;
	s15 =	sor.u32 s16, s15;
	s12 =	sadd.s32 $0x1, s12  }
0x133: {  	s4 =	sand.u32 $0x380, s13;
	s11 =	sor.u32 s14, s15;
	v3 =	vadd.f32 v3, v4  }
0x134: {  	s4 =	sor.u32 s4, s11  }
0x135: {  	v4 =	vld [tilespmem:s4+$0x10800];
	[tilespmem:s2+$0x800] =	vst v3  }
0x136: {  	v3 =	vld [tilespmem:s4+$0x800];
	_ =	sdelay $0x4  }
0x137: {  	v3 =	vadd.f32 v4, v3;
	_ =	sdelay $0x1  }
0x138: {  	s15 =	rddreg [dreg:$0xb];
	s2 =	simm.s32 $0x0;
	[tilespmem:s4+$0x800] =	vst v3  }
0x139: {  	[hbm4b:s15+s2] =	stream.linear.scatter [tilespmem:s18], [sflag:$0x3], $0x8000, $0x38;
	[tilespmem:$0x18800] =	vst v63  }
0x13a: {  	_ =	swait.ge [sflag:s29], $0x8000  }
0x13b: {  	[sflag:s29] =	ssyncset.done $0x0  }
0x13c: {  	[sflag:s29] =	ssyncadd.s32 $0xFFFF8000  }
0x13d: {  	v3 =	vld [tilespmem:$0x200];
	_ =	sdelay $0x4  }
0x13e: {  	v4 =	vshll.u32 v3, $0x3  }
0x13f: {  	v3 =	vand.u32 $0x7, v3;
	v4 =	vand.u32 $0xFFFFFFC0, v4  }
0x140: {  	v3 =	vor.u32 v3, v4  }
0x141: {  	v4 =	vperm.xlane v3, v0;
	_ =	sdelay $0x1  }
0x142: {  	v4 =	vadd.s32 v1, v4;
	_ =	sdelay $0x4  }
0x143: {  	[tilespmem:s18], [sflag:$0x1] =	stream.indirect_vreg.gather [hbm4b:s1+s2], $0x80, v4, vm0, $0xb8;
	[tilespmem:$0x18800] =	vst v63  }
0x144: {  	s16 =	simm.s32 $0x1000;
	v3 =	vperm.xlane v3, v2  }
0x145: {  	[tilespmem:s16], [sflag:$0x1] =	stream.indirect_vreg.gather [hbm4b:s5+s2], $0x80, v4, vm0, $0xb8;
	[tilespmem:$0x18800] =	vst v63  }
0x146: {  	s11 =	simm.s32 $0x1800;
	v3 =	vadd.s32 v1, v3  }
0x147: {  	[tilespmem:s11], [sflag:$0x1] =	stream.indirect_vreg.gather [hbm4b:s6+s2], $0x80, v4, vm0, $0xb8;
	[tilespmem:$0x18800] =	vst v63  }
0x148: {  	s12 =	simm.s32 $0x2000  }
0x149: {  	[tilespmem:s12], [sflag:$0x1] =	stream.indirect_vreg.gather [hbm4b:s8+s2], $0x80, v4, vm0, $0xb8;
	[tilespmem:$0x18800] =	vst v63  }
0x14a: {  	s13 =	simm.s32 $0x2800  }
0x14b: {  	[tilespmem:s13], [sflag:$0x1] =	stream.indirect_vreg.gather [hbm4b:s1+s2], $0x80, v3, vm0, $0xb8;
	[tilespmem:$0x18800] =	vst v63  }
0x14c: {  	s14 =	simm.s32 $0x3000  }
0x14d: {  	[tilespmem:s14], [sflag:$0x1] =	stream.indirect_vreg.gather [hbm4b:s5+s2], $0x80, v3, vm0, $0xb8;
	[tilespmem:$0x18800] =	vst v63  }
0x14e: {  	s15 =	simm.s32 $0x3800  }
0x14f: {  	[tilespmem:s15], [sflag:$0x1] =	stream.indirect_vreg.gather [hbm4b:s6+s2], $0x80, v3, vm0, $0xb8;
	[tilespmem:$0x18800] =	vst v63  }
0x150: {  	s16 =	simm.s32 $0x4000  }
0x151: {  	[tilespmem:s16], [sflag:$0x1] =	stream.indirect_vreg.gather [hbm4b:s8+s2], $0x80, v3, vm0, $0xb8;
	[tilespmem:$0x18800] =	vst v63  }
0x152: {  	v3 =	vld [tilespmem:$0x210];
	_ =	sdelay $0x4  }
0x153: {  	v4 =	vshll.u32 v3, $0x3  }
0x154: {  	v3 =	vand.u32 $0x7, v3;
	v4 =	vand.u32 $0xFFFFFFC0, v4  }
0x155: {  	v3 =	vor.u32 v3, v4  }
0x156: {  	v4 =	vperm.xlane v3, v0;
	_ =	sdelay $0x1  }
0x157: {  	v4 =	vadd.s32 v1, v4;
	_ =	sdelay $0x3  }
0x158: {  	s11 =	simm.s32 $0x4800  }
0x159: {  	[tilespmem:s11], [sflag:$0x1] =	stream.indirect_vreg.gather [hbm4b:s1+s2], $0x80, v4, vm0, $0xb8;
	[tilespmem:$0x18800] =	vst v63  }
0x15a: {  	s12 =	simm.s32 $0x5000;
	v3 =	vperm.xlane v3, v2  }
0x15b: {  	[tilespmem:s12], [sflag:$0x1] =	stream.indirect_vreg.gather [hbm4b:s5+s2], $0x80, v4, vm0, $0xb8;
	[tilespmem:$0x18800] =	vst v63  }
0x15c: {  	s13 =	simm.s32 $0x5800;
	v3 =	vadd.s32 v1, v3  }
0x15d: {  	[tilespmem:s13], [sflag:$0x1] =	stream.indirect_vreg.gather [hbm4b:s6+s2], $0x80, v4, vm0, $0xb8;
	[tilespmem:$0x18800] =	vst v63  }
0x15e: {  	s14 =	simm.s32 $0x6000  }
0x15f: {  	[tilespmem:s14], [sflag:$0x1] =	stream.indirect_vreg.gather [hbm4b:s8+s2], $0x80, v4, vm0, $0xb8;
	[tilespmem:$0x18800] =	vst v63  }
0x160: {  	s15 =	simm.s32 $0x6800  }
0x161: {  	[tilespmem:s15], [sflag:$0x1] =	stream.indirect_vreg.gather [hbm4b:s1+s2], $0x80, v3, vm0, $0xb8;
	[tilespmem:$0x18800] =	vst v63  }
0x162: {  	s16 =	simm.s32 $0x7000  }
0x163: {  	[tilespmem:s16], [sflag:$0x1] =	stream.indirect_vreg.gather [hbm4b:s5+s2], $0x80, v3, vm0, $0xb8;
	[tilespmem:$0x18800] =	vst v63  }
0x164: {  	s11 =	simm.s32 $0x7800  }
0x165: {  	[tilespmem:s11], [sflag:$0x1] =	stream.indirect_vreg.gather [hbm4b:s6+s2], $0x80, v3, vm0, $0xb8;
	[tilespmem:$0x18800] =	vst v63  }
0x166: {  	s12 =	simm.s32 $0x8000  }
0x167: {  	[tilespmem:s12], [sflag:$0x1] =	stream.indirect_vreg.gather [hbm4b:s8+s2], $0x80, v3, vm0, $0xb8;
	[tilespmem:$0x18800] =	vst v63  }
0x168: {  	s13 =	rddreg [dreg:$0xc]  }
0x169: {  	[tilespmem:s26], [sflag:$0x5] =	stream.linear.gather [hbm4b:s13+s2], $0x8000, $0x38;
	[tilespmem:$0x18800] =	vst v63  }
0x16a: {  	s14 =	simm.s32 $0x0;
	_ =	swait.ge [sflag:s17], $0x8000  }
0x16b: {  	s4 =	sand.u32 $0x6000, s14;
	[sflag:s17] =	ssyncset.done $0x0  }
0x16c: {  	s15 =	simm.s32 $0x0;
	s12 =	sand.u32 $0x1C00, s2;
	[sflag:s17] =	ssyncadd.s32 $0xFFFF8000  }
0x16d: {  	s11 =	sand.u32 $0x380, s15;
	s4 =	sor.u32 s12, s4;
	_ =	swait.ge [sflag:s30], $0x8000  }
0x16e: {  	s2 =	sand.u32 $0x70, s2;
	s4 =	sor.u32 s11, s4;
	[sflag:s30] =	ssyncset.done $0x0  }
0x16f: {  	s2 =	sor.u32 s2, s4;
	[sflag:s30] =	ssyncadd.s32 $0xFFFF8000  }
0x170: {  	v3 =	vld [tilespmem:s2+$0x10800]  }
0x171: {  	v4 =	vld [tilespmem:s2+$0x8800]  }
0x172: {  	s16 =	simm.s32 $0x10  }
0x173: {  	s14 =	sand.u32 $0x6000, s16;
	s12 =	simm.s32 $0x2;
	s11 =	simm.s32 $0x80  }
0x174: {  	s13 =	simm.s32 $0x2;
	s4 =	simm.s32 $0x10;
	s15 =	sand.u32 $0x1C00, s11  }
.LBB2_8:
0x175: {  	p0 =	sne.s32 s12, $0x7FF;
	s13 =	sand.u32 $0x380, s13;
	s14 =	sor.u32 s15, s14  }
0x176: {  	s15 =	sand.u32 $0x70, s4;
	s13 =	sor.u32 s13, s14;
	v4 =	vadd.f32 v3, v4  }
0x177: {  	s13 =	sor.u32 s15, s13  }
.Ltmp3:
0x178: {  	v3 =	vld [tilespmem:s13+$0x10800];
	[tilespmem:s2+$0x8800] =	vst v4;
	s2 =	smov.u32 s13;
	(pc) =	sbr.rel @p0 .LBB2_8-.Ltmp3, $4  }
0x179: {  	v4 =	vld [tilespmem:s2+$0x8800]  }
0x17a: {  	s4 =	sadd.s32 $0x10, s4  }
0x17b: {  	s11 =	sadd.s32 $0x80, s11;
	s14 =	sshll.u32 s12, $0x4;
	s13 =	sshll.u32 s12, $0x1  }
0x17c: {  	s14 =	sand.u32 $0x6000, s14;
	s15 =	sand.u32 $0x1C00, s11;
	s12 =	sadd.s32 $0x1, s12  }
0x17d: {  	s11 =	sand.u32 $0x380, s13;
	s12 =	sor.u32 s15, s14  }
0x17e: {  	s4 =	sand.u32 $0x70, s4;
	s11 =	sor.u32 s11, s12;
	v3 =	vadd.f32 v3, v4  }
0x17f: {  	s4 =	sor.u32 s4, s11  }
0x180: {  	v4 =	vld [tilespmem:s4+$0x10800];
	[tilespmem:s2+$0x8800] =	vst v3  }
0x181: {  	v3 =	vld [tilespmem:s4+$0x8800];
	_ =	sdelay $0x4  }
0x182: {  	v3 =	vadd.f32 v4, v3;
	_ =	sdelay $0x1  }
0x183: {  	s14 =	rddreg [dreg:$0xd];
	s2 =	simm.s32 $0x0;
	[tilespmem:s4+$0x8800] =	vst v3  }
0x184: {  	[hbm4b:s14+s2] =	stream.linear.scatter [tilespmem:s10], [sflag:$0x4], $0x8000, $0x38;
	[tilespmem:$0x18800] =	vst v63  }
0x185: {  	_ =	swait.ge [sflag:s31], $0x8000  }
0x186: {  	[sflag:s31] =	ssyncset.done $0x0  }
0x187: {  	[sflag:s31] =	ssyncadd.s32 $0xFFFF8000  }
0x188: {  	v3 =	vld [tilespmem:$0x280];
	_ =	sdelay $0x4  }
0x189: {  	v4 =	vshll.u32 v3, $0x3  }
0x18a: {  	v3 =	vand.u32 $0x7, v3;
	v4 =	vand.u32 $0xFFFFFFC0, v4  }
0x18b: {  	v3 =	vor.u32 v3, v4  }
0x18c: {  	v4 =	vperm.xlane v3, v0;
	_ =	sdelay $0x1  }
0x18d: {  	v4 =	vadd.s32 v1, v4;
	_ =	sdelay $0x4  }
0x18e: {  	[tilespmem:s10], [sflag:$0x2] =	stream.indirect_vreg.gather [hbm4b:s1+s2], $0x80, v4, vm0, $0xb8;
	[tilespmem:$0x18800] =	vst v63  }
0x18f: {  	s15 =	simm.s32 $0x9000;
	v3 =	vperm.xlane v3, v2  }
0x190: {  	[tilespmem:s15], [sflag:$0x2] =	stream.indirect_vreg.gather [hbm4b:s5+s2], $0x80, v4, vm0, $0xb8;
	[tilespmem:$0x18800] =	vst v63  }
0x191: {  	s16 =	simm.s32 $0x9800;
	v3 =	vadd.s32 v1, v3  }
0x192: {  	[tilespmem:s16], [sflag:$0x2] =	stream.indirect_vreg.gather [hbm4b:s6+s2], $0x80, v4, vm0, $0xb8;
	[tilespmem:$0x18800] =	vst v63  }
0x193: {  	s11 =	simm.s32 $0xA000  }
0x194: {  	[tilespmem:s11], [sflag:$0x2] =	stream.indirect_vreg.gather [hbm4b:s8+s2], $0x80, v4, vm0, $0xb8;
	[tilespmem:$0x18800] =	vst v63  }
0x195: {  	s12 =	simm.s32 $0xA800  }
0x196: {  	[tilespmem:s12], [sflag:$0x2] =	stream.indirect_vreg.gather [hbm4b:s1+s2], $0x80, v3, vm0, $0xb8;
	[tilespmem:$0x18800] =	vst v63  }
0x197: {  	s13 =	simm.s32 $0xB000  }
0x198: {  	[tilespmem:s13], [sflag:$0x2] =	stream.indirect_vreg.gather [hbm4b:s5+s2], $0x80, v3, vm0, $0xb8;
	[tilespmem:$0x18800] =	vst v63  }
0x199: {  	s14 =	simm.s32 $0xB800  }
0x19a: {  	[tilespmem:s14], [sflag:$0x2] =	stream.indirect_vreg.gather [hbm4b:s6+s2], $0x80, v3, vm0, $0xb8;
	[tilespmem:$0x18800] =	vst v63  }
0x19b: {  	_ = 	snop  }
0x19c: {  	[tilespmem:s7], [sflag:$0x2] =	stream.indirect_vreg.gather [hbm4b:s8+s2], $0x80, v3, vm0, $0xb8;
	[tilespmem:$0x18800] =	vst v63  }
0x19d: {  	v3 =	vld [tilespmem:$0x290];
	_ =	sdelay $0x4  }
0x19e: {  	v4 =	vshll.u32 v3, $0x3  }
0x19f: {  	v3 =	vand.u32 $0x7, v3;
	v4 =	vand.u32 $0xFFFFFFC0, v4  }
0x1a0: {  	v3 =	vor.u32 v3, v4  }
0x1a1: {  	v4 =	vperm.xlane v3, v0;
	_ =	sdelay $0x1  }
0x1a2: {  	v4 =	vadd.s32 v1, v4;
	_ =	sdelay $0x4  }
0x1a3: {  	[tilespmem:s9], [sflag:$0x2] =	stream.indirect_vreg.gather [hbm4b:s1+s2], $0x80, v4, vm0, $0xb8;
	[tilespmem:$0x18800] =	vst v63  }
0x1a4: {  	v3 =	vperm.xlane v3, v2  }
0x1a5: {  	[tilespmem:s19], [sflag:$0x2] =	stream.indirect_vreg.gather [hbm4b:s5+s2], $0x80, v4, vm0, $0xb8;
	[tilespmem:$0x18800] =	vst v63  }
0x1a6: {  	v3 =	vadd.s32 v1, v3  }
0x1a7: {  	[tilespmem:s20], [sflag:$0x2] =	stream.indirect_vreg.gather [hbm4b:s6+s2], $0x80, v4, vm0, $0xb8;
	[tilespmem:$0x18800] =	vst v63  }
0x1a8: {  	_ = 	snop  }
0x1a9: {  	[tilespmem:s21], [sflag:$0x2] =	stream.indirect_vreg.gather [hbm4b:s8+s2], $0x80, v4, vm0, $0xb8;
	[tilespmem:$0x18800] =	vst v63  }
0x1aa: {  	_ = 	snop  }
0x1ab: {  	[tilespmem:s22], [sflag:$0x2] =	stream.indirect_vreg.gather [hbm4b:s1+s2], $0x80, v3, vm0, $0xb8;
	[tilespmem:$0x18800] =	vst v63  }
0x1ac: {  	_ = 	snop  }
0x1ad: {  	[tilespmem:s23], [sflag:$0x2] =	stream.indirect_vreg.gather [hbm4b:s5+s2], $0x80, v3, vm0, $0xb8;
	[tilespmem:$0x18800] =	vst v63  }
0x1ae: {  	_ = 	snop  }
0x1af: {  	[tilespmem:s24], [sflag:$0x2] =	stream.indirect_vreg.gather [hbm4b:s6+s2], $0x80, v3, vm0, $0xb8;
	[tilespmem:$0x18800] =	vst v63  }
0x1b0: {  	_ = 	snop  }
0x1b1: {  	[tilespmem:s25], [sflag:$0x2] =	stream.indirect_vreg.gather [hbm4b:s8+s2], $0x80, v3, vm0, $0xb8;
	[tilespmem:$0x18800] =	vst v63  }
0x1b2: {  	s15 =	rddreg [dreg:$0xe]  }
0x1b3: {  	[tilespmem:s26], [sflag:$0x5] =	stream.linear.gather [hbm4b:s15+s2], $0x8000, $0x38;
	[tilespmem:$0x18800] =	vst v63  }
0x1b4: {  	_ =	swait.ge [sflag:s17], $0x8000  }
0x1b5: {  	s16 =	sand.u32 $0x70, s2;
	s12 =	simm.s32 $0x0;
	[sflag:s17] =	ssyncset.done $0x0  }
0x1b6: {  	s11 =	sand.u32 $0x6000, s12;
	s2 =	sand.u32 $0x1C00, s2;
	[sflag:s17] =	ssyncadd.s32 $0xFFFF8000  }
0x1b7: {  	s13 =	simm.s32 $0x0;
	s2 =	sor.u32 s2, s16;
	_ =	swait.ge [sflag:s28], $0x8000  }
0x1b8: {  	s14 =	sand.u32 $0x380, s13;
	s2 =	sor.u32 s11, s2;
	[sflag:s28] =	ssyncset.done $0x0  }
0x1b9: {  	s2 =	sor.u32 s14, s2;
	[sflag:s28] =	ssyncadd.s32 $0xFFFF8000  }
0x1ba: {  	v3 =	vld [tilespmem:s2+$0x10800]  }
0x1bb: {  	v4 =	vld [tilespmem:s2+$0x800]  }
0x1bc: {  	s4 =	simm.s32 $0x10  }
0x1bd: {  	s12 =	sand.u32 $0x70, s4;
	s11 =	simm.s32 $0x80  }
0x1be: {  	s13 =	simm.s32 $0x2;
	s15 =	simm.s32 $0x10;
	s16 =	sand.u32 $0x1C00, s11  }
0x1bf: {  	s14 =	sand.u32 $0x6000, s15;
	s15 =	sor.u32 s16, s12;
	s12 =	simm.s32 $0x2  }
.LBB2_10:
0x1c0: {  	p0 =	sne.s32 s12, $0x7FF;
	s13 =	sand.u32 $0x380, s13;
	s14 =	sor.u32 s14, s15;
	v4 =	vadd.f32 v3, v4  }
0x1c1: {  	s13 =	sor.u32 s13, s14  }
0x1c2: {  	v3 =	vld [tilespmem:s13+$0x10800];
	[tilespmem:s2+$0x800] =	vst v4;
	s2 =	smov.u32 s13  }
.Ltmp4:
0x1c3: {  	v4 =	vld [tilespmem:s2+$0x800];
	(pc) =	sbr.rel @p0 .LBB2_10-.Ltmp4, $4  }
0x1c4: {  	_ = 	snop  }
0x1c5: {  	s4 =	sadd.s32 $0x10, s4;
	s11 =	sadd.s32 $0x80, s11;
	s13 =	sshll.u32 s12, $0x1  }
0x1c6: {  	s15 =	sand.u32 $0x70, s4;
	s14 =	sshll.u32 s12, $0x4;
	s16 =	sand.u32 $0x1C00, s11  }
0x1c7: {  	s14 =	sand.u32 $0x6000, s14;
	s15 =	sor.u32 s16, s15;
	s12 =	sadd.s32 $0x1, s12  }
0x1c8: {  	s4 =	sand.u32 $0x380, s13;
	s11 =	sor.u32 s14, s15;
	v3 =	vadd.f32 v3, v4  }
0x1c9: {  	s4 =	sor.u32 s4, s11  }
0x1ca: {  	v4 =	vld [tilespmem:s4+$0x10800];
	[tilespmem:s2+$0x800] =	vst v3  }
0x1cb: {  	v3 =	vld [tilespmem:s4+$0x800];
	_ =	sdelay $0x4  }
0x1cc: {  	v3 =	vadd.f32 v4, v3;
	_ =	sdelay $0x1  }
0x1cd: {  	s15 =	rddreg [dreg:$0xf];
	s2 =	simm.s32 $0x0;
	[tilespmem:s4+$0x800] =	vst v3  }
0x1ce: {  	[hbm4b:s15+s2] =	stream.linear.scatter [tilespmem:s18], [sflag:$0x3], $0x8000, $0x38;
	[tilespmem:$0x18800] =	vst v63  }
0x1cf: {  	_ =	swait.ge [sflag:s29], $0x8000  }
0x1d0: {  	[sflag:s29] =	ssyncset.done $0x0  }
0x1d1: {  	[sflag:s29] =	ssyncadd.s32 $0xFFFF8000  }
0x1d2: {  	v3 =	vld [tilespmem:$0x300];
	_ =	sdelay $0x4  }
0x1d3: {  	v4 =	vshll.u32 v3, $0x3  }
0x1d4: {  	v3 =	vand.u32 $0x7, v3;
	v4 =	vand.u32 $0xFFFFFFC0, v4  }
0x1d5: {  	v3 =	vor.u32 v3, v4  }
0x1d6: {  	v4 =	vperm.xlane v3, v0;
	_ =	sdelay $0x1  }
0x1d7: {  	v4 =	vadd.s32 v1, v4;
	_ =	sdelay $0x4  }
0x1d8: {  	[tilespmem:s18], [sflag:$0x1] =	stream.indirect_vreg.gather [hbm4b:s1+s2], $0x80, v4, vm0, $0xb8;
	[tilespmem:$0x18800] =	vst v63  }
0x1d9: {  	s16 =	simm.s32 $0x1000;
	v3 =	vperm.xlane v3, v2  }
0x1da: {  	[tilespmem:s16], [sflag:$0x1] =	stream.indirect_vreg.gather [hbm4b:s5+s2], $0x80, v4, vm0, $0xb8;
	[tilespmem:$0x18800] =	vst v63  }
0x1db: {  	s11 =	simm.s32 $0x1800;
	v3 =	vadd.s32 v1, v3  }
0x1dc: {  	[tilespmem:s11], [sflag:$0x1] =	stream.indirect_vreg.gather [hbm4b:s6+s2], $0x80, v4, vm0, $0xb8;
	[tilespmem:$0x18800] =	vst v63  }
0x1dd: {  	s12 =	simm.s32 $0x2000  }
0x1de: {  	[tilespmem:s12], [sflag:$0x1] =	stream.indirect_vreg.gather [hbm4b:s8+s2], $0x80, v4, vm0, $0xb8;
	[tilespmem:$0x18800] =	vst v63  }
0x1df: {  	s13 =	simm.s32 $0x2800  }
0x1e0: {  	[tilespmem:s13], [sflag:$0x1] =	stream.indirect_vreg.gather [hbm4b:s1+s2], $0x80, v3, vm0, $0xb8;
	[tilespmem:$0x18800] =	vst v63  }
0x1e1: {  	s14 =	simm.s32 $0x3000  }
0x1e2: {  	[tilespmem:s14], [sflag:$0x1] =	stream.indirect_vreg.gather [hbm4b:s5+s2], $0x80, v3, vm0, $0xb8;
	[tilespmem:$0x18800] =	vst v63  }
0x1e3: {  	s15 =	simm.s32 $0x3800  }
0x1e4: {  	[tilespmem:s15], [sflag:$0x1] =	stream.indirect_vreg.gather [hbm4b:s6+s2], $0x80, v3, vm0, $0xb8;
	[tilespmem:$0x18800] =	vst v63  }
0x1e5: {  	s16 =	simm.s32 $0x4000  }
0x1e6: {  	[tilespmem:s16], [sflag:$0x1] =	stream.indirect_vreg.gather [hbm4b:s8+s2], $0x80, v3, vm0, $0xb8;
	[tilespmem:$0x18800] =	vst v63  }
0x1e7: {  	v3 =	vld [tilespmem:$0x310];
	_ =	sdelay $0x4  }
0x1e8: {  	v4 =	vshll.u32 v3, $0x3  }
0x1e9: {  	v3 =	vand.u32 $0x7, v3;
	v4 =	vand.u32 $0xFFFFFFC0, v4  }
0x1ea: {  	v3 =	vor.u32 v3, v4  }
0x1eb: {  	v4 =	vperm.xlane v3, v0;
	_ =	sdelay $0x1  }
0x1ec: {  	v4 =	vadd.s32 v1, v4;
	_ =	sdelay $0x3  }
0x1ed: {  	s11 =	simm.s32 $0x4800  }
0x1ee: {  	[tilespmem:s11], [sflag:$0x1] =	stream.indirect_vreg.gather [hbm4b:s1+s2], $0x80, v4, vm0, $0xb8;
	[tilespmem:$0x18800] =	vst v63  }
0x1ef: {  	s12 =	simm.s32 $0x5000;
	v3 =	vperm.xlane v3, v2  }
0x1f0: {  	[tilespmem:s12], [sflag:$0x1] =	stream.indirect_vreg.gather [hbm4b:s5+s2], $0x80, v4, vm0, $0xb8;
	[tilespmem:$0x18800] =	vst v63  }
0x1f1: {  	s13 =	simm.s32 $0x5800;
	v3 =	vadd.s32 v1, v3  }
0x1f2: {  	[tilespmem:s13], [sflag:$0x1] =	stream.indirect_vreg.gather [hbm4b:s6+s2], $0x80, v4, vm0, $0xb8;
	[tilespmem:$0x18800] =	vst v63  }
0x1f3: {  	s14 =	simm.s32 $0x6000  }
0x1f4: {  	[tilespmem:s14], [sflag:$0x1] =	stream.indirect_vreg.gather [hbm4b:s8+s2], $0x80, v4, vm0, $0xb8;
	[tilespmem:$0x18800] =	vst v63  }
0x1f5: {  	s15 =	simm.s32 $0x6800  }
0x1f6: {  	[tilespmem:s15], [sflag:$0x1] =	stream.indirect_vreg.gather [hbm4b:s1+s2], $0x80, v3, vm0, $0xb8;
	[tilespmem:$0x18800] =	vst v63  }
0x1f7: {  	s16 =	simm.s32 $0x7000  }
0x1f8: {  	[tilespmem:s16], [sflag:$0x1] =	stream.indirect_vreg.gather [hbm4b:s5+s2], $0x80, v3, vm0, $0xb8;
	[tilespmem:$0x18800] =	vst v63  }
0x1f9: {  	s11 =	simm.s32 $0x7800  }
0x1fa: {  	[tilespmem:s11], [sflag:$0x1] =	stream.indirect_vreg.gather [hbm4b:s6+s2], $0x80, v3, vm0, $0xb8;
	[tilespmem:$0x18800] =	vst v63  }
0x1fb: {  	s12 =	simm.s32 $0x8000  }
0x1fc: {  	[tilespmem:s12], [sflag:$0x1] =	stream.indirect_vreg.gather [hbm4b:s8+s2], $0x80, v3, vm0, $0xb8;
	[tilespmem:$0x18800] =	vst v63  }
0x1fd: {  	s13 =	rddreg [dreg:$0x10]  }
0x1fe: {  	[tilespmem:s26], [sflag:$0x5] =	stream.linear.gather [hbm4b:s13+s2], $0x8000, $0x38;
	[tilespmem:$0x18800] =	vst v63  }
0x1ff: {  	s14 =	simm.s32 $0x0;
	_ =	swait.ge [sflag:s17], $0x8000  }
0x200: {  	s4 =	sand.u32 $0x6000, s14;
	[sflag:s17] =	ssyncset.done $0x0  }
0x201: {  	s15 =	simm.s32 $0x0;
	s12 =	sand.u32 $0x1C00, s2;
	[sflag:s17] =	ssyncadd.s32 $0xFFFF8000  }
0x202: {  	s11 =	sand.u32 $0x380, s15;
	s4 =	sor.u32 s12, s4;
	_ =	swait.ge [sflag:s30], $0x8000  }
0x203: {  	s2 =	sand.u32 $0x70, s2;
	s4 =	sor.u32 s11, s4;
	[sflag:s30] =	ssyncset.done $0x0  }
0x204: {  	s2 =	sor.u32 s2, s4;
	[sflag:s30] =	ssyncadd.s32 $0xFFFF8000  }
0x205: {  	v3 =	vld [tilespmem:s2+$0x10800]  }
0x206: {  	v4 =	vld [tilespmem:s2+$0x8800]  }
0x207: {  	s16 =	simm.s32 $0x10  }
0x208: {  	s14 =	sand.u32 $0x6000, s16;
	s12 =	simm.s32 $0x2;
	s11 =	simm.s32 $0x80  }
0x209: {  	s13 =	simm.s32 $0x2;
	s4 =	simm.s32 $0x10;
	s15 =	sand.u32 $0x1C00, s11  }
.LBB2_12:
0x20a: {  	p0 =	sne.s32 s12, $0x7FF;
	s13 =	sand.u32 $0x380, s13;
	s14 =	sor.u32 s15, s14  }
0x20b: {  	s15 =	sand.u32 $0x70, s4;
	s13 =	sor.u32 s13, s14;
	v4 =	vadd.f32 v3, v4  }
0x20c: {  	s13 =	sor.u32 s15, s13  }
.Ltmp5:
0x20d: {  	v3 =	vld [tilespmem:s13+$0x10800];
	[tilespmem:s2+$0x8800] =	vst v4;
	s2 =	smov.u32 s13;
	(pc) =	sbr.rel @p0 .LBB2_12-.Ltmp5, $4  }
0x20e: {  	v4 =	vld [tilespmem:s2+$0x8800]  }
0x20f: {  	s4 =	sadd.s32 $0x10, s4  }
0x210: {  	s11 =	sadd.s32 $0x80, s11;
	s14 =	sshll.u32 s12, $0x4;
	s13 =	sshll.u32 s12, $0x1  }
0x211: {  	s14 =	sand.u32 $0x6000, s14;
	s15 =	sand.u32 $0x1C00, s11;
	s12 =	sadd.s32 $0x1, s12  }
0x212: {  	s11 =	sand.u32 $0x380, s13;
	s12 =	sor.u32 s15, s14  }
0x213: {  	s4 =	sand.u32 $0x70, s4;
	s11 =	sor.u32 s11, s12;
	v3 =	vadd.f32 v3, v4  }
0x214: {  	s4 =	sor.u32 s4, s11  }
0x215: {  	v4 =	vld [tilespmem:s4+$0x10800];
	[tilespmem:s2+$0x8800] =	vst v3  }
0x216: {  	v3 =	vld [tilespmem:s4+$0x8800];
	_ =	sdelay $0x4  }
0x217: {  	v3 =	vadd.f32 v4, v3;
	_ =	sdelay $0x1  }
0x218: {  	s14 =	rddreg [dreg:$0x11];
	s2 =	simm.s32 $0x0;
	[tilespmem:s4+$0x8800] =	vst v3  }
0x219: {  	[hbm4b:s14+s2] =	stream.linear.scatter [tilespmem:s10], [sflag:$0x4], $0x8000, $0x38;
	[tilespmem:$0x18800] =	vst v63  }
0x21a: {  	_ =	swait.ge [sflag:s31], $0x8000  }
0x21b: {  	[sflag:s31] =	ssyncset.done $0x0  }
0x21c: {  	[sflag:s31] =	ssyncadd.s32 $0xFFFF8000  }
0x21d: {  	v3 =	vld [tilespmem:$0x380];
	_ =	sdelay $0x4  }
0x21e: {  	v4 =	vshll.u32 v3, $0x3  }
0x21f: {  	v3 =	vand.u32 $0x7, v3;
	v4 =	vand.u32 $0xFFFFFFC0, v4  }
0x220: {  	v3 =	vor.u32 v3, v4  }
0x221: {  	v4 =	vperm.xlane v3, v0;
	_ =	sdelay $0x1  }
0x222: {  	v4 =	vadd.s32 v1, v4;
	_ =	sdelay $0x4  }
0x223: {  	[tilespmem:s10], [sflag:$0x2] =	stream.indirect_vreg.gather [hbm4b:s1+s2], $0x80, v4, vm0, $0xb8;
	[tilespmem:$0x18800] =	vst v63  }
0x224: {  	s15 =	simm.s32 $0x9000;
	v3 =	vperm.xlane v3, v2  }
0x225: {  	[tilespmem:s15], [sflag:$0x2] =	stream.indirect_vreg.gather [hbm4b:s5+s2], $0x80, v4, vm0, $0xb8;
	[tilespmem:$0x18800] =	vst v63  }
0x226: {  	s16 =	simm.s32 $0x9800;
	v3 =	vadd.s32 v1, v3  }
0x227: {  	[tilespmem:s16], [sflag:$0x2] =	stream.indirect_vreg.gather [hbm4b:s6+s2], $0x80, v4, vm0, $0xb8;
	[tilespmem:$0x18800] =	vst v63  }
0x228: {  	s11 =	simm.s32 $0xA000  }
0x229: {  	[tilespmem:s11], [sflag:$0x2] =	stream.indirect_vreg.gather [hbm4b:s8+s2], $0x80, v4, vm0, $0xb8;
	[tilespmem:$0x18800] =	vst v63  }
0x22a: {  	s12 =	simm.s32 $0xA800  }
0x22b: {  	[tilespmem:s12], [sflag:$0x2] =	stream.indirect_vreg.gather [hbm4b:s1+s2], $0x80, v3, vm0, $0xb8;
	[tilespmem:$0x18800] =	vst v63  }
0x22c: {  	s13 =	simm.s32 $0xB000  }
0x22d: {  	[tilespmem:s13], [sflag:$0x2] =	stream.indirect_vreg.gather [hbm4b:s5+s2], $0x80, v3, vm0, $0xb8;
	[tilespmem:$0x18800] =	vst v63  }
0x22e: {  	s14 =	simm.s32 $0xB800  }
0x22f: {  	[tilespmem:s14], [sflag:$0x2] =	stream.indirect_vreg.gather [hbm4b:s6+s2], $0x80, v3, vm0, $0xb8;
	[tilespmem:$0x18800] =	vst v63  }
0x230: {  	_ = 	snop  }
0x231: {  	[tilespmem:s7], [sflag:$0x2] =	stream.indirect_vreg.gather [hbm4b:s8+s2], $0x80, v3, vm0, $0xb8;
	[tilespmem:$0x18800] =	vst v63  }
0x232: {  	v3 =	vld [tilespmem:$0x390];
	_ =	sdelay $0x4  }
0x233: {  	v4 =	vshll.u32 v3, $0x3  }
0x234: {  	v3 =	vand.u32 $0x7, v3;
	v4 =	vand.u32 $0xFFFFFFC0, v4  }
0x235: {  	v3 =	vor.u32 v3, v4  }
0x236: {  	v4 =	vperm.xlane v3, v0;
	_ =	sdelay $0x1  }
0x237: {  	v4 =	vadd.s32 v1, v4;
	_ =	sdelay $0x4  }
0x238: {  	[tilespmem:s9], [sflag:$0x2] =	stream.indirect_vreg.gather [hbm4b:s1+s2], $0x80, v4, vm0, $0xb8;
	[tilespmem:$0x18800] =	vst v63  }
0x239: {  	v3 =	vperm.xlane v3, v2  }
0x23a: {  	[tilespmem:s19], [sflag:$0x2] =	stream.indirect_vreg.gather [hbm4b:s5+s2], $0x80, v4, vm0, $0xb8;
	[tilespmem:$0x18800] =	vst v63  }
0x23b: {  	v3 =	vadd.s32 v1, v3  }
0x23c: {  	[tilespmem:s20], [sflag:$0x2] =	stream.indirect_vreg.gather [hbm4b:s6+s2], $0x80, v4, vm0, $0xb8;
	[tilespmem:$0x18800] =	vst v63  }
0x23d: {  	_ = 	snop  }
0x23e: {  	[tilespmem:s21], [sflag:$0x2] =	stream.indirect_vreg.gather [hbm4b:s8+s2], $0x80, v4, vm0, $0xb8;
	[tilespmem:$0x18800] =	vst v63  }
0x23f: {  	_ = 	snop  }
0x240: {  	[tilespmem:s22], [sflag:$0x2] =	stream.indirect_vreg.gather [hbm4b:s1+s2], $0x80, v3, vm0, $0xb8;
	[tilespmem:$0x18800] =	vst v63  }
0x241: {  	_ = 	snop  }
0x242: {  	[tilespmem:s23], [sflag:$0x2] =	stream.indirect_vreg.gather [hbm4b:s5+s2], $0x80, v3, vm0, $0xb8;
	[tilespmem:$0x18800] =	vst v63  }
0x243: {  	_ = 	snop  }
0x244: {  	[tilespmem:s24], [sflag:$0x2] =	stream.indirect_vreg.gather [hbm4b:s6+s2], $0x80, v3, vm0, $0xb8;
	[tilespmem:$0x18800] =	vst v63  }
0x245: {  	_ = 	snop  }
0x246: {  	[tilespmem:s25], [sflag:$0x2] =	stream.indirect_vreg.gather [hbm4b:s8+s2], $0x80, v3, vm0, $0xb8;
	[tilespmem:$0x18800] =	vst v63  }
0x247: {  	s15 =	rddreg [dreg:$0x12]  }
0x248: {  	[tilespmem:s26], [sflag:$0x5] =	stream.linear.gather [hbm4b:s15+s2], $0x8000, $0x38;
	[tilespmem:$0x18800] =	vst v63  }
0x249: {  	_ =	swait.ge [sflag:s17], $0x8000  }
0x24a: {  	s16 =	sand.u32 $0x70, s2;
	s12 =	simm.s32 $0x0;
	[sflag:s17] =	ssyncset.done $0x0  }
0x24b: {  	s11 =	sand.u32 $0x6000, s12;
	s2 =	sand.u32 $0x1C00, s2;
	[sflag:s17] =	ssyncadd.s32 $0xFFFF8000  }
0x24c: {  	s13 =	simm.s32 $0x0;
	s2 =	sor.u32 s2, s16;
	_ =	swait.ge [sflag:s28], $0x8000  }
0x24d: {  	s14 =	sand.u32 $0x380, s13;
	s2 =	sor.u32 s11, s2;
	[sflag:s28] =	ssyncset.done $0x0  }
0x24e: {  	s2 =	sor.u32 s14, s2;
	[sflag:s28] =	ssyncadd.s32 $0xFFFF8000  }
0x24f: {  	v3 =	vld [tilespmem:s2+$0x10800]  }
0x250: {  	v4 =	vld [tilespmem:s2+$0x800]  }
0x251: {  	s4 =	simm.s32 $0x10  }
0x252: {  	s12 =	sand.u32 $0x70, s4;
	s11 =	simm.s32 $0x80  }
0x253: {  	s13 =	simm.s32 $0x2;
	s15 =	simm.s32 $0x10;
	s16 =	sand.u32 $0x1C00, s11  }
0x254: {  	s14 =	sand.u32 $0x6000, s15;
	s15 =	sor.u32 s16, s12;
	s12 =	simm.s32 $0x2  }
.LBB2_14:
0x255: {  	p0 =	sne.s32 s12, $0x7FF;
	s13 =	sand.u32 $0x380, s13;
	s14 =	sor.u32 s14, s15;
	v4 =	vadd.f32 v3, v4  }
0x256: {  	s13 =	sor.u32 s13, s14  }
0x257: {  	v3 =	vld [tilespmem:s13+$0x10800];
	[tilespmem:s2+$0x800] =	vst v4;
	s2 =	smov.u32 s13  }
.Ltmp6:
0x258: {  	v4 =	vld [tilespmem:s2+$0x800];
	(pc) =	sbr.rel @p0 .LBB2_14-.Ltmp6, $4  }
0x259: {  	_ = 	snop  }
0x25a: {  	s4 =	sadd.s32 $0x10, s4;
	s11 =	sadd.s32 $0x80, s11;
	s13 =	sshll.u32 s12, $0x1  }
0x25b: {  	s15 =	sand.u32 $0x70, s4;
	s14 =	sshll.u32 s12, $0x4;
	s16 =	sand.u32 $0x1C00, s11  }
0x25c: {  	s14 =	sand.u32 $0x6000, s14;
	s15 =	sor.u32 s16, s15;
	s12 =	sadd.s32 $0x1, s12  }
0x25d: {  	s4 =	sand.u32 $0x380, s13;
	s11 =	sor.u32 s14, s15;
	v3 =	vadd.f32 v3, v4  }
0x25e: {  	s4 =	sor.u32 s4, s11  }
0x25f: {  	v4 =	vld [tilespmem:s4+$0x10800];
	[tilespmem:s2+$0x800] =	vst v3  }
0x260: {  	v3 =	vld [tilespmem:s4+$0x800];
	_ =	sdelay $0x4  }
0x261: {  	v3 =	vadd.f32 v4, v3;
	_ =	sdelay $0x1  }
0x262: {  	s15 =	rddreg [dreg:$0x13];
	s2 =	simm.s32 $0x0;
	[tilespmem:s4+$0x800] =	vst v3  }
0x263: {  	[hbm4b:s15+s2] =	stream.linear.scatter [tilespmem:s18], [sflag:$0x3], $0x8000, $0x38;
	[tilespmem:$0x18800] =	vst v63  }
0x264: {  	_ =	swait.ge [sflag:s29], $0x8000  }
0x265: {  	[sflag:s29] =	ssyncset.done $0x0  }
0x266: {  	[sflag:s29] =	ssyncadd.s32 $0xFFFF8000  }
0x267: {  	v3 =	vld [tilespmem:$0x400];
	_ =	sdelay $0x4  }
0x268: {  	v4 =	vshll.u32 v3, $0x3  }
0x269: {  	v3 =	vand.u32 $0x7, v3;
	v4 =	vand.u32 $0xFFFFFFC0, v4  }
0x26a: {  	v3 =	vor.u32 v3, v4  }
0x26b: {  	v4 =	vperm.xlane v3, v0;
	_ =	sdelay $0x1  }
0x26c: {  	v4 =	vadd.s32 v1, v4;
	_ =	sdelay $0x4  }
0x26d: {  	[tilespmem:s18], [sflag:$0x1] =	stream.indirect_vreg.gather [hbm4b:s1+s2], $0x80, v4, vm0, $0xb8;
	[tilespmem:$0x18800] =	vst v63  }
0x26e: {  	s16 =	simm.s32 $0x1000;
	v3 =	vperm.xlane v3, v2  }
0x26f: {  	[tilespmem:s16], [sflag:$0x1] =	stream.indirect_vreg.gather [hbm4b:s5+s2], $0x80, v4, vm0, $0xb8;
	[tilespmem:$0x18800] =	vst v63  }
0x270: {  	s11 =	simm.s32 $0x1800;
	v3 =	vadd.s32 v1, v3  }
0x271: {  	[tilespmem:s11], [sflag:$0x1] =	stream.indirect_vreg.gather [hbm4b:s6+s2], $0x80, v4, vm0, $0xb8;
	[tilespmem:$0x18800] =	vst v63  }
0x272: {  	s12 =	simm.s32 $0x2000  }
0x273: {  	[tilespmem:s12], [sflag:$0x1] =	stream.indirect_vreg.gather [hbm4b:s8+s2], $0x80, v4, vm0, $0xb8;
	[tilespmem:$0x18800] =	vst v63  }
0x274: {  	s13 =	simm.s32 $0x2800  }
0x275: {  	[tilespmem:s13], [sflag:$0x1] =	stream.indirect_vreg.gather [hbm4b:s1+s2], $0x80, v3, vm0, $0xb8;
	[tilespmem:$0x18800] =	vst v63  }
0x276: {  	s14 =	simm.s32 $0x3000  }
0x277: {  	[tilespmem:s14], [sflag:$0x1] =	stream.indirect_vreg.gather [hbm4b:s5+s2], $0x80, v3, vm0, $0xb8;
	[tilespmem:$0x18800] =	vst v63  }
0x278: {  	s15 =	simm.s32 $0x3800  }
0x279: {  	[tilespmem:s15], [sflag:$0x1] =	stream.indirect_vreg.gather [hbm4b:s6+s2], $0x80, v3, vm0, $0xb8;
	[tilespmem:$0x18800] =	vst v63  }
0x27a: {  	s16 =	simm.s32 $0x4000  }
0x27b: {  	[tilespmem:s16], [sflag:$0x1] =	stream.indirect_vreg.gather [hbm4b:s8+s2], $0x80, v3, vm0, $0xb8;
	[tilespmem:$0x18800] =	vst v63  }
0x27c: {  	v3 =	vld [tilespmem:$0x410];
	_ =	sdelay $0x4  }
0x27d: {  	v4 =	vshll.u32 v3, $0x3  }
0x27e: {  	v3 =	vand.u32 $0x7, v3;
	v4 =	vand.u32 $0xFFFFFFC0, v4  }
0x27f: {  	v3 =	vor.u32 v3, v4  }
0x280: {  	v4 =	vperm.xlane v3, v0;
	_ =	sdelay $0x1  }
0x281: {  	v4 =	vadd.s32 v1, v4;
	_ =	sdelay $0x3  }
0x282: {  	s11 =	simm.s32 $0x4800  }
0x283: {  	[tilespmem:s11], [sflag:$0x1] =	stream.indirect_vreg.gather [hbm4b:s1+s2], $0x80, v4, vm0, $0xb8;
	[tilespmem:$0x18800] =	vst v63  }
0x284: {  	s12 =	simm.s32 $0x5000;
	v3 =	vperm.xlane v3, v2  }
0x285: {  	[tilespmem:s12], [sflag:$0x1] =	stream.indirect_vreg.gather [hbm4b:s5+s2], $0x80, v4, vm0, $0xb8;
	[tilespmem:$0x18800] =	vst v63  }
0x286: {  	s13 =	simm.s32 $0x5800;
	v3 =	vadd.s32 v1, v3  }
0x287: {  	[tilespmem:s13], [sflag:$0x1] =	stream.indirect_vreg.gather [hbm4b:s6+s2], $0x80, v4, vm0, $0xb8;
	[tilespmem:$0x18800] =	vst v63  }
0x288: {  	s14 =	simm.s32 $0x6000  }
0x289: {  	[tilespmem:s14], [sflag:$0x1] =	stream.indirect_vreg.gather [hbm4b:s8+s2], $0x80, v4, vm0, $0xb8;
	[tilespmem:$0x18800] =	vst v63  }
0x28a: {  	s15 =	simm.s32 $0x6800  }
0x28b: {  	[tilespmem:s15], [sflag:$0x1] =	stream.indirect_vreg.gather [hbm4b:s1+s2], $0x80, v3, vm0, $0xb8;
	[tilespmem:$0x18800] =	vst v63  }
0x28c: {  	s16 =	simm.s32 $0x7000  }
0x28d: {  	[tilespmem:s16], [sflag:$0x1] =	stream.indirect_vreg.gather [hbm4b:s5+s2], $0x80, v3, vm0, $0xb8;
	[tilespmem:$0x18800] =	vst v63  }
0x28e: {  	s11 =	simm.s32 $0x7800  }
0x28f: {  	[tilespmem:s11], [sflag:$0x1] =	stream.indirect_vreg.gather [hbm4b:s6+s2], $0x80, v3, vm0, $0xb8;
	[tilespmem:$0x18800] =	vst v63  }
0x290: {  	s12 =	simm.s32 $0x8000  }
0x291: {  	[tilespmem:s12], [sflag:$0x1] =	stream.indirect_vreg.gather [hbm4b:s8+s2], $0x80, v3, vm0, $0xb8;
	[tilespmem:$0x18800] =	vst v63  }
0x292: {  	s13 =	rddreg [dreg:$0x14]  }
0x293: {  	[tilespmem:s26], [sflag:$0x5] =	stream.linear.gather [hbm4b:s13+s2], $0x8000, $0x38;
	[tilespmem:$0x18800] =	vst v63  }
0x294: {  	s14 =	simm.s32 $0x0;
	_ =	swait.ge [sflag:s17], $0x8000  }
0x295: {  	s4 =	sand.u32 $0x6000, s14;
	[sflag:s17] =	ssyncset.done $0x0  }
0x296: {  	s15 =	simm.s32 $0x0;
	s12 =	sand.u32 $0x1C00, s2;
	[sflag:s17] =	ssyncadd.s32 $0xFFFF8000  }
0x297: {  	s11 =	sand.u32 $0x380, s15;
	s4 =	sor.u32 s12, s4;
	_ =	swait.ge [sflag:s30], $0x8000  }
0x298: {  	s2 =	sand.u32 $0x70, s2;
	s4 =	sor.u32 s11, s4;
	[sflag:s30] =	ssyncset.done $0x0  }
0x299: {  	s2 =	sor.u32 s2, s4;
	[sflag:s30] =	ssyncadd.s32 $0xFFFF8000  }
0x29a: {  	v3 =	vld [tilespmem:s2+$0x10800]  }
0x29b: {  	v4 =	vld [tilespmem:s2+$0x8800]  }
0x29c: {  	s16 =	simm.s32 $0x10  }
0x29d: {  	s14 =	sand.u32 $0x6000, s16;
	s12 =	simm.s32 $0x2;
	s11 =	simm.s32 $0x80  }
0x29e: {  	s13 =	simm.s32 $0x2;
	s4 =	simm.s32 $0x10;
	s15 =	sand.u32 $0x1C00, s11  }
.LBB2_16:
0x29f: {  	p0 =	sne.s32 s12, $0x7FF;
	s13 =	sand.u32 $0x380, s13;
	s14 =	sor.u32 s15, s14  }
0x2a0: {  	s15 =	sand.u32 $0x70, s4;
	s13 =	sor.u32 s13, s14;
	v4 =	vadd.f32 v3, v4  }
0x2a1: {  	s13 =	sor.u32 s15, s13  }
.Ltmp7:
0x2a2: {  	v3 =	vld [tilespmem:s13+$0x10800];
	[tilespmem:s2+$0x8800] =	vst v4;
	s2 =	smov.u32 s13;
	(pc) =	sbr.rel @p0 .LBB2_16-.Ltmp7, $4  }
0x2a3: {  	v4 =	vld [tilespmem:s2+$0x8800]  }
0x2a4: {  	s4 =	sadd.s32 $0x10, s4  }
0x2a5: {  	s11 =	sadd.s32 $0x80, s11;
	s14 =	sshll.u32 s12, $0x4;
	s13 =	sshll.u32 s12, $0x1  }
0x2a6: {  	s14 =	sand.u32 $0x6000, s14;
	s15 =	sand.u32 $0x1C00, s11;
	s12 =	sadd.s32 $0x1, s12  }
0x2a7: {  	s11 =	sand.u32 $0x380, s13;
	s12 =	sor.u32 s15, s14  }
0x2a8: {  	s4 =	sand.u32 $0x70, s4;
	s11 =	sor.u32 s11, s12;
	v3 =	vadd.f32 v3, v4  }
0x2a9: {  	s4 =	sor.u32 s4, s11  }
0x2aa: {  	v4 =	vld [tilespmem:s4+$0x10800];
	[tilespmem:s2+$0x8800] =	vst v3  }
0x2ab: {  	v3 =	vld [tilespmem:s4+$0x8800];
	_ =	sdelay $0x4  }
0x2ac: {  	v3 =	vadd.f32 v4, v3;
	_ =	sdelay $0x1  }
0x2ad: {  	s14 =	rddreg [dreg:$0x15];
	s2 =	simm.s32 $0x0;
	[tilespmem:s4+$0x8800] =	vst v3  }
0x2ae: {  	[hbm4b:s14+s2] =	stream.linear.scatter [tilespmem:s10], [sflag:$0x4], $0x8000, $0x38;
	[tilespmem:$0x18800] =	vst v63  }
0x2af: {  	_ =	swait.ge [sflag:s31], $0x8000  }
0x2b0: {  	[sflag:s31] =	ssyncset.done $0x0  }
0x2b1: {  	[sflag:s31] =	ssyncadd.s32 $0xFFFF8000  }
0x2b2: {  	v3 =	vld [tilespmem:$0x480];
	_ =	sdelay $0x4  }
0x2b3: {  	v4 =	vshll.u32 v3, $0x3  }
0x2b4: {  	v3 =	vand.u32 $0x7, v3;
	v4 =	vand.u32 $0xFFFFFFC0, v4  }
0x2b5: {  	v3 =	vor.u32 v3, v4  }
0x2b6: {  	v4 =	vperm.xlane v3, v0;
	_ =	sdelay $0x1  }
0x2b7: {  	v4 =	vadd.s32 v1, v4;
	_ =	sdelay $0x4  }
0x2b8: {  	[tilespmem:s10], [sflag:$0x2] =	stream.indirect_vreg.gather [hbm4b:s1+s2], $0x80, v4, vm0, $0xb8;
	[tilespmem:$0x18800] =	vst v63  }
0x2b9: {  	s15 =	simm.s32 $0x9000;
	v3 =	vperm.xlane v3, v2  }
0x2ba: {  	[tilespmem:s15], [sflag:$0x2] =	stream.indirect_vreg.gather [hbm4b:s5+s2], $0x80, v4, vm0, $0xb8;
	[tilespmem:$0x18800] =	vst v63  }
0x2bb: {  	s16 =	simm.s32 $0x9800;
	v3 =	vadd.s32 v1, v3  }
0x2bc: {  	[tilespmem:s16], [sflag:$0x2] =	stream.indirect_vreg.gather [hbm4b:s6+s2], $0x80, v4, vm0, $0xb8;
	[tilespmem:$0x18800] =	vst v63  }
0x2bd: {  	s11 =	simm.s32 $0xA000  }
0x2be: {  	[tilespmem:s11], [sflag:$0x2] =	stream.indirect_vreg.gather [hbm4b:s8+s2], $0x80, v4, vm0, $0xb8;
	[tilespmem:$0x18800] =	vst v63  }
0x2bf: {  	s12 =	simm.s32 $0xA800  }
0x2c0: {  	[tilespmem:s12], [sflag:$0x2] =	stream.indirect_vreg.gather [hbm4b:s1+s2], $0x80, v3, vm0, $0xb8;
	[tilespmem:$0x18800] =	vst v63  }
0x2c1: {  	s13 =	simm.s32 $0xB000  }
0x2c2: {  	[tilespmem:s13], [sflag:$0x2] =	stream.indirect_vreg.gather [hbm4b:s5+s2], $0x80, v3, vm0, $0xb8;
	[tilespmem:$0x18800] =	vst v63  }
0x2c3: {  	s14 =	simm.s32 $0xB800  }
0x2c4: {  	[tilespmem:s14], [sflag:$0x2] =	stream.indirect_vreg.gather [hbm4b:s6+s2], $0x80, v3, vm0, $0xb8;
	[tilespmem:$0x18800] =	vst v63  }
0x2c5: {  	_ = 	snop  }
0x2c6: {  	[tilespmem:s7], [sflag:$0x2] =	stream.indirect_vreg.gather [hbm4b:s8+s2], $0x80, v3, vm0, $0xb8;
	[tilespmem:$0x18800] =	vst v63  }
0x2c7: {  	v3 =	vld [tilespmem:$0x490];
	_ =	sdelay $0x4  }
0x2c8: {  	v4 =	vshll.u32 v3, $0x3  }
0x2c9: {  	v3 =	vand.u32 $0x7, v3;
	v4 =	vand.u32 $0xFFFFFFC0, v4  }
0x2ca: {  	v3 =	vor.u32 v3, v4  }
0x2cb: {  	v4 =	vperm.xlane v3, v0;
	_ =	sdelay $0x1  }
0x2cc: {  	v4 =	vadd.s32 v1, v4;
	_ =	sdelay $0x4  }
0x2cd: {  	[tilespmem:s9], [sflag:$0x2] =	stream.indirect_vreg.gather [hbm4b:s1+s2], $0x80, v4, vm0, $0xb8;
	[tilespmem:$0x18800] =	vst v63  }
0x2ce: {  	v3 =	vperm.xlane v3, v2  }
0x2cf: {  	[tilespmem:s19], [sflag:$0x2] =	stream.indirect_vreg.gather [hbm4b:s5+s2], $0x80, v4, vm0, $0xb8;
	[tilespmem:$0x18800] =	vst v63  }
0x2d0: {  	v3 =	vadd.s32 v1, v3  }
0x2d1: {  	[tilespmem:s20], [sflag:$0x2] =	stream.indirect_vreg.gather [hbm4b:s6+s2], $0x80, v4, vm0, $0xb8;
	[tilespmem:$0x18800] =	vst v63  }
0x2d2: {  	_ = 	snop  }
0x2d3: {  	[tilespmem:s21], [sflag:$0x2] =	stream.indirect_vreg.gather [hbm4b:s8+s2], $0x80, v4, vm0, $0xb8;
	[tilespmem:$0x18800] =	vst v63  }
0x2d4: {  	_ = 	snop  }
0x2d5: {  	[tilespmem:s22], [sflag:$0x2] =	stream.indirect_vreg.gather [hbm4b:s1+s2], $0x80, v3, vm0, $0xb8;
	[tilespmem:$0x18800] =	vst v63  }
0x2d6: {  	_ = 	snop  }
0x2d7: {  	[tilespmem:s23], [sflag:$0x2] =	stream.indirect_vreg.gather [hbm4b:s5+s2], $0x80, v3, vm0, $0xb8;
	[tilespmem:$0x18800] =	vst v63  }
0x2d8: {  	_ = 	snop  }
0x2d9: {  	[tilespmem:s24], [sflag:$0x2] =	stream.indirect_vreg.gather [hbm4b:s6+s2], $0x80, v3, vm0, $0xb8;
	[tilespmem:$0x18800] =	vst v63  }
0x2da: {  	_ = 	snop  }
0x2db: {  	[tilespmem:s25], [sflag:$0x2] =	stream.indirect_vreg.gather [hbm4b:s8+s2], $0x80, v3, vm0, $0xb8;
	[tilespmem:$0x18800] =	vst v63  }
0x2dc: {  	s15 =	rddreg [dreg:$0x16]  }
0x2dd: {  	[tilespmem:s26], [sflag:$0x5] =	stream.linear.gather [hbm4b:s15+s2], $0x8000, $0x38;
	[tilespmem:$0x18800] =	vst v63  }
0x2de: {  	_ =	swait.ge [sflag:s17], $0x8000  }
0x2df: {  	s16 =	sand.u32 $0x70, s2;
	s12 =	simm.s32 $0x0;
	[sflag:s17] =	ssyncset.done $0x0  }
0x2e0: {  	s11 =	sand.u32 $0x6000, s12;
	s2 =	sand.u32 $0x1C00, s2;
	[sflag:s17] =	ssyncadd.s32 $0xFFFF8000  }
0x2e1: {  	s13 =	simm.s32 $0x0;
	s2 =	sor.u32 s2, s16;
	_ =	swait.ge [sflag:s28], $0x8000  }
0x2e2: {  	s14 =	sand.u32 $0x380, s13;
	s2 =	sor.u32 s11, s2;
	[sflag:s28] =	ssyncset.done $0x0  }
0x2e3: {  	s2 =	sor.u32 s14, s2;
	[sflag:s28] =	ssyncadd.s32 $0xFFFF8000  }
0x2e4: {  	v3 =	vld [tilespmem:s2+$0x10800]  }
0x2e5: {  	v4 =	vld [tilespmem:s2+$0x800]  }
0x2e6: {  	s4 =	simm.s32 $0x10  }
0x2e7: {  	s12 =	sand.u32 $0x70, s4;
	s11 =	simm.s32 $0x80  }
0x2e8: {  	s13 =	simm.s32 $0x2;
	s15 =	simm.s32 $0x10;
	s16 =	sand.u32 $0x1C00, s11  }
0x2e9: {  	s14 =	sand.u32 $0x6000, s15;
	s15 =	sor.u32 s16, s12;
	s12 =	simm.s32 $0x2  }
.LBB2_18:
0x2ea: {  	p0 =	sne.s32 s12, $0x7FF;
	s13 =	sand.u32 $0x380, s13;
	s14 =	sor.u32 s14, s15;
	v4 =	vadd.f32 v3, v4  }
0x2eb: {  	s13 =	sor.u32 s13, s14  }
0x2ec: {  	v3 =	vld [tilespmem:s13+$0x10800];
	[tilespmem:s2+$0x800] =	vst v4;
	s2 =	smov.u32 s13  }
.Ltmp8:
0x2ed: {  	v4 =	vld [tilespmem:s2+$0x800];
	(pc) =	sbr.rel @p0 .LBB2_18-.Ltmp8, $4  }
0x2ee: {  	_ = 	snop  }
0x2ef: {  	s4 =	sadd.s32 $0x10, s4;
	s11 =	sadd.s32 $0x80, s11;
	s13 =	sshll.u32 s12, $0x1  }
0x2f0: {  	s15 =	sand.u32 $0x70, s4;
	s14 =	sshll.u32 s12, $0x4;
	s16 =	sand.u32 $0x1C00, s11  }
0x2f1: {  	s14 =	sand.u32 $0x6000, s14;
	s15 =	sor.u32 s16, s15;
	s12 =	sadd.s32 $0x1, s12  }
0x2f2: {  	s4 =	sand.u32 $0x380, s13;
	s11 =	sor.u32 s14, s15;
	v3 =	vadd.f32 v3, v4  }
0x2f3: {  	s4 =	sor.u32 s4, s11  }
0x2f4: {  	v4 =	vld [tilespmem:s4+$0x10800];
	[tilespmem:s2+$0x800] =	vst v3  }
0x2f5: {  	v3 =	vld [tilespmem:s4+$0x800];
	_ =	sdelay $0x4  }
0x2f6: {  	v3 =	vadd.f32 v4, v3;
	_ =	sdelay $0x1  }
0x2f7: {  	s15 =	rddreg [dreg:$0x18];
	s2 =	simm.s32 $0x0;
	[tilespmem:s4+$0x800] =	vst v3  }
0x2f8: {  	[hbm4b:s15+s2] =	stream.linear.scatter [tilespmem:s18], [sflag:$0x3], $0x8000, $0x38;
	[tilespmem:$0x18800] =	vst v63  }
0x2f9: {  	_ =	swait.ge [sflag:s29], $0x8000  }
0x2fa: {  	[sflag:s29] =	ssyncset.done $0x0  }
0x2fb: {  	[sflag:s29] =	ssyncadd.s32 $0xFFFF8000  }
0x2fc: {  	v3 =	vld [tilespmem:$0x500];
	_ =	sdelay $0x4  }
0x2fd: {  	v4 =	vshll.u32 v3, $0x3  }
0x2fe: {  	v3 =	vand.u32 $0x7, v3;
	v4 =	vand.u32 $0xFFFFFFC0, v4  }
0x2ff: {  	v3 =	vor.u32 v3, v4  }
0x300: {  	v4 =	vperm.xlane v3, v0;
	_ =	sdelay $0x1  }
0x301: {  	v4 =	vadd.s32 v1, v4;
	_ =	sdelay $0x4  }
0x302: {  	[tilespmem:s18], [sflag:$0x1] =	stream.indirect_vreg.gather [hbm4b:s1+s2], $0x80, v4, vm0, $0xb8;
	[tilespmem:$0x18800] =	vst v63  }
0x303: {  	s16 =	simm.s32 $0x1000;
	v3 =	vperm.xlane v3, v2  }
0x304: {  	[tilespmem:s16], [sflag:$0x1] =	stream.indirect_vreg.gather [hbm4b:s5+s2], $0x80, v4, vm0, $0xb8;
	[tilespmem:$0x18800] =	vst v63  }
0x305: {  	s11 =	simm.s32 $0x1800;
	v3 =	vadd.s32 v1, v3  }
0x306: {  	[tilespmem:s11], [sflag:$0x1] =	stream.indirect_vreg.gather [hbm4b:s6+s2], $0x80, v4, vm0, $0xb8;
	[tilespmem:$0x18800] =	vst v63  }
0x307: {  	s12 =	simm.s32 $0x2000  }
0x308: {  	[tilespmem:s12], [sflag:$0x1] =	stream.indirect_vreg.gather [hbm4b:s8+s2], $0x80, v4, vm0, $0xb8;
	[tilespmem:$0x18800] =	vst v63  }
0x309: {  	s13 =	simm.s32 $0x2800  }
0x30a: {  	[tilespmem:s13], [sflag:$0x1] =	stream.indirect_vreg.gather [hbm4b:s1+s2], $0x80, v3, vm0, $0xb8;
	[tilespmem:$0x18800] =	vst v63  }
0x30b: {  	s14 =	simm.s32 $0x3000  }
0x30c: {  	[tilespmem:s14], [sflag:$0x1] =	stream.indirect_vreg.gather [hbm4b:s5+s2], $0x80, v3, vm0, $0xb8;
	[tilespmem:$0x18800] =	vst v63  }
0x30d: {  	s15 =	simm.s32 $0x3800  }
0x30e: {  	[tilespmem:s15], [sflag:$0x1] =	stream.indirect_vreg.gather [hbm4b:s6+s2], $0x80, v3, vm0, $0xb8;
	[tilespmem:$0x18800] =	vst v63  }
0x30f: {  	s16 =	simm.s32 $0x4000  }
0x310: {  	[tilespmem:s16], [sflag:$0x1] =	stream.indirect_vreg.gather [hbm4b:s8+s2], $0x80, v3, vm0, $0xb8;
	[tilespmem:$0x18800] =	vst v63  }
0x311: {  	v3 =	vld [tilespmem:$0x510];
	_ =	sdelay $0x4  }
0x312: {  	v4 =	vshll.u32 v3, $0x3  }
0x313: {  	v3 =	vand.u32 $0x7, v3;
	v4 =	vand.u32 $0xFFFFFFC0, v4  }
0x314: {  	v3 =	vor.u32 v3, v4  }
0x315: {  	v4 =	vperm.xlane v3, v0;
	_ =	sdelay $0x1  }
0x316: {  	v4 =	vadd.s32 v1, v4;
	_ =	sdelay $0x3  }
0x317: {  	s11 =	simm.s32 $0x4800  }
0x318: {  	[tilespmem:s11], [sflag:$0x1] =	stream.indirect_vreg.gather [hbm4b:s1+s2], $0x80, v4, vm0, $0xb8;
	[tilespmem:$0x18800] =	vst v63  }
0x319: {  	s12 =	simm.s32 $0x5000;
	v3 =	vperm.xlane v3, v2  }
0x31a: {  	[tilespmem:s12], [sflag:$0x1] =	stream.indirect_vreg.gather [hbm4b:s5+s2], $0x80, v4, vm0, $0xb8;
	[tilespmem:$0x18800] =	vst v63  }
0x31b: {  	s13 =	simm.s32 $0x5800;
	v3 =	vadd.s32 v1, v3  }
0x31c: {  	[tilespmem:s13], [sflag:$0x1] =	stream.indirect_vreg.gather [hbm4b:s6+s2], $0x80, v4, vm0, $0xb8;
	[tilespmem:$0x18800] =	vst v63  }
0x31d: {  	s14 =	simm.s32 $0x6000  }
0x31e: {  	[tilespmem:s14], [sflag:$0x1] =	stream.indirect_vreg.gather [hbm4b:s8+s2], $0x80, v4, vm0, $0xb8;
	[tilespmem:$0x18800] =	vst v63  }
0x31f: {  	s15 =	simm.s32 $0x6800  }
0x320: {  	[tilespmem:s15], [sflag:$0x1] =	stream.indirect_vreg.gather [hbm4b:s1+s2], $0x80, v3, vm0, $0xb8;
	[tilespmem:$0x18800] =	vst v63  }
0x321: {  	s16 =	simm.s32 $0x7000  }
0x322: {  	[tilespmem:s16], [sflag:$0x1] =	stream.indirect_vreg.gather [hbm4b:s5+s2], $0x80, v3, vm0, $0xb8;
	[tilespmem:$0x18800] =	vst v63  }
0x323: {  	s11 =	simm.s32 $0x7800  }
0x324: {  	[tilespmem:s11], [sflag:$0x1] =	stream.indirect_vreg.gather [hbm4b:s6+s2], $0x80, v3, vm0, $0xb8;
	[tilespmem:$0x18800] =	vst v63  }
0x325: {  	s12 =	simm.s32 $0x8000  }
0x326: {  	[tilespmem:s12], [sflag:$0x1] =	stream.indirect_vreg.gather [hbm4b:s8+s2], $0x80, v3, vm0, $0xb8;
	[tilespmem:$0x18800] =	vst v63  }
0x327: {  	s13 =	rddreg [dreg:$0x19]  }
0x328: {  	[tilespmem:s26], [sflag:$0x5] =	stream.linear.gather [hbm4b:s13+s2], $0x8000, $0x38;
	[tilespmem:$0x18800] =	vst v63  }
0x329: {  	s14 =	simm.s32 $0x0;
	_ =	swait.ge [sflag:s17], $0x8000  }
0x32a: {  	s4 =	sand.u32 $0x6000, s14;
	[sflag:s17] =	ssyncset.done $0x0  }
0x32b: {  	s15 =	simm.s32 $0x0;
	s12 =	sand.u32 $0x1C00, s2;
	[sflag:s17] =	ssyncadd.s32 $0xFFFF8000  }
0x32c: {  	s11 =	sand.u32 $0x380, s15;
	s4 =	sor.u32 s12, s4;
	_ =	swait.ge [sflag:s30], $0x8000  }
0x32d: {  	s2 =	sand.u32 $0x70, s2;
	s4 =	sor.u32 s11, s4;
	[sflag:s30] =	ssyncset.done $0x0  }
0x32e: {  	s2 =	sor.u32 s2, s4;
	[sflag:s30] =	ssyncadd.s32 $0xFFFF8000  }
0x32f: {  	v3 =	vld [tilespmem:s2+$0x10800]  }
0x330: {  	v4 =	vld [tilespmem:s2+$0x8800]  }
0x331: {  	s16 =	simm.s32 $0x10  }
0x332: {  	s14 =	sand.u32 $0x6000, s16;
	s12 =	simm.s32 $0x2;
	s11 =	simm.s32 $0x80  }
0x333: {  	s13 =	simm.s32 $0x2;
	s4 =	simm.s32 $0x10;
	s15 =	sand.u32 $0x1C00, s11  }
.LBB2_20:
0x334: {  	p0 =	sne.s32 s12, $0x7FF;
	s13 =	sand.u32 $0x380, s13;
	s14 =	sor.u32 s15, s14  }
0x335: {  	s15 =	sand.u32 $0x70, s4;
	s13 =	sor.u32 s13, s14;
	v4 =	vadd.f32 v3, v4  }
0x336: {  	s13 =	sor.u32 s15, s13  }
.Ltmp9:
0x337: {  	v3 =	vld [tilespmem:s13+$0x10800];
	[tilespmem:s2+$0x8800] =	vst v4;
	s2 =	smov.u32 s13;
	(pc) =	sbr.rel @p0 .LBB2_20-.Ltmp9, $4  }
0x338: {  	v4 =	vld [tilespmem:s2+$0x8800]  }
0x339: {  	s4 =	sadd.s32 $0x10, s4  }
0x33a: {  	s11 =	sadd.s32 $0x80, s11;
	s14 =	sshll.u32 s12, $0x4;
	s13 =	sshll.u32 s12, $0x1  }
0x33b: {  	s14 =	sand.u32 $0x6000, s14;
	s15 =	sand.u32 $0x1C00, s11;
	s12 =	sadd.s32 $0x1, s12  }
0x33c: {  	s11 =	sand.u32 $0x380, s13;
	s12 =	sor.u32 s15, s14  }
0x33d: {  	s4 =	sand.u32 $0x70, s4;
	s11 =	sor.u32 s11, s12;
	v3 =	vadd.f32 v3, v4  }
0x33e: {  	s4 =	sor.u32 s4, s11  }
0x33f: {  	v4 =	vld [tilespmem:s4+$0x10800];
	[tilespmem:s2+$0x8800] =	vst v3  }
0x340: {  	v3 =	vld [tilespmem:s4+$0x8800];
	_ =	sdelay $0x4  }
0x341: {  	v3 =	vadd.f32 v4, v3;
	_ =	sdelay $0x1  }
0x342: {  	s14 =	rddreg [dreg:$0x1a];
	s2 =	simm.s32 $0x0;
	[tilespmem:s4+$0x8800] =	vst v3  }
0x343: {  	[hbm4b:s14+s2] =	stream.linear.scatter [tilespmem:s10], [sflag:$0x4], $0x8000, $0x38;
	[tilespmem:$0x18800] =	vst v63  }
0x344: {  	_ =	swait.ge [sflag:s31], $0x8000  }
0x345: {  	[sflag:s31] =	ssyncset.done $0x0  }
0x346: {  	[sflag:s31] =	ssyncadd.s32 $0xFFFF8000  }
0x347: {  	v3 =	vld [tilespmem:$0x580];
	_ =	sdelay $0x4  }
0x348: {  	v4 =	vshll.u32 v3, $0x3  }
0x349: {  	v3 =	vand.u32 $0x7, v3;
	v4 =	vand.u32 $0xFFFFFFC0, v4  }
0x34a: {  	v3 =	vor.u32 v3, v4  }
0x34b: {  	v4 =	vperm.xlane v3, v0;
	_ =	sdelay $0x1  }
0x34c: {  	v4 =	vadd.s32 v1, v4;
	_ =	sdelay $0x4  }
0x34d: {  	[tilespmem:s10], [sflag:$0x2] =	stream.indirect_vreg.gather [hbm4b:s1+s2], $0x80, v4, vm0, $0xb8;
	[tilespmem:$0x18800] =	vst v63  }
0x34e: {  	s15 =	simm.s32 $0x9000;
	v3 =	vperm.xlane v3, v2  }
0x34f: {  	[tilespmem:s15], [sflag:$0x2] =	stream.indirect_vreg.gather [hbm4b:s5+s2], $0x80, v4, vm0, $0xb8;
	[tilespmem:$0x18800] =	vst v63  }
0x350: {  	s16 =	simm.s32 $0x9800;
	v3 =	vadd.s32 v1, v3  }
0x351: {  	[tilespmem:s16], [sflag:$0x2] =	stream.indirect_vreg.gather [hbm4b:s6+s2], $0x80, v4, vm0, $0xb8;
	[tilespmem:$0x18800] =	vst v63  }
0x352: {  	s11 =	simm.s32 $0xA000  }
0x353: {  	[tilespmem:s11], [sflag:$0x2] =	stream.indirect_vreg.gather [hbm4b:s8+s2], $0x80, v4, vm0, $0xb8;
	[tilespmem:$0x18800] =	vst v63  }
0x354: {  	s12 =	simm.s32 $0xA800  }
0x355: {  	[tilespmem:s12], [sflag:$0x2] =	stream.indirect_vreg.gather [hbm4b:s1+s2], $0x80, v3, vm0, $0xb8;
	[tilespmem:$0x18800] =	vst v63  }
0x356: {  	s13 =	simm.s32 $0xB000  }
0x357: {  	[tilespmem:s13], [sflag:$0x2] =	stream.indirect_vreg.gather [hbm4b:s5+s2], $0x80, v3, vm0, $0xb8;
	[tilespmem:$0x18800] =	vst v63  }
0x358: {  	s14 =	simm.s32 $0xB800  }
0x359: {  	[tilespmem:s14], [sflag:$0x2] =	stream.indirect_vreg.gather [hbm4b:s6+s2], $0x80, v3, vm0, $0xb8;
	[tilespmem:$0x18800] =	vst v63  }
0x35a: {  	_ = 	snop  }
0x35b: {  	[tilespmem:s7], [sflag:$0x2] =	stream.indirect_vreg.gather [hbm4b:s8+s2], $0x80, v3, vm0, $0xb8;
	[tilespmem:$0x18800] =	vst v63  }
0x35c: {  	v3 =	vld [tilespmem:$0x590];
	_ =	sdelay $0x4  }
0x35d: {  	v4 =	vshll.u32 v3, $0x3  }
0x35e: {  	v3 =	vand.u32 $0x7, v3;
	v4 =	vand.u32 $0xFFFFFFC0, v4  }
0x35f: {  	v3 =	vor.u32 v3, v4  }
0x360: {  	v4 =	vperm.xlane v3, v0;
	_ =	sdelay $0x1  }
0x361: {  	v4 =	vadd.s32 v1, v4;
	_ =	sdelay $0x4  }
0x362: {  	[tilespmem:s9], [sflag:$0x2] =	stream.indirect_vreg.gather [hbm4b:s1+s2], $0x80, v4, vm0, $0xb8;
	[tilespmem:$0x18800] =	vst v63  }
0x363: {  	v3 =	vperm.xlane v3, v2  }
0x364: {  	[tilespmem:s19], [sflag:$0x2] =	stream.indirect_vreg.gather [hbm4b:s5+s2], $0x80, v4, vm0, $0xb8;
	[tilespmem:$0x18800] =	vst v63  }
0x365: {  	v3 =	vadd.s32 v1, v3  }
0x366: {  	[tilespmem:s20], [sflag:$0x2] =	stream.indirect_vreg.gather [hbm4b:s6+s2], $0x80, v4, vm0, $0xb8;
	[tilespmem:$0x18800] =	vst v63  }
0x367: {  	_ = 	snop  }
0x368: {  	[tilespmem:s21], [sflag:$0x2] =	stream.indirect_vreg.gather [hbm4b:s8+s2], $0x80, v4, vm0, $0xb8;
	[tilespmem:$0x18800] =	vst v63  }
0x369: {  	_ = 	snop  }
0x36a: {  	[tilespmem:s22], [sflag:$0x2] =	stream.indirect_vreg.gather [hbm4b:s1+s2], $0x80, v3, vm0, $0xb8;
	[tilespmem:$0x18800] =	vst v63  }
0x36b: {  	_ = 	snop  }
0x36c: {  	[tilespmem:s23], [sflag:$0x2] =	stream.indirect_vreg.gather [hbm4b:s5+s2], $0x80, v3, vm0, $0xb8;
	[tilespmem:$0x18800] =	vst v63  }
0x36d: {  	_ = 	snop  }
0x36e: {  	[tilespmem:s24], [sflag:$0x2] =	stream.indirect_vreg.gather [hbm4b:s6+s2], $0x80, v3, vm0, $0xb8;
	[tilespmem:$0x18800] =	vst v63  }
0x36f: {  	_ = 	snop  }
0x370: {  	[tilespmem:s25], [sflag:$0x2] =	stream.indirect_vreg.gather [hbm4b:s8+s2], $0x80, v3, vm0, $0xb8;
	[tilespmem:$0x18800] =	vst v63  }
0x371: {  	s15 =	rddreg [dreg:$0x1b]  }
0x372: {  	[tilespmem:s26], [sflag:$0x5] =	stream.linear.gather [hbm4b:s15+s2], $0x8000, $0x38;
	[tilespmem:$0x18800] =	vst v63  }
0x373: {  	_ =	swait.ge [sflag:s17], $0x8000  }
0x374: {  	s16 =	sand.u32 $0x70, s2;
	s12 =	simm.s32 $0x0;
	[sflag:s17] =	ssyncset.done $0x0  }
0x375: {  	s11 =	sand.u32 $0x6000, s12;
	s2 =	sand.u32 $0x1C00, s2;
	[sflag:s17] =	ssyncadd.s32 $0xFFFF8000  }
0x376: {  	s13 =	simm.s32 $0x0;
	s2 =	sor.u32 s2, s16;
	_ =	swait.ge [sflag:s28], $0x8000  }
0x377: {  	s14 =	sand.u32 $0x380, s13;
	s2 =	sor.u32 s11, s2;
	[sflag:s28] =	ssyncset.done $0x0  }
0x378: {  	s2 =	sor.u32 s14, s2;
	[sflag:s28] =	ssyncadd.s32 $0xFFFF8000  }
0x379: {  	v3 =	vld [tilespmem:s2+$0x10800]  }
0x37a: {  	v4 =	vld [tilespmem:s2+$0x800]  }
0x37b: {  	s4 =	simm.s32 $0x10  }
0x37c: {  	s12 =	sand.u32 $0x70, s4;
	s11 =	simm.s32 $0x80  }
0x37d: {  	s13 =	simm.s32 $0x2;
	s15 =	simm.s32 $0x10;
	s16 =	sand.u32 $0x1C00, s11  }
0x37e: {  	s14 =	sand.u32 $0x6000, s15;
	s15 =	sor.u32 s16, s12;
	s12 =	simm.s32 $0x2  }
.LBB2_22:
0x37f: {  	p0 =	sne.s32 s12, $0x7FF;
	s13 =	sand.u32 $0x380, s13;
	s14 =	sor.u32 s14, s15;
	v4 =	vadd.f32 v3, v4  }
0x380: {  	s13 =	sor.u32 s13, s14  }
0x381: {  	v3 =	vld [tilespmem:s13+$0x10800];
	[tilespmem:s2+$0x800] =	vst v4;
	s2 =	smov.u32 s13  }
.Ltmp10:
0x382: {  	v4 =	vld [tilespmem:s2+$0x800];
	(pc) =	sbr.rel @p0 .LBB2_22-.Ltmp10, $4  }
0x383: {  	_ = 	snop  }
0x384: {  	s4 =	sadd.s32 $0x10, s4;
	s11 =	sadd.s32 $0x80, s11;
	s13 =	sshll.u32 s12, $0x1  }
0x385: {  	s15 =	sand.u32 $0x70, s4;
	s14 =	sshll.u32 s12, $0x4;
	s16 =	sand.u32 $0x1C00, s11  }
0x386: {  	s14 =	sand.u32 $0x6000, s14;
	s15 =	sor.u32 s16, s15;
	s12 =	sadd.s32 $0x1, s12  }
0x387: {  	s4 =	sand.u32 $0x380, s13;
	s11 =	sor.u32 s14, s15;
	v3 =	vadd.f32 v3, v4  }
0x388: {  	s4 =	sor.u32 s4, s11  }
0x389: {  	v4 =	vld [tilespmem:s4+$0x10800];
	[tilespmem:s2+$0x800] =	vst v3  }
0x38a: {  	v3 =	vld [tilespmem:s4+$0x800];
	_ =	sdelay $0x4  }
0x38b: {  	v3 =	vadd.f32 v4, v3;
	_ =	sdelay $0x1  }
0x38c: {  	s15 =	rddreg [dreg:$0x1c];
	s2 =	simm.s32 $0x0;
	[tilespmem:s4+$0x800] =	vst v3  }
0x38d: {  	[hbm4b:s15+s2] =	stream.linear.scatter [tilespmem:s18], [sflag:$0x3], $0x8000, $0x38;
	[tilespmem:$0x18800] =	vst v63  }
0x38e: {  	_ =	swait.ge [sflag:s29], $0x8000  }
0x38f: {  	[sflag:s29] =	ssyncset.done $0x0  }
0x390: {  	[sflag:s29] =	ssyncadd.s32 $0xFFFF8000  }
0x391: {  	v3 =	vld [tilespmem:$0x600];
	_ =	sdelay $0x4  }
0x392: {  	v4 =	vshll.u32 v3, $0x3  }
0x393: {  	v3 =	vand.u32 $0x7, v3;
	v4 =	vand.u32 $0xFFFFFFC0, v4  }
0x394: {  	v3 =	vor.u32 v3, v4  }
0x395: {  	v4 =	vperm.xlane v3, v0;
	_ =	sdelay $0x1  }
0x396: {  	v4 =	vadd.s32 v1, v4;
	_ =	sdelay $0x4  }
0x397: {  	[tilespmem:s18], [sflag:$0x1] =	stream.indirect_vreg.gather [hbm4b:s1+s2], $0x80, v4, vm0, $0xb8;
	[tilespmem:$0x18800] =	vst v63  }
0x398: {  	s16 =	simm.s32 $0x1000;
	v3 =	vperm.xlane v3, v2  }
0x399: {  	[tilespmem:s16], [sflag:$0x1] =	stream.indirect_vreg.gather [hbm4b:s5+s2], $0x80, v4, vm0, $0xb8;
	[tilespmem:$0x18800] =	vst v63  }
0x39a: {  	s11 =	simm.s32 $0x1800;
	v3 =	vadd.s32 v1, v3  }
0x39b: {  	[tilespmem:s11], [sflag:$0x1] =	stream.indirect_vreg.gather [hbm4b:s6+s2], $0x80, v4, vm0, $0xb8;
	[tilespmem:$0x18800] =	vst v63  }
0x39c: {  	s12 =	simm.s32 $0x2000  }
0x39d: {  	[tilespmem:s12], [sflag:$0x1] =	stream.indirect_vreg.gather [hbm4b:s8+s2], $0x80, v4, vm0, $0xb8;
	[tilespmem:$0x18800] =	vst v63  }
0x39e: {  	s13 =	simm.s32 $0x2800  }
0x39f: {  	[tilespmem:s13], [sflag:$0x1] =	stream.indirect_vreg.gather [hbm4b:s1+s2], $0x80, v3, vm0, $0xb8;
	[tilespmem:$0x18800] =	vst v63  }
0x3a0: {  	s14 =	simm.s32 $0x3000  }
0x3a1: {  	[tilespmem:s14], [sflag:$0x1] =	stream.indirect_vreg.gather [hbm4b:s5+s2], $0x80, v3, vm0, $0xb8;
	[tilespmem:$0x18800] =	vst v63  }
0x3a2: {  	s15 =	simm.s32 $0x3800  }
0x3a3: {  	[tilespmem:s15], [sflag:$0x1] =	stream.indirect_vreg.gather [hbm4b:s6+s2], $0x80, v3, vm0, $0xb8;
	[tilespmem:$0x18800] =	vst v63  }
0x3a4: {  	s16 =	simm.s32 $0x4000  }
0x3a5: {  	[tilespmem:s16], [sflag:$0x1] =	stream.indirect_vreg.gather [hbm4b:s8+s2], $0x80, v3, vm0, $0xb8;
	[tilespmem:$0x18800] =	vst v63  }
0x3a6: {  	v3 =	vld [tilespmem:$0x610];
	_ =	sdelay $0x4  }
0x3a7: {  	v4 =	vshll.u32 v3, $0x3  }
0x3a8: {  	v3 =	vand.u32 $0x7, v3;
	v4 =	vand.u32 $0xFFFFFFC0, v4  }
0x3a9: {  	v3 =	vor.u32 v3, v4  }
0x3aa: {  	v4 =	vperm.xlane v3, v0;
	_ =	sdelay $0x1  }
0x3ab: {  	v4 =	vadd.s32 v1, v4;
	_ =	sdelay $0x3  }
0x3ac: {  	s11 =	simm.s32 $0x4800  }
0x3ad: {  	[tilespmem:s11], [sflag:$0x1] =	stream.indirect_vreg.gather [hbm4b:s1+s2], $0x80, v4, vm0, $0xb8;
	[tilespmem:$0x18800] =	vst v63  }
0x3ae: {  	s12 =	simm.s32 $0x5000;
	v3 =	vperm.xlane v3, v2  }
0x3af: {  	[tilespmem:s12], [sflag:$0x1] =	stream.indirect_vreg.gather [hbm4b:s5+s2], $0x80, v4, vm0, $0xb8;
	[tilespmem:$0x18800] =	vst v63  }
0x3b0: {  	s13 =	simm.s32 $0x5800;
	v3 =	vadd.s32 v1, v3  }
0x3b1: {  	[tilespmem:s13], [sflag:$0x1] =	stream.indirect_vreg.gather [hbm4b:s6+s2], $0x80, v4, vm0, $0xb8;
	[tilespmem:$0x18800] =	vst v63  }
0x3b2: {  	s14 =	simm.s32 $0x6000  }
0x3b3: {  	[tilespmem:s14], [sflag:$0x1] =	stream.indirect_vreg.gather [hbm4b:s8+s2], $0x80, v4, vm0, $0xb8;
	[tilespmem:$0x18800] =	vst v63  }
0x3b4: {  	s15 =	simm.s32 $0x6800  }
0x3b5: {  	[tilespmem:s15], [sflag:$0x1] =	stream.indirect_vreg.gather [hbm4b:s1+s2], $0x80, v3, vm0, $0xb8;
	[tilespmem:$0x18800] =	vst v63  }
0x3b6: {  	s16 =	simm.s32 $0x7000  }
0x3b7: {  	[tilespmem:s16], [sflag:$0x1] =	stream.indirect_vreg.gather [hbm4b:s5+s2], $0x80, v3, vm0, $0xb8;
	[tilespmem:$0x18800] =	vst v63  }
0x3b8: {  	s11 =	simm.s32 $0x7800  }
0x3b9: {  	[tilespmem:s11], [sflag:$0x1] =	stream.indirect_vreg.gather [hbm4b:s6+s2], $0x80, v3, vm0, $0xb8;
	[tilespmem:$0x18800] =	vst v63  }
0x3ba: {  	s12 =	simm.s32 $0x8000  }
0x3bb: {  	[tilespmem:s12], [sflag:$0x1] =	stream.indirect_vreg.gather [hbm4b:s8+s2], $0x80, v3, vm0, $0xb8;
	[tilespmem:$0x18800] =	vst v63  }
0x3bc: {  	s13 =	rddreg [dreg:$0x1d]  }
0x3bd: {  	[tilespmem:s26], [sflag:$0x5] =	stream.linear.gather [hbm4b:s13+s2], $0x8000, $0x38;
	[tilespmem:$0x18800] =	vst v63  }
0x3be: {  	s14 =	simm.s32 $0x0;
	_ =	swait.ge [sflag:s17], $0x8000  }
0x3bf: {  	s4 =	sand.u32 $0x6000, s14;
	[sflag:s17] =	ssyncset.done $0x0  }
0x3c0: {  	s15 =	simm.s32 $0x0;
	s12 =	sand.u32 $0x1C00, s2;
	[sflag:s17] =	ssyncadd.s32 $0xFFFF8000  }
0x3c1: {  	s11 =	sand.u32 $0x380, s15;
	s4 =	sor.u32 s12, s4;
	_ =	swait.ge [sflag:s30], $0x8000  }
0x3c2: {  	s2 =	sand.u32 $0x70, s2;
	s4 =	sor.u32 s11, s4;
	[sflag:s30] =	ssyncset.done $0x0  }
0x3c3: {  	s2 =	sor.u32 s2, s4;
	[sflag:s30] =	ssyncadd.s32 $0xFFFF8000  }
0x3c4: {  	v3 =	vld [tilespmem:s2+$0x10800]  }
0x3c5: {  	v4 =	vld [tilespmem:s2+$0x8800]  }
0x3c6: {  	s16 =	simm.s32 $0x10  }
0x3c7: {  	s14 =	sand.u32 $0x6000, s16;
	s12 =	simm.s32 $0x2;
	s11 =	simm.s32 $0x80  }
0x3c8: {  	s13 =	simm.s32 $0x2;
	s4 =	simm.s32 $0x10;
	s15 =	sand.u32 $0x1C00, s11  }
.LBB2_24:
0x3c9: {  	p0 =	sne.s32 s12, $0x7FF;
	s13 =	sand.u32 $0x380, s13;
	s14 =	sor.u32 s15, s14  }
0x3ca: {  	s15 =	sand.u32 $0x70, s4;
	s13 =	sor.u32 s13, s14;
	v4 =	vadd.f32 v3, v4  }
0x3cb: {  	s13 =	sor.u32 s15, s13  }
.Ltmp11:
0x3cc: {  	v3 =	vld [tilespmem:s13+$0x10800];
	[tilespmem:s2+$0x8800] =	vst v4;
	s2 =	smov.u32 s13;
	(pc) =	sbr.rel @p0 .LBB2_24-.Ltmp11, $4  }
0x3cd: {  	v4 =	vld [tilespmem:s2+$0x8800]  }
0x3ce: {  	s4 =	sadd.s32 $0x10, s4  }
0x3cf: {  	s11 =	sadd.s32 $0x80, s11;
	s14 =	sshll.u32 s12, $0x4;
	s13 =	sshll.u32 s12, $0x1  }
0x3d0: {  	s14 =	sand.u32 $0x6000, s14;
	s15 =	sand.u32 $0x1C00, s11;
	s12 =	sadd.s32 $0x1, s12  }
0x3d1: {  	s11 =	sand.u32 $0x380, s13;
	s12 =	sor.u32 s15, s14  }
0x3d2: {  	s4 =	sand.u32 $0x70, s4;
	s11 =	sor.u32 s11, s12;
	v3 =	vadd.f32 v3, v4  }
0x3d3: {  	s4 =	sor.u32 s4, s11  }
0x3d4: {  	v4 =	vld [tilespmem:s4+$0x10800];
	[tilespmem:s2+$0x8800] =	vst v3  }
0x3d5: {  	v3 =	vld [tilespmem:s4+$0x8800];
	_ =	sdelay $0x4  }
0x3d6: {  	v3 =	vadd.f32 v4, v3;
	_ =	sdelay $0x1  }
0x3d7: {  	s14 =	rddreg [dreg:$0x1e];
	s2 =	simm.s32 $0x0;
	[tilespmem:s4+$0x8800] =	vst v3  }
0x3d8: {  	[hbm4b:s14+s2] =	stream.linear.scatter [tilespmem:s10], [sflag:$0x4], $0x8000, $0x38;
	[tilespmem:$0x18800] =	vst v63  }
0x3d9: {  	_ =	swait.ge [sflag:s31], $0x8000  }
0x3da: {  	[sflag:s31] =	ssyncset.done $0x0  }
0x3db: {  	[sflag:s31] =	ssyncadd.s32 $0xFFFF8000  }
0x3dc: {  	v3 =	vld [tilespmem:$0x680];
	_ =	sdelay $0x4  }
0x3dd: {  	v4 =	vshll.u32 v3, $0x3  }
0x3de: {  	v3 =	vand.u32 $0x7, v3;
	v4 =	vand.u32 $0xFFFFFFC0, v4  }
0x3df: {  	v3 =	vor.u32 v3, v4  }
0x3e0: {  	v4 =	vperm.xlane v3, v0;
	_ =	sdelay $0x1  }
0x3e1: {  	v4 =	vadd.s32 v1, v4;
	_ =	sdelay $0x4  }
0x3e2: {  	[tilespmem:s10], [sflag:$0x2] =	stream.indirect_vreg.gather [hbm4b:s1+s2], $0x80, v4, vm0, $0xb8;
	[tilespmem:$0x18800] =	vst v63  }
0x3e3: {  	s15 =	simm.s32 $0x9000;
	v3 =	vperm.xlane v3, v2  }
0x3e4: {  	[tilespmem:s15], [sflag:$0x2] =	stream.indirect_vreg.gather [hbm4b:s5+s2], $0x80, v4, vm0, $0xb8;
	[tilespmem:$0x18800] =	vst v63  }
0x3e5: {  	s16 =	simm.s32 $0x9800;
	v3 =	vadd.s32 v1, v3  }
0x3e6: {  	[tilespmem:s16], [sflag:$0x2] =	stream.indirect_vreg.gather [hbm4b:s6+s2], $0x80, v4, vm0, $0xb8;
	[tilespmem:$0x18800] =	vst v63  }
0x3e7: {  	s11 =	simm.s32 $0xA000  }
0x3e8: {  	[tilespmem:s11], [sflag:$0x2] =	stream.indirect_vreg.gather [hbm4b:s8+s2], $0x80, v4, vm0, $0xb8;
	[tilespmem:$0x18800] =	vst v63  }
0x3e9: {  	s12 =	simm.s32 $0xA800  }
0x3ea: {  	[tilespmem:s12], [sflag:$0x2] =	stream.indirect_vreg.gather [hbm4b:s1+s2], $0x80, v3, vm0, $0xb8;
	[tilespmem:$0x18800] =	vst v63  }
0x3eb: {  	s13 =	simm.s32 $0xB000  }
0x3ec: {  	[tilespmem:s13], [sflag:$0x2] =	stream.indirect_vreg.gather [hbm4b:s5+s2], $0x80, v3, vm0, $0xb8;
	[tilespmem:$0x18800] =	vst v63  }
0x3ed: {  	s14 =	simm.s32 $0xB800  }
0x3ee: {  	[tilespmem:s14], [sflag:$0x2] =	stream.indirect_vreg.gather [hbm4b:s6+s2], $0x80, v3, vm0, $0xb8;
	[tilespmem:$0x18800] =	vst v63  }
0x3ef: {  	_ = 	snop  }
0x3f0: {  	[tilespmem:s7], [sflag:$0x2] =	stream.indirect_vreg.gather [hbm4b:s8+s2], $0x80, v3, vm0, $0xb8;
	[tilespmem:$0x18800] =	vst v63  }
0x3f1: {  	v3 =	vld [tilespmem:$0x690];
	_ =	sdelay $0x4  }
0x3f2: {  	v4 =	vshll.u32 v3, $0x3  }
0x3f3: {  	v3 =	vand.u32 $0x7, v3;
	v4 =	vand.u32 $0xFFFFFFC0, v4  }
0x3f4: {  	v3 =	vor.u32 v3, v4  }
0x3f5: {  	v4 =	vperm.xlane v3, v0;
	_ =	sdelay $0x1  }
0x3f6: {  	v4 =	vadd.s32 v1, v4;
	_ =	sdelay $0x4  }
0x3f7: {  	[tilespmem:s9], [sflag:$0x2] =	stream.indirect_vreg.gather [hbm4b:s1+s2], $0x80, v4, vm0, $0xb8;
	[tilespmem:$0x18800] =	vst v63  }
0x3f8: {  	v3 =	vperm.xlane v3, v2  }
0x3f9: {  	[tilespmem:s19], [sflag:$0x2] =	stream.indirect_vreg.gather [hbm4b:s5+s2], $0x80, v4, vm0, $0xb8;
	[tilespmem:$0x18800] =	vst v63  }
0x3fa: {  	v3 =	vadd.s32 v1, v3  }
0x3fb: {  	[tilespmem:s20], [sflag:$0x2] =	stream.indirect_vreg.gather [hbm4b:s6+s2], $0x80, v4, vm0, $0xb8;
	[tilespmem:$0x18800] =	vst v63  }
0x3fc: {  	_ = 	snop  }
0x3fd: {  	[tilespmem:s21], [sflag:$0x2] =	stream.indirect_vreg.gather [hbm4b:s8+s2], $0x80, v4, vm0, $0xb8;
	[tilespmem:$0x18800] =	vst v63  }
0x3fe: {  	_ = 	snop  }
0x3ff: {  	[tilespmem:s22], [sflag:$0x2] =	stream.indirect_vreg.gather [hbm4b:s1+s2], $0x80, v3, vm0, $0xb8;
	[tilespmem:$0x18800] =	vst v63  }
0x400: {  	_ = 	snop  }
0x401: {  	[tilespmem:s23], [sflag:$0x2] =	stream.indirect_vreg.gather [hbm4b:s5+s2], $0x80, v3, vm0, $0xb8;
	[tilespmem:$0x18800] =	vst v63  }
0x402: {  	_ = 	snop  }
0x403: {  	[tilespmem:s24], [sflag:$0x2] =	stream.indirect_vreg.gather [hbm4b:s6+s2], $0x80, v3, vm0, $0xb8;
	[tilespmem:$0x18800] =	vst v63  }
0x404: {  	_ = 	snop  }
0x405: {  	[tilespmem:s25], [sflag:$0x2] =	stream.indirect_vreg.gather [hbm4b:s8+s2], $0x80, v3, vm0, $0xb8;
	[tilespmem:$0x18800] =	vst v63  }
0x406: {  	s15 =	rddreg [dreg:$0x1f]  }
0x407: {  	[tilespmem:s26], [sflag:$0x5] =	stream.linear.gather [hbm4b:s15+s2], $0x8000, $0x38;
	[tilespmem:$0x18800] =	vst v63  }
0x408: {  	_ =	swait.ge [sflag:s17], $0x8000  }
0x409: {  	s16 =	sand.u32 $0x70, s2;
	s12 =	simm.s32 $0x0;
	[sflag:s17] =	ssyncset.done $0x0  }
0x40a: {  	s11 =	sand.u32 $0x6000, s12;
	s2 =	sand.u32 $0x1C00, s2;
	[sflag:s17] =	ssyncadd.s32 $0xFFFF8000  }
0x40b: {  	s13 =	simm.s32 $0x0;
	s2 =	sor.u32 s2, s16;
	_ =	swait.ge [sflag:s28], $0x8000  }
0x40c: {  	s14 =	sand.u32 $0x380, s13;
	s2 =	sor.u32 s11, s2;
	[sflag:s28] =	ssyncset.done $0x0  }
0x40d: {  	s2 =	sor.u32 s14, s2;
	[sflag:s28] =	ssyncadd.s32 $0xFFFF8000  }
0x40e: {  	v3 =	vld [tilespmem:s2+$0x10800]  }
0x40f: {  	v4 =	vld [tilespmem:s2+$0x800]  }
0x410: {  	s4 =	simm.s32 $0x10  }
0x411: {  	s12 =	sand.u32 $0x70, s4;
	s11 =	simm.s32 $0x80  }
0x412: {  	s13 =	simm.s32 $0x2;
	s15 =	simm.s32 $0x10;
	s16 =	sand.u32 $0x1C00, s11  }
0x413: {  	s14 =	sand.u32 $0x6000, s15;
	s15 =	sor.u32 s16, s12;
	s12 =	simm.s32 $0x2  }
.LBB2_26:
0x414: {  	p0 =	sne.s32 s12, $0x7FF;
	s13 =	sand.u32 $0x380, s13;
	s14 =	sor.u32 s14, s15;
	v4 =	vadd.f32 v3, v4  }
0x415: {  	s13 =	sor.u32 s13, s14  }
0x416: {  	v3 =	vld [tilespmem:s13+$0x10800];
	[tilespmem:s2+$0x800] =	vst v4;
	s2 =	smov.u32 s13  }
.Ltmp12:
0x417: {  	v4 =	vld [tilespmem:s2+$0x800];
	(pc) =	sbr.rel @p0 .LBB2_26-.Ltmp12, $4  }
0x418: {  	_ = 	snop  }
0x419: {  	s4 =	sadd.s32 $0x10, s4;
	s11 =	sadd.s32 $0x80, s11;
	s13 =	sshll.u32 s12, $0x1  }
0x41a: {  	s15 =	sand.u32 $0x70, s4;
	s14 =	sshll.u32 s12, $0x4;
	s16 =	sand.u32 $0x1C00, s11  }
0x41b: {  	s14 =	sand.u32 $0x6000, s14;
	s15 =	sor.u32 s16, s15;
	s12 =	sadd.s32 $0x1, s12  }
0x41c: {  	s4 =	sand.u32 $0x380, s13;
	s11 =	sor.u32 s14, s15;
	v3 =	vadd.f32 v3, v4  }
0x41d: {  	s4 =	sor.u32 s4, s11  }
0x41e: {  	v4 =	vld [tilespmem:s4+$0x10800];
	[tilespmem:s2+$0x800] =	vst v3  }
0x41f: {  	v3 =	vld [tilespmem:s4+$0x800];
	_ =	sdelay $0x4  }
0x420: {  	s15 =	sld [smem:$0x7F7];
	v3 =	vadd.f32 v4, v3;
	_ =	sdelay $0x1  }
0x421: {  	s2 =	simm.s32 $0x0;
	[tilespmem:s4+$0x800] =	vst v3  }
0x422: {  	[hbm4b:s15+s2] =	stream.linear.scatter [tilespmem:s18], [sflag:$0x3], $0x8000, $0x38;
	[tilespmem:$0x18800] =	vst v63  }
0x423: {  	_ =	swait.ge [sflag:s29], $0x8000  }
0x424: {  	[sflag:s29] =	ssyncset.done $0x0  }
0x425: {  	[sflag:s29] =	ssyncadd.s32 $0xFFFF8000  }
0x426: {  	v3 =	vld [tilespmem:$0x700];
	_ =	sdelay $0x4  }
0x427: {  	v4 =	vshll.u32 v3, $0x3  }
0x428: {  	v3 =	vand.u32 $0x7, v3;
	v4 =	vand.u32 $0xFFFFFFC0, v4  }
0x429: {  	v3 =	vor.u32 v3, v4  }
0x42a: {  	v4 =	vperm.xlane v3, v0;
	_ =	sdelay $0x1  }
0x42b: {  	v4 =	vadd.s32 v1, v4;
	_ =	sdelay $0x4  }
0x42c: {  	[tilespmem:s18], [sflag:$0x1] =	stream.indirect_vreg.gather [hbm4b:s1+s2], $0x80, v4, vm0, $0xb8;
	[tilespmem:$0x18800] =	vst v63  }
0x42d: {  	s16 =	simm.s32 $0x1000;
	v3 =	vperm.xlane v3, v2  }
0x42e: {  	[tilespmem:s16], [sflag:$0x1] =	stream.indirect_vreg.gather [hbm4b:s5+s2], $0x80, v4, vm0, $0xb8;
	[tilespmem:$0x18800] =	vst v63  }
0x42f: {  	s11 =	simm.s32 $0x1800;
	v3 =	vadd.s32 v1, v3  }
0x430: {  	[tilespmem:s11], [sflag:$0x1] =	stream.indirect_vreg.gather [hbm4b:s6+s2], $0x80, v4, vm0, $0xb8;
	[tilespmem:$0x18800] =	vst v63  }
0x431: {  	s12 =	simm.s32 $0x2000  }
0x432: {  	[tilespmem:s12], [sflag:$0x1] =	stream.indirect_vreg.gather [hbm4b:s8+s2], $0x80, v4, vm0, $0xb8;
	[tilespmem:$0x18800] =	vst v63  }
0x433: {  	s13 =	simm.s32 $0x2800  }
0x434: {  	[tilespmem:s13], [sflag:$0x1] =	stream.indirect_vreg.gather [hbm4b:s1+s2], $0x80, v3, vm0, $0xb8;
	[tilespmem:$0x18800] =	vst v63  }
0x435: {  	s14 =	simm.s32 $0x3000  }
0x436: {  	[tilespmem:s14], [sflag:$0x1] =	stream.indirect_vreg.gather [hbm4b:s5+s2], $0x80, v3, vm0, $0xb8;
	[tilespmem:$0x18800] =	vst v63  }
0x437: {  	s15 =	simm.s32 $0x3800  }
0x438: {  	[tilespmem:s15], [sflag:$0x1] =	stream.indirect_vreg.gather [hbm4b:s6+s2], $0x80, v3, vm0, $0xb8;
	[tilespmem:$0x18800] =	vst v63  }
0x439: {  	s16 =	simm.s32 $0x4000  }
0x43a: {  	[tilespmem:s16], [sflag:$0x1] =	stream.indirect_vreg.gather [hbm4b:s8+s2], $0x80, v3, vm0, $0xb8;
	[tilespmem:$0x18800] =	vst v63  }
0x43b: {  	v3 =	vld [tilespmem:$0x710];
	_ =	sdelay $0x4  }
0x43c: {  	v4 =	vshll.u32 v3, $0x3  }
0x43d: {  	v3 =	vand.u32 $0x7, v3;
	v4 =	vand.u32 $0xFFFFFFC0, v4  }
0x43e: {  	v3 =	vor.u32 v3, v4  }
0x43f: {  	v4 =	vperm.xlane v3, v0;
	_ =	sdelay $0x1  }
0x440: {  	v4 =	vadd.s32 v1, v4;
	_ =	sdelay $0x3  }
0x441: {  	s11 =	simm.s32 $0x4800  }
0x442: {  	[tilespmem:s11], [sflag:$0x1] =	stream.indirect_vreg.gather [hbm4b:s1+s2], $0x80, v4, vm0, $0xb8;
	[tilespmem:$0x18800] =	vst v63  }
0x443: {  	s12 =	simm.s32 $0x5000;
	v3 =	vperm.xlane v3, v2  }
0x444: {  	[tilespmem:s12], [sflag:$0x1] =	stream.indirect_vreg.gather [hbm4b:s5+s2], $0x80, v4, vm0, $0xb8;
	[tilespmem:$0x18800] =	vst v63  }
0x445: {  	s13 =	simm.s32 $0x5800;
	v3 =	vadd.s32 v1, v3  }
0x446: {  	[tilespmem:s13], [sflag:$0x1] =	stream.indirect_vreg.gather [hbm4b:s6+s2], $0x80, v4, vm0, $0xb8;
	[tilespmem:$0x18800] =	vst v63  }
0x447: {  	s14 =	simm.s32 $0x6000  }
0x448: {  	[tilespmem:s14], [sflag:$0x1] =	stream.indirect_vreg.gather [hbm4b:s8+s2], $0x80, v4, vm0, $0xb8;
	[tilespmem:$0x18800] =	vst v63  }
0x449: {  	s15 =	simm.s32 $0x6800  }
0x44a: {  	[tilespmem:s15], [sflag:$0x1] =	stream.indirect_vreg.gather [hbm4b:s1+s2], $0x80, v3, vm0, $0xb8;
	[tilespmem:$0x18800] =	vst v63  }
0x44b: {  	s16 =	simm.s32 $0x7000  }
0x44c: {  	[tilespmem:s16], [sflag:$0x1] =	stream.indirect_vreg.gather [hbm4b:s5+s2], $0x80, v3, vm0, $0xb8;
	[tilespmem:$0x18800] =	vst v63  }
0x44d: {  	s11 =	simm.s32 $0x7800  }
0x44e: {  	[tilespmem:s11], [sflag:$0x1] =	stream.indirect_vreg.gather [hbm4b:s6+s2], $0x80, v3, vm0, $0xb8;
	[tilespmem:$0x18800] =	vst v63  }
0x44f: {  	s12 =	simm.s32 $0x8000;
	s13 =	sld [smem:$0x7F8]  }
0x450: {  	[tilespmem:s12], [sflag:$0x1] =	stream.indirect_vreg.gather [hbm4b:s8+s2], $0x80, v3, vm0, $0xb8;
	[tilespmem:$0x18800] =	vst v63  }
0x451: {  	_ = 	snop  }
0x452: {  	[tilespmem:s26], [sflag:$0x5] =	stream.linear.gather [hbm4b:s13+s2], $0x8000, $0x38;
	[tilespmem:$0x18800] =	vst v63  }
0x453: {  	s14 =	simm.s32 $0x0;
	_ =	swait.ge [sflag:s17], $0x8000  }
0x454: {  	s4 =	sand.u32 $0x6000, s14;
	[sflag:s17] =	ssyncset.done $0x0  }
0x455: {  	s15 =	simm.s32 $0x0;
	s12 =	sand.u32 $0x1C00, s2;
	[sflag:s17] =	ssyncadd.s32 $0xFFFF8000  }
0x456: {  	s11 =	sand.u32 $0x380, s15;
	s4 =	sor.u32 s12, s4;
	_ =	swait.ge [sflag:s30], $0x8000  }
0x457: {  	s2 =	sand.u32 $0x70, s2;
	s4 =	sor.u32 s11, s4;
	[sflag:s30] =	ssyncset.done $0x0  }
0x458: {  	s2 =	sor.u32 s2, s4;
	[sflag:s30] =	ssyncadd.s32 $0xFFFF8000  }
0x459: {  	v3 =	vld [tilespmem:s2+$0x10800]  }
0x45a: {  	v4 =	vld [tilespmem:s2+$0x8800]  }
0x45b: {  	s16 =	simm.s32 $0x10  }
0x45c: {  	s14 =	sand.u32 $0x6000, s16;
	s12 =	simm.s32 $0x2;
	s11 =	simm.s32 $0x80  }
0x45d: {  	s13 =	simm.s32 $0x2;
	s4 =	simm.s32 $0x10;
	s15 =	sand.u32 $0x1C00, s11  }
.LBB2_28:
0x45e: {  	p0 =	sne.s32 s12, $0x7FF;
	s13 =	sand.u32 $0x380, s13;
	s14 =	sor.u32 s15, s14  }
0x45f: {  	s15 =	sand.u32 $0x70, s4;
	s13 =	sor.u32 s13, s14;
	v4 =	vadd.f32 v3, v4  }
0x460: {  	s13 =	sor.u32 s15, s13  }
.Ltmp13:
0x461: {  	v3 =	vld [tilespmem:s13+$0x10800];
	[tilespmem:s2+$0x8800] =	vst v4;
	s2 =	smov.u32 s13;
	(pc) =	sbr.rel @p0 .LBB2_28-.Ltmp13, $4  }
0x462: {  	v4 =	vld [tilespmem:s2+$0x8800]  }
0x463: {  	s4 =	sadd.s32 $0x10, s4  }
0x464: {  	s11 =	sadd.s32 $0x80, s11;
	s14 =	sshll.u32 s12, $0x4;
	s13 =	sshll.u32 s12, $0x1  }
0x465: {  	s14 =	sand.u32 $0x6000, s14;
	s15 =	sand.u32 $0x1C00, s11;
	s12 =	sadd.s32 $0x1, s12  }
0x466: {  	s11 =	sand.u32 $0x380, s13;
	s12 =	sor.u32 s15, s14  }
0x467: {  	s4 =	sand.u32 $0x70, s4;
	s11 =	sor.u32 s11, s12;
	v3 =	vadd.f32 v3, v4  }
0x468: {  	s4 =	sor.u32 s4, s11  }
0x469: {  	v4 =	vld [tilespmem:s4+$0x10800];
	[tilespmem:s2+$0x8800] =	vst v3  }
0x46a: {  	v3 =	vld [tilespmem:s4+$0x8800];
	_ =	sdelay $0x4  }
0x46b: {  	s14 =	sld [smem:$0x7F9];
	v3 =	vadd.f32 v4, v3;
	_ =	sdelay $0x1  }
0x46c: {  	s2 =	simm.s32 $0x0;
	[tilespmem:s4+$0x8800] =	vst v3  }
0x46d: {  	[hbm4b:s14+s2] =	stream.linear.scatter [tilespmem:s10], [sflag:$0x4], $0x8000, $0x38;
	[tilespmem:$0x18800] =	vst v63  }
0x46e: {  	_ =	swait.ge [sflag:s31], $0x8000  }
0x46f: {  	[sflag:s31] =	ssyncset.done $0x0  }
0x470: {  	[sflag:s31] =	ssyncadd.s32 $0xFFFF8000  }
0x471: {  	v3 =	vld [tilespmem:$0x780];
	_ =	sdelay $0x4  }
0x472: {  	v4 =	vshll.u32 v3, $0x3  }
0x473: {  	v3 =	vand.u32 $0x7, v3;
	v4 =	vand.u32 $0xFFFFFFC0, v4  }
0x474: {  	v3 =	vor.u32 v3, v4  }
0x475: {  	v4 =	vperm.xlane v3, v0;
	_ =	sdelay $0x1  }
0x476: {  	v4 =	vadd.s32 v1, v4;
	_ =	sdelay $0x4  }
0x477: {  	[tilespmem:s10], [sflag:$0x2] =	stream.indirect_vreg.gather [hbm4b:s1+s2], $0x80, v4, vm0, $0xb8;
	[tilespmem:$0x18800] =	vst v63  }
0x478: {  	s15 =	simm.s32 $0x9000;
	v3 =	vperm.xlane v3, v2  }
0x479: {  	[tilespmem:s15], [sflag:$0x2] =	stream.indirect_vreg.gather [hbm4b:s5+s2], $0x80, v4, vm0, $0xb8;
	[tilespmem:$0x18800] =	vst v63  }
0x47a: {  	s16 =	simm.s32 $0x9800;
	v3 =	vadd.s32 v1, v3  }
0x47b: {  	[tilespmem:s16], [sflag:$0x2] =	stream.indirect_vreg.gather [hbm4b:s6+s2], $0x80, v4, vm0, $0xb8;
	[tilespmem:$0x18800] =	vst v63  }
0x47c: {  	s11 =	simm.s32 $0xA000  }
0x47d: {  	[tilespmem:s11], [sflag:$0x2] =	stream.indirect_vreg.gather [hbm4b:s8+s2], $0x80, v4, vm0, $0xb8;
	[tilespmem:$0x18800] =	vst v63  }
0x47e: {  	s12 =	simm.s32 $0xA800  }
0x47f: {  	[tilespmem:s12], [sflag:$0x2] =	stream.indirect_vreg.gather [hbm4b:s1+s2], $0x80, v3, vm0, $0xb8;
	[tilespmem:$0x18800] =	vst v63  }
0x480: {  	s13 =	simm.s32 $0xB000  }
0x481: {  	[tilespmem:s13], [sflag:$0x2] =	stream.indirect_vreg.gather [hbm4b:s5+s2], $0x80, v3, vm0, $0xb8;
	[tilespmem:$0x18800] =	vst v63  }
0x482: {  	s14 =	simm.s32 $0xB800  }
0x483: {  	[tilespmem:s14], [sflag:$0x2] =	stream.indirect_vreg.gather [hbm4b:s6+s2], $0x80, v3, vm0, $0xb8;
	[tilespmem:$0x18800] =	vst v63  }
0x484: {  	_ = 	snop  }
0x485: {  	[tilespmem:s7], [sflag:$0x2] =	stream.indirect_vreg.gather [hbm4b:s8+s2], $0x80, v3, vm0, $0xb8;
	[tilespmem:$0x18800] =	vst v63  }
0x486: {  	v3 =	vld [tilespmem:$0x790];
	_ =	sdelay $0x4  }
0x487: {  	v4 =	vshll.u32 v3, $0x3  }
0x488: {  	v3 =	vand.u32 $0x7, v3;
	v4 =	vand.u32 $0xFFFFFFC0, v4  }
0x489: {  	v3 =	vor.u32 v3, v4  }
0x48a: {  	v4 =	vperm.xlane v3, v0;
	_ =	sdelay $0x1  }
0x48b: {  	v4 =	vadd.s32 v1, v4;
	_ =	sdelay $0x4  }
0x48c: {  	[tilespmem:s9], [sflag:$0x2] =	stream.indirect_vreg.gather [hbm4b:s1+s2], $0x80, v4, vm0, $0xb8;
	[tilespmem:$0x18800] =	vst v63  }
0x48d: {  	v3 =	vperm.xlane v3, v2  }
0x48e: {  	[tilespmem:s19], [sflag:$0x2] =	stream.indirect_vreg.gather [hbm4b:s5+s2], $0x80, v4, vm0, $0xb8;
	[tilespmem:$0x18800] =	vst v63  }
0x48f: {  	v3 =	vadd.s32 v1, v3  }
0x490: {  	[tilespmem:s20], [sflag:$0x2] =	stream.indirect_vreg.gather [hbm4b:s6+s2], $0x80, v4, vm0, $0xb8;
	[tilespmem:$0x18800] =	vst v63  }
0x491: {  	_ = 	snop  }
0x492: {  	[tilespmem:s21], [sflag:$0x2] =	stream.indirect_vreg.gather [hbm4b:s8+s2], $0x80, v4, vm0, $0xb8;
	[tilespmem:$0x18800] =	vst v63  }
0x493: {  	_ = 	snop  }
0x494: {  	[tilespmem:s22], [sflag:$0x2] =	stream.indirect_vreg.gather [hbm4b:s1+s2], $0x80, v3, vm0, $0xb8;
	[tilespmem:$0x18800] =	vst v63  }
0x495: {  	_ = 	snop  }
0x496: {  	[tilespmem:s23], [sflag:$0x2] =	stream.indirect_vreg.gather [hbm4b:s5+s2], $0x80, v3, vm0, $0xb8;
	[tilespmem:$0x18800] =	vst v63  }
0x497: {  	_ = 	snop  }
0x498: {  	[tilespmem:s24], [sflag:$0x2] =	stream.indirect_vreg.gather [hbm4b:s6+s2], $0x80, v3, vm0, $0xb8;
	[tilespmem:$0x18800] =	vst v63  }
0x499: {  	s15 =	sld [smem:$0x7FA]  }
0x49a: {  	[tilespmem:s25], [sflag:$0x2] =	stream.indirect_vreg.gather [hbm4b:s8+s2], $0x80, v3, vm0, $0xb8;
	[tilespmem:$0x18800] =	vst v63  }
0x49b: {  	_ = 	snop  }
0x49c: {  	[tilespmem:s26], [sflag:$0x5] =	stream.linear.gather [hbm4b:s15+s2], $0x8000, $0x38;
	[tilespmem:$0x18800] =	vst v63  }
0x49d: {  	_ =	swait.ge [sflag:s17], $0x8000  }
0x49e: {  	s16 =	sand.u32 $0x70, s2;
	s12 =	simm.s32 $0x0;
	[sflag:s17] =	ssyncset.done $0x0  }
0x49f: {  	s11 =	sand.u32 $0x6000, s12;
	s2 =	sand.u32 $0x1C00, s2;
	[sflag:s17] =	ssyncadd.s32 $0xFFFF8000  }
0x4a0: {  	s13 =	simm.s32 $0x0;
	s2 =	sor.u32 s2, s16;
	_ =	swait.ge [sflag:s28], $0x8000  }
0x4a1: {  	s14 =	sand.u32 $0x380, s13;
	s2 =	sor.u32 s11, s2;
	[sflag:s28] =	ssyncset.done $0x0  }
0x4a2: {  	s2 =	sor.u32 s14, s2;
	[sflag:s28] =	ssyncadd.s32 $0xFFFF8000  }
0x4a3: {  	v3 =	vld [tilespmem:s2+$0x10800]  }
0x4a4: {  	v4 =	vld [tilespmem:s2+$0x800]  }
0x4a5: {  	s4 =	simm.s32 $0x10  }
0x4a6: {  	s12 =	sand.u32 $0x70, s4;
	s11 =	simm.s32 $0x80  }
0x4a7: {  	s13 =	simm.s32 $0x2;
	s15 =	simm.s32 $0x10;
	s16 =	sand.u32 $0x1C00, s11  }
0x4a8: {  	s14 =	sand.u32 $0x6000, s15;
	s15 =	sor.u32 s16, s12;
	s12 =	simm.s32 $0x2  }
.LBB2_30:
0x4a9: {  	p0 =	sne.s32 s12, $0x7FF;
	s13 =	sand.u32 $0x380, s13;
	s14 =	sor.u32 s14, s15;
	v4 =	vadd.f32 v3, v4  }
0x4aa: {  	s13 =	sor.u32 s13, s14  }
0x4ab: {  	v3 =	vld [tilespmem:s13+$0x10800];
	[tilespmem:s2+$0x800] =	vst v4;
	s2 =	smov.u32 s13  }
.Ltmp14:
0x4ac: {  	v4 =	vld [tilespmem:s2+$0x800];
	(pc) =	sbr.rel @p0 .LBB2_30-.Ltmp14, $4  }
0x4ad: {  	_ = 	snop  }
0x4ae: {  	s4 =	sadd.s32 $0x10, s4;
	s11 =	sadd.s32 $0x80, s11;
	s13 =	sshll.u32 s12, $0x1  }
0x4af: {  	s15 =	sand.u32 $0x70, s4;
	s14 =	sshll.u32 s12, $0x4;
	s16 =	sand.u32 $0x1C00, s11  }
0x4b0: {  	s14 =	sand.u32 $0x6000, s14;
	s15 =	sor.u32 s16, s15;
	s12 =	sadd.s32 $0x1, s12  }
0x4b1: {  	s4 =	sand.u32 $0x380, s13;
	s11 =	sor.u32 s14, s15;
	v3 =	vadd.f32 v3, v4  }
0x4b2: {  	s4 =	sor.u32 s4, s11  }
0x4b3: {  	v4 =	vld [tilespmem:s4+$0x10800];
	[tilespmem:s2+$0x800] =	vst v3  }
0x4b4: {  	v3 =	vld [tilespmem:s4+$0x800];
	_ =	sdelay $0x4  }
0x4b5: {  	s12 =	sld [smem:$0x7FB];
	v3 =	vadd.f32 v4, v3;
	_ =	sdelay $0x1  }
0x4b6: {  	s16 =	simm.s32 $0x0;
	s13 =	sld [smem:$0x7FC];
	[tilespmem:s4+$0x800] =	vst v3  }
0x4b7: {  	[hbm4b:s12+s16] =	stream.linear.scatter [tilespmem:s18], [sflag:$0x3], $0x8000, $0x38;
	[tilespmem:$0x18800] =	vst v63  }
0x4b8: {  	_ = 	snop  }
0x4b9: {  	[tilespmem:s26], [sflag:$0x5] =	stream.linear.gather [hbm4b:s13+s16], $0x8000, $0x38;
	[tilespmem:$0x18800] =	vst v63  }
0x4ba: {  	_ =	swait.ge [sflag:s17], $0x8000  }
0x4bb: {  	s14 =	simm.s32 $0x0;
	s15 =	simm.s32 $0x0;
	[sflag:s17] =	ssyncset.done $0x0  }
0x4bc: {  	s4 =	sand.u32 $0x6000, s14;
	s12 =	sand.u32 $0x1C00, s16;
	[sflag:s17] =	ssyncadd.s32 $0xFFFF8000  }
0x4bd: {  	s11 =	sand.u32 $0x380, s15;
	s4 =	sor.u32 s12, s4;
	_ =	swait.ge [sflag:s30], $0x8000  }
0x4be: {  	s2 =	sand.u32 $0x70, s16;
	s4 =	sor.u32 s11, s4;
	[sflag:s30] =	ssyncset.done $0x0  }
0x4bf: {  	s2 =	sor.u32 s2, s4;
	[sflag:s30] =	ssyncadd.s32 $0xFFFF8000  }
0x4c0: {  	v3 =	vld [tilespmem:s2+$0x10800]  }
0x4c1: {  	v4 =	vld [tilespmem:s2+$0x8800]  }
0x4c2: {  	s12 =	simm.s32 $0x2  }
0x4c3: {  	s16 =	simm.s32 $0x10;
	s13 =	simm.s32 $0x2;
	s11 =	simm.s32 $0x80  }
0x4c4: {  	s4 =	simm.s32 $0x10;
	s14 =	sand.u32 $0x6000, s16;
	s15 =	sand.u32 $0x1C00, s11  }
.LBB2_32:
0x4c5: {  	p0 =	sne.s32 s12, $0x7FF;
	s13 =	sand.u32 $0x380, s13;
	s14 =	sor.u32 s15, s14  }
0x4c6: {  	s15 =	sand.u32 $0x70, s4;
	s13 =	sor.u32 s13, s14;
	v4 =	vadd.f32 v3, v4  }
0x4c7: {  	s13 =	sor.u32 s15, s13  }
.Ltmp15:
0x4c8: {  	v3 =	vld [tilespmem:s13+$0x10800];
	[tilespmem:s2+$0x8800] =	vst v4;
	s2 =	smov.u32 s13;
	(pc) =	sbr.rel @p0 .LBB2_32-.Ltmp15, $4  }
0x4c9: {  	v4 =	vld [tilespmem:s2+$0x8800]  }
0x4ca: {  	s4 =	sadd.s32 $0x10, s4  }
0x4cb: {  	s11 =	sadd.s32 $0x80, s11;
	s14 =	sshll.u32 s12, $0x4;
	s13 =	sshll.u32 s12, $0x1  }
0x4cc: {  	s14 =	sand.u32 $0x6000, s14;
	s15 =	sand.u32 $0x1C00, s11;
	s12 =	sadd.s32 $0x1, s12  }
0x4cd: {  	s11 =	sand.u32 $0x380, s13;
	s12 =	sor.u32 s15, s14  }
0x4ce: {  	s4 =	sand.u32 $0x70, s4;
	s11 =	sor.u32 s11, s12;
	v3 =	vadd.f32 v3, v4  }
0x4cf: {  	s4 =	sor.u32 s4, s11  }
0x4d0: {  	v63 =	vld [tilespmem:s4+$0x10800];
	[tilespmem:s2+$0x8800] =	vst v3  }
0x4d1: {  	v3 =	vld [tilespmem:s4+$0x8800];
	_ =	sdelay $0x4  }
0x4d2: {  	s15 =	sld [smem:$0x7FD];
	v3 =	vadd.f32 v63, v3;
	_ =	sdelay $0x1  }
0x4d3: {  	[tilespmem:s4+$0x8800] =	vst v3  }
0x4d4: {  	[hbm4b:s15+s3] =	stream.linear.scatter [tilespmem:s10], [sflag:$0x4], $0x8000, $0x38;
	[tilespmem:$0x18800] =	vst v63  }
0x4d5: {  	_ =	swait.ge [sflag:s29], $0x8000  }
0x4d6: {  	[sflag:s29] =	ssyncset.done $0x0  }
0x4d7: {  	[sflag:s29] =	ssyncadd.s32 $0xFFFF8000  }
0x4d8: {  	_ =	swait.ge [sflag:s31], $0x8000  }
0x4d9: {  	s0 =	sadd.s32 $0x1, s0;
	s16 =	rddreg [dreg:$0x17]  }
0x4da: {  	p0 =	sne.s32 s0, s16  }
.Ltmp16:
0x4db: {  	_ = 	snop;
	(pc) =	sbr.rel @p0 .LBB2_1-.Ltmp16, $3  }
0x4dc: {  	_ =	sdelay $0x1  }
0x4dd: {  	[sflag:s31] =	ssyncset.done $0x0  }
0x4de: {  	[sflag:s31] =	ssyncadd.s32 $0xFFFF8000  }
0x4df: {  	_ =	sfence.sel $0x180000  }
0x4e0: {  	[bflag:$0x0] =	sbarrier.arrive $0xFFFF  }
0x4e1: {  	_ =	strace $0x90000047  }
0x4e2: {  	s0 =	stileid.u32;
	[bflag:$0x2] =	sbarrier.arrive $0xFFFF  }
0x4e3: {  	p0 =	sne.s32 s0, $0x0;
	s0 =	rddreg [dreg:$0x4]  }
0x4e4: {  	s0 =	sadd.s32 @!p0 $0x100000, s0  }
0x4e5: {  	[sflag:s0] =	ssyncadd.tile.s32 @!p0 $0x1;
	_ =	shalt  }
.Lfunc_end2:
_tile_overlayer_lowered:
.L_overlay_start_2:
0x4e6: {  	(tag) =	ssettag $0x2  }
0x4e7: {  	s0 =	rddreg [dreg:$0x0];
	s2 =	stileid.u32  }
0x4e8: {  	s1 =	rddreg [dreg:$0x1];
	p0 =	sne.s32 s2, $0x0  }
0x4e9: {  	s3 =	rddreg [dreg:$0x2];
	[bflag:$0x3] =	sbarrier.arrive $0xFFFF;
	s2 =	simm.s32 @!p0 $0x1C05  }
0x4ea: {  	[timem:s3], [sflag:s2] =	dma.local @!p0 [hbm:s0], s1  }
0x4eb: {  	s0 =	simm.s32 @!p0 $0x5  }
0x4ec: {  	_ =	swait.ge @!p0 [sflag:s0], s1  }
0x4ed: {  	s1 =	ssub.s32 @!p0 $0x0, s1;
	[sflag:s0] =	ssyncset.done @!p0 $0x0  }
0x4ee: {  	[sflag:s0] =	ssyncadd.s32 @!p0 s1  }
0x4ef: {  	[bflag:$0x3] =	sbarrier.arrive $0xFFFF  }
0x4f0: {  	_ =	shalt  }

</sc_bundles>
